<compile_context>
chip_gen: v7x
topology: tpu7x:2x2x1
jax: 0.10.2.dev20260603
libtpu: 0.0.44.dev20260713+nightly
codegen_flags: <defaults>
</compile_context>

<pallas_src>
import functools

import jax
import jax.numpy as jnp
from jax import lax
from jax.experimental import pallas as pl
from jax.experimental.pallas import tpu as pltpu
from jax.experimental.pallas import tpu_sc as plsc

DIM = 128
EPS = 1e-12
NUM_WORKERS = 32
CHUNK = 128


def _gather16(vec, idx):
    dnums = lax.GatherDimensionNumbers(
        offset_dims=(), collapsed_slice_dims=(0,), start_index_map=(0,))
    return lax.gather(vec, idx.reshape(16, 1), dnums, (1,),
                      mode=lax.GatherScatterMode.PROMISE_IN_BOUNDS)


def _splat(vec, lane):
    return _gather16(vec, jnp.full((16,), lane, dtype=jnp.int32))


def _rsqrt_newton(x):
    i = lax.bitcast_convert_type(x, jnp.int32).astype(jnp.float32)
    i = (jnp.float32(1597463007.0) - 0.5 * i).astype(jnp.int32)
    y = lax.bitcast_convert_type(i, jnp.float32)
    for _ in range(3):
        y = y * (1.5 - 0.5 * x * y * y)
    return y


def _lanesum(v):
    lanes = lax.iota(jnp.int32, 16)
    for k in (1, 2, 4, 8):
        v = v + _gather16(v, lax.bitwise_xor(lanes, jnp.int32(k)))
    return v


def _sc_fused(x3d, tt3d, posb, dt, gamma, beta, token_table, seq_len):
    n = x3d.shape[0] * x3d.shape[1] * CHUNK
    per_w = n // NUM_WORKERS
    n_chunks = per_w // CHUNK
    n_main = (n_chunks // 3) * 3
    mesh = plsc.VectorSubcoreMesh(core_axis_name="c", subcore_axis_name="s")
    nvec = DIM // 16

    @functools.partial(
        pl.kernel,
        mesh=mesh,
        out_type=jax.ShapeDtypeStruct((n, DIM), jnp.float32),
        scratch_types=[
            pltpu.VMEM((n_chunks, CHUNK), jnp.int32),
            pltpu.VMEM((n_chunks, CHUNK), jnp.int32),
            pltpu.VMEM((seq_len, DIM), jnp.float32),
            pltpu.VMEM((DIM,), jnp.float32),
            pltpu.VMEM((DIM,), jnp.float32),
            pltpu.VMEM((DIM,), jnp.float32),
            pltpu.VMEM((CHUNK, DIM), jnp.float32),
            pltpu.VMEM((CHUNK, DIM), jnp.float32),
            pltpu.VMEM((CHUNK, DIM), jnp.float32),
            pltpu.SemaphoreType.DMA,
            pltpu.SemaphoreType.DMA,
            pltpu.SemaphoreType.DMA,
            pltpu.SemaphoreType.DMA,
            pltpu.SemaphoreType.DMA,
            pltpu.SemaphoreType.DMA,
        ],
    )
    def k(x_ref, tt_ref, posb_ref, dt_ref, g_ref, b_ref, tab_ref, out_ref,
          idx_all, tt_all, posb_v, dt_v, g_v, b_v, r0, r1, r2,
          gs0, gs1, gs2, ws0, ws1, ws2):
        num_cores = 2
        wid = lax.axis_index("s") * num_cores + lax.axis_index("c")
        base_w = wid * per_w
        bufs = (r0, r1, r2)
        gsems = (gs0, gs1, gs2)
        wsems = (ws0, ws1, ws2)

        pltpu.sync_copy(x_ref.at[wid], idx_all)
        pltpu.sync_copy(tt_ref.at[wid], tt_all)
        pltpu.sync_copy(posb_ref, posb_v)
        pltpu.sync_copy(dt_ref, dt_v)
        pltpu.sync_copy(g_ref, g_v)
        pltpu.sync_copy(b_ref, b_v)

        dtv = [dt_v[pl.ds(16 * v, 16)] for v in range(nvec)]
        gv = [g_v[pl.ds(16 * v, 16)] for v in range(nvec)]
        bv = [b_v[pl.ds(16 * v, 16)] for v in range(nvec)]
        inv_d = jnp.float32(1.0 / DIM)

        def g_start(c, buf, sem):
            pltpu.async_copy(tab_ref.at[idx_all.at[c]], buf, sem)

        def g_wait(c, buf, sem):
            pltpu.make_async_copy(tab_ref.at[idx_all.at[c]], buf, sem).wait()

        def w_start(c, buf, sem):
            pltpu.async_copy(buf, out_ref.at[pl.ds(base_w + c * CHUNK, CHUNK)],
                             sem)

        def w_wait(c, buf, sem):
            pltpu.make_async_copy(
                buf, out_ref.at[pl.ds(base_w + c * CHUNK, CHUNK)], sem).wait()

        def compute(c, buf):
            base_l = lax.rem(base_w + c * CHUNK, seq_len)

            @plsc.parallel_loop(0, CHUNK, unroll=4)
            def token(j):
                l0 = base_l + j
                l = jnp.where(l0 >= seq_len, l0 - seq_len, l0)
                ttv = tt_all[c, pl.ds((j // 16) * 16, 16)]
                ttf = _splat(ttv, lax.rem(j, 16)).astype(jnp.float32)
                h = [buf[j, pl.ds(16 * v, 16)]
                     + posb_v[l, pl.ds(16 * v, 16)]
                     + ttf * dtv[v] for v in range(nvec)]
                s = h[0]
                q = h[0] * h[0]
                for v in range(1, nvec):
                    s = s + h[v]
                    q = q + h[v] * h[v]
                mean = _lanesum(s) * inv_d
                var = _lanesum(q) * inv_d - mean * mean
                rstd = _rsqrt_newton(var + EPS)
                mb = mean * rstd
                for v in range(nvec):
                    buf[j, pl.ds(16 * v, 16)] = ((h[v] * rstd - mb) * gv[v]
                                                 + bv[v])

        g_start(0, bufs[0], gsems[0])
        g_start(1, bufs[1], gsems[1])

        def group(i, carry):
            for kk in range(3):
                c = 3 * i + kk
                g_wait(c, bufs[kk], gsems[kk])
                compute(c, bufs[kk])
                if kk == 0:
                    @pl.when(i > 0)
                    def _():
                        w_wait(c - 1, bufs[2], wsems[2])
                else:
                    w_wait(c - 1, bufs[kk - 1], wsems[kk - 1])
                g_start(c + 2, bufs[(kk + 2) % 3], gsems[(kk + 2) % 3])
                w_start(c, bufs[kk], wsems[kk])
            return carry

        lax.fori_loop(0, n_main // 3, group, 0)

        g_wait(n_main, bufs[0], gsems[0])
        compute(n_main, bufs[0])
        w_wait(n_main - 1, bufs[2], wsems[2])
        w_start(n_main, bufs[0], wsems[0])
        g_wait(n_main + 1, bufs[1], gsems[1])
        compute(n_main + 1, bufs[1])
        w_start(n_main + 1, bufs[1], wsems[1])
        w_wait(n_main, bufs[0], wsems[0])
        w_wait(n_main + 1, bufs[1], wsems[1])

    return k(x3d, tt3d, posb, dt, gamma, beta, token_table)


def kernel(x, token_type, token_table, pos_table, type_table, gamma, beta):
    b, l = x.shape
    n = b * l
    x3d = x.reshape(NUM_WORKERS, n // (NUM_WORKERS * CHUNK),
                    CHUNK).astype(jnp.int32)
    tt3d = token_type.reshape(x3d.shape).astype(jnp.int32)
    posb = pos_table[:l] + type_table[0][None, :]
    dt = type_table[1] - type_table[0]
    out = _sc_fused(x3d, tt3d, posb, dt, gamma, beta, token_table, l)
    return out.reshape(b, l, DIM)

# --- scband reference (transcript-rebuilt; emitter-appended) ---
"""Pipeline reference for scband-bertembedding-43147241456250 (READ-ONLY COPY).

The authoritative reference and input builder live on the scoring server;
editing this copy changes nothing except your own understanding.
"""

import jax, jax.numpy as jnp
import numpy as np

VOCAB = 100000
DIM = 128
MAX_LEN = 512
NUM_TOKEN_TYPE = 2
PAD = 0
EPS = 1e-12
B, L = 1024, 200


def setup_inputs(seed: int = 0) -> dict:
    key = jax.random.key(seed)
    k1, k2, k3, k4, k5 = jax.random.split(key, 5)
    x = jax.random.randint(k1, (B, L), 0, VOCAB, dtype=jnp.int64) if jax.config.jax_enable_x64 else jax.random.randint(k1, (B, L), 0, VOCAB, dtype=jnp.int32)
    token_type = jax.random.randint(k2, (B, L), 0, NUM_TOKEN_TYPE, dtype=jnp.int32)
    token_table = jax.random.normal(k3, (VOCAB, DIM), dtype=jnp.float32) * 0.02
    # padding_idx row is zero-initialized in torch nn.Embedding
    token_table = token_table.at[PAD].set(0.0)
    pos_table = jax.random.normal(k4, (MAX_LEN, DIM), dtype=jnp.float32) * 0.02
    type_table = jax.random.normal(k5, (NUM_TOKEN_TYPE, DIM), dtype=jnp.float32) * 0.02
    gamma = jnp.ones((DIM,), dtype=jnp.float32)
    beta = jnp.zeros((DIM,), dtype=jnp.float32)
    return {"x": x, "token_type": token_type, "token_table": token_table,
            "pos_table": pos_table, "type_table": type_table,
            "gamma": gamma, "beta": beta}


def reference(x, token_type, token_table, pos_table, type_table, gamma, beta):
    # token embedding (gather)
    h = jnp.take(token_table, x, axis=0)            # [B, L, D]
    # learnable positional embedding, sliced to seq_len
    Lcur = x.shape[1]
    h = h + pos_table[:Lcur][None, :, :]
    # token type embedding (gather)
    h = h + jnp.take(type_table, token_type, axis=0)
    # layernorm (dropout p=0.0 is identity)
    mean = jnp.mean(h, axis=-1, keepdims=True)
    var = jnp.mean((h - mean) ** 2, axis=-1, keepdims=True)
    h = (h - mean) / jnp.sqrt(var + EPS)
    return h * gamma + beta

if __name__ == "__main__":
    import jax
    _d = setup_inputs()
    print(jax.jit(kernel)(*tuple(_d.values())))

</pallas_src>

<mosaic_0001>
#map = affine_map<(d0, d1) -> (0, 0, 0)>
#map1 = affine_map<(d0, d1) -> (0, 0)>
#map2 = affine_map<(d0, d1) -> (0)>
module attributes {stable_mosaic.version = 14 : i64} {
  func.func @k(%arg0: i32, %arg1: i32, %arg2: memref<32x50x128xi32, #tpu.memory_space<hbm>>, %arg3: memref<32x50x128xi32, #tpu.memory_space<hbm>>, %arg4: memref<200x128xf32, #tpu.memory_space<hbm>>, %arg5: memref<128xf32, #tpu.memory_space<hbm>>, %arg6: memref<128xf32, #tpu.memory_space<hbm>>, %arg7: memref<128xf32, #tpu.memory_space<hbm>>, %arg8: memref<100000x128xf32, #tpu.memory_space<hbm>>, %arg9: memref<204800x128xf32, #tpu.memory_space<hbm>>, %arg10: memref<50x128xi32, #tpu.memory_space<vmem>>, %arg11: memref<50x128xi32, #tpu.memory_space<vmem>>, %arg12: memref<200x128xf32, #tpu.memory_space<vmem>>, %arg13: memref<128xf32, #tpu.memory_space<vmem>>, %arg14: memref<128xf32, #tpu.memory_space<vmem>>, %arg15: memref<128xf32, #tpu.memory_space<vmem>>, %arg16: memref<128x128xf32, #tpu.memory_space<vmem>>, %arg17: memref<128x128xf32, #tpu.memory_space<vmem>>, %arg18: memref<128x128xf32, #tpu.memory_space<vmem>>, %arg19: memref<!tpu.dma_semaphore, #tpu.memory_space<semaphore_mem>>, %arg20: memref<!tpu.dma_semaphore, #tpu.memory_space<semaphore_mem>>, %arg21: memref<!tpu.dma_semaphore, #tpu.memory_space<semaphore_mem>>, %arg22: memref<!tpu.dma_semaphore, #tpu.memory_space<semaphore_mem>>, %arg23: memref<!tpu.dma_semaphore, #tpu.memory_space<semaphore_mem>>, %arg24: memref<!tpu.dma_semaphore, #tpu.memory_space<semaphore_mem>>) attributes {dimension_semantics = [#tpu.dimension_semantics<core_parallel>, #tpu.dimension_semantics<subcore_parallel>], iteration_bounds = array<i64: 2, 16>, scalar_prefetch = 0 : i64, scratch_operands = 15 : i64, tpu.core_type = #tpu.core_type<sc_vector_subcore>, window_params = [{transform_indices = #map}, {transform_indices = #map}, {transform_indices = #map1}, {transform_indices = #map2}, {transform_indices = #map2}, {transform_indices = #map2}, {transform_indices = #map1}, {transform_indices = #map1}]} {
    %mul3A = arith.constant 2 : i32
    %mul3A_0 = arith.muli %arg1, %mul3A : i32
    %add3A = arith.addi %mul3A_0, %arg0 : i32
    %mul3A_1 = arith.constant 6400 : i32
    %mul3A_2 = arith.muli %add3A, %mul3A_1 : i32
    "tpu.region"() ({
      %run_scoped3A = tpu.sem_alloc : memref<!tpu.dma_semaphore, #tpu.memory_space<semaphore_mem>>
      %dma_start3A_150 = arith.constant 0 : i32
      %dma_start3A_151 = arith.constant 0 : i32
      %dma_start3A_152 = tpu.memref_slice %arg2[%add3A, %dma_start3A_150, %dma_start3A_151] : memref<32x50x128xi32, #tpu.memory_space<hbm>> -> memref<1x50x128xi32, #tpu.memory_space<hbm>>
      %dma_start3A_153 = tpu.memref_squeeze %dma_start3A_152 : memref<1x50x128xi32, #tpu.memory_space<hbm>> -> memref<50x128xi32, #tpu.memory_space<hbm>>
      %dma_start3A_154 = arith.constant 0 : i32
      %dma_start3A_155 = arith.constant 0 : i32
      %dma_start3A_156 = tpu.memref_slice %arg2[%add3A, %dma_start3A_154, %dma_start3A_155] : memref<32x50x128xi32, #tpu.memory_space<hbm>> -> memref<1x50x128xi32, #tpu.memory_space<hbm>>
      %dma_start3A_157 = tpu.memref_squeeze %dma_start3A_156 : memref<1x50x128xi32, #tpu.memory_space<hbm>> -> memref<50x128xi32, #tpu.memory_space<hbm>>
      tpu.enqueue_dma source(%dma_start3A_157 : memref<50x128xi32, #tpu.memory_space<hbm>>) target(%arg10 : memref<50x128xi32, #tpu.memory_space<vmem>>) target_semaphore(%run_scoped3A : memref<!tpu.dma_semaphore, #tpu.memory_space<semaphore_mem>>)
      %dma_wait3A_158 = arith.constant 0 : i32
      %dma_wait3A_159 = arith.constant 0 : i32
      %dma_wait3A_160 = tpu.memref_slice %arg2[%add3A, %dma_wait3A_158, %dma_wait3A_159] : memref<32x50x128xi32, #tpu.memory_space<hbm>> -> memref<1x50x128xi32, #tpu.memory_space<hbm>>
      %dma_wait3A_161 = tpu.memref_squeeze %dma_wait3A_160 : memref<1x50x128xi32, #tpu.memory_space<hbm>> -> memref<50x128xi32, #tpu.memory_space<hbm>>
      %dma_wait3A_162 = arith.constant 0 : i32
      %dma_wait3A_163 = arith.constant 0 : i32
      %dma_wait3A_164 = tpu.memref_slice %arg2[%add3A, %dma_wait3A_162, %dma_wait3A_163] : memref<32x50x128xi32, #tpu.memory_space<hbm>> -> memref<1x50x128xi32, #tpu.memory_space<hbm>>
      %dma_wait3A_165 = tpu.memref_squeeze %dma_wait3A_164 : memref<1x50x128xi32, #tpu.memory_space<hbm>> -> memref<50x128xi32, #tpu.memory_space<hbm>>
      tpu.wait_dma2 semaphore(%run_scoped3A : memref<!tpu.dma_semaphore, #tpu.memory_space<semaphore_mem>>) src(%dma_wait3A_165 : memref<50x128xi32, #tpu.memory_space<hbm>>) dst(%arg10 : memref<50x128xi32, #tpu.memory_space<vmem>>)
      tpu.yield
    }) : () -> ()
    "tpu.region"() ({
      %run_scoped3A = tpu.sem_alloc : memref<!tpu.dma_semaphore, #tpu.memory_space<semaphore_mem>>
      %dma_start3A_150 = arith.constant 0 : i32
      %dma_start3A_151 = arith.constant 0 : i32
      %dma_start3A_152 = tpu.memref_slice %arg3[%add3A, %dma_start3A_150, %dma_start3A_151] : memref<32x50x128xi32, #tpu.memory_space<hbm>> -> memref<1x50x128xi32, #tpu.memory_space<hbm>>
      %dma_start3A_153 = tpu.memref_squeeze %dma_start3A_152 : memref<1x50x128xi32, #tpu.memory_space<hbm>> -> memref<50x128xi32, #tpu.memory_space<hbm>>
      %dma_start3A_154 = arith.constant 0 : i32
      %dma_start3A_155 = arith.constant 0 : i32
      %dma_start3A_156 = tpu.memref_slice %arg3[%add3A, %dma_start3A_154, %dma_start3A_155] : memref<32x50x128xi32, #tpu.memory_space<hbm>> -> memref<1x50x128xi32, #tpu.memory_space<hbm>>
      %dma_start3A_157 = tpu.memref_squeeze %dma_start3A_156 : memref<1x50x128xi32, #tpu.memory_space<hbm>> -> memref<50x128xi32, #tpu.memory_space<hbm>>
      tpu.enqueue_dma source(%dma_start3A_157 : memref<50x128xi32, #tpu.memory_space<hbm>>) target(%arg11 : memref<50x128xi32, #tpu.memory_space<vmem>>) target_semaphore(%run_scoped3A : memref<!tpu.dma_semaphore, #tpu.memory_space<semaphore_mem>>)
      %dma_wait3A_158 = arith.constant 0 : i32
      %dma_wait3A_159 = arith.constant 0 : i32
      %dma_wait3A_160 = tpu.memref_slice %arg3[%add3A, %dma_wait3A_158, %dma_wait3A_159] : memref<32x50x128xi32, #tpu.memory_space<hbm>> -> memref<1x50x128xi32, #tpu.memory_space<hbm>>
      %dma_wait3A_161 = tpu.memref_squeeze %dma_wait3A_160 : memref<1x50x128xi32, #tpu.memory_space<hbm>> -> memref<50x128xi32, #tpu.memory_space<hbm>>
      %dma_wait3A_162 = arith.constant 0 : i32
      %dma_wait3A_163 = arith.constant 0 : i32
      %dma_wait3A_164 = tpu.memref_slice %arg3[%add3A, %dma_wait3A_162, %dma_wait3A_163] : memref<32x50x128xi32, #tpu.memory_space<hbm>> -> memref<1x50x128xi32, #tpu.memory_space<hbm>>
      %dma_wait3A_165 = tpu.memref_squeeze %dma_wait3A_164 : memref<1x50x128xi32, #tpu.memory_space<hbm>> -> memref<50x128xi32, #tpu.memory_space<hbm>>
      tpu.wait_dma2 semaphore(%run_scoped3A : memref<!tpu.dma_semaphore, #tpu.memory_space<semaphore_mem>>) src(%dma_wait3A_165 : memref<50x128xi32, #tpu.memory_space<hbm>>) dst(%arg11 : memref<50x128xi32, #tpu.memory_space<vmem>>)
      tpu.yield
    }) : () -> ()
    "tpu.region"() ({
      %run_scoped3A = tpu.sem_alloc : memref<!tpu.dma_semaphore, #tpu.memory_space<semaphore_mem>>
      tpu.enqueue_dma source(%arg4 : memref<200x128xf32, #tpu.memory_space<hbm>>) target(%arg12 : memref<200x128xf32, #tpu.memory_space<vmem>>) target_semaphore(%run_scoped3A : memref<!tpu.dma_semaphore, #tpu.memory_space<semaphore_mem>>)
      tpu.wait_dma2 semaphore(%run_scoped3A : memref<!tpu.dma_semaphore, #tpu.memory_space<semaphore_mem>>) src(%arg4 : memref<200x128xf32, #tpu.memory_space<hbm>>) dst(%arg12 : memref<200x128xf32, #tpu.memory_space<vmem>>)
      tpu.yield
    }) : () -> ()
    "tpu.region"() ({
      %run_scoped3A = tpu.sem_alloc : memref<!tpu.dma_semaphore, #tpu.memory_space<semaphore_mem>>
      tpu.enqueue_dma source(%arg5 : memref<128xf32, #tpu.memory_space<hbm>>) target(%arg13 : memref<128xf32, #tpu.memory_space<vmem>>) target_semaphore(%run_scoped3A : memref<!tpu.dma_semaphore, #tpu.memory_space<semaphore_mem>>)
      tpu.wait_dma2 semaphore(%run_scoped3A : memref<!tpu.dma_semaphore, #tpu.memory_space<semaphore_mem>>) src(%arg5 : memref<128xf32, #tpu.memory_space<hbm>>) dst(%arg13 : memref<128xf32, #tpu.memory_space<vmem>>)
      tpu.yield
    }) : () -> ()
    "tpu.region"() ({
      %run_scoped3A = tpu.sem_alloc : memref<!tpu.dma_semaphore, #tpu.memory_space<semaphore_mem>>
      tpu.enqueue_dma source(%arg6 : memref<128xf32, #tpu.memory_space<hbm>>) target(%arg14 : memref<128xf32, #tpu.memory_space<vmem>>) target_semaphore(%run_scoped3A : memref<!tpu.dma_semaphore, #tpu.memory_space<semaphore_mem>>)
      tpu.wait_dma2 semaphore(%run_scoped3A : memref<!tpu.dma_semaphore, #tpu.memory_space<semaphore_mem>>) src(%arg6 : memref<128xf32, #tpu.memory_space<hbm>>) dst(%arg14 : memref<128xf32, #tpu.memory_space<vmem>>)
      tpu.yield
    }) : () -> ()
    "tpu.region"() ({
      %run_scoped3A = tpu.sem_alloc : memref<!tpu.dma_semaphore, #tpu.memory_space<semaphore_mem>>
      tpu.enqueue_dma source(%arg7 : memref<128xf32, #tpu.memory_space<hbm>>) target(%arg15 : memref<128xf32, #tpu.memory_space<vmem>>) target_semaphore(%run_scoped3A : memref<!tpu.dma_semaphore, #tpu.memory_space<semaphore_mem>>)
      tpu.wait_dma2 semaphore(%run_scoped3A : memref<!tpu.dma_semaphore, #tpu.memory_space<semaphore_mem>>) src(%arg7 : memref<128xf32, #tpu.memory_space<hbm>>) dst(%arg15 : memref<128xf32, #tpu.memory_space<vmem>>)
      tpu.yield
    }) : () -> ()
    %get3A = arith.constant 0 : index
    %get3A_3 = tpu.vector_load %arg13[%get3A] {strides = array<i32>} : memref<128xf32, #tpu.memory_space<vmem>>, vector<16xf32>,
    %get3A_4 = vector.shape_cast %get3A_3 : vector<16xf32> to vector<16xf32>
    %get3A_5 = arith.constant 16 : index
    %get3A_6 = tpu.vector_load %arg13[%get3A_5] {strides = array<i32>} : memref<128xf32, #tpu.memory_space<vmem>>, vector<16xf32>,
    %get3A_7 = vector.shape_cast %get3A_6 : vector<16xf32> to vector<16xf32>
    %get3A_8 = arith.constant 32 : index
    %get3A_9 = tpu.vector_load %arg13[%get3A_8] {strides = array<i32>} : memref<128xf32, #tpu.memory_space<vmem>>, vector<16xf32>,
    %get3A_10 = vector.shape_cast %get3A_9 : vector<16xf32> to vector<16xf32>
    %get3A_11 = arith.constant 48 : index
    %get3A_12 = tpu.vector_load %arg13[%get3A_11] {strides = array<i32>} : memref<128xf32, #tpu.memory_space<vmem>>, vector<16xf32>,
    %get3A_13 = vector.shape_cast %get3A_12 : vector<16xf32> to vector<16xf32>
    %get3A_14 = arith.constant 64 : index
    %get3A_15 = tpu.vector_load %arg13[%get3A_14] {strides = array<i32>} : memref<128xf32, #tpu.memory_space<vmem>>, vector<16xf32>,
    %get3A_16 = vector.shape_cast %get3A_15 : vector<16xf32> to vector<16xf32>
    %get3A_17 = arith.constant 80 : index
    %get3A_18 = tpu.vector_load %arg13[%get3A_17] {strides = array<i32>} : memref<128xf32, #tpu.memory_space<vmem>>, vector<16xf32>,
    %get3A_19 = vector.shape_cast %get3A_18 : vector<16xf32> to vector<16xf32>
    %get3A_20 = arith.constant 96 : index
    %get3A_21 = tpu.vector_load %arg13[%get3A_20] {strides = array<i32>} : memref<128xf32, #tpu.memory_space<vmem>>, vector<16xf32>,
    %get3A_22 = vector.shape_cast %get3A_21 : vector<16xf32> to vector<16xf32>
    %get3A_23 = arith.constant 112 : index
    %get3A_24 = tpu.vector_load %arg13[%get3A_23] {strides = array<i32>} : memref<128xf32, #tpu.memory_space<vmem>>, vector<16xf32>,
    %get3A_25 = vector.shape_cast %get3A_24 : vector<16xf32> to vector<16xf32>
    %get3A_26 = arith.constant 0 : index
    %get3A_27 = tpu.vector_load %arg14[%get3A_26] {strides = array<i32>} : memref<128xf32, #tpu.memory_space<vmem>>, vector<16xf32>,
    %get3A_28 = vector.shape_cast %get3A_27 : vector<16xf32> to vector<16xf32>
    %get3A_29 = arith.constant 16 : index
    %get3A_30 = tpu.vector_load %arg14[%get3A_29] {strides = array<i32>} : memref<128xf32, #tpu.memory_space<vmem>>, vector<16xf32>,
    %get3A_31 = vector.shape_cast %get3A_30 : vector<16xf32> to vector<16xf32>
    %get3A_32 = arith.constant 32 : index
    %get3A_33 = tpu.vector_load %arg14[%get3A_32] {strides = array<i32>} : memref<128xf32, #tpu.memory_space<vmem>>, vector<16xf32>,
    %get3A_34 = vector.shape_cast %get3A_33 : vector<16xf32> to vector<16xf32>
    %get3A_35 = arith.constant 48 : index
    %get3A_36 = tpu.vector_load %arg14[%get3A_35] {strides = array<i32>} : memref<128xf32, #tpu.memory_space<vmem>>, vector<16xf32>,
    %get3A_37 = vector.shape_cast %get3A_36 : vector<16xf32> to vector<16xf32>
    %get3A_38 = arith.constant 64 : index
    %get3A_39 = tpu.vector_load %arg14[%get3A_38] {strides = array<i32>} : memref<128xf32, #tpu.memory_space<vmem>>, vector<16xf32>,
    %get3A_40 = vector.shape_cast %get3A_39 : vector<16xf32> to vector<16xf32>
    %get3A_41 = arith.constant 80 : index
    %get3A_42 = tpu.vector_load %arg14[%get3A_41] {strides = array<i32>} : memref<128xf32, #tpu.memory_space<vmem>>, vector<16xf32>,
    %get3A_43 = vector.shape_cast %get3A_42 : vector<16xf32> to vector<16xf32>
    %get3A_44 = arith.constant 96 : index
    %get3A_45 = tpu.vector_load %arg14[%get3A_44] {strides = array<i32>} : memref<128xf32, #tpu.memory_space<vmem>>, vector<16xf32>,
    %get3A_46 = vector.shape_cast %get3A_45 : vector<16xf32> to vector<16xf32>
    %get3A_47 = arith.constant 112 : index
    %get3A_48 = tpu.vector_load %arg14[%get3A_47] {strides = array<i32>} : memref<128xf32, #tpu.memory_space<vmem>>, vector<16xf32>,
    %get3A_49 = vector.shape_cast %get3A_48 : vector<16xf32> to vector<16xf32>
    %get3A_50 = arith.constant 0 : index
    %get3A_51 = tpu.vector_load %arg15[%get3A_50] {strides = array<i32>} : memref<128xf32, #tpu.memory_space<vmem>>, vector<16xf32>,
    %get3A_52 = vector.shape_cast %get3A_51 : vector<16xf32> to vector<16xf32>
    %get3A_53 = arith.constant 16 : index
    %get3A_54 = tpu.vector_load %arg15[%get3A_53] {strides = array<i32>} : memref<128xf32, #tpu.memory_space<vmem>>, vector<16xf32>,
    %get3A_55 = vector.shape_cast %get3A_54 : vector<16xf32> to vector<16xf32>
    %get3A_56 = arith.constant 32 : index
    %get3A_57 = tpu.vector_load %arg15[%get3A_56] {strides = array<i32>} : memref<128xf32, #tpu.memory_space<vmem>>, vector<16xf32>,
    %get3A_58 = vector.shape_cast %get3A_57 : vector<16xf32> to vector<16xf32>
    %get3A_59 = arith.constant 48 : index
    %get3A_60 = tpu.vector_load %arg15[%get3A_59] {strides = array<i32>} : memref<128xf32, #tpu.memory_space<vmem>>, vector<16xf32>,
    %get3A_61 = vector.shape_cast %get3A_60 : vector<16xf32> to vector<16xf32>
    %get3A_62 = arith.constant 64 : index
    %get3A_63 = tpu.vector_load %arg15[%get3A_62] {strides = array<i32>} : memref<128xf32, #tpu.memory_space<vmem>>, vector<16xf32>,
    %get3A_64 = vector.shape_cast %get3A_63 : vector<16xf32> to vector<16xf32>
    %get3A_65 = arith.constant 80 : index
    %get3A_66 = tpu.vector_load %arg15[%get3A_65] {strides = array<i32>} : memref<128xf32, #tpu.memory_space<vmem>>, vector<16xf32>,
    %get3A_67 = vector.shape_cast %get3A_66 : vector<16xf32> to vector<16xf32>
    %get3A_68 = arith.constant 96 : index
    %get3A_69 = tpu.vector_load %arg15[%get3A_68] {strides = array<i32>} : memref<128xf32, #tpu.memory_space<vmem>>, vector<16xf32>,
    %get3A_70 = vector.shape_cast %get3A_69 : vector<16xf32> to vector<16xf32>
    %get3A_71 = arith.constant 112 : index
    %get3A_72 = tpu.vector_load %arg15[%get3A_71] {strides = array<i32>} : memref<128xf32, #tpu.memory_space<vmem>>, vector<16xf32>,
    %get3A_73 = vector.shape_cast %get3A_72 : vector<16xf32> to vector<16xf32>
    %dma_start3A = arith.constant 0 : i32
    %dma_start3A_74 = arith.constant 0 : i32
    %dma_start3A_75 = tpu.memref_slice %arg10[%dma_start3A, %dma_start3A_74] : memref<50x128xi32, #tpu.memory_space<vmem>> -> memref<1x128xi32, #tpu.memory_space<vmem>>
    %dma_start3A_76 = tpu.memref_squeeze %dma_start3A_75 : memref<1x128xi32, #tpu.memory_space<vmem>> -> memref<128xi32, #tpu.memory_space<vmem>>
    %dma_start3A_77 = arith.constant 0 : i32
    %dma_start3A_78 = arith.constant 0 : i32
    %dma_start3A_79 = tpu.memref_slice %arg8[%dma_start3A_77, %dma_start3A_78] : memref<100000x128xf32, #tpu.memory_space<hbm>> -> memref<100000x128xf32, #tpu.memory_space<hbm>>
    tpu.enqueue_indirect_dma source(%dma_start3A_79 : memref<100000x128xf32, #tpu.memory_space<hbm>>) target(%arg16 : memref<128x128xf32, #tpu.memory_space<vmem>>) offsets(%dma_start3A_76 : memref<128xi32, #tpu.memory_space<vmem>>) semaphore(%arg19 : memref<!tpu.dma_semaphore, #tpu.memory_space<semaphore_mem>>)
    %dma_start3A_80 = arith.constant 1 : i32
    %dma_start3A_81 = arith.constant 0 : i32
    %dma_start3A_82 = tpu.memref_slice %arg10[%dma_start3A_80, %dma_start3A_81] : memref<50x128xi32, #tpu.memory_space<vmem>> -> memref<1x128xi32, #tpu.memory_space<vmem>>
    %dma_start3A_83 = tpu.memref_squeeze %dma_start3A_82 : memref<1x128xi32, #tpu.memory_space<vmem>> -> memref<128xi32, #tpu.memory_space<vmem>>
    %dma_start3A_84 = arith.constant 0 : i32
    %dma_start3A_85 = arith.constant 0 : i32
    %dma_start3A_86 = tpu.memref_slice %arg8[%dma_start3A_84, %dma_start3A_85] : memref<100000x128xf32, #tpu.memory_space<hbm>> -> memref<100000x128xf32, #tpu.memory_space<hbm>>
    tpu.enqueue_indirect_dma source(%dma_start3A_86 : memref<100000x128xf32, #tpu.memory_space<hbm>>) target(%arg17 : memref<128x128xf32, #tpu.memory_space<vmem>>) offsets(%dma_start3A_83 : memref<128xi32, #tpu.memory_space<vmem>>) semaphore(%arg20 : memref<!tpu.dma_semaphore, #tpu.memory_space<semaphore_mem>>)
    %scan3A = arith.constant 0 : i32
    %scan3A_87 = arith.constant 7.812500e-03 : f32
    %scan3A_88 = arith.constant 0 : i32
    %scan3A_89 = arith.constant 16 : i32
    %scan3A_90 = arith.addi %scan3A_88, %scan3A_89 : i32
    %scan3A_91 = arith.constant 1 : i32
    scf.for %scan3A_150 = %scan3A_88 to %scan3A_90 step %scan3A_91  : i32 {
      %mul3A_151 = arith.constant 3 : i32
      %mul3A_152 = arith.muli %mul3A_151, %scan3A_150 : i32
      %add3A_153 = arith.constant 0 : i32
      %add3A_154 = arith.addi %mul3A_152, %add3A_153 : i32
      %dma_wait3A_155 = arith.constant 0 : i32
      %dma_wait3A_156 = tpu.memref_slice %arg10[%add3A_154, %dma_wait3A_155] : memref<50x128xi32, #tpu.memory_space<vmem>> -> memref<1x128xi32, #tpu.memory_space<vmem>>
      %dma_wait3A_157 = tpu.memref_squeeze %dma_wait3A_156 : memref<1x128xi32, #tpu.memory_space<vmem>> -> memref<128xi32, #tpu.memory_space<vmem>>
      %dma_wait3A_158 = arith.constant 0 : i32
      %dma_wait3A_159 = arith.constant 0 : i32
      %dma_wait3A_160 = tpu.memref_slice %arg8[%dma_wait3A_158, %dma_wait3A_159] : memref<100000x128xf32, #tpu.memory_space<hbm>> -> memref<100000x128xf32, #tpu.memory_space<hbm>>
      tpu.wait_indirect_dma semaphore(%arg19 : memref<!tpu.dma_semaphore, #tpu.memory_space<semaphore_mem>>) src(%dma_wait3A_160 : memref<100000x128xf32, #tpu.memory_space<hbm>>) dst(%arg16 : memref<128x128xf32, #tpu.memory_space<vmem>>)
      %mul3A_161 = arith.constant 128 : i32
      %mul3A_162 = arith.muli %add3A_154, %mul3A_161 : i32
      %add3A_163 = arith.addi %mul3A_2, %mul3A_162 : i32
      %rem3A_164 = arith.constant 200 : i32
      %rem3A_165 = arith.remsi %add3A_163, %rem3A_164 : i32
      %parallel_loop3A_166 = arith.constant 0 : i32
      %parallel_loop3A_167 = arith.constant 128 : i32
      %parallel_loop3A_168 = arith.constant 1 : i32
      scf.for %parallel_loop3A_269 = %parallel_loop3A_166 to %parallel_loop3A_167 step %parallel_loop3A_168  : i32 {
        %parallel_loop3A_270 = arith.addi %rem3A_165, %parallel_loop3A_269 : i32
        %parallel_loop3A_271 = arith.constant 200 : i32
        %parallel_loop3A_272 = arith.cmpi sge, %parallel_loop3A_270, %parallel_loop3A_271 : i32
        %parallel_loop3A_273 = arith.constant 200 : i32
        %parallel_loop3A_274 = arith.subi %parallel_loop3A_270, %parallel_loop3A_273 : i32
        %parallel_loop3A_275 = arith.select %parallel_loop3A_272, %parallel_loop3A_274, %parallel_loop3A_270 : i32
        %parallel_loop3A_276 = arith.constant 16 : i32
        %parallel_loop3A_277 = arith.divsi %parallel_loop3A_269, %parallel_loop3A_276 : i32
        %parallel_loop3A_278 = arith.constant 0 : i32
        %parallel_loop3A_279 = arith.cmpi sgt, %parallel_loop3A_269, %parallel_loop3A_278 : i32
        %parallel_loop3A_280 = arith.extui %parallel_loop3A_279 : i1 to i32
        %parallel_loop3A_281 = arith.constant 0 : i32
        %parallel_loop3A_282 = arith.cmpi slt, %parallel_loop3A_269, %parallel_loop3A_281 : i32
        %parallel_loop3A_283 = arith.extui %parallel_loop3A_282 : i1 to i32
        %parallel_loop3A_284 = arith.subi %parallel_loop3A_280, %parallel_loop3A_283 : i32
        %parallel_loop3A_285 = arith.constant 0 : i32
        %parallel_loop3A_286 = arith.cmpi sgt, %parallel_loop3A_276, %parallel_loop3A_285 : i32
        %parallel_loop3A_287 = arith.extui %parallel_loop3A_286 : i1 to i32
        %parallel_loop3A_288 = arith.constant 0 : i32
        %parallel_loop3A_289 = arith.cmpi slt, %parallel_loop3A_276, %parallel_loop3A_288 : i32
        %parallel_loop3A_290 = arith.extui %parallel_loop3A_289 : i1 to i32
        %parallel_loop3A_291 = arith.subi %parallel_loop3A_287, %parallel_loop3A_290 : i32
        %parallel_loop3A_292 = arith.cmpi ne, %parallel_loop3A_284, %parallel_loop3A_291 : i32
        %parallel_loop3A_293 = arith.remsi %parallel_loop3A_269, %parallel_loop3A_276 : i32
        %parallel_loop3A_294 = arith.constant 0 : i32
        %parallel_loop3A_295 = arith.cmpi ne, %parallel_loop3A_293, %parallel_loop3A_294 : i32
        %parallel_loop3A_296 = arith.andi %parallel_loop3A_292, %parallel_loop3A_295 : i1
        %parallel_loop3A_297 = arith.constant 1 : i32
        %parallel_loop3A_298 = arith.subi %parallel_loop3A_277, %parallel_loop3A_297 : i32
        %parallel_loop3A_299 = arith.select %parallel_loop3A_296, %parallel_loop3A_298, %parallel_loop3A_277 : i32
        %parallel_loop3A_300 = arith.constant 16 : i32
        %parallel_loop3A_301 = arith.muli %parallel_loop3A_299, %parallel_loop3A_300 : i32
        %parallel_loop3A_302 = arith.index_cast %add3A_154 : i32 to index
        %parallel_loop3A_303 = arith.index_cast %parallel_loop3A_301 : i32 to index
        %parallel_loop3A_304 = tpu.vector_load %arg11[%parallel_loop3A_302, %parallel_loop3A_303] {strides = array<i32>} : memref<50x128xi32, #tpu.memory_space<vmem>>, vector<1x16xi32>,
        %parallel_loop3A_305 = vector.shape_cast %parallel_loop3A_304 : vector<1x16xi32> to vector<16xi32>
        %parallel_loop3A_306 = arith.constant 16 : i32
        %parallel_loop3A_307 = arith.remsi %parallel_loop3A_269, %parallel_loop3A_306 : i32
        %parallel_loop3A_308 = vector.broadcast %parallel_loop3A_307 : i32 to vector<16xi32>
        %parallel_loop3A_309 = vector.shape_cast %parallel_loop3A_308 : vector<16xi32> to vector<16x1xi32>
        %parallel_loop3A_310 = vector.shape_cast %parallel_loop3A_309 : vector<16x1xi32> to vector<16xi32>
        %parallel_loop3A_311 = tpu.dynamic_gather %parallel_loop3A_305[%parallel_loop3A_310] in [0] : vector<16xi32>, vector<16xi32> -> vector<16xi32>
        %parallel_loop3A_312 = arith.sitofp %parallel_loop3A_311 : vector<16xi32> to vector<16xf32>
        %parallel_loop3A_313 = arith.index_cast %parallel_loop3A_269 : i32 to index
        %parallel_loop3A_314 = arith.constant 0 : index
        %parallel_loop3A_315 = tpu.vector_load %arg16[%parallel_loop3A_313, %parallel_loop3A_314] {strides = array<i32>} : memref<128x128xf32, #tpu.memory_space<vmem>>, vector<1x16xf32>,
        %parallel_loop3A_316 = vector.shape_cast %parallel_loop3A_315 : vector<1x16xf32> to vector<16xf32>
        %parallel_loop3A_317 = arith.index_cast %parallel_loop3A_275 : i32 to index
        %parallel_loop3A_318 = arith.constant 0 : index
        %parallel_loop3A_319 = tpu.vector_load %arg12[%parallel_loop3A_317, %parallel_loop3A_318] {strides = array<i32>} : memref<200x128xf32, #tpu.memory_space<vmem>>, vector<1x16xf32>,
        %parallel_loop3A_320 = vector.shape_cast %parallel_loop3A_319 : vector<1x16xf32> to vector<16xf32>
        %parallel_loop3A_321 = arith.addf %parallel_loop3A_316, %parallel_loop3A_320 : vector<16xf32>
        %parallel_loop3A_322 = arith.mulf %parallel_loop3A_312, %get3A_4 : vector<16xf32>
        %parallel_loop3A_323 = arith.addf %parallel_loop3A_321, %parallel_loop3A_322 : vector<16xf32>
        %parallel_loop3A_324 = arith.index_cast %parallel_loop3A_269 : i32 to index
        %parallel_loop3A_325 = arith.constant 16 : index
        %parallel_loop3A_326 = tpu.vector_load %arg16[%parallel_loop3A_324, %parallel_loop3A_325] {strides = array<i32>} : memref<128x128xf32, #tpu.memory_space<vmem>>, vector<1x16xf32>,
        %parallel_loop3A_327 = vector.shape_cast %parallel_loop3A_326 : vector<1x16xf32> to vector<16xf32>
        %parallel_loop3A_328 = arith.index_cast %parallel_loop3A_275 : i32 to index
        %parallel_loop3A_329 = arith.constant 16 : index
        %parallel_loop3A_330 = tpu.vector_load %arg12[%parallel_loop3A_328, %parallel_loop3A_329] {strides = array<i32>} : memref<200x128xf32, #tpu.memory_space<vmem>>, vector<1x16xf32>,
        %parallel_loop3A_331 = vector.shape_cast %parallel_loop3A_330 : vector<1x16xf32> to vector<16xf32>
        %parallel_loop3A_332 = arith.addf %parallel_loop3A_327, %parallel_loop3A_331 : vector<16xf32>
        %parallel_loop3A_333 = arith.mulf %parallel_loop3A_312, %get3A_7 : vector<16xf32>
        %parallel_loop3A_334 = arith.addf %parallel_loop3A_332, %parallel_loop3A_333 : vector<16xf32>
        %parallel_loop3A_335 = arith.index_cast %parallel_loop3A_269 : i32 to index
        %parallel_loop3A_336 = arith.constant 32 : index
        %parallel_loop3A_337 = tpu.vector_load %arg16[%parallel_loop3A_335, %parallel_loop3A_336] {strides = array<i32>} : memref<128x128xf32, #tpu.memory_space<vmem>>, vector<1x16xf32>,
        %parallel_loop3A_338 = vector.shape_cast %parallel_loop3A_337 : vector<1x16xf32> to vector<16xf32>
        %parallel_loop3A_339 = arith.index_cast %parallel_loop3A_275 : i32 to index
        %parallel_loop3A_340 = arith.constant 32 : index
        %parallel_loop3A_341 = tpu.vector_load %arg12[%parallel_loop3A_339, %parallel_loop3A_340] {strides = array<i32>} : memref<200x128xf32, #tpu.memory_space<vmem>>, vector<1x16xf32>,
        %parallel_loop3A_342 = vector.shape_cast %parallel_loop3A_341 : vector<1x16xf32> to vector<16xf32>
        %parallel_loop3A_343 = arith.addf %parallel_loop3A_338, %parallel_loop3A_342 : vector<16xf32>
        %parallel_loop3A_344 = arith.mulf %parallel_loop3A_312, %get3A_10 : vector<16xf32>
        %parallel_loop3A_345 = arith.addf %parallel_loop3A_343, %parallel_loop3A_344 : vector<16xf32>
        %parallel_loop3A_346 = arith.index_cast %parallel_loop3A_269 : i32 to index
        %parallel_loop3A_347 = arith.constant 48 : index
        %parallel_loop3A_348 = tpu.vector_load %arg16[%parallel_loop3A_346, %parallel_loop3A_347] {strides = array<i32>} : memref<128x128xf32, #tpu.memory_space<vmem>>, vector<1x16xf32>,
        %parallel_loop3A_349 = vector.shape_cast %parallel_loop3A_348 : vector<1x16xf32> to vector<16xf32>
        %parallel_loop3A_350 = arith.index_cast %parallel_loop3A_275 : i32 to index
        %parallel_loop3A_351 = arith.constant 48 : index
        %parallel_loop3A_352 = tpu.vector_load %arg12[%parallel_loop3A_350, %parallel_loop3A_351] {strides = array<i32>} : memref<200x128xf32, #tpu.memory_space<vmem>>, vector<1x16xf32>,
        %parallel_loop3A_353 = vector.shape_cast %parallel_loop3A_352 : vector<1x16xf32> to vector<16xf32>
        %parallel_loop3A_354 = arith.addf %parallel_loop3A_349, %parallel_loop3A_353 : vector<16xf32>
        %parallel_loop3A_355 = arith.mulf %parallel_loop3A_312, %get3A_13 : vector<16xf32>
        %parallel_loop3A_356 = arith.addf %parallel_loop3A_354, %parallel_loop3A_355 : vector<16xf32>
        %parallel_loop3A_357 = arith.index_cast %parallel_loop3A_269 : i32 to index
        %parallel_loop3A_358 = arith.constant 64 : index
        %parallel_loop3A_359 = tpu.vector_load %arg16[%parallel_loop3A_357, %parallel_loop3A_358] {strides = array<i32>} : memref<128x128xf32, #tpu.memory_space<vmem>>, vector<1x16xf32>,
        %parallel_loop3A_360 = vector.shape_cast %parallel_loop3A_359 : vector<1x16xf32> to vector<16xf32>
        %parallel_loop3A_361 = arith.index_cast %parallel_loop3A_275 : i32 to index
        %parallel_loop3A_362 = arith.constant 64 : index
        %parallel_loop3A_363 = tpu.vector_load %arg12[%parallel_loop3A_361, %parallel_loop3A_362] {strides = array<i32>} : memref<200x128xf32, #tpu.memory_space<vmem>>, vector<1x16xf32>,
        %parallel_loop3A_364 = vector.shape_cast %parallel_loop3A_363 : vector<1x16xf32> to vector<16xf32>
        %parallel_loop3A_365 = arith.addf %parallel_loop3A_360, %parallel_loop3A_364 : vector<16xf32>
        %parallel_loop3A_366 = arith.mulf %parallel_loop3A_312, %get3A_16 : vector<16xf32>
        %parallel_loop3A_367 = arith.addf %parallel_loop3A_365, %parallel_loop3A_366 : vector<16xf32>
        %parallel_loop3A_368 = arith.index_cast %parallel_loop3A_269 : i32 to index
        %parallel_loop3A_369 = arith.constant 80 : index
        %parallel_loop3A_370 = tpu.vector_load %arg16[%parallel_loop3A_368, %parallel_loop3A_369] {strides = array<i32>} : memref<128x128xf32, #tpu.memory_space<vmem>>, vector<1x16xf32>,
        %parallel_loop3A_371 = vector.shape_cast %parallel_loop3A_370 : vector<1x16xf32> to vector<16xf32>
        %parallel_loop3A_372 = arith.index_cast %parallel_loop3A_275 : i32 to index
        %parallel_loop3A_373 = arith.constant 80 : index
        %parallel_loop3A_374 = tpu.vector_load %arg12[%parallel_loop3A_372, %parallel_loop3A_373] {strides = array<i32>} : memref<200x128xf32, #tpu.memory_space<vmem>>, vector<1x16xf32>,
        %parallel_loop3A_375 = vector.shape_cast %parallel_loop3A_374 : vector<1x16xf32> to vector<16xf32>
        %parallel_loop3A_376 = arith.addf %parallel_loop3A_371, %parallel_loop3A_375 : vector<16xf32>
        %parallel_loop3A_377 = arith.mulf %parallel_loop3A_312, %get3A_19 : vector<16xf32>
        %parallel_loop3A_378 = arith.addf %parallel_loop3A_376, %parallel_loop3A_377 : vector<16xf32>
        %parallel_loop3A_379 = arith.index_cast %parallel_loop3A_269 : i32 to index
        %parallel_loop3A_380 = arith.constant 96 : index
        %parallel_loop3A_381 = tpu.vector_load %arg16[%parallel_loop3A_379, %parallel_loop3A_380] {strides = array<i32>} : memref<128x128xf32, #tpu.memory_space<vmem>>, vector<1x16xf32>,
        %parallel_loop3A_382 = vector.shape_cast %parallel_loop3A_381 : vector<1x16xf32> to vector<16xf32>
        %parallel_loop3A_383 = arith.index_cast %parallel_loop3A_275 : i32 to index
        %parallel_loop3A_384 = arith.constant 96 : index
        %parallel_loop3A_385 = tpu.vector_load %arg12[%parallel_loop3A_383, %parallel_loop3A_384] {strides = array<i32>} : memref<200x128xf32, #tpu.memory_space<vmem>>, vector<1x16xf32>,
        %parallel_loop3A_386 = vector.shape_cast %parallel_loop3A_385 : vector<1x16xf32> to vector<16xf32>
        %parallel_loop3A_387 = arith.addf %parallel_loop3A_382, %parallel_loop3A_386 : vector<16xf32>
        %parallel_loop3A_388 = arith.mulf %parallel_loop3A_312, %get3A_22 : vector<16xf32>
        %parallel_loop3A_389 = arith.addf %parallel_loop3A_387, %parallel_loop3A_388 : vector<16xf32>
        %parallel_loop3A_390 = arith.index_cast %parallel_loop3A_269 : i32 to index
        %parallel_loop3A_391 = arith.constant 112 : index
        %parallel_loop3A_392 = tpu.vector_load %arg16[%parallel_loop3A_390, %parallel_loop3A_391] {strides = array<i32>} : memref<128x128xf32, #tpu.memory_space<vmem>>, vector<1x16xf32>,
        %parallel_loop3A_393 = vector.shape_cast %parallel_loop3A_392 : vector<1x16xf32> to vector<16xf32>
        %parallel_loop3A_394 = arith.index_cast %parallel_loop3A_275 : i32 to index
        %parallel_loop3A_395 = arith.constant 112 : index
        %parallel_loop3A_396 = tpu.vector_load %arg12[%parallel_loop3A_394, %parallel_loop3A_395] {strides = array<i32>} : memref<200x128xf32, #tpu.memory_space<vmem>>, vector<1x16xf32>,
        %parallel_loop3A_397 = vector.shape_cast %parallel_loop3A_396 : vector<1x16xf32> to vector<16xf32>
        %parallel_loop3A_398 = arith.addf %parallel_loop3A_393, %parallel_loop3A_397 : vector<16xf32>
        %parallel_loop3A_399 = arith.mulf %parallel_loop3A_312, %get3A_25 : vector<16xf32>
        %parallel_loop3A_400 = arith.addf %parallel_loop3A_398, %parallel_loop3A_399 : vector<16xf32>
        %parallel_loop3A_401 = arith.mulf %parallel_loop3A_323, %parallel_loop3A_323 : vector<16xf32>
        %parallel_loop3A_402 = arith.addf %parallel_loop3A_323, %parallel_loop3A_334 : vector<16xf32>
        %parallel_loop3A_403 = arith.mulf %parallel_loop3A_334, %parallel_loop3A_334 : vector<16xf32>
        %parallel_loop3A_404 = arith.addf %parallel_loop3A_401, %parallel_loop3A_403 : vector<16xf32>
        %parallel_loop3A_405 = arith.addf %parallel_loop3A_402, %parallel_loop3A_345 : vector<16xf32>
        %parallel_loop3A_406 = arith.mulf %parallel_loop3A_345, %parallel_loop3A_345 : vector<16xf32>
        %parallel_loop3A_407 = arith.addf %parallel_loop3A_404, %parallel_loop3A_406 : vector<16xf32>
        %parallel_loop3A_408 = arith.addf %parallel_loop3A_405, %parallel_loop3A_356 : vector<16xf32>
        %parallel_loop3A_409 = arith.mulf %parallel_loop3A_356, %parallel_loop3A_356 : vector<16xf32>
        %parallel_loop3A_410 = arith.addf %parallel_loop3A_407, %parallel_loop3A_409 : vector<16xf32>
        %parallel_loop3A_411 = arith.addf %parallel_loop3A_408, %parallel_loop3A_367 : vector<16xf32>
        %parallel_loop3A_412 = arith.mulf %parallel_loop3A_367, %parallel_loop3A_367 : vector<16xf32>
        %parallel_loop3A_413 = arith.addf %parallel_loop3A_410, %parallel_loop3A_412 : vector<16xf32>
        %parallel_loop3A_414 = arith.addf %parallel_loop3A_411, %parallel_loop3A_378 : vector<16xf32>
        %parallel_loop3A_415 = arith.mulf %parallel_loop3A_378, %parallel_loop3A_378 : vector<16xf32>
        %parallel_loop3A_416 = arith.addf %parallel_loop3A_413, %parallel_loop3A_415 : vector<16xf32>
        %parallel_loop3A_417 = arith.addf %parallel_loop3A_414, %parallel_loop3A_389 : vector<16xf32>
        %parallel_loop3A_418 = arith.mulf %parallel_loop3A_389, %parallel_loop3A_389 : vector<16xf32>
        %parallel_loop3A_419 = arith.addf %parallel_loop3A_416, %parallel_loop3A_418 : vector<16xf32>
        %parallel_loop3A_420 = arith.addf %parallel_loop3A_417, %parallel_loop3A_400 : vector<16xf32>
        %parallel_loop3A_421 = arith.mulf %parallel_loop3A_400, %parallel_loop3A_400 : vector<16xf32>
        %parallel_loop3A_422 = arith.addf %parallel_loop3A_419, %parallel_loop3A_421 : vector<16xf32>
        %parallel_loop3A_423 = tpu.iota {dimensions = array<i32: 0>} : vector<16xi32>
        %parallel_loop3A_424 = arith.constant 1 : i32
        %parallel_loop3A_425 = vector.broadcast %parallel_loop3A_424 : i32 to vector<16xi32>
        %parallel_loop3A_426 = arith.xori %parallel_loop3A_423, %parallel_loop3A_425 : vector<16xi32>
        %parallel_loop3A_427 = vector.shape_cast %parallel_loop3A_426 : vector<16xi32> to vector<16x1xi32>
        %parallel_loop3A_428 = vector.shape_cast %parallel_loop3A_427 : vector<16x1xi32> to vector<16xi32>
        %parallel_loop3A_429 = tpu.dynamic_gather %parallel_loop3A_420[%parallel_loop3A_428] in [0] : vector<16xf32>, vector<16xi32> -> vector<16xf32>
        %parallel_loop3A_430 = arith.addf %parallel_loop3A_420, %parallel_loop3A_429 : vector<16xf32>
        %parallel_loop3A_431 = arith.constant 2 : i32
        %parallel_loop3A_432 = vector.broadcast %parallel_loop3A_431 : i32 to vector<16xi32>
        %parallel_loop3A_433 = arith.xori %parallel_loop3A_423, %parallel_loop3A_432 : vector<16xi32>
        %parallel_loop3A_434 = vector.shape_cast %parallel_loop3A_433 : vector<16xi32> to vector<16x1xi32>
        %parallel_loop3A_435 = vector.shape_cast %parallel_loop3A_434 : vector<16x1xi32> to vector<16xi32>
        %parallel_loop3A_436 = tpu.dynamic_gather %parallel_loop3A_430[%parallel_loop3A_435] in [0] : vector<16xf32>, vector<16xi32> -> vector<16xf32>
        %parallel_loop3A_437 = arith.addf %parallel_loop3A_430, %parallel_loop3A_436 : vector<16xf32>
        %parallel_loop3A_438 = arith.constant 4 : i32
        %parallel_loop3A_439 = vector.broadcast %parallel_loop3A_438 : i32 to vector<16xi32>
        %parallel_loop3A_440 = arith.xori %parallel_loop3A_423, %parallel_loop3A_439 : vector<16xi32>
        %parallel_loop3A_441 = vector.shape_cast %parallel_loop3A_440 : vector<16xi32> to vector<16x1xi32>
        %parallel_loop3A_442 = vector.shape_cast %parallel_loop3A_441 : vector<16x1xi32> to vector<16xi32>
        %parallel_loop3A_443 = tpu.dynamic_gather %parallel_loop3A_437[%parallel_loop3A_442] in [0] : vector<16xf32>, vector<16xi32> -> vector<16xf32>
        %parallel_loop3A_444 = arith.addf %parallel_loop3A_437, %parallel_loop3A_443 : vector<16xf32>
        %parallel_loop3A_445 = arith.constant 8 : i32
        %parallel_loop3A_446 = vector.broadcast %parallel_loop3A_445 : i32 to vector<16xi32>
        %parallel_loop3A_447 = arith.xori %parallel_loop3A_423, %parallel_loop3A_446 : vector<16xi32>
        %parallel_loop3A_448 = vector.shape_cast %parallel_loop3A_447 : vector<16xi32> to vector<16x1xi32>
        %parallel_loop3A_449 = vector.shape_cast %parallel_loop3A_448 : vector<16x1xi32> to vector<16xi32>
        %parallel_loop3A_450 = tpu.dynamic_gather %parallel_loop3A_444[%parallel_loop3A_449] in [0] : vector<16xf32>, vector<16xi32> -> vector<16xf32>
        %parallel_loop3A_451 = arith.addf %parallel_loop3A_444, %parallel_loop3A_450 : vector<16xf32>
        %parallel_loop3A_452 = vector.broadcast %scan3A_87 : f32 to vector<16xf32>
        %parallel_loop3A_453 = arith.mulf %parallel_loop3A_451, %parallel_loop3A_452 : vector<16xf32>
        %parallel_loop3A_454 = tpu.iota {dimensions = array<i32: 0>} : vector<16xi32>
        %parallel_loop3A_455 = arith.constant 1 : i32
        %parallel_loop3A_456 = vector.broadcast %parallel_loop3A_455 : i32 to vector<16xi32>
        %parallel_loop3A_457 = arith.xori %parallel_loop3A_454, %parallel_loop3A_456 : vector<16xi32>
        %parallel_loop3A_458 = vector.shape_cast %parallel_loop3A_457 : vector<16xi32> to vector<16x1xi32>
        %parallel_loop3A_459 = vector.shape_cast %parallel_loop3A_458 : vector<16x1xi32> to vector<16xi32>
        %parallel_loop3A_460 = tpu.dynamic_gather %parallel_loop3A_422[%parallel_loop3A_459] in [0] : vector<16xf32>, vector<16xi32> -> vector<16xf32>
        %parallel_loop3A_461 = arith.addf %parallel_loop3A_422, %parallel_loop3A_460 : vector<16xf32>
        %parallel_loop3A_462 = arith.constant 2 : i32
        %parallel_loop3A_463 = vector.broadcast %parallel_loop3A_462 : i32 to vector<16xi32>
        %parallel_loop3A_464 = arith.xori %parallel_loop3A_454, %parallel_loop3A_463 : vector<16xi32>
        %parallel_loop3A_465 = vector.shape_cast %parallel_loop3A_464 : vector<16xi32> to vector<16x1xi32>
        %parallel_loop3A_466 = vector.shape_cast %parallel_loop3A_465 : vector<16x1xi32> to vector<16xi32>
        %parallel_loop3A_467 = tpu.dynamic_gather %parallel_loop3A_461[%parallel_loop3A_466] in [0] : vector<16xf32>, vector<16xi32> -> vector<16xf32>
        %parallel_loop3A_468 = arith.addf %parallel_loop3A_461, %parallel_loop3A_467 : vector<16xf32>
        %parallel_loop3A_469 = arith.constant 4 : i32
        %parallel_loop3A_470 = vector.broadcast %parallel_loop3A_469 : i32 to vector<16xi32>
        %parallel_loop3A_471 = arith.xori %parallel_loop3A_454, %parallel_loop3A_470 : vector<16xi32>
        %parallel_loop3A_472 = vector.shape_cast %parallel_loop3A_471 : vector<16xi32> to vector<16x1xi32>
        %parallel_loop3A_473 = vector.shape_cast %parallel_loop3A_472 : vector<16x1xi32> to vector<16xi32>
        %parallel_loop3A_474 = tpu.dynamic_gather %parallel_loop3A_468[%parallel_loop3A_473] in [0] : vector<16xf32>, vector<16xi32> -> vector<16xf32>
        %parallel_loop3A_475 = arith.addf %parallel_loop3A_468, %parallel_loop3A_474 : vector<16xf32>
        %parallel_loop3A_476 = arith.constant 8 : i32
        %parallel_loop3A_477 = vector.broadcast %parallel_loop3A_476 : i32 to vector<16xi32>
        %parallel_loop3A_478 = arith.xori %parallel_loop3A_454, %parallel_loop3A_477 : vector<16xi32>
        %parallel_loop3A_479 = vector.shape_cast %parallel_loop3A_478 : vector<16xi32> to vector<16x1xi32>
        %parallel_loop3A_480 = vector.shape_cast %parallel_loop3A_479 : vector<16x1xi32> to vector<16xi32>
        %parallel_loop3A_481 = tpu.dynamic_gather %parallel_loop3A_475[%parallel_loop3A_480] in [0] : vector<16xf32>, vector<16xi32> -> vector<16xf32>
        %parallel_loop3A_482 = arith.addf %parallel_loop3A_475, %parallel_loop3A_481 : vector<16xf32>
        %parallel_loop3A_483 = vector.broadcast %scan3A_87 : f32 to vector<16xf32>
        %parallel_loop3A_484 = arith.mulf %parallel_loop3A_482, %parallel_loop3A_483 : vector<16xf32>
        %parallel_loop3A_485 = arith.mulf %parallel_loop3A_453, %parallel_loop3A_453 : vector<16xf32>
        %parallel_loop3A_486 = arith.subf %parallel_loop3A_484, %parallel_loop3A_485 : vector<16xf32>
        %parallel_loop3A_487 = arith.constant 9.99999996E-13 : f32
        %parallel_loop3A_488 = vector.broadcast %parallel_loop3A_487 : f32 to vector<16xf32>
        %parallel_loop3A_489 = arith.addf %parallel_loop3A_486, %parallel_loop3A_488 : vector<16xf32>
        %parallel_loop3A_490 = tpu.bitcast %parallel_loop3A_489 : vector<16xf32> -> vector<16xi32>
        %parallel_loop3A_491 = arith.sitofp %parallel_loop3A_490 : vector<16xi32> to vector<16xf32>
        %parallel_loop3A_492 = arith.constant 5.000000e-01 : f32
        %parallel_loop3A_493 = vector.broadcast %parallel_loop3A_492 : f32 to vector<16xf32>
        %parallel_loop3A_494 = arith.mulf %parallel_loop3A_493, %parallel_loop3A_491 : vector<16xf32>
        %parallel_loop3A_495 = arith.constant 1.59746304E+9 : f32
        %parallel_loop3A_496 = vector.broadcast %parallel_loop3A_495 : f32 to vector<16xf32>
        %parallel_loop3A_497 = arith.subf %parallel_loop3A_496, %parallel_loop3A_494 : vector<16xf32>
        %parallel_loop3A_498 = arith.fptosi %parallel_loop3A_497 : vector<16xf32> to vector<16xi32>
        %parallel_loop3A_499 = tpu.bitcast %parallel_loop3A_498 : vector<16xi32> -> vector<16xf32>
        %parallel_loop3A_500 = arith.constant 5.000000e-01 : f32
        %parallel_loop3A_501 = vector.broadcast %parallel_loop3A_500 : f32 to vector<16xf32>
        %parallel_loop3A_502 = arith.mulf %parallel_loop3A_501, %parallel_loop3A_489 : vector<16xf32>
        %parallel_loop3A_503 = arith.mulf %parallel_loop3A_502, %parallel_loop3A_499 : vector<16xf32>
        %parallel_loop3A_504 = arith.mulf %parallel_loop3A_503, %parallel_loop3A_499 : vector<16xf32>
        %parallel_loop3A_505 = arith.constant 1.500000e+00 : f32
        %parallel_loop3A_506 = vector.broadcast %parallel_loop3A_505 : f32 to vector<16xf32>
        %parallel_loop3A_507 = arith.subf %parallel_loop3A_506, %parallel_loop3A_504 : vector<16xf32>
        %parallel_loop3A_508 = arith.mulf %parallel_loop3A_499, %parallel_loop3A_507 : vector<16xf32>
        %parallel_loop3A_509 = arith.constant 5.000000e-01 : f32
        %parallel_loop3A_510 = vector.broadcast %parallel_loop3A_509 : f32 to vector<16xf32>
        %parallel_loop3A_511 = arith.mulf %parallel_loop3A_510, %parallel_loop3A_489 : vector<16xf32>
        %parallel_loop3A_512 = arith.mulf %parallel_loop3A_511, %parallel_loop3A_508 : vector<16xf32>
        %parallel_loop3A_513 = arith.mulf %parallel_loop3A_512, %parallel_loop3A_508 : vector<16xf32>
        %parallel_loop3A_514 = arith.constant 1.500000e+00 : f32
        %parallel_loop3A_515 = vector.broadcast %parallel_loop3A_514 : f32 to vector<16xf32>
        %parallel_loop3A_516 = arith.subf %parallel_loop3A_515, %parallel_loop3A_513 : vector<16xf32>
        %parallel_loop3A_517 = arith.mulf %parallel_loop3A_508, %parallel_loop3A_516 : vector<16xf32>
        %parallel_loop3A_518 = arith.constant 5.000000e-01 : f32
        %parallel_loop3A_519 = vector.broadcast %parallel_loop3A_518 : f32 to vector<16xf32>
        %parallel_loop3A_520 = arith.mulf %parallel_loop3A_519, %parallel_loop3A_489 : vector<16xf32>
        %parallel_loop3A_521 = arith.mulf %parallel_loop3A_520, %parallel_loop3A_517 : vector<16xf32>
        %parallel_loop3A_522 = arith.mulf %parallel_loop3A_521, %parallel_loop3A_517 : vector<16xf32>
        %parallel_loop3A_523 = arith.constant 1.500000e+00 : f32
        %parallel_loop3A_524 = vector.broadcast %parallel_loop3A_523 : f32 to vector<16xf32>
        %parallel_loop3A_525 = arith.subf %parallel_loop3A_524, %parallel_loop3A_522 : vector<16xf32>
        %parallel_loop3A_526 = arith.mulf %parallel_loop3A_517, %parallel_loop3A_525 : vector<16xf32>
        %parallel_loop3A_527 = arith.mulf %parallel_loop3A_453, %parallel_loop3A_526 : vector<16xf32>
        %parallel_loop3A_528 = arith.mulf %parallel_loop3A_323, %parallel_loop3A_526 : vector<16xf32>
        %parallel_loop3A_529 = arith.subf %parallel_loop3A_528, %parallel_loop3A_527 : vector<16xf32>
        %parallel_loop3A_530 = arith.mulf %parallel_loop3A_529, %get3A_28 : vector<16xf32>
        %parallel_loop3A_531 = arith.addf %parallel_loop3A_530, %get3A_52 : vector<16xf32>
        %parallel_loop3A_532 = arith.index_cast %parallel_loop3A_269 : i32 to index
        %parallel_loop3A_533 = arith.constant 0 : index
        %parallel_loop3A_534 = tpu.vector_load %arg16[%parallel_loop3A_532, %parallel_loop3A_533] {strides = array<i32>} : memref<128x128xf32, #tpu.memory_space<vmem>>, vector<1x16xf32>,
        %parallel_loop3A_535 = vector.shape_cast %parallel_loop3A_534 : vector<1x16xf32> to vector<16xf32>
        %parallel_loop3A_536 = vector.shape_cast %parallel_loop3A_531 : vector<16xf32> to vector<1x16xf32>
        tpu.vector_store %arg16[%parallel_loop3A_532, %parallel_loop3A_533], %parallel_loop3A_536 {strides = array<i32>} : memref<128x128xf32, #tpu.memory_space<vmem>>, vector<1x16xf32>,
        %parallel_loop3A_537 = arith.mulf %parallel_loop3A_334, %parallel_loop3A_526 : vector<16xf32>
        %parallel_loop3A_538 = arith.subf %parallel_loop3A_537, %parallel_loop3A_527 : vector<16xf32>
        %parallel_loop3A_539 = arith.mulf %parallel_loop3A_538, %get3A_31 : vector<16xf32>
        %parallel_loop3A_540 = arith.addf %parallel_loop3A_539, %get3A_55 : vector<16xf32>
        %parallel_loop3A_541 = arith.index_cast %parallel_loop3A_269 : i32 to index
        %parallel_loop3A_542 = arith.constant 16 : index
        %parallel_loop3A_543 = tpu.vector_load %arg16[%parallel_loop3A_541, %parallel_loop3A_542] {strides = array<i32>} : memref<128x128xf32, #tpu.memory_space<vmem>>, vector<1x16xf32>,
        %parallel_loop3A_544 = vector.shape_cast %parallel_loop3A_543 : vector<1x16xf32> to vector<16xf32>
        %parallel_loop3A_545 = vector.shape_cast %parallel_loop3A_540 : vector<16xf32> to vector<1x16xf32>
        tpu.vector_store %arg16[%parallel_loop3A_541, %parallel_loop3A_542], %parallel_loop3A_545 {strides = array<i32>} : memref<128x128xf32, #tpu.memory_space<vmem>>, vector<1x16xf32>,
        %parallel_loop3A_546 = arith.mulf %parallel_loop3A_345, %parallel_loop3A_526 : vector<16xf32>
        %parallel_loop3A_547 = arith.subf %parallel_loop3A_546, %parallel_loop3A_527 : vector<16xf32>
        %parallel_loop3A_548 = arith.mulf %parallel_loop3A_547, %get3A_34 : vector<16xf32>
        %parallel_loop3A_549 = arith.addf %parallel_loop3A_548, %get3A_58 : vector<16xf32>
        %parallel_loop3A_550 = arith.index_cast %parallel_loop3A_269 : i32 to index
        %parallel_loop3A_551 = arith.constant 32 : index
        %parallel_loop3A_552 = tpu.vector_load %arg16[%parallel_loop3A_550, %parallel_loop3A_551] {strides = array<i32>} : memref<128x128xf32, #tpu.memory_space<vmem>>, vector<1x16xf32>,
        %parallel_loop3A_553 = vector.shape_cast %parallel_loop3A_552 : vector<1x16xf32> to vector<16xf32>
        %parallel_loop3A_554 = vector.shape_cast %parallel_loop3A_549 : vector<16xf32> to vector<1x16xf32>
        tpu.vector_store %arg16[%parallel_loop3A_550, %parallel_loop3A_551], %parallel_loop3A_554 {strides = array<i32>} : memref<128x128xf32, #tpu.memory_space<vmem>>, vector<1x16xf32>,
        %parallel_loop3A_555 = arith.mulf %parallel_loop3A_356, %parallel_loop3A_526 : vector<16xf32>
        %parallel_loop3A_556 = arith.subf %parallel_loop3A_555, %parallel_loop3A_527 : vector<16xf32>
        %parallel_loop3A_557 = arith.mulf %parallel_loop3A_556, %get3A_37 : vector<16xf32>
        %parallel_loop3A_558 = arith.addf %parallel_loop3A_557, %get3A_61 : vector<16xf32>
        %parallel_loop3A_559 = arith.index_cast %parallel_loop3A_269 : i32 to index
        %parallel_loop3A_560 = arith.constant 48 : index
        %parallel_loop3A_561 = tpu.vector_load %arg16[%parallel_loop3A_559, %parallel_loop3A_560] {strides = array<i32>} : memref<128x128xf32, #tpu.memory_space<vmem>>, vector<1x16xf32>,
        %parallel_loop3A_562 = vector.shape_cast %parallel_loop3A_561 : vector<1x16xf32> to vector<16xf32>
        %parallel_loop3A_563 = vector.shape_cast %parallel_loop3A_558 : vector<16xf32> to vector<1x16xf32>
        tpu.vector_store %arg16[%parallel_loop3A_559, %parallel_loop3A_560], %parallel_loop3A_563 {strides = array<i32>} : memref<128x128xf32, #tpu.memory_space<vmem>>, vector<1x16xf32>,
        %parallel_loop3A_564 = arith.mulf %parallel_loop3A_367, %parallel_loop3A_526 : vector<16xf32>
        %parallel_loop3A_565 = arith.subf %parallel_loop3A_564, %parallel_loop3A_527 : vector<16xf32>
        %parallel_loop3A_566 = arith.mulf %parallel_loop3A_565, %get3A_40 : vector<16xf32>
        %parallel_loop3A_567 = arith.addf %parallel_loop3A_566, %get3A_64 : vector<16xf32>
        %parallel_loop3A_568 = arith.index_cast %parallel_loop3A_269 : i32 to index
        %parallel_loop3A_569 = arith.constant 64 : index
        %parallel_loop3A_570 = tpu.vector_load %arg16[%parallel_loop3A_568, %parallel_loop3A_569] {strides = array<i32>} : memref<128x128xf32, #tpu.memory_space<vmem>>, vector<1x16xf32>,
        %parallel_loop3A_571 = vector.shape_cast %parallel_loop3A_570 : vector<1x16xf32> to vector<16xf32>
        %parallel_loop3A_572 = vector.shape_cast %parallel_loop3A_567 : vector<16xf32> to vector<1x16xf32>
        tpu.vector_store %arg16[%parallel_loop3A_568, %parallel_loop3A_569], %parallel_loop3A_572 {strides = array<i32>} : memref<128x128xf32, #tpu.memory_space<vmem>>, vector<1x16xf32>,
        %parallel_loop3A_573 = arith.mulf %parallel_loop3A_378, %parallel_loop3A_526 : vector<16xf32>
        %parallel_loop3A_574 = arith.subf %parallel_loop3A_573, %parallel_loop3A_527 : vector<16xf32>
        %parallel_loop3A_575 = arith.mulf %parallel_loop3A_574, %get3A_43 : vector<16xf32>
        %parallel_loop3A_576 = arith.addf %parallel_loop3A_575, %get3A_67 : vector<16xf32>
        %parallel_loop3A_577 = arith.index_cast %parallel_loop3A_269 : i32 to index
        %parallel_loop3A_578 = arith.constant 80 : index
        %parallel_loop3A_579 = tpu.vector_load %arg16[%parallel_loop3A_577, %parallel_loop3A_578] {strides = array<i32>} : memref<128x128xf32, #tpu.memory_space<vmem>>, vector<1x16xf32>,
        %parallel_loop3A_580 = vector.shape_cast %parallel_loop3A_579 : vector<1x16xf32> to vector<16xf32>
        %parallel_loop3A_581 = vector.shape_cast %parallel_loop3A_576 : vector<16xf32> to vector<1x16xf32>
        tpu.vector_store %arg16[%parallel_loop3A_577, %parallel_loop3A_578], %parallel_loop3A_581 {strides = array<i32>} : memref<128x128xf32, #tpu.memory_space<vmem>>, vector<1x16xf32>,
        %parallel_loop3A_582 = arith.mulf %parallel_loop3A_389, %parallel_loop3A_526 : vector<16xf32>
        %parallel_loop3A_583 = arith.subf %parallel_loop3A_582, %parallel_loop3A_527 : vector<16xf32>
        %parallel_loop3A_584 = arith.mulf %parallel_loop3A_583, %get3A_46 : vector<16xf32>
        %parallel_loop3A_585 = arith.addf %parallel_loop3A_584, %get3A_70 : vector<16xf32>
        %parallel_loop3A_586 = arith.index_cast %parallel_loop3A_269 : i32 to index
        %parallel_loop3A_587 = arith.constant 96 : index
        %parallel_loop3A_588 = tpu.vector_load %arg16[%parallel_loop3A_586, %parallel_loop3A_587] {strides = array<i32>} : memref<128x128xf32, #tpu.memory_space<vmem>>, vector<1x16xf32>,
        %parallel_loop3A_589 = vector.shape_cast %parallel_loop3A_588 : vector<1x16xf32> to vector<16xf32>
        %parallel_loop3A_590 = vector.shape_cast %parallel_loop3A_585 : vector<16xf32> to vector<1x16xf32>
        tpu.vector_store %arg16[%parallel_loop3A_586, %parallel_loop3A_587], %parallel_loop3A_590 {strides = array<i32>} : memref<128x128xf32, #tpu.memory_space<vmem>>, vector<1x16xf32>,
        %parallel_loop3A_591 = arith.mulf %parallel_loop3A_400, %parallel_loop3A_526 : vector<16xf32>
        %parallel_loop3A_592 = arith.subf %parallel_loop3A_591, %parallel_loop3A_527 : vector<16xf32>
        %parallel_loop3A_593 = arith.mulf %parallel_loop3A_592, %get3A_49 : vector<16xf32>
        %parallel_loop3A_594 = arith.addf %parallel_loop3A_593, %get3A_73 : vector<16xf32>
        %parallel_loop3A_595 = arith.index_cast %parallel_loop3A_269 : i32 to index
        %parallel_loop3A_596 = arith.constant 112 : index
        %parallel_loop3A_597 = tpu.vector_load %arg16[%parallel_loop3A_595, %parallel_loop3A_596] {strides = array<i32>} : memref<128x128xf32, #tpu.memory_space<vmem>>, vector<1x16xf32>,
        %parallel_loop3A_598 = vector.shape_cast %parallel_loop3A_597 : vector<1x16xf32> to vector<16xf32>
        %parallel_loop3A_599 = vector.shape_cast %parallel_loop3A_594 : vector<16xf32> to vector<1x16xf32>
        tpu.vector_store %arg16[%parallel_loop3A_595, %parallel_loop3A_596], %parallel_loop3A_599 {strides = array<i32>} : memref<128x128xf32, #tpu.memory_space<vmem>>, vector<1x16xf32>,
      } {sc.loop_unroll_factor = 4 : i64, sc.parallel_access}
      %gt3A = arith.constant 0 : i32
      %gt3A_169 = arith.cmpi sgt, %scan3A_150, %gt3A : i32
      %convert_element_type3A = arith.extui %gt3A_169 : i1 to i32
      %cond3A = arith.constant 0 : i32
      %cond3A_170 = arith.cmpi ne, %convert_element_type3A, %cond3A : i32
      scf.if %cond3A_170 {
        %sub3A_269 = arith.constant 1 : i32
        %sub3A_270 = arith.subi %add3A_154, %sub3A_269 : i32
        %mul3A_271 = arith.constant 128 : i32
        %mul3A_272 = arith.muli %sub3A_270, %mul3A_271 : i32
        %add3A_273 = arith.addi %mul3A_2, %mul3A_272 : i32
        %dma_wait3A_274 = arith.constant 0 : i32
        %dma_wait3A_275 = tpu.memref_slice %arg9[%add3A_273, %dma_wait3A_274] : memref<204800x128xf32, #tpu.memory_space<hbm>> -> memref<128x128xf32, #tpu.memory_space<hbm>>
        %dma_wait3A_276 = arith.constant 0 : i32
        %dma_wait3A_277 = tpu.memref_slice %arg9[%add3A_273, %dma_wait3A_276] : memref<204800x128xf32, #tpu.memory_space<hbm>> -> memref<128x128xf32, #tpu.memory_space<hbm>>
        tpu.wait_dma2 semaphore(%arg24 : memref<!tpu.dma_semaphore, #tpu.memory_space<semaphore_mem>>) src(%arg18 : memref<128x128xf32, #tpu.memory_space<vmem>>) dst(%dma_wait3A_277 : memref<128x128xf32, #tpu.memory_space<hbm>>)
      } else {
      }
      %add3A_171 = arith.constant 2 : i32
      %add3A_172 = arith.addi %add3A_154, %add3A_171 : i32
      %dma_start3A_173 = arith.constant 0 : i32
      %dma_start3A_174 = tpu.memref_slice %arg10[%add3A_172, %dma_start3A_173] : memref<50x128xi32, #tpu.memory_space<vmem>> -> memref<1x128xi32, #tpu.memory_space<vmem>>
      %dma_start3A_175 = tpu.memref_squeeze %dma_start3A_174 : memref<1x128xi32, #tpu.memory_space<vmem>> -> memref<128xi32, #tpu.memory_space<vmem>>
      %dma_start3A_176 = arith.constant 0 : i32
      %dma_start3A_177 = arith.constant 0 : i32
      %dma_start3A_178 = tpu.memref_slice %arg8[%dma_start3A_176, %dma_start3A_177] : memref<100000x128xf32, #tpu.memory_space<hbm>> -> memref<100000x128xf32, #tpu.memory_space<hbm>>
      tpu.enqueue_indirect_dma source(%dma_start3A_178 : memref<100000x128xf32, #tpu.memory_space<hbm>>) target(%arg18 : memref<128x128xf32, #tpu.memory_space<vmem>>) offsets(%dma_start3A_175 : memref<128xi32, #tpu.memory_space<vmem>>) semaphore(%arg21 : memref<!tpu.dma_semaphore, #tpu.memory_space<semaphore_mem>>)
      %mul3A_179 = arith.constant 128 : i32
      %mul3A_180 = arith.muli %add3A_154, %mul3A_179 : i32
      %add3A_181 = arith.addi %mul3A_2, %mul3A_180 : i32
      %dma_start3A_182 = arith.constant 0 : i32
      %dma_start3A_183 = tpu.memref_slice %arg9[%add3A_181, %dma_start3A_182] : memref<204800x128xf32, #tpu.memory_space<hbm>> -> memref<128x128xf32, #tpu.memory_space<hbm>>
      %dma_start3A_184 = arith.constant 0 : i32
      %dma_start3A_185 = tpu.memref_slice %arg9[%add3A_181, %dma_start3A_184] : memref<204800x128xf32, #tpu.memory_space<hbm>> -> memref<128x128xf32, #tpu.memory_space<hbm>>
      tpu.enqueue_dma source(%arg16 : memref<128x128xf32, #tpu.memory_space<vmem>>) target(%dma_start3A_185 : memref<128x128xf32, #tpu.memory_space<hbm>>) target_semaphore(%arg22 : memref<!tpu.dma_semaphore, #tpu.memory_space<semaphore_mem>>)
      %mul3A_186 = arith.constant 3 : i32
      %mul3A_187 = arith.muli %mul3A_186, %scan3A_150 : i32
      %add3A_188 = arith.constant 1 : i32
      %add3A_189 = arith.addi %mul3A_187, %add3A_188 : i32
      %dma_wait3A_190 = arith.constant 0 : i32
      %dma_wait3A_191 = tpu.memref_slice %arg10[%add3A_189, %dma_wait3A_190] : memref<50x128xi32, #tpu.memory_space<vmem>> -> memref<1x128xi32, #tpu.memory_space<vmem>>
      %dma_wait3A_192 = tpu.memref_squeeze %dma_wait3A_191 : memref<1x128xi32, #tpu.memory_space<vmem>> -> memref<128xi32, #tpu.memory_space<vmem>>
      %dma_wait3A_193 = arith.constant 0 : i32
      %dma_wait3A_194 = arith.constant 0 : i32
      %dma_wait3A_195 = tpu.memref_slice %arg8[%dma_wait3A_193, %dma_wait3A_194] : memref<100000x128xf32, #tpu.memory_space<hbm>> -> memref<100000x128xf32, #tpu.memory_space<hbm>>
      tpu.wait_indirect_dma semaphore(%arg20 : memref<!tpu.dma_semaphore, #tpu.memory_space<semaphore_mem>>) src(%dma_wait3A_195 : memref<100000x128xf32, #tpu.memory_space<hbm>>) dst(%arg17 : memref<128x128xf32, #tpu.memory_space<vmem>>)
      %mul3A_196 = arith.constant 128 : i32
      %mul3A_197 = arith.muli %add3A_189, %mul3A_196 : i32
      %add3A_198 = arith.addi %mul3A_2, %mul3A_197 : i32
      %rem3A_199 = arith.constant 200 : i32
      %rem3A_200 = arith.remsi %add3A_198, %rem3A_199 : i32
      %parallel_loop3A_201 = arith.constant 0 : i32
      %parallel_loop3A_202 = arith.constant 128 : i32
      %parallel_loop3A_203 = arith.constant 1 : i32
      scf.for %parallel_loop3A_269 = %parallel_loop3A_201 to %parallel_loop3A_202 step %parallel_loop3A_203  : i32 {
        %parallel_loop3A_270 = arith.addi %rem3A_200, %parallel_loop3A_269 : i32
        %parallel_loop3A_271 = arith.constant 200 : i32
        %parallel_loop3A_272 = arith.cmpi sge, %parallel_loop3A_270, %parallel_loop3A_271 : i32
        %parallel_loop3A_273 = arith.constant 200 : i32
        %parallel_loop3A_274 = arith.subi %parallel_loop3A_270, %parallel_loop3A_273 : i32
        %parallel_loop3A_275 = arith.select %parallel_loop3A_272, %parallel_loop3A_274, %parallel_loop3A_270 : i32
        %parallel_loop3A_276 = arith.constant 16 : i32
        %parallel_loop3A_277 = arith.divsi %parallel_loop3A_269, %parallel_loop3A_276 : i32
        %parallel_loop3A_278 = arith.constant 0 : i32
        %parallel_loop3A_279 = arith.cmpi sgt, %parallel_loop3A_269, %parallel_loop3A_278 : i32
        %parallel_loop3A_280 = arith.extui %parallel_loop3A_279 : i1 to i32
        %parallel_loop3A_281 = arith.constant 0 : i32
        %parallel_loop3A_282 = arith.cmpi slt, %parallel_loop3A_269, %parallel_loop3A_281 : i32
        %parallel_loop3A_283 = arith.extui %parallel_loop3A_282 : i1 to i32
        %parallel_loop3A_284 = arith.subi %parallel_loop3A_280, %parallel_loop3A_283 : i32
        %parallel_loop3A_285 = arith.constant 0 : i32
        %parallel_loop3A_286 = arith.cmpi sgt, %parallel_loop3A_276, %parallel_loop3A_285 : i32
        %parallel_loop3A_287 = arith.extui %parallel_loop3A_286 : i1 to i32
        %parallel_loop3A_288 = arith.constant 0 : i32
        %parallel_loop3A_289 = arith.cmpi slt, %parallel_loop3A_276, %parallel_loop3A_288 : i32
        %parallel_loop3A_290 = arith.extui %parallel_loop3A_289 : i1 to i32
        %parallel_loop3A_291 = arith.subi %parallel_loop3A_287, %parallel_loop3A_290 : i32
        %parallel_loop3A_292 = arith.cmpi ne, %parallel_loop3A_284, %parallel_loop3A_291 : i32
        %parallel_loop3A_293 = arith.remsi %parallel_loop3A_269, %parallel_loop3A_276 : i32
        %parallel_loop3A_294 = arith.constant 0 : i32
        %parallel_loop3A_295 = arith.cmpi ne, %parallel_loop3A_293, %parallel_loop3A_294 : i32
        %parallel_loop3A_296 = arith.andi %parallel_loop3A_292, %parallel_loop3A_295 : i1
        %parallel_loop3A_297 = arith.constant 1 : i32
        %parallel_loop3A_298 = arith.subi %parallel_loop3A_277, %parallel_loop3A_297 : i32
        %parallel_loop3A_299 = arith.select %parallel_loop3A_296, %parallel_loop3A_298, %parallel_loop3A_277 : i32
        %parallel_loop3A_300 = arith.constant 16 : i32
        %parallel_loop3A_301 = arith.muli %parallel_loop3A_299, %parallel_loop3A_300 : i32
        %parallel_loop3A_302 = arith.index_cast %add3A_189 : i32 to index
        %parallel_loop3A_303 = arith.index_cast %parallel_loop3A_301 : i32 to index
        %parallel_loop3A_304 = tpu.vector_load %arg11[%parallel_loop3A_302, %parallel_loop3A_303] {strides = array<i32>} : memref<50x128xi32, #tpu.memory_space<vmem>>, vector<1x16xi32>,
        %parallel_loop3A_305 = vector.shape_cast %parallel_loop3A_304 : vector<1x16xi32> to vector<16xi32>
        %parallel_loop3A_306 = arith.constant 16 : i32
        %parallel_loop3A_307 = arith.remsi %parallel_loop3A_269, %parallel_loop3A_306 : i32
        %parallel_loop3A_308 = vector.broadcast %parallel_loop3A_307 : i32 to vector<16xi32>
        %parallel_loop3A_309 = vector.shape_cast %parallel_loop3A_308 : vector<16xi32> to vector<16x1xi32>
        %parallel_loop3A_310 = vector.shape_cast %parallel_loop3A_309 : vector<16x1xi32> to vector<16xi32>
        %parallel_loop3A_311 = tpu.dynamic_gather %parallel_loop3A_305[%parallel_loop3A_310] in [0] : vector<16xi32>, vector<16xi32> -> vector<16xi32>
        %parallel_loop3A_312 = arith.sitofp %parallel_loop3A_311 : vector<16xi32> to vector<16xf32>
        %parallel_loop3A_313 = arith.index_cast %parallel_loop3A_269 : i32 to index
        %parallel_loop3A_314 = arith.constant 0 : index
        %parallel_loop3A_315 = tpu.vector_load %arg17[%parallel_loop3A_313, %parallel_loop3A_314] {strides = array<i32>} : memref<128x128xf32, #tpu.memory_space<vmem>>, vector<1x16xf32>,
        %parallel_loop3A_316 = vector.shape_cast %parallel_loop3A_315 : vector<1x16xf32> to vector<16xf32>
        %parallel_loop3A_317 = arith.index_cast %parallel_loop3A_275 : i32 to index
        %parallel_loop3A_318 = arith.constant 0 : index
        %parallel_loop3A_319 = tpu.vector_load %arg12[%parallel_loop3A_317, %parallel_loop3A_318] {strides = array<i32>} : memref<200x128xf32, #tpu.memory_space<vmem>>, vector<1x16xf32>,
        %parallel_loop3A_320 = vector.shape_cast %parallel_loop3A_319 : vector<1x16xf32> to vector<16xf32>
        %parallel_loop3A_321 = arith.addf %parallel_loop3A_316, %parallel_loop3A_320 : vector<16xf32>
        %parallel_loop3A_322 = arith.mulf %parallel_loop3A_312, %get3A_4 : vector<16xf32>
        %parallel_loop3A_323 = arith.addf %parallel_loop3A_321, %parallel_loop3A_322 : vector<16xf32>
        %parallel_loop3A_324 = arith.index_cast %parallel_loop3A_269 : i32 to index
        %parallel_loop3A_325 = arith.constant 16 : index
        %parallel_loop3A_326 = tpu.vector_load %arg17[%parallel_loop3A_324, %parallel_loop3A_325] {strides = array<i32>} : memref<128x128xf32, #tpu.memory_space<vmem>>, vector<1x16xf32>,
        %parallel_loop3A_327 = vector.shape_cast %parallel_loop3A_326 : vector<1x16xf32> to vector<16xf32>
        %parallel_loop3A_328 = arith.index_cast %parallel_loop3A_275 : i32 to index
        %parallel_loop3A_329 = arith.constant 16 : index
        %parallel_loop3A_330 = tpu.vector_load %arg12[%parallel_loop3A_328, %parallel_loop3A_329] {strides = array<i32>} : memref<200x128xf32, #tpu.memory_space<vmem>>, vector<1x16xf32>,
        %parallel_loop3A_331 = vector.shape_cast %parallel_loop3A_330 : vector<1x16xf32> to vector<16xf32>
        %parallel_loop3A_332 = arith.addf %parallel_loop3A_327, %parallel_loop3A_331 : vector<16xf32>
        %parallel_loop3A_333 = arith.mulf %parallel_loop3A_312, %get3A_7 : vector<16xf32>
        %parallel_loop3A_334 = arith.addf %parallel_loop3A_332, %parallel_loop3A_333 : vector<16xf32>
        %parallel_loop3A_335 = arith.index_cast %parallel_loop3A_269 : i32 to index
        %parallel_loop3A_336 = arith.constant 32 : index
        %parallel_loop3A_337 = tpu.vector_load %arg17[%parallel_loop3A_335, %parallel_loop3A_336] {strides = array<i32>} : memref<128x128xf32, #tpu.memory_space<vmem>>, vector<1x16xf32>,
        %parallel_loop3A_338 = vector.shape_cast %parallel_loop3A_337 : vector<1x16xf32> to vector<16xf32>
        %parallel_loop3A_339 = arith.index_cast %parallel_loop3A_275 : i32 to index
        %parallel_loop3A_340 = arith.constant 32 : index
        %parallel_loop3A_341 = tpu.vector_load %arg12[%parallel_loop3A_339, %parallel_loop3A_340] {strides = array<i32>} : memref<200x128xf32, #tpu.memory_space<vmem>>, vector<1x16xf32>,
        %parallel_loop3A_342 = vector.shape_cast %parallel_loop3A_341 : vector<1x16xf32> to vector<16xf32>
        %parallel_loop3A_343 = arith.addf %parallel_loop3A_338, %parallel_loop3A_342 : vector<16xf32>
        %parallel_loop3A_344 = arith.mulf %parallel_loop3A_312, %get3A_10 : vector<16xf32>
        %parallel_loop3A_345 = arith.addf %parallel_loop3A_343, %parallel_loop3A_344 : vector<16xf32>
        %parallel_loop3A_346 = arith.index_cast %parallel_loop3A_269 : i32 to index
        %parallel_loop3A_347 = arith.constant 48 : index
        %parallel_loop3A_348 = tpu.vector_load %arg17[%parallel_loop3A_346, %parallel_loop3A_347] {strides = array<i32>} : memref<128x128xf32, #tpu.memory_space<vmem>>, vector<1x16xf32>,
        %parallel_loop3A_349 = vector.shape_cast %parallel_loop3A_348 : vector<1x16xf32> to vector<16xf32>
        %parallel_loop3A_350 = arith.index_cast %parallel_loop3A_275 : i32 to index
        %parallel_loop3A_351 = arith.constant 48 : index
        %parallel_loop3A_352 = tpu.vector_load %arg12[%parallel_loop3A_350, %parallel_loop3A_351] {strides = array<i32>} : memref<200x128xf32, #tpu.memory_space<vmem>>, vector<1x16xf32>,
        %parallel_loop3A_353 = vector.shape_cast %parallel_loop3A_352 : vector<1x16xf32> to vector<16xf32>
        %parallel_loop3A_354 = arith.addf %parallel_loop3A_349, %parallel_loop3A_353 : vector<16xf32>
        %parallel_loop3A_355 = arith.mulf %parallel_loop3A_312, %get3A_13 : vector<16xf32>
        %parallel_loop3A_356 = arith.addf %parallel_loop3A_354, %parallel_loop3A_355 : vector<16xf32>
        %parallel_loop3A_357 = arith.index_cast %parallel_loop3A_269 : i32 to index
        %parallel_loop3A_358 = arith.constant 64 : index
        %parallel_loop3A_359 = tpu.vector_load %arg17[%parallel_loop3A_357, %parallel_loop3A_358] {strides = array<i32>} : memref<128x128xf32, #tpu.memory_space<vmem>>, vector<1x16xf32>,
        %parallel_loop3A_360 = vector.shape_cast %parallel_loop3A_359 : vector<1x16xf32> to vector<16xf32>
        %parallel_loop3A_361 = arith.index_cast %parallel_loop3A_275 : i32 to index
        %parallel_loop3A_362 = arith.constant 64 : index
        %parallel_loop3A_363 = tpu.vector_load %arg12[%parallel_loop3A_361, %parallel_loop3A_362] {strides = array<i32>} : memref<200x128xf32, #tpu.memory_space<vmem>>, vector<1x16xf32>,
        %parallel_loop3A_364 = vector.shape_cast %parallel_loop3A_363 : vector<1x16xf32> to vector<16xf32>
        %parallel_loop3A_365 = arith.addf %parallel_loop3A_360, %parallel_loop3A_364 : vector<16xf32>
        %parallel_loop3A_366 = arith.mulf %parallel_loop3A_312, %get3A_16 : vector<16xf32>
        %parallel_loop3A_367 = arith.addf %parallel_loop3A_365, %parallel_loop3A_366 : vector<16xf32>
        %parallel_loop3A_368 = arith.index_cast %parallel_loop3A_269 : i32 to index
        %parallel_loop3A_369 = arith.constant 80 : index
        %parallel_loop3A_370 = tpu.vector_load %arg17[%parallel_loop3A_368, %parallel_loop3A_369] {strides = array<i32>} : memref<128x128xf32, #tpu.memory_space<vmem>>, vector<1x16xf32>,
        %parallel_loop3A_371 = vector.shape_cast %parallel_loop3A_370 : vector<1x16xf32> to vector<16xf32>
        %parallel_loop3A_372 = arith.index_cast %parallel_loop3A_275 : i32 to index
        %parallel_loop3A_373 = arith.constant 80 : index
        %parallel_loop3A_374 = tpu.vector_load %arg12[%parallel_loop3A_372, %parallel_loop3A_373] {strides = array<i32>} : memref<200x128xf32, #tpu.memory_space<vmem>>, vector<1x16xf32>,
        %parallel_loop3A_375 = vector.shape_cast %parallel_loop3A_374 : vector<1x16xf32> to vector<16xf32>
        %parallel_loop3A_376 = arith.addf %parallel_loop3A_371, %parallel_loop3A_375 : vector<16xf32>
        %parallel_loop3A_377 = arith.mulf %parallel_loop3A_312, %get3A_19 : vector<16xf32>
        %parallel_loop3A_378 = arith.addf %parallel_loop3A_376, %parallel_loop3A_377 : vector<16xf32>
        %parallel_loop3A_379 = arith.index_cast %parallel_loop3A_269 : i32 to index
        %parallel_loop3A_380 = arith.constant 96 : index
        %parallel_loop3A_381 = tpu.vector_load %arg17[%parallel_loop3A_379, %parallel_loop3A_380] {strides = array<i32>} : memref<128x128xf32, #tpu.memory_space<vmem>>, vector<1x16xf32>,
        %parallel_loop3A_382 = vector.shape_cast %parallel_loop3A_381 : vector<1x16xf32> to vector<16xf32>
        %parallel_loop3A_383 = arith.index_cast %parallel_loop3A_275 : i32 to index
        %parallel_loop3A_384 = arith.constant 96 : index
        %parallel_loop3A_385 = tpu.vector_load %arg12[%parallel_loop3A_383, %parallel_loop3A_384] {strides = array<i32>} : memref<200x128xf32, #tpu.memory_space<vmem>>, vector<1x16xf32>,
        %parallel_loop3A_386 = vector.shape_cast %parallel_loop3A_385 : vector<1x16xf32> to vector<16xf32>
        %parallel_loop3A_387 = arith.addf %parallel_loop3A_382, %parallel_loop3A_386 : vector<16xf32>
        %parallel_loop3A_388 = arith.mulf %parallel_loop3A_312, %get3A_22 : vector<16xf32>
        %parallel_loop3A_389 = arith.addf %parallel_loop3A_387, %parallel_loop3A_388 : vector<16xf32>
        %parallel_loop3A_390 = arith.index_cast %parallel_loop3A_269 : i32 to index
        %parallel_loop3A_391 = arith.constant 112 : index
        %parallel_loop3A_392 = tpu.vector_load %arg17[%parallel_loop3A_390, %parallel_loop3A_391] {strides = array<i32>} : memref<128x128xf32, #tpu.memory_space<vmem>>, vector<1x16xf32>,
        %parallel_loop3A_393 = vector.shape_cast %parallel_loop3A_392 : vector<1x16xf32> to vector<16xf32>
        %parallel_loop3A_394 = arith.index_cast %parallel_loop3A_275 : i32 to index
        %parallel_loop3A_395 = arith.constant 112 : index
        %parallel_loop3A_396 = tpu.vector_load %arg12[%parallel_loop3A_394, %parallel_loop3A_395] {strides = array<i32>} : memref<200x128xf32, #tpu.memory_space<vmem>>, vector<1x16xf32>,
        %parallel_loop3A_397 = vector.shape_cast %parallel_loop3A_396 : vector<1x16xf32> to vector<16xf32>
        %parallel_loop3A_398 = arith.addf %parallel_loop3A_393, %parallel_loop3A_397 : vector<16xf32>
        %parallel_loop3A_399 = arith.mulf %parallel_loop3A_312, %get3A_25 : vector<16xf32>
        %parallel_loop3A_400 = arith.addf %parallel_loop3A_398, %parallel_loop3A_399 : vector<16xf32>
        %parallel_loop3A_401 = arith.mulf %parallel_loop3A_323, %parallel_loop3A_323 : vector<16xf32>
        %parallel_loop3A_402 = arith.addf %parallel_loop3A_323, %parallel_loop3A_334 : vector<16xf32>
        %parallel_loop3A_403 = arith.mulf %parallel_loop3A_334, %parallel_loop3A_334 : vector<16xf32>
        %parallel_loop3A_404 = arith.addf %parallel_loop3A_401, %parallel_loop3A_403 : vector<16xf32>
        %parallel_loop3A_405 = arith.addf %parallel_loop3A_402, %parallel_loop3A_345 : vector<16xf32>
        %parallel_loop3A_406 = arith.mulf %parallel_loop3A_345, %parallel_loop3A_345 : vector<16xf32>
        %parallel_loop3A_407 = arith.addf %parallel_loop3A_404, %parallel_loop3A_406 : vector<16xf32>
        %parallel_loop3A_408 = arith.addf %parallel_loop3A_405, %parallel_loop3A_356 : vector<16xf32>
        %parallel_loop3A_409 = arith.mulf %parallel_loop3A_356, %parallel_loop3A_356 : vector<16xf32>
        %parallel_loop3A_410 = arith.addf %parallel_loop3A_407, %parallel_loop3A_409 : vector<16xf32>
        %parallel_loop3A_411 = arith.addf %parallel_loop3A_408, %parallel_loop3A_367 : vector<16xf32>
        %parallel_loop3A_412 = arith.mulf %parallel_loop3A_367, %parallel_loop3A_367 : vector<16xf32>
        %parallel_loop3A_413 = arith.addf %parallel_loop3A_410, %parallel_loop3A_412 : vector<16xf32>
        %parallel_loop3A_414 = arith.addf %parallel_loop3A_411, %parallel_loop3A_378 : vector<16xf32>
        %parallel_loop3A_415 = arith.mulf %parallel_loop3A_378, %parallel_loop3A_378 : vector<16xf32>
        %parallel_loop3A_416 = arith.addf %parallel_loop3A_413, %parallel_loop3A_415 : vector<16xf32>
        %parallel_loop3A_417 = arith.addf %parallel_loop3A_414, %parallel_loop3A_389 : vector<16xf32>
        %parallel_loop3A_418 = arith.mulf %parallel_loop3A_389, %parallel_loop3A_389 : vector<16xf32>
        %parallel_loop3A_419 = arith.addf %parallel_loop3A_416, %parallel_loop3A_418 : vector<16xf32>
        %parallel_loop3A_420 = arith.addf %parallel_loop3A_417, %parallel_loop3A_400 : vector<16xf32>
        %parallel_loop3A_421 = arith.mulf %parallel_loop3A_400, %parallel_loop3A_400 : vector<16xf32>
        %parallel_loop3A_422 = arith.addf %parallel_loop3A_419, %parallel_loop3A_421 : vector<16xf32>
        %parallel_loop3A_423 = tpu.iota {dimensions = array<i32: 0>} : vector<16xi32>
        %parallel_loop3A_424 = arith.constant 1 : i32
        %parallel_loop3A_425 = vector.broadcast %parallel_loop3A_424 : i32 to vector<16xi32>
        %parallel_loop3A_426 = arith.xori %parallel_loop3A_423, %parallel_loop3A_425 : vector<16xi32>
        %parallel_loop3A_427 = vector.shape_cast %parallel_loop3A_426 : vector<16xi32> to vector<16x1xi32>
        %parallel_loop3A_428 = vector.shape_cast %parallel_loop3A_427 : vector<16x1xi32> to vector<16xi32>
        %parallel_loop3A_429 = tpu.dynamic_gather %parallel_loop3A_420[%parallel_loop3A_428] in [0] : vector<16xf32>, vector<16xi32> -> vector<16xf32>
        %parallel_loop3A_430 = arith.addf %parallel_loop3A_420, %parallel_loop3A_429 : vector<16xf32>
        %parallel_loop3A_431 = arith.constant 2 : i32
        %parallel_loop3A_432 = vector.broadcast %parallel_loop3A_431 : i32 to vector<16xi32>
        %parallel_loop3A_433 = arith.xori %parallel_loop3A_423, %parallel_loop3A_432 : vector<16xi32>
        %parallel_loop3A_434 = vector.shape_cast %parallel_loop3A_433 : vector<16xi32> to vector<16x1xi32>
        %parallel_loop3A_435 = vector.shape_cast %parallel_loop3A_434 : vector<16x1xi32> to vector<16xi32>
        %parallel_loop3A_436 = tpu.dynamic_gather %parallel_loop3A_430[%parallel_loop3A_435] in [0] : vector<16xf32>, vector<16xi32> -> vector<16xf32>
        %parallel_loop3A_437 = arith.addf %parallel_loop3A_430, %parallel_loop3A_436 : vector<16xf32>
        %parallel_loop3A_438 = arith.constant 4 : i32
        %parallel_loop3A_439 = vector.broadcast %parallel_loop3A_438 : i32 to vector<16xi32>
        %parallel_loop3A_440 = arith.xori %parallel_loop3A_423, %parallel_loop3A_439 : vector<16xi32>
        %parallel_loop3A_441 = vector.shape_cast %parallel_loop3A_440 : vector<16xi32> to vector<16x1xi32>
        %parallel_loop3A_442 = vector.shape_cast %parallel_loop3A_441 : vector<16x1xi32> to vector<16xi32>
        %parallel_loop3A_443 = tpu.dynamic_gather %parallel_loop3A_437[%parallel_loop3A_442] in [0] : vector<16xf32>, vector<16xi32> -> vector<16xf32>
        %parallel_loop3A_444 = arith.addf %parallel_loop3A_437, %parallel_loop3A_443 : vector<16xf32>
        %parallel_loop3A_445 = arith.constant 8 : i32
        %parallel_loop3A_446 = vector.broadcast %parallel_loop3A_445 : i32 to vector<16xi32>
        %parallel_loop3A_447 = arith.xori %parallel_loop3A_423, %parallel_loop3A_446 : vector<16xi32>
        %parallel_loop3A_448 = vector.shape_cast %parallel_loop3A_447 : vector<16xi32> to vector<16x1xi32>
        %parallel_loop3A_449 = vector.shape_cast %parallel_loop3A_448 : vector<16x1xi32> to vector<16xi32>
        %parallel_loop3A_450 = tpu.dynamic_gather %parallel_loop3A_444[%parallel_loop3A_449] in [0] : vector<16xf32>, vector<16xi32> -> vector<16xf32>
        %parallel_loop3A_451 = arith.addf %parallel_loop3A_444, %parallel_loop3A_450 : vector<16xf32>
        %parallel_loop3A_452 = vector.broadcast %scan3A_87 : f32 to vector<16xf32>
        %parallel_loop3A_453 = arith.mulf %parallel_loop3A_451, %parallel_loop3A_452 : vector<16xf32>
        %parallel_loop3A_454 = tpu.iota {dimensions = array<i32: 0>} : vector<16xi32>
        %parallel_loop3A_455 = arith.constant 1 : i32
        %parallel_loop3A_456 = vector.broadcast %parallel_loop3A_455 : i32 to vector<16xi32>
        %parallel_loop3A_457 = arith.xori %parallel_loop3A_454, %parallel_loop3A_456 : vector<16xi32>
        %parallel_loop3A_458 = vector.shape_cast %parallel_loop3A_457 : vector<16xi32> to vector<16x1xi32>
        %parallel_loop3A_459 = vector.shape_cast %parallel_loop3A_458 : vector<16x1xi32> to vector<16xi32>
        %parallel_loop3A_460 = tpu.dynamic_gather %parallel_loop3A_422[%parallel_loop3A_459] in [0] : vector<16xf32>, vector<16xi32> -> vector<16xf32>
        %parallel_loop3A_461 = arith.addf %parallel_loop3A_422, %parallel_loop3A_460 : vector<16xf32>
        %parallel_loop3A_462 = arith.constant 2 : i32
        %parallel_loop3A_463 = vector.broadcast %parallel_loop3A_462 : i32 to vector<16xi32>
        %parallel_loop3A_464 = arith.xori %parallel_loop3A_454, %parallel_loop3A_463 : vector<16xi32>
        %parallel_loop3A_465 = vector.shape_cast %parallel_loop3A_464 : vector<16xi32> to vector<16x1xi32>
        %parallel_loop3A_466 = vector.shape_cast %parallel_loop3A_465 : vector<16x1xi32> to vector<16xi32>
        %parallel_loop3A_467 = tpu.dynamic_gather %parallel_loop3A_461[%parallel_loop3A_466] in [0] : vector<16xf32>, vector<16xi32> -> vector<16xf32>
        %parallel_loop3A_468 = arith.addf %parallel_loop3A_461, %parallel_loop3A_467 : vector<16xf32>
        %parallel_loop3A_469 = arith.constant 4 : i32
        %parallel_loop3A_470 = vector.broadcast %parallel_loop3A_469 : i32 to vector<16xi32>
        %parallel_loop3A_471 = arith.xori %parallel_loop3A_454, %parallel_loop3A_470 : vector<16xi32>
        %parallel_loop3A_472 = vector.shape_cast %parallel_loop3A_471 : vector<16xi32> to vector<16x1xi32>
        %parallel_loop3A_473 = vector.shape_cast %parallel_loop3A_472 : vector<16x1xi32> to vector<16xi32>
        %parallel_loop3A_474 = tpu.dynamic_gather %parallel_loop3A_468[%parallel_loop3A_473] in [0] : vector<16xf32>, vector<16xi32> -> vector<16xf32>
        %parallel_loop3A_475 = arith.addf %parallel_loop3A_468, %parallel_loop3A_474 : vector<16xf32>
        %parallel_loop3A_476 = arith.constant 8 : i32
        %parallel_loop3A_477 = vector.broadcast %parallel_loop3A_476 : i32 to vector<16xi32>
        %parallel_loop3A_478 = arith.xori %parallel_loop3A_454, %parallel_loop3A_477 : vector<16xi32>
        %parallel_loop3A_479 = vector.shape_cast %parallel_loop3A_478 : vector<16xi32> to vector<16x1xi32>
        %parallel_loop3A_480 = vector.shape_cast %parallel_loop3A_479 : vector<16x1xi32> to vector<16xi32>
        %parallel_loop3A_481 = tpu.dynamic_gather %parallel_loop3A_475[%parallel_loop3A_480] in [0] : vector<16xf32>, vector<16xi32> -> vector<16xf32>
        %parallel_loop3A_482 = arith.addf %parallel_loop3A_475, %parallel_loop3A_481 : vector<16xf32>
        %parallel_loop3A_483 = vector.broadcast %scan3A_87 : f32 to vector<16xf32>
        %parallel_loop3A_484 = arith.mulf %parallel_loop3A_482, %parallel_loop3A_483 : vector<16xf32>
        %parallel_loop3A_485 = arith.mulf %parallel_loop3A_453, %parallel_loop3A_453 : vector<16xf32>
        %parallel_loop3A_486 = arith.subf %parallel_loop3A_484, %parallel_loop3A_485 : vector<16xf32>
        %parallel_loop3A_487 = arith.constant 9.99999996E-13 : f32
        %parallel_loop3A_488 = vector.broadcast %parallel_loop3A_487 : f32 to vector<16xf32>
        %parallel_loop3A_489 = arith.addf %parallel_loop3A_486, %parallel_loop3A_488 : vector<16xf32>
        %parallel_loop3A_490 = tpu.bitcast %parallel_loop3A_489 : vector<16xf32> -> vector<16xi32>
        %parallel_loop3A_491 = arith.sitofp %parallel_loop3A_490 : vector<16xi32> to vector<16xf32>
        %parallel_loop3A_492 = arith.constant 5.000000e-01 : f32
        %parallel_loop3A_493 = vector.broadcast %parallel_loop3A_492 : f32 to vector<16xf32>
        %parallel_loop3A_494 = arith.mulf %parallel_loop3A_493, %parallel_loop3A_491 : vector<16xf32>
        %parallel_loop3A_495 = arith.constant 1.59746304E+9 : f32
        %parallel_loop3A_496 = vector.broadcast %parallel_loop3A_495 : f32 to vector<16xf32>
        %parallel_loop3A_497 = arith.subf %parallel_loop3A_496, %parallel_loop3A_494 : vector<16xf32>
        %parallel_loop3A_498 = arith.fptosi %parallel_loop3A_497 : vector<16xf32> to vector<16xi32>
        %parallel_loop3A_499 = tpu.bitcast %parallel_loop3A_498 : vector<16xi32> -> vector<16xf32>
        %parallel_loop3A_500 = arith.constant 5.000000e-01 : f32
        %parallel_loop3A_501 = vector.broadcast %parallel_loop3A_500 : f32 to vector<16xf32>
        %parallel_loop3A_502 = arith.mulf %parallel_loop3A_501, %parallel_loop3A_489 : vector<16xf32>
        %parallel_loop3A_503 = arith.mulf %parallel_loop3A_502, %parallel_loop3A_499 : vector<16xf32>
        %parallel_loop3A_504 = arith.mulf %parallel_loop3A_503, %parallel_loop3A_499 : vector<16xf32>
        %parallel_loop3A_505 = arith.constant 1.500000e+00 : f32
        %parallel_loop3A_506 = vector.broadcast %parallel_loop3A_505 : f32 to vector<16xf32>
        %parallel_loop3A_507 = arith.subf %parallel_loop3A_506, %parallel_loop3A_504 : vector<16xf32>
        %parallel_loop3A_508 = arith.mulf %parallel_loop3A_499, %parallel_loop3A_507 : vector<16xf32>
        %parallel_loop3A_509 = arith.constant 5.000000e-01 : f32
        %parallel_loop3A_510 = vector.broadcast %parallel_loop3A_509 : f32 to vector<16xf32>
        %parallel_loop3A_511 = arith.mulf %parallel_loop3A_510, %parallel_loop3A_489 : vector<16xf32>
        %parallel_loop3A_512 = arith.mulf %parallel_loop3A_511, %parallel_loop3A_508 : vector<16xf32>
        %parallel_loop3A_513 = arith.mulf %parallel_loop3A_512, %parallel_loop3A_508 : vector<16xf32>
        %parallel_loop3A_514 = arith.constant 1.500000e+00 : f32
        %parallel_loop3A_515 = vector.broadcast %parallel_loop3A_514 : f32 to vector<16xf32>
        %parallel_loop3A_516 = arith.subf %parallel_loop3A_515, %parallel_loop3A_513 : vector<16xf32>
        %parallel_loop3A_517 = arith.mulf %parallel_loop3A_508, %parallel_loop3A_516 : vector<16xf32>
        %parallel_loop3A_518 = arith.constant 5.000000e-01 : f32
        %parallel_loop3A_519 = vector.broadcast %parallel_loop3A_518 : f32 to vector<16xf32>
        %parallel_loop3A_520 = arith.mulf %parallel_loop3A_519, %parallel_loop3A_489 : vector<16xf32>
        %parallel_loop3A_521 = arith.mulf %parallel_loop3A_520, %parallel_loop3A_517 : vector<16xf32>
        %parallel_loop3A_522 = arith.mulf %parallel_loop3A_521, %parallel_loop3A_517 : vector<16xf32>
        %parallel_loop3A_523 = arith.constant 1.500000e+00 : f32
        %parallel_loop3A_524 = vector.broadcast %parallel_loop3A_523 : f32 to vector<16xf32>
        %parallel_loop3A_525 = arith.subf %parallel_loop3A_524, %parallel_loop3A_522 : vector<16xf32>
        %parallel_loop3A_526 = arith.mulf %parallel_loop3A_517, %parallel_loop3A_525 : vector<16xf32>
        %parallel_loop3A_527 = arith.mulf %parallel_loop3A_453, %parallel_loop3A_526 : vector<16xf32>
        %parallel_loop3A_528 = arith.mulf %parallel_loop3A_323, %parallel_loop3A_526 : vector<16xf32>
        %parallel_loop3A_529 = arith.subf %parallel_loop3A_528, %parallel_loop3A_527 : vector<16xf32>
        %parallel_loop3A_530 = arith.mulf %parallel_loop3A_529, %get3A_28 : vector<16xf32>
        %parallel_loop3A_531 = arith.addf %parallel_loop3A_530, %get3A_52 : vector<16xf32>
        %parallel_loop3A_532 = arith.index_cast %parallel_loop3A_269 : i32 to index
        %parallel_loop3A_533 = arith.constant 0 : index
        %parallel_loop3A_534 = tpu.vector_load %arg17[%parallel_loop3A_532, %parallel_loop3A_533] {strides = array<i32>} : memref<128x128xf32, #tpu.memory_space<vmem>>, vector<1x16xf32>,
        %parallel_loop3A_535 = vector.shape_cast %parallel_loop3A_534 : vector<1x16xf32> to vector<16xf32>
        %parallel_loop3A_536 = vector.shape_cast %parallel_loop3A_531 : vector<16xf32> to vector<1x16xf32>
        tpu.vector_store %arg17[%parallel_loop3A_532, %parallel_loop3A_533], %parallel_loop3A_536 {strides = array<i32>} : memref<128x128xf32, #tpu.memory_space<vmem>>, vector<1x16xf32>,
        %parallel_loop3A_537 = arith.mulf %parallel_loop3A_334, %parallel_loop3A_526 : vector<16xf32>
        %parallel_loop3A_538 = arith.subf %parallel_loop3A_537, %parallel_loop3A_527 : vector<16xf32>
        %parallel_loop3A_539 = arith.mulf %parallel_loop3A_538, %get3A_31 : vector<16xf32>
        %parallel_loop3A_540 = arith.addf %parallel_loop3A_539, %get3A_55 : vector<16xf32>
        %parallel_loop3A_541 = arith.index_cast %parallel_loop3A_269 : i32 to index
        %parallel_loop3A_542 = arith.constant 16 : index
        %parallel_loop3A_543 = tpu.vector_load %arg17[%parallel_loop3A_541, %parallel_loop3A_542] {strides = array<i32>} : memref<128x128xf32, #tpu.memory_space<vmem>>, vector<1x16xf32>,
        %parallel_loop3A_544 = vector.shape_cast %parallel_loop3A_543 : vector<1x16xf32> to vector<16xf32>
        %parallel_loop3A_545 = vector.shape_cast %parallel_loop3A_540 : vector<16xf32> to vector<1x16xf32>
        tpu.vector_store %arg17[%parallel_loop3A_541, %parallel_loop3A_542], %parallel_loop3A_545 {strides = array<i32>} : memref<128x128xf32, #tpu.memory_space<vmem>>, vector<1x16xf32>,
        %parallel_loop3A_546 = arith.mulf %parallel_loop3A_345, %parallel_loop3A_526 : vector<16xf32>
        %parallel_loop3A_547 = arith.subf %parallel_loop3A_546, %parallel_loop3A_527 : vector<16xf32>
        %parallel_loop3A_548 = arith.mulf %parallel_loop3A_547, %get3A_34 : vector<16xf32>
        %parallel_loop3A_549 = arith.addf %parallel_loop3A_548, %get3A_58 : vector<16xf32>
        %parallel_loop3A_550 = arith.index_cast %parallel_loop3A_269 : i32 to index
        %parallel_loop3A_551 = arith.constant 32 : index
        %parallel_loop3A_552 = tpu.vector_load %arg17[%parallel_loop3A_550, %parallel_loop3A_551] {strides = array<i32>} : memref<128x128xf32, #tpu.memory_space<vmem>>, vector<1x16xf32>,
        %parallel_loop3A_553 = vector.shape_cast %parallel_loop3A_552 : vector<1x16xf32> to vector<16xf32>
        %parallel_loop3A_554 = vector.shape_cast %parallel_loop3A_549 : vector<16xf32> to vector<1x16xf32>
        tpu.vector_store %arg17[%parallel_loop3A_550, %parallel_loop3A_551], %parallel_loop3A_554 {strides = array<i32>} : memref<128x128xf32, #tpu.memory_space<vmem>>, vector<1x16xf32>,
        %parallel_loop3A_555 = arith.mulf %parallel_loop3A_356, %parallel_loop3A_526 : vector<16xf32>
        %parallel_loop3A_556 = arith.subf %parallel_loop3A_555, %parallel_loop3A_527 : vector<16xf32>
        %parallel_loop3A_557 = arith.mulf %parallel_loop3A_556, %get3A_37 : vector<16xf32>
        %parallel_loop3A_558 = arith.addf %parallel_loop3A_557, %get3A_61 : vector<16xf32>
        %parallel_loop3A_559 = arith.index_cast %parallel_loop3A_269 : i32 to index
        %parallel_loop3A_560 = arith.constant 48 : index
        %parallel_loop3A_561 = tpu.vector_load %arg17[%parallel_loop3A_559, %parallel_loop3A_560] {strides = array<i32>} : memref<128x128xf32, #tpu.memory_space<vmem>>, vector<1x16xf32>,
        %parallel_loop3A_562 = vector.shape_cast %parallel_loop3A_561 : vector<1x16xf32> to vector<16xf32>
        %parallel_loop3A_563 = vector.shape_cast %parallel_loop3A_558 : vector<16xf32> to vector<1x16xf32>
        tpu.vector_store %arg17[%parallel_loop3A_559, %parallel_loop3A_560], %parallel_loop3A_563 {strides = array<i32>} : memref<128x128xf32, #tpu.memory_space<vmem>>, vector<1x16xf32>,
        %parallel_loop3A_564 = arith.mulf %parallel_loop3A_367, %parallel_loop3A_526 : vector<16xf32>
        %parallel_loop3A_565 = arith.subf %parallel_loop3A_564, %parallel_loop3A_527 : vector<16xf32>
        %parallel_loop3A_566 = arith.mulf %parallel_loop3A_565, %get3A_40 : vector<16xf32>
        %parallel_loop3A_567 = arith.addf %parallel_loop3A_566, %get3A_64 : vector<16xf32>
        %parallel_loop3A_568 = arith.index_cast %parallel_loop3A_269 : i32 to index
        %parallel_loop3A_569 = arith.constant 64 : index
        %parallel_loop3A_570 = tpu.vector_load %arg17[%parallel_loop3A_568, %parallel_loop3A_569] {strides = array<i32>} : memref<128x128xf32, #tpu.memory_space<vmem>>, vector<1x16xf32>,
        %parallel_loop3A_571 = vector.shape_cast %parallel_loop3A_570 : vector<1x16xf32> to vector<16xf32>
        %parallel_loop3A_572 = vector.shape_cast %parallel_loop3A_567 : vector<16xf32> to vector<1x16xf32>
        tpu.vector_store %arg17[%parallel_loop3A_568, %parallel_loop3A_569], %parallel_loop3A_572 {strides = array<i32>} : memref<128x128xf32, #tpu.memory_space<vmem>>, vector<1x16xf32>,
        %parallel_loop3A_573 = arith.mulf %parallel_loop3A_378, %parallel_loop3A_526 : vector<16xf32>
        %parallel_loop3A_574 = arith.subf %parallel_loop3A_573, %parallel_loop3A_527 : vector<16xf32>
        %parallel_loop3A_575 = arith.mulf %parallel_loop3A_574, %get3A_43 : vector<16xf32>
        %parallel_loop3A_576 = arith.addf %parallel_loop3A_575, %get3A_67 : vector<16xf32>
        %parallel_loop3A_577 = arith.index_cast %parallel_loop3A_269 : i32 to index
        %parallel_loop3A_578 = arith.constant 80 : index
        %parallel_loop3A_579 = tpu.vector_load %arg17[%parallel_loop3A_577, %parallel_loop3A_578] {strides = array<i32>} : memref<128x128xf32, #tpu.memory_space<vmem>>, vector<1x16xf32>,
        %parallel_loop3A_580 = vector.shape_cast %parallel_loop3A_579 : vector<1x16xf32> to vector<16xf32>
        %parallel_loop3A_581 = vector.shape_cast %parallel_loop3A_576 : vector<16xf32> to vector<1x16xf32>
        tpu.vector_store %arg17[%parallel_loop3A_577, %parallel_loop3A_578], %parallel_loop3A_581 {strides = array<i32>} : memref<128x128xf32, #tpu.memory_space<vmem>>, vector<1x16xf32>,
        %parallel_loop3A_582 = arith.mulf %parallel_loop3A_389, %parallel_loop3A_526 : vector<16xf32>
        %parallel_loop3A_583 = arith.subf %parallel_loop3A_582, %parallel_loop3A_527 : vector<16xf32>
        %parallel_loop3A_584 = arith.mulf %parallel_loop3A_583, %get3A_46 : vector<16xf32>
        %parallel_loop3A_585 = arith.addf %parallel_loop3A_584, %get3A_70 : vector<16xf32>
        %parallel_loop3A_586 = arith.index_cast %parallel_loop3A_269 : i32 to index
        %parallel_loop3A_587 = arith.constant 96 : index
        %parallel_loop3A_588 = tpu.vector_load %arg17[%parallel_loop3A_586, %parallel_loop3A_587] {strides = array<i32>} : memref<128x128xf32, #tpu.memory_space<vmem>>, vector<1x16xf32>,
        %parallel_loop3A_589 = vector.shape_cast %parallel_loop3A_588 : vector<1x16xf32> to vector<16xf32>
        %parallel_loop3A_590 = vector.shape_cast %parallel_loop3A_585 : vector<16xf32> to vector<1x16xf32>
        tpu.vector_store %arg17[%parallel_loop3A_586, %parallel_loop3A_587], %parallel_loop3A_590 {strides = array<i32>} : memref<128x128xf32, #tpu.memory_space<vmem>>, vector<1x16xf32>,
        %parallel_loop3A_591 = arith.mulf %parallel_loop3A_400, %parallel_loop3A_526 : vector<16xf32>
        %parallel_loop3A_592 = arith.subf %parallel_loop3A_591, %parallel_loop3A_527 : vector<16xf32>
        %parallel_loop3A_593 = arith.mulf %parallel_loop3A_592, %get3A_49 : vector<16xf32>
        %parallel_loop3A_594 = arith.addf %parallel_loop3A_593, %get3A_73 : vector<16xf32>
        %parallel_loop3A_595 = arith.index_cast %parallel_loop3A_269 : i32 to index
        %parallel_loop3A_596 = arith.constant 112 : index
        %parallel_loop3A_597 = tpu.vector_load %arg17[%parallel_loop3A_595, %parallel_loop3A_596] {strides = array<i32>} : memref<128x128xf32, #tpu.memory_space<vmem>>, vector<1x16xf32>,
        %parallel_loop3A_598 = vector.shape_cast %parallel_loop3A_597 : vector<1x16xf32> to vector<16xf32>
        %parallel_loop3A_599 = vector.shape_cast %parallel_loop3A_594 : vector<16xf32> to vector<1x16xf32>
        tpu.vector_store %arg17[%parallel_loop3A_595, %parallel_loop3A_596], %parallel_loop3A_599 {strides = array<i32>} : memref<128x128xf32, #tpu.memory_space<vmem>>, vector<1x16xf32>,
      } {sc.loop_unroll_factor = 4 : i64, sc.parallel_access}
      %sub3A = arith.constant 1 : i32
      %sub3A_204 = arith.subi %add3A_189, %sub3A : i32
      %mul3A_205 = arith.constant 128 : i32
      %mul3A_206 = arith.muli %sub3A_204, %mul3A_205 : i32
      %add3A_207 = arith.addi %mul3A_2, %mul3A_206 : i32
      %dma_wait3A_208 = arith.constant 0 : i32
      %dma_wait3A_209 = tpu.memref_slice %arg9[%add3A_207, %dma_wait3A_208] : memref<204800x128xf32, #tpu.memory_space<hbm>> -> memref<128x128xf32, #tpu.memory_space<hbm>>
      %dma_wait3A_210 = arith.constant 0 : i32
      %dma_wait3A_211 = tpu.memref_slice %arg9[%add3A_207, %dma_wait3A_210] : memref<204800x128xf32, #tpu.memory_space<hbm>> -> memref<128x128xf32, #tpu.memory_space<hbm>>
      tpu.wait_dma2 semaphore(%arg22 : memref<!tpu.dma_semaphore, #tpu.memory_space<semaphore_mem>>) src(%arg16 : memref<128x128xf32, #tpu.memory_space<vmem>>) dst(%dma_wait3A_211 : memref<128x128xf32, #tpu.memory_space<hbm>>)
      %add3A_212 = arith.constant 2 : i32
      %add3A_213 = arith.addi %add3A_189, %add3A_212 : i32
      %dma_start3A_214 = arith.constant 0 : i32
      %dma_start3A_215 = tpu.memref_slice %arg10[%add3A_213, %dma_start3A_214] : memref<50x128xi32, #tpu.memory_space<vmem>> -> memref<1x128xi32, #tpu.memory_space<vmem>>
      %dma_start3A_216 = tpu.memref_squeeze %dma_start3A_215 : memref<1x128xi32, #tpu.memory_space<vmem>> -> memref<128xi32, #tpu.memory_space<vmem>>
      %dma_start3A_217 = arith.constant 0 : i32
      %dma_start3A_218 = arith.constant 0 : i32
      %dma_start3A_219 = tpu.memref_slice %arg8[%dma_start3A_217, %dma_start3A_218] : memref<100000x128xf32, #tpu.memory_space<hbm>> -> memref<100000x128xf32, #tpu.memory_space<hbm>>
      tpu.enqueue_indirect_dma source(%dma_start3A_219 : memref<100000x128xf32, #tpu.memory_space<hbm>>) target(%arg16 : memref<128x128xf32, #tpu.memory_space<vmem>>) offsets(%dma_start3A_216 : memref<128xi32, #tpu.memory_space<vmem>>) semaphore(%arg19 : memref<!tpu.dma_semaphore, #tpu.memory_space<semaphore_mem>>)
      %mul3A_220 = arith.constant 128 : i32
      %mul3A_221 = arith.muli %add3A_189, %mul3A_220 : i32
      %add3A_222 = arith.addi %mul3A_2, %mul3A_221 : i32
      %dma_start3A_223 = arith.constant 0 : i32
      %dma_start3A_224 = tpu.memref_slice %arg9[%add3A_222, %dma_start3A_223] : memref<204800x128xf32, #tpu.memory_space<hbm>> -> memref<128x128xf32, #tpu.memory_space<hbm>>
      %dma_start3A_225 = arith.constant 0 : i32
      %dma_start3A_226 = tpu.memref_slice %arg9[%add3A_222, %dma_start3A_225] : memref<204800x128xf32, #tpu.memory_space<hbm>> -> memref<128x128xf32, #tpu.memory_space<hbm>>
      tpu.enqueue_dma source(%arg17 : memref<128x128xf32, #tpu.memory_space<vmem>>) target(%dma_start3A_226 : memref<128x128xf32, #tpu.memory_space<hbm>>) target_semaphore(%arg23 : memref<!tpu.dma_semaphore, #tpu.memory_space<semaphore_mem>>)
      %mul3A_227 = arith.constant 3 : i32
      %mul3A_228 = arith.muli %mul3A_227, %scan3A_150 : i32
      %add3A_229 = arith.constant 2 : i32
      %add3A_230 = arith.addi %mul3A_228, %add3A_229 : i32
      %dma_wait3A_231 = arith.constant 0 : i32
      %dma_wait3A_232 = tpu.memref_slice %arg10[%add3A_230, %dma_wait3A_231] : memref<50x128xi32, #tpu.memory_space<vmem>> -> memref<1x128xi32, #tpu.memory_space<vmem>>
      %dma_wait3A_233 = tpu.memref_squeeze %dma_wait3A_232 : memref<1x128xi32, #tpu.memory_space<vmem>> -> memref<128xi32, #tpu.memory_space<vmem>>
      %dma_wait3A_234 = arith.constant 0 : i32
      %dma_wait3A_235 = arith.constant 0 : i32
      %dma_wait3A_236 = tpu.memref_slice %arg8[%dma_wait3A_234, %dma_wait3A_235] : memref<100000x128xf32, #tpu.memory_space<hbm>> -> memref<100000x128xf32, #tpu.memory_space<hbm>>
      tpu.wait_indirect_dma semaphore(%arg21 : memref<!tpu.dma_semaphore, #tpu.memory_space<semaphore_mem>>) src(%dma_wait3A_236 : memref<100000x128xf32, #tpu.memory_space<hbm>>) dst(%arg18 : memref<128x128xf32, #tpu.memory_space<vmem>>)
      %mul3A_237 = arith.constant 128 : i32
      %mul3A_238 = arith.muli %add3A_230, %mul3A_237 : i32
      %add3A_239 = arith.addi %mul3A_2, %mul3A_238 : i32
      %rem3A_240 = arith.constant 200 : i32
      %rem3A_241 = arith.remsi %add3A_239, %rem3A_240 : i32
      %parallel_loop3A_242 = arith.constant 0 : i32
      %parallel_loop3A_243 = arith.constant 128 : i32
      %parallel_loop3A_244 = arith.constant 1 : i32
      scf.for %parallel_loop3A_269 = %parallel_loop3A_242 to %parallel_loop3A_243 step %parallel_loop3A_244  : i32 {
        %parallel_loop3A_270 = arith.addi %rem3A_241, %parallel_loop3A_269 : i32
        %parallel_loop3A_271 = arith.constant 200 : i32
        %parallel_loop3A_272 = arith.cmpi sge, %parallel_loop3A_270, %parallel_loop3A_271 : i32
        %parallel_loop3A_273 = arith.constant 200 : i32
        %parallel_loop3A_274 = arith.subi %parallel_loop3A_270, %parallel_loop3A_273 : i32
        %parallel_loop3A_275 = arith.select %parallel_loop3A_272, %parallel_loop3A_274, %parallel_loop3A_270 : i32
        %parallel_loop3A_276 = arith.constant 16 : i32
        %parallel_loop3A_277 = arith.divsi %parallel_loop3A_269, %parallel_loop3A_276 : i32
        %parallel_loop3A_278 = arith.constant 0 : i32
        %parallel_loop3A_279 = arith.cmpi sgt, %parallel_loop3A_269, %parallel_loop3A_278 : i32
        %parallel_loop3A_280 = arith.extui %parallel_loop3A_279 : i1 to i32
        %parallel_loop3A_281 = arith.constant 0 : i32
        %parallel_loop3A_282 = arith.cmpi slt, %parallel_loop3A_269, %parallel_loop3A_281 : i32
        %parallel_loop3A_283 = arith.extui %parallel_loop3A_282 : i1 to i32
        %parallel_loop3A_284 = arith.subi %parallel_loop3A_280, %parallel_loop3A_283 : i32
        %parallel_loop3A_285 = arith.constant 0 : i32
        %parallel_loop3A_286 = arith.cmpi sgt, %parallel_loop3A_276, %parallel_loop3A_285 : i32
        %parallel_loop3A_287 = arith.extui %parallel_loop3A_286 : i1 to i32
        %parallel_loop3A_288 = arith.constant 0 : i32
        %parallel_loop3A_289 = arith.cmpi slt, %parallel_loop3A_276, %parallel_loop3A_288 : i32
        %parallel_loop3A_290 = arith.extui %parallel_loop3A_289 : i1 to i32
        %parallel_loop3A_291 = arith.subi %parallel_loop3A_287, %parallel_loop3A_290 : i32
        %parallel_loop3A_292 = arith.cmpi ne, %parallel_loop3A_284, %parallel_loop3A_291 : i32
        %parallel_loop3A_293 = arith.remsi %parallel_loop3A_269, %parallel_loop3A_276 : i32
        %parallel_loop3A_294 = arith.constant 0 : i32
        %parallel_loop3A_295 = arith.cmpi ne, %parallel_loop3A_293, %parallel_loop3A_294 : i32
        %parallel_loop3A_296 = arith.andi %parallel_loop3A_292, %parallel_loop3A_295 : i1
        %parallel_loop3A_297 = arith.constant 1 : i32
        %parallel_loop3A_298 = arith.subi %parallel_loop3A_277, %parallel_loop3A_297 : i32
        %parallel_loop3A_299 = arith.select %parallel_loop3A_296, %parallel_loop3A_298, %parallel_loop3A_277 : i32
        %parallel_loop3A_300 = arith.constant 16 : i32
        %parallel_loop3A_301 = arith.muli %parallel_loop3A_299, %parallel_loop3A_300 : i32
        %parallel_loop3A_302 = arith.index_cast %add3A_230 : i32 to index
        %parallel_loop3A_303 = arith.index_cast %parallel_loop3A_301 : i32 to index
        %parallel_loop3A_304 = tpu.vector_load %arg11[%parallel_loop3A_302, %parallel_loop3A_303] {strides = array<i32>} : memref<50x128xi32, #tpu.memory_space<vmem>>, vector<1x16xi32>,
        %parallel_loop3A_305 = vector.shape_cast %parallel_loop3A_304 : vector<1x16xi32> to vector<16xi32>
        %parallel_loop3A_306 = arith.constant 16 : i32
        %parallel_loop3A_307 = arith.remsi %parallel_loop3A_269, %parallel_loop3A_306 : i32
        %parallel_loop3A_308 = vector.broadcast %parallel_loop3A_307 : i32 to vector<16xi32>
        %parallel_loop3A_309 = vector.shape_cast %parallel_loop3A_308 : vector<16xi32> to vector<16x1xi32>
        %parallel_loop3A_310 = vector.shape_cast %parallel_loop3A_309 : vector<16x1xi32> to vector<16xi32>
        %parallel_loop3A_311 = tpu.dynamic_gather %parallel_loop3A_305[%parallel_loop3A_310] in [0] : vector<16xi32>, vector<16xi32> -> vector<16xi32>
        %parallel_loop3A_312 = arith.sitofp %parallel_loop3A_311 : vector<16xi32> to vector<16xf32>
        %parallel_loop3A_313 = arith.index_cast %parallel_loop3A_269 : i32 to index
        %parallel_loop3A_314 = arith.constant 0 : index
        %parallel_loop3A_315 = tpu.vector_load %arg18[%parallel_loop3A_313, %parallel_loop3A_314] {strides = array<i32>} : memref<128x128xf32, #tpu.memory_space<vmem>>, vector<1x16xf32>,
        %parallel_loop3A_316 = vector.shape_cast %parallel_loop3A_315 : vector<1x16xf32> to vector<16xf32>
        %parallel_loop3A_317 = arith.index_cast %parallel_loop3A_275 : i32 to index
        %parallel_loop3A_318 = arith.constant 0 : index
        %parallel_loop3A_319 = tpu.vector_load %arg12[%parallel_loop3A_317, %parallel_loop3A_318] {strides = array<i32>} : memref<200x128xf32, #tpu.memory_space<vmem>>, vector<1x16xf32>,
        %parallel_loop3A_320 = vector.shape_cast %parallel_loop3A_319 : vector<1x16xf32> to vector<16xf32>
        %parallel_loop3A_321 = arith.addf %parallel_loop3A_316, %parallel_loop3A_320 : vector<16xf32>
        %parallel_loop3A_322 = arith.mulf %parallel_loop3A_312, %get3A_4 : vector<16xf32>
        %parallel_loop3A_323 = arith.addf %parallel_loop3A_321, %parallel_loop3A_322 : vector<16xf32>
        %parallel_loop3A_324 = arith.index_cast %parallel_loop3A_269 : i32 to index
        %parallel_loop3A_325 = arith.constant 16 : index
        %parallel_loop3A_326 = tpu.vector_load %arg18[%parallel_loop3A_324, %parallel_loop3A_325] {strides = array<i32>} : memref<128x128xf32, #tpu.memory_space<vmem>>, vector<1x16xf32>,
        %parallel_loop3A_327 = vector.shape_cast %parallel_loop3A_326 : vector<1x16xf32> to vector<16xf32>
        %parallel_loop3A_328 = arith.index_cast %parallel_loop3A_275 : i32 to index
        %parallel_loop3A_329 = arith.constant 16 : index
        %parallel_loop3A_330 = tpu.vector_load %arg12[%parallel_loop3A_328, %parallel_loop3A_329] {strides = array<i32>} : memref<200x128xf32, #tpu.memory_space<vmem>>, vector<1x16xf32>,
        %parallel_loop3A_331 = vector.shape_cast %parallel_loop3A_330 : vector<1x16xf32> to vector<16xf32>
        %parallel_loop3A_332 = arith.addf %parallel_loop3A_327, %parallel_loop3A_331 : vector<16xf32>
        %parallel_loop3A_333 = arith.mulf %parallel_loop3A_312, %get3A_7 : vector<16xf32>
        %parallel_loop3A_334 = arith.addf %parallel_loop3A_332, %parallel_loop3A_333 : vector<16xf32>
        %parallel_loop3A_335 = arith.index_cast %parallel_loop3A_269 : i32 to index
        %parallel_loop3A_336 = arith.constant 32 : index
        %parallel_loop3A_337 = tpu.vector_load %arg18[%parallel_loop3A_335, %parallel_loop3A_336] {strides = array<i32>} : memref<128x128xf32, #tpu.memory_space<vmem>>, vector<1x16xf32>,
        %parallel_loop3A_338 = vector.shape_cast %parallel_loop3A_337 : vector<1x16xf32> to vector<16xf32>
        %parallel_loop3A_339 = arith.index_cast %parallel_loop3A_275 : i32 to index
        %parallel_loop3A_340 = arith.constant 32 : index
        %parallel_loop3A_341 = tpu.vector_load %arg12[%parallel_loop3A_339, %parallel_loop3A_340] {strides = array<i32>} : memref<200x128xf32, #tpu.memory_space<vmem>>, vector<1x16xf32>,
        %parallel_loop3A_342 = vector.shape_cast %parallel_loop3A_341 : vector<1x16xf32> to vector<16xf32>
        %parallel_loop3A_343 = arith.addf %parallel_loop3A_338, %parallel_loop3A_342 : vector<16xf32>
        %parallel_loop3A_344 = arith.mulf %parallel_loop3A_312, %get3A_10 : vector<16xf32>
        %parallel_loop3A_345 = arith.addf %parallel_loop3A_343, %parallel_loop3A_344 : vector<16xf32>
        %parallel_loop3A_346 = arith.index_cast %parallel_loop3A_269 : i32 to index
        %parallel_loop3A_347 = arith.constant 48 : index
        %parallel_loop3A_348 = tpu.vector_load %arg18[%parallel_loop3A_346, %parallel_loop3A_347] {strides = array<i32>} : memref<128x128xf32, #tpu.memory_space<vmem>>, vector<1x16xf32>,
        %parallel_loop3A_349 = vector.shape_cast %parallel_loop3A_348 : vector<1x16xf32> to vector<16xf32>
        %parallel_loop3A_350 = arith.index_cast %parallel_loop3A_275 : i32 to index
        %parallel_loop3A_351 = arith.constant 48 : index
        %parallel_loop3A_352 = tpu.vector_load %arg12[%parallel_loop3A_350, %parallel_loop3A_351] {strides = array<i32>} : memref<200x128xf32, #tpu.memory_space<vmem>>, vector<1x16xf32>,
        %parallel_loop3A_353 = vector.shape_cast %parallel_loop3A_352 : vector<1x16xf32> to vector<16xf32>
        %parallel_loop3A_354 = arith.addf %parallel_loop3A_349, %parallel_loop3A_353 : vector<16xf32>
        %parallel_loop3A_355 = arith.mulf %parallel_loop3A_312, %get3A_13 : vector<16xf32>
        %parallel_loop3A_356 = arith.addf %parallel_loop3A_354, %parallel_loop3A_355 : vector<16xf32>
        %parallel_loop3A_357 = arith.index_cast %parallel_loop3A_269 : i32 to index
        %parallel_loop3A_358 = arith.constant 64 : index
        %parallel_loop3A_359 = tpu.vector_load %arg18[%parallel_loop3A_357, %parallel_loop3A_358] {strides = array<i32>} : memref<128x128xf32, #tpu.memory_space<vmem>>, vector<1x16xf32>,
        %parallel_loop3A_360 = vector.shape_cast %parallel_loop3A_359 : vector<1x16xf32> to vector<16xf32>
        %parallel_loop3A_361 = arith.index_cast %parallel_loop3A_275 : i32 to index
        %parallel_loop3A_362 = arith.constant 64 : index
        %parallel_loop3A_363 = tpu.vector_load %arg12[%parallel_loop3A_361, %parallel_loop3A_362] {strides = array<i32>} : memref<200x128xf32, #tpu.memory_space<vmem>>, vector<1x16xf32>,
        %parallel_loop3A_364 = vector.shape_cast %parallel_loop3A_363 : vector<1x16xf32> to vector<16xf32>
        %parallel_loop3A_365 = arith.addf %parallel_loop3A_360, %parallel_loop3A_364 : vector<16xf32>
        %parallel_loop3A_366 = arith.mulf %parallel_loop3A_312, %get3A_16 : vector<16xf32>
        %parallel_loop3A_367 = arith.addf %parallel_loop3A_365, %parallel_loop3A_366 : vector<16xf32>
        %parallel_loop3A_368 = arith.index_cast %parallel_loop3A_269 : i32 to index
        %parallel_loop3A_369 = arith.constant 80 : index
        %parallel_loop3A_370 = tpu.vector_load %arg18[%parallel_loop3A_368, %parallel_loop3A_369] {strides = array<i32>} : memref<128x128xf32, #tpu.memory_space<vmem>>, vector<1x16xf32>,
        %parallel_loop3A_371 = vector.shape_cast %parallel_loop3A_370 : vector<1x16xf32> to vector<16xf32>
        %parallel_loop3A_372 = arith.index_cast %parallel_loop3A_275 : i32 to index
        %parallel_loop3A_373 = arith.constant 80 : index
        %parallel_loop3A_374 = tpu.vector_load %arg12[%parallel_loop3A_372, %parallel_loop3A_373] {strides = array<i32>} : memref<200x128xf32, #tpu.memory_space<vmem>>, vector<1x16xf32>,
        %parallel_loop3A_375 = vector.shape_cast %parallel_loop3A_374 : vector<1x16xf32> to vector<16xf32>
        %parallel_loop3A_376 = arith.addf %parallel_loop3A_371, %parallel_loop3A_375 : vector<16xf32>
        %parallel_loop3A_377 = arith.mulf %parallel_loop3A_312, %get3A_19 : vector<16xf32>
        %parallel_loop3A_378 = arith.addf %parallel_loop3A_376, %parallel_loop3A_377 : vector<16xf32>
        %parallel_loop3A_379 = arith.index_cast %parallel_loop3A_269 : i32 to index
        %parallel_loop3A_380 = arith.constant 96 : index
        %parallel_loop3A_381 = tpu.vector_load %arg18[%parallel_loop3A_379, %parallel_loop3A_380] {strides = array<i32>} : memref<128x128xf32, #tpu.memory_space<vmem>>, vector<1x16xf32>,
        %parallel_loop3A_382 = vector.shape_cast %parallel_loop3A_381 : vector<1x16xf32> to vector<16xf32>
        %parallel_loop3A_383 = arith.index_cast %parallel_loop3A_275 : i32 to index
        %parallel_loop3A_384 = arith.constant 96 : index
        %parallel_loop3A_385 = tpu.vector_load %arg12[%parallel_loop3A_383, %parallel_loop3A_384] {strides = array<i32>} : memref<200x128xf32, #tpu.memory_space<vmem>>, vector<1x16xf32>,
        %parallel_loop3A_386 = vector.shape_cast %parallel_loop3A_385 : vector<1x16xf32> to vector<16xf32>
        %parallel_loop3A_387 = arith.addf %parallel_loop3A_382, %parallel_loop3A_386 : vector<16xf32>
        %parallel_loop3A_388 = arith.mulf %parallel_loop3A_312, %get3A_22 : vector<16xf32>
        %parallel_loop3A_389 = arith.addf %parallel_loop3A_387, %parallel_loop3A_388 : vector<16xf32>
        %parallel_loop3A_390 = arith.index_cast %parallel_loop3A_269 : i32 to index
        %parallel_loop3A_391 = arith.constant 112 : index
        %parallel_loop3A_392 = tpu.vector_load %arg18[%parallel_loop3A_390, %parallel_loop3A_391] {strides = array<i32>} : memref<128x128xf32, #tpu.memory_space<vmem>>, vector<1x16xf32>,
        %parallel_loop3A_393 = vector.shape_cast %parallel_loop3A_392 : vector<1x16xf32> to vector<16xf32>
        %parallel_loop3A_394 = arith.index_cast %parallel_loop3A_275 : i32 to index
        %parallel_loop3A_395 = arith.constant 112 : index
        %parallel_loop3A_396 = tpu.vector_load %arg12[%parallel_loop3A_394, %parallel_loop3A_395] {strides = array<i32>} : memref<200x128xf32, #tpu.memory_space<vmem>>, vector<1x16xf32>,
        %parallel_loop3A_397 = vector.shape_cast %parallel_loop3A_396 : vector<1x16xf32> to vector<16xf32>
        %parallel_loop3A_398 = arith.addf %parallel_loop3A_393, %parallel_loop3A_397 : vector<16xf32>
        %parallel_loop3A_399 = arith.mulf %parallel_loop3A_312, %get3A_25 : vector<16xf32>
        %parallel_loop3A_400 = arith.addf %parallel_loop3A_398, %parallel_loop3A_399 : vector<16xf32>
        %parallel_loop3A_401 = arith.mulf %parallel_loop3A_323, %parallel_loop3A_323 : vector<16xf32>
        %parallel_loop3A_402 = arith.addf %parallel_loop3A_323, %parallel_loop3A_334 : vector<16xf32>
        %parallel_loop3A_403 = arith.mulf %parallel_loop3A_334, %parallel_loop3A_334 : vector<16xf32>
        %parallel_loop3A_404 = arith.addf %parallel_loop3A_401, %parallel_loop3A_403 : vector<16xf32>
        %parallel_loop3A_405 = arith.addf %parallel_loop3A_402, %parallel_loop3A_345 : vector<16xf32>
        %parallel_loop3A_406 = arith.mulf %parallel_loop3A_345, %parallel_loop3A_345 : vector<16xf32>
        %parallel_loop3A_407 = arith.addf %parallel_loop3A_404, %parallel_loop3A_406 : vector<16xf32>
        %parallel_loop3A_408 = arith.addf %parallel_loop3A_405, %parallel_loop3A_356 : vector<16xf32>
        %parallel_loop3A_409 = arith.mulf %parallel_loop3A_356, %parallel_loop3A_356 : vector<16xf32>
        %parallel_loop3A_410 = arith.addf %parallel_loop3A_407, %parallel_loop3A_409 : vector<16xf32>
        %parallel_loop3A_411 = arith.addf %parallel_loop3A_408, %parallel_loop3A_367 : vector<16xf32>
        %parallel_loop3A_412 = arith.mulf %parallel_loop3A_367, %parallel_loop3A_367 : vector<16xf32>
        %parallel_loop3A_413 = arith.addf %parallel_loop3A_410, %parallel_loop3A_412 : vector<16xf32>
        %parallel_loop3A_414 = arith.addf %parallel_loop3A_411, %parallel_loop3A_378 : vector<16xf32>
        %parallel_loop3A_415 = arith.mulf %parallel_loop3A_378, %parallel_loop3A_378 : vector<16xf32>
        %parallel_loop3A_416 = arith.addf %parallel_loop3A_413, %parallel_loop3A_415 : vector<16xf32>
        %parallel_loop3A_417 = arith.addf %parallel_loop3A_414, %parallel_loop3A_389 : vector<16xf32>
        %parallel_loop3A_418 = arith.mulf %parallel_loop3A_389, %parallel_loop3A_389 : vector<16xf32>
        %parallel_loop3A_419 = arith.addf %parallel_loop3A_416, %parallel_loop3A_418 : vector<16xf32>
        %parallel_loop3A_420 = arith.addf %parallel_loop3A_417, %parallel_loop3A_400 : vector<16xf32>
        %parallel_loop3A_421 = arith.mulf %parallel_loop3A_400, %parallel_loop3A_400 : vector<16xf32>
        %parallel_loop3A_422 = arith.addf %parallel_loop3A_419, %parallel_loop3A_421 : vector<16xf32>
        %parallel_loop3A_423 = tpu.iota {dimensions = array<i32: 0>} : vector<16xi32>
        %parallel_loop3A_424 = arith.constant 1 : i32
        %parallel_loop3A_425 = vector.broadcast %parallel_loop3A_424 : i32 to vector<16xi32>
        %parallel_loop3A_426 = arith.xori %parallel_loop3A_423, %parallel_loop3A_425 : vector<16xi32>
        %parallel_loop3A_427 = vector.shape_cast %parallel_loop3A_426 : vector<16xi32> to vector<16x1xi32>
        %parallel_loop3A_428 = vector.shape_cast %parallel_loop3A_427 : vector<16x1xi32> to vector<16xi32>
        %parallel_loop3A_429 = tpu.dynamic_gather %parallel_loop3A_420[%parallel_loop3A_428] in [0] : vector<16xf32>, vector<16xi32> -> vector<16xf32>
        %parallel_loop3A_430 = arith.addf %parallel_loop3A_420, %parallel_loop3A_429 : vector<16xf32>
        %parallel_loop3A_431 = arith.constant 2 : i32
        %parallel_loop3A_432 = vector.broadcast %parallel_loop3A_431 : i32 to vector<16xi32>
        %parallel_loop3A_433 = arith.xori %parallel_loop3A_423, %parallel_loop3A_432 : vector<16xi32>
        %parallel_loop3A_434 = vector.shape_cast %parallel_loop3A_433 : vector<16xi32> to vector<16x1xi32>
        %parallel_loop3A_435 = vector.shape_cast %parallel_loop3A_434 : vector<16x1xi32> to vector<16xi32>
        %parallel_loop3A_436 = tpu.dynamic_gather %parallel_loop3A_430[%parallel_loop3A_435] in [0] : vector<16xf32>, vector<16xi32> -> vector<16xf32>
        %parallel_loop3A_437 = arith.addf %parallel_loop3A_430, %parallel_loop3A_436 : vector<16xf32>
        %parallel_loop3A_438 = arith.constant 4 : i32
        %parallel_loop3A_439 = vector.broadcast %parallel_loop3A_438 : i32 to vector<16xi32>
        %parallel_loop3A_440 = arith.xori %parallel_loop3A_423, %parallel_loop3A_439 : vector<16xi32>
        %parallel_loop3A_441 = vector.shape_cast %parallel_loop3A_440 : vector<16xi32> to vector<16x1xi32>
        %parallel_loop3A_442 = vector.shape_cast %parallel_loop3A_441 : vector<16x1xi32> to vector<16xi32>
        %parallel_loop3A_443 = tpu.dynamic_gather %parallel_loop3A_437[%parallel_loop3A_442] in [0] : vector<16xf32>, vector<16xi32> -> vector<16xf32>
        %parallel_loop3A_444 = arith.addf %parallel_loop3A_437, %parallel_loop3A_443 : vector<16xf32>
        %parallel_loop3A_445 = arith.constant 8 : i32
        %parallel_loop3A_446 = vector.broadcast %parallel_loop3A_445 : i32 to vector<16xi32>
        %parallel_loop3A_447 = arith.xori %parallel_loop3A_423, %parallel_loop3A_446 : vector<16xi32>
        %parallel_loop3A_448 = vector.shape_cast %parallel_loop3A_447 : vector<16xi32> to vector<16x1xi32>
        %parallel_loop3A_449 = vector.shape_cast %parallel_loop3A_448 : vector<16x1xi32> to vector<16xi32>
        %parallel_loop3A_450 = tpu.dynamic_gather %parallel_loop3A_444[%parallel_loop3A_449] in [0] : vector<16xf32>, vector<16xi32> -> vector<16xf32>
        %parallel_loop3A_451 = arith.addf %parallel_loop3A_444, %parallel_loop3A_450 : vector<16xf32>
        %parallel_loop3A_452 = vector.broadcast %scan3A_87 : f32 to vector<16xf32>
        %parallel_loop3A_453 = arith.mulf %parallel_loop3A_451, %parallel_loop3A_452 : vector<16xf32>
        %parallel_loop3A_454 = tpu.iota {dimensions = array<i32: 0>} : vector<16xi32>
        %parallel_loop3A_455 = arith.constant 1 : i32
        %parallel_loop3A_456 = vector.broadcast %parallel_loop3A_455 : i32 to vector<16xi32>
        %parallel_loop3A_457 = arith.xori %parallel_loop3A_454, %parallel_loop3A_456 : vector<16xi32>
        %parallel_loop3A_458 = vector.shape_cast %parallel_loop3A_457 : vector<16xi32> to vector<16x1xi32>
        %parallel_loop3A_459 = vector.shape_cast %parallel_loop3A_458 : vector<16x1xi32> to vector<16xi32>
        %parallel_loop3A_460 = tpu.dynamic_gather %parallel_loop3A_422[%parallel_loop3A_459] in [0] : vector<16xf32>, vector<16xi32> -> vector<16xf32>
        %parallel_loop3A_461 = arith.addf %parallel_loop3A_422, %parallel_loop3A_460 : vector<16xf32>
        %parallel_loop3A_462 = arith.constant 2 : i32
        %parallel_loop3A_463 = vector.broadcast %parallel_loop3A_462 : i32 to vector<16xi32>
        %parallel_loop3A_464 = arith.xori %parallel_loop3A_454, %parallel_loop3A_463 : vector<16xi32>
        %parallel_loop3A_465 = vector.shape_cast %parallel_loop3A_464 : vector<16xi32> to vector<16x1xi32>
        %parallel_loop3A_466 = vector.shape_cast %parallel_loop3A_465 : vector<16x1xi32> to vector<16xi32>
        %parallel_loop3A_467 = tpu.dynamic_gather %parallel_loop3A_461[%parallel_loop3A_466] in [0] : vector<16xf32>, vector<16xi32> -> vector<16xf32>
        %parallel_loop3A_468 = arith.addf %parallel_loop3A_461, %parallel_loop3A_467 : vector<16xf32>
        %parallel_loop3A_469 = arith.constant 4 : i32
        %parallel_loop3A_470 = vector.broadcast %parallel_loop3A_469 : i32 to vector<16xi32>
        %parallel_loop3A_471 = arith.xori %parallel_loop3A_454, %parallel_loop3A_470 : vector<16xi32>
        %parallel_loop3A_472 = vector.shape_cast %parallel_loop3A_471 : vector<16xi32> to vector<16x1xi32>
        %parallel_loop3A_473 = vector.shape_cast %parallel_loop3A_472 : vector<16x1xi32> to vector<16xi32>
        %parallel_loop3A_474 = tpu.dynamic_gather %parallel_loop3A_468[%parallel_loop3A_473] in [0] : vector<16xf32>, vector<16xi32> -> vector<16xf32>
        %parallel_loop3A_475 = arith.addf %parallel_loop3A_468, %parallel_loop3A_474 : vector<16xf32>
        %parallel_loop3A_476 = arith.constant 8 : i32
        %parallel_loop3A_477 = vector.broadcast %parallel_loop3A_476 : i32 to vector<16xi32>
        %parallel_loop3A_478 = arith.xori %parallel_loop3A_454, %parallel_loop3A_477 : vector<16xi32>
        %parallel_loop3A_479 = vector.shape_cast %parallel_loop3A_478 : vector<16xi32> to vector<16x1xi32>
        %parallel_loop3A_480 = vector.shape_cast %parallel_loop3A_479 : vector<16x1xi32> to vector<16xi32>
        %parallel_loop3A_481 = tpu.dynamic_gather %parallel_loop3A_475[%parallel_loop3A_480] in [0] : vector<16xf32>, vector<16xi32> -> vector<16xf32>
        %parallel_loop3A_482 = arith.addf %parallel_loop3A_475, %parallel_loop3A_481 : vector<16xf32>
        %parallel_loop3A_483 = vector.broadcast %scan3A_87 : f32 to vector<16xf32>
        %parallel_loop3A_484 = arith.mulf %parallel_loop3A_482, %parallel_loop3A_483 : vector<16xf32>
        %parallel_loop3A_485 = arith.mulf %parallel_loop3A_453, %parallel_loop3A_453 : vector<16xf32>
        %parallel_loop3A_486 = arith.subf %parallel_loop3A_484, %parallel_loop3A_485 : vector<16xf32>
        %parallel_loop3A_487 = arith.constant 9.99999996E-13 : f32
        %parallel_loop3A_488 = vector.broadcast %parallel_loop3A_487 : f32 to vector<16xf32>
        %parallel_loop3A_489 = arith.addf %parallel_loop3A_486, %parallel_loop3A_488 : vector<16xf32>
        %parallel_loop3A_490 = tpu.bitcast %parallel_loop3A_489 : vector<16xf32> -> vector<16xi32>
        %parallel_loop3A_491 = arith.sitofp %parallel_loop3A_490 : vector<16xi32> to vector<16xf32>
        %parallel_loop3A_492 = arith.constant 5.000000e-01 : f32
        %parallel_loop3A_493 = vector.broadcast %parallel_loop3A_492 : f32 to vector<16xf32>
        %parallel_loop3A_494 = arith.mulf %parallel_loop3A_493, %parallel_loop3A_491 : vector<16xf32>
        %parallel_loop3A_495 = arith.constant 1.59746304E+9 : f32
        %parallel_loop3A_496 = vector.broadcast %parallel_loop3A_495 : f32 to vector<16xf32>
        %parallel_loop3A_497 = arith.subf %parallel_loop3A_496, %parallel_loop3A_494 : vector<16xf32>
        %parallel_loop3A_498 = arith.fptosi %parallel_loop3A_497 : vector<16xf32> to vector<16xi32>
        %parallel_loop3A_499 = tpu.bitcast %parallel_loop3A_498 : vector<16xi32> -> vector<16xf32>
        %parallel_loop3A_500 = arith.constant 5.000000e-01 : f32
        %parallel_loop3A_501 = vector.broadcast %parallel_loop3A_500 : f32 to vector<16xf32>
        %parallel_loop3A_502 = arith.mulf %parallel_loop3A_501, %parallel_loop3A_489 : vector<16xf32>
        %parallel_loop3A_503 = arith.mulf %parallel_loop3A_502, %parallel_loop3A_499 : vector<16xf32>
        %parallel_loop3A_504 = arith.mulf %parallel_loop3A_503, %parallel_loop3A_499 : vector<16xf32>
        %parallel_loop3A_505 = arith.constant 1.500000e+00 : f32
        %parallel_loop3A_506 = vector.broadcast %parallel_loop3A_505 : f32 to vector<16xf32>
        %parallel_loop3A_507 = arith.subf %parallel_loop3A_506, %parallel_loop3A_504 : vector<16xf32>
        %parallel_loop3A_508 = arith.mulf %parallel_loop3A_499, %parallel_loop3A_507 : vector<16xf32>
        %parallel_loop3A_509 = arith.constant 5.000000e-01 : f32
        %parallel_loop3A_510 = vector.broadcast %parallel_loop3A_509 : f32 to vector<16xf32>
        %parallel_loop3A_511 = arith.mulf %parallel_loop3A_510, %parallel_loop3A_489 : vector<16xf32>
        %parallel_loop3A_512 = arith.mulf %parallel_loop3A_511, %parallel_loop3A_508 : vector<16xf32>
        %parallel_loop3A_513 = arith.mulf %parallel_loop3A_512, %parallel_loop3A_508 : vector<16xf32>
        %parallel_loop3A_514 = arith.constant 1.500000e+00 : f32
        %parallel_loop3A_515 = vector.broadcast %parallel_loop3A_514 : f32 to vector<16xf32>
        %parallel_loop3A_516 = arith.subf %parallel_loop3A_515, %parallel_loop3A_513 : vector<16xf32>
        %parallel_loop3A_517 = arith.mulf %parallel_loop3A_508, %parallel_loop3A_516 : vector<16xf32>
        %parallel_loop3A_518 = arith.constant 5.000000e-01 : f32
        %parallel_loop3A_519 = vector.broadcast %parallel_loop3A_518 : f32 to vector<16xf32>
        %parallel_loop3A_520 = arith.mulf %parallel_loop3A_519, %parallel_loop3A_489 : vector<16xf32>
        %parallel_loop3A_521 = arith.mulf %parallel_loop3A_520, %parallel_loop3A_517 : vector<16xf32>
        %parallel_loop3A_522 = arith.mulf %parallel_loop3A_521, %parallel_loop3A_517 : vector<16xf32>
        %parallel_loop3A_523 = arith.constant 1.500000e+00 : f32
        %parallel_loop3A_524 = vector.broadcast %parallel_loop3A_523 : f32 to vector<16xf32>
        %parallel_loop3A_525 = arith.subf %parallel_loop3A_524, %parallel_loop3A_522 : vector<16xf32>
        %parallel_loop3A_526 = arith.mulf %parallel_loop3A_517, %parallel_loop3A_525 : vector<16xf32>
        %parallel_loop3A_527 = arith.mulf %parallel_loop3A_453, %parallel_loop3A_526 : vector<16xf32>
        %parallel_loop3A_528 = arith.mulf %parallel_loop3A_323, %parallel_loop3A_526 : vector<16xf32>
        %parallel_loop3A_529 = arith.subf %parallel_loop3A_528, %parallel_loop3A_527 : vector<16xf32>
        %parallel_loop3A_530 = arith.mulf %parallel_loop3A_529, %get3A_28 : vector<16xf32>
        %parallel_loop3A_531 = arith.addf %parallel_loop3A_530, %get3A_52 : vector<16xf32>
        %parallel_loop3A_532 = arith.index_cast %parallel_loop3A_269 : i32 to index
        %parallel_loop3A_533 = arith.constant 0 : index
        %parallel_loop3A_534 = tpu.vector_load %arg18[%parallel_loop3A_532, %parallel_loop3A_533] {strides = array<i32>} : memref<128x128xf32, #tpu.memory_space<vmem>>, vector<1x16xf32>,
        %parallel_loop3A_535 = vector.shape_cast %parallel_loop3A_534 : vector<1x16xf32> to vector<16xf32>
        %parallel_loop3A_536 = vector.shape_cast %parallel_loop3A_531 : vector<16xf32> to vector<1x16xf32>
        tpu.vector_store %arg18[%parallel_loop3A_532, %parallel_loop3A_533], %parallel_loop3A_536 {strides = array<i32>} : memref<128x128xf32, #tpu.memory_space<vmem>>, vector<1x16xf32>,
        %parallel_loop3A_537 = arith.mulf %parallel_loop3A_334, %parallel_loop3A_526 : vector<16xf32>
        %parallel_loop3A_538 = arith.subf %parallel_loop3A_537, %parallel_loop3A_527 : vector<16xf32>
        %parallel_loop3A_539 = arith.mulf %parallel_loop3A_538, %get3A_31 : vector<16xf32>
        %parallel_loop3A_540 = arith.addf %parallel_loop3A_539, %get3A_55 : vector<16xf32>
        %parallel_loop3A_541 = arith.index_cast %parallel_loop3A_269 : i32 to index
        %parallel_loop3A_542 = arith.constant 16 : index
        %parallel_loop3A_543 = tpu.vector_load %arg18[%parallel_loop3A_541, %parallel_loop3A_542] {strides = array<i32>} : memref<128x128xf32, #tpu.memory_space<vmem>>, vector<1x16xf32>,
        %parallel_loop3A_544 = vector.shape_cast %parallel_loop3A_543 : vector<1x16xf32> to vector<16xf32>
        %parallel_loop3A_545 = vector.shape_cast %parallel_loop3A_540 : vector<16xf32> to vector<1x16xf32>
        tpu.vector_store %arg18[%parallel_loop3A_541, %parallel_loop3A_542], %parallel_loop3A_545 {strides = array<i32>} : memref<128x128xf32, #tpu.memory_space<vmem>>, vector<1x16xf32>,
        %parallel_loop3A_546 = arith.mulf %parallel_loop3A_345, %parallel_loop3A_526 : vector<16xf32>
        %parallel_loop3A_547 = arith.subf %parallel_loop3A_546, %parallel_loop3A_527 : vector<16xf32>
        %parallel_loop3A_548 = arith.mulf %parallel_loop3A_547, %get3A_34 : vector<16xf32>
        %parallel_loop3A_549 = arith.addf %parallel_loop3A_548, %get3A_58 : vector<16xf32>
        %parallel_loop3A_550 = arith.index_cast %parallel_loop3A_269 : i32 to index
        %parallel_loop3A_551 = arith.constant 32 : index
        %parallel_loop3A_552 = tpu.vector_load %arg18[%parallel_loop3A_550, %parallel_loop3A_551] {strides = array<i32>} : memref<128x128xf32, #tpu.memory_space<vmem>>, vector<1x16xf32>,
        %parallel_loop3A_553 = vector.shape_cast %parallel_loop3A_552 : vector<1x16xf32> to vector<16xf32>
        %parallel_loop3A_554 = vector.shape_cast %parallel_loop3A_549 : vector<16xf32> to vector<1x16xf32>
        tpu.vector_store %arg18[%parallel_loop3A_550, %parallel_loop3A_551], %parallel_loop3A_554 {strides = array<i32>} : memref<128x128xf32, #tpu.memory_space<vmem>>, vector<1x16xf32>,
        %parallel_loop3A_555 = arith.mulf %parallel_loop3A_356, %parallel_loop3A_526 : vector<16xf32>
        %parallel_loop3A_556 = arith.subf %parallel_loop3A_555, %parallel_loop3A_527 : vector<16xf32>
        %parallel_loop3A_557 = arith.mulf %parallel_loop3A_556, %get3A_37 : vector<16xf32>
        %parallel_loop3A_558 = arith.addf %parallel_loop3A_557, %get3A_61 : vector<16xf32>
        %parallel_loop3A_559 = arith.index_cast %parallel_loop3A_269 : i32 to index
        %parallel_loop3A_560 = arith.constant 48 : index
        %parallel_loop3A_561 = tpu.vector_load %arg18[%parallel_loop3A_559, %parallel_loop3A_560] {strides = array<i32>} : memref<128x128xf32, #tpu.memory_space<vmem>>, vector<1x16xf32>,
        %parallel_loop3A_562 = vector.shape_cast %parallel_loop3A_561 : vector<1x16xf32> to vector<16xf32>
        %parallel_loop3A_563 = vector.shape_cast %parallel_loop3A_558 : vector<16xf32> to vector<1x16xf32>
        tpu.vector_store %arg18[%parallel_loop3A_559, %parallel_loop3A_560], %parallel_loop3A_563 {strides = array<i32>} : memref<128x128xf32, #tpu.memory_space<vmem>>, vector<1x16xf32>,
        %parallel_loop3A_564 = arith.mulf %parallel_loop3A_367, %parallel_loop3A_526 : vector<16xf32>
        %parallel_loop3A_565 = arith.subf %parallel_loop3A_564, %parallel_loop3A_527 : vector<16xf32>
        %parallel_loop3A_566 = arith.mulf %parallel_loop3A_565, %get3A_40 : vector<16xf32>
        %parallel_loop3A_567 = arith.addf %parallel_loop3A_566, %get3A_64 : vector<16xf32>
        %parallel_loop3A_568 = arith.index_cast %parallel_loop3A_269 : i32 to index
        %parallel_loop3A_569 = arith.constant 64 : index
        %parallel_loop3A_570 = tpu.vector_load %arg18[%parallel_loop3A_568, %parallel_loop3A_569] {strides = array<i32>} : memref<128x128xf32, #tpu.memory_space<vmem>>, vector<1x16xf32>,
        %parallel_loop3A_571 = vector.shape_cast %parallel_loop3A_570 : vector<1x16xf32> to vector<16xf32>
        %parallel_loop3A_572 = vector.shape_cast %parallel_loop3A_567 : vector<16xf32> to vector<1x16xf32>
        tpu.vector_store %arg18[%parallel_loop3A_568, %parallel_loop3A_569], %parallel_loop3A_572 {strides = array<i32>} : memref<128x128xf32, #tpu.memory_space<vmem>>, vector<1x16xf32>,
        %parallel_loop3A_573 = arith.mulf %parallel_loop3A_378, %parallel_loop3A_526 : vector<16xf32>
        %parallel_loop3A_574 = arith.subf %parallel_loop3A_573, %parallel_loop3A_527 : vector<16xf32>
        %parallel_loop3A_575 = arith.mulf %parallel_loop3A_574, %get3A_43 : vector<16xf32>
        %parallel_loop3A_576 = arith.addf %parallel_loop3A_575, %get3A_67 : vector<16xf32>
        %parallel_loop3A_577 = arith.index_cast %parallel_loop3A_269 : i32 to index
        %parallel_loop3A_578 = arith.constant 80 : index
        %parallel_loop3A_579 = tpu.vector_load %arg18[%parallel_loop3A_577, %parallel_loop3A_578] {strides = array<i32>} : memref<128x128xf32, #tpu.memory_space<vmem>>, vector<1x16xf32>,
        %parallel_loop3A_580 = vector.shape_cast %parallel_loop3A_579 : vector<1x16xf32> to vector<16xf32>
        %parallel_loop3A_581 = vector.shape_cast %parallel_loop3A_576 : vector<16xf32> to vector<1x16xf32>
        tpu.vector_store %arg18[%parallel_loop3A_577, %parallel_loop3A_578], %parallel_loop3A_581 {strides = array<i32>} : memref<128x128xf32, #tpu.memory_space<vmem>>, vector<1x16xf32>,
        %parallel_loop3A_582 = arith.mulf %parallel_loop3A_389, %parallel_loop3A_526 : vector<16xf32>
        %parallel_loop3A_583 = arith.subf %parallel_loop3A_582, %parallel_loop3A_527 : vector<16xf32>
        %parallel_loop3A_584 = arith.mulf %parallel_loop3A_583, %get3A_46 : vector<16xf32>
        %parallel_loop3A_585 = arith.addf %parallel_loop3A_584, %get3A_70 : vector<16xf32>
        %parallel_loop3A_586 = arith.index_cast %parallel_loop3A_269 : i32 to index
        %parallel_loop3A_587 = arith.constant 96 : index
        %parallel_loop3A_588 = tpu.vector_load %arg18[%parallel_loop3A_586, %parallel_loop3A_587] {strides = array<i32>} : memref<128x128xf32, #tpu.memory_space<vmem>>, vector<1x16xf32>,
        %parallel_loop3A_589 = vector.shape_cast %parallel_loop3A_588 : vector<1x16xf32> to vector<16xf32>
        %parallel_loop3A_590 = vector.shape_cast %parallel_loop3A_585 : vector<16xf32> to vector<1x16xf32>
        tpu.vector_store %arg18[%parallel_loop3A_586, %parallel_loop3A_587], %parallel_loop3A_590 {strides = array<i32>} : memref<128x128xf32, #tpu.memory_space<vmem>>, vector<1x16xf32>,
        %parallel_loop3A_591 = arith.mulf %parallel_loop3A_400, %parallel_loop3A_526 : vector<16xf32>
        %parallel_loop3A_592 = arith.subf %parallel_loop3A_591, %parallel_loop3A_527 : vector<16xf32>
        %parallel_loop3A_593 = arith.mulf %parallel_loop3A_592, %get3A_49 : vector<16xf32>
        %parallel_loop3A_594 = arith.addf %parallel_loop3A_593, %get3A_73 : vector<16xf32>
        %parallel_loop3A_595 = arith.index_cast %parallel_loop3A_269 : i32 to index
        %parallel_loop3A_596 = arith.constant 112 : index
        %parallel_loop3A_597 = tpu.vector_load %arg18[%parallel_loop3A_595, %parallel_loop3A_596] {strides = array<i32>} : memref<128x128xf32, #tpu.memory_space<vmem>>, vector<1x16xf32>,
        %parallel_loop3A_598 = vector.shape_cast %parallel_loop3A_597 : vector<1x16xf32> to vector<16xf32>
        %parallel_loop3A_599 = vector.shape_cast %parallel_loop3A_594 : vector<16xf32> to vector<1x16xf32>
        tpu.vector_store %arg18[%parallel_loop3A_595, %parallel_loop3A_596], %parallel_loop3A_599 {strides = array<i32>} : memref<128x128xf32, #tpu.memory_space<vmem>>, vector<1x16xf32>,
      } {sc.loop_unroll_factor = 4 : i64, sc.parallel_access}
      %sub3A_245 = arith.constant 1 : i32
      %sub3A_246 = arith.subi %add3A_230, %sub3A_245 : i32
      %mul3A_247 = arith.constant 128 : i32
      %mul3A_248 = arith.muli %sub3A_246, %mul3A_247 : i32
      %add3A_249 = arith.addi %mul3A_2, %mul3A_248 : i32
      %dma_wait3A_250 = arith.constant 0 : i32
      %dma_wait3A_251 = tpu.memref_slice %arg9[%add3A_249, %dma_wait3A_250] : memref<204800x128xf32, #tpu.memory_space<hbm>> -> memref<128x128xf32, #tpu.memory_space<hbm>>
      %dma_wait3A_252 = arith.constant 0 : i32
      %dma_wait3A_253 = tpu.memref_slice %arg9[%add3A_249, %dma_wait3A_252] : memref<204800x128xf32, #tpu.memory_space<hbm>> -> memref<128x128xf32, #tpu.memory_space<hbm>>
      tpu.wait_dma2 semaphore(%arg23 : memref<!tpu.dma_semaphore, #tpu.memory_space<semaphore_mem>>) src(%arg17 : memref<128x128xf32, #tpu.memory_space<vmem>>) dst(%dma_wait3A_253 : memref<128x128xf32, #tpu.memory_space<hbm>>)
      %add3A_254 = arith.constant 2 : i32
      %add3A_255 = arith.addi %add3A_230, %add3A_254 : i32
      %dma_start3A_256 = arith.constant 0 : i32
      %dma_start3A_257 = tpu.memref_slice %arg10[%add3A_255, %dma_start3A_256] : memref<50x128xi32, #tpu.memory_space<vmem>> -> memref<1x128xi32, #tpu.memory_space<vmem>>
      %dma_start3A_258 = tpu.memref_squeeze %dma_start3A_257 : memref<1x128xi32, #tpu.memory_space<vmem>> -> memref<128xi32, #tpu.memory_space<vmem>>
      %dma_start3A_259 = arith.constant 0 : i32
      %dma_start3A_260 = arith.constant 0 : i32
      %dma_start3A_261 = tpu.memref_slice %arg8[%dma_start3A_259, %dma_start3A_260] : memref<100000x128xf32, #tpu.memory_space<hbm>> -> memref<100000x128xf32, #tpu.memory_space<hbm>>
      tpu.enqueue_indirect_dma source(%dma_start3A_261 : memref<100000x128xf32, #tpu.memory_space<hbm>>) target(%arg17 : memref<128x128xf32, #tpu.memory_space<vmem>>) offsets(%dma_start3A_258 : memref<128xi32, #tpu.memory_space<vmem>>) semaphore(%arg20 : memref<!tpu.dma_semaphore, #tpu.memory_space<semaphore_mem>>)
      %mul3A_262 = arith.constant 128 : i32
      %mul3A_263 = arith.muli %add3A_230, %mul3A_262 : i32
      %add3A_264 = arith.addi %mul3A_2, %mul3A_263 : i32
      %dma_start3A_265 = arith.constant 0 : i32
      %dma_start3A_266 = tpu.memref_slice %arg9[%add3A_264, %dma_start3A_265] : memref<204800x128xf32, #tpu.memory_space<hbm>> -> memref<128x128xf32, #tpu.memory_space<hbm>>
      %dma_start3A_267 = arith.constant 0 : i32
      %dma_start3A_268 = tpu.memref_slice %arg9[%add3A_264, %dma_start3A_267] : memref<204800x128xf32, #tpu.memory_space<hbm>> -> memref<128x128xf32, #tpu.memory_space<hbm>>
      tpu.enqueue_dma source(%arg18 : memref<128x128xf32, #tpu.memory_space<vmem>>) target(%dma_start3A_268 : memref<128x128xf32, #tpu.memory_space<hbm>>) target_semaphore(%arg24 : memref<!tpu.dma_semaphore, #tpu.memory_space<semaphore_mem>>)
    }
    %scan3A_92 = arith.constant 16 : i32
    %dma_wait3A = arith.constant 48 : i32
    %dma_wait3A_93 = arith.constant 0 : i32
    %dma_wait3A_94 = tpu.memref_slice %arg10[%dma_wait3A, %dma_wait3A_93] : memref<50x128xi32, #tpu.memory_space<vmem>> -> memref<1x128xi32, #tpu.memory_space<vmem>>
    %dma_wait3A_95 = tpu.memref_squeeze %dma_wait3A_94 : memref<1x128xi32, #tpu.memory_space<vmem>> -> memref<128xi32, #tpu.memory_space<vmem>>
    %dma_wait3A_96 = arith.constant 0 : i32
    %dma_wait3A_97 = arith.constant 0 : i32
    %dma_wait3A_98 = tpu.memref_slice %arg8[%dma_wait3A_96, %dma_wait3A_97] : memref<100000x128xf32, #tpu.memory_space<hbm>> -> memref<100000x128xf32, #tpu.memory_space<hbm>>
    tpu.wait_indirect_dma semaphore(%arg19 : memref<!tpu.dma_semaphore, #tpu.memory_space<semaphore_mem>>) src(%dma_wait3A_98 : memref<100000x128xf32, #tpu.memory_space<hbm>>) dst(%arg16 : memref<128x128xf32, #tpu.memory_space<vmem>>)
    %add3A_99 = arith.constant 6144 : i32
    %add3A_100 = arith.addi %mul3A_2, %add3A_99 : i32
    %rem3A = arith.constant 200 : i32
    %rem3A_101 = arith.remsi %add3A_100, %rem3A : i32
    %parallel_loop3A = arith.constant 0 : i32
    %parallel_loop3A_102 = arith.constant 128 : i32
    %parallel_loop3A_103 = arith.constant 1 : i32
    %parallel_loop3A_104 = arith.constant 7.812500e-03 : f32
    scf.for %parallel_loop3A_150 = %parallel_loop3A to %parallel_loop3A_102 step %parallel_loop3A_103  : i32 {
      %parallel_loop3A_151 = arith.addi %rem3A_101, %parallel_loop3A_150 : i32
      %parallel_loop3A_152 = arith.constant 200 : i32
      %parallel_loop3A_153 = arith.cmpi sge, %parallel_loop3A_151, %parallel_loop3A_152 : i32
      %parallel_loop3A_154 = arith.constant 200 : i32
      %parallel_loop3A_155 = arith.subi %parallel_loop3A_151, %parallel_loop3A_154 : i32
      %parallel_loop3A_156 = arith.select %parallel_loop3A_153, %parallel_loop3A_155, %parallel_loop3A_151 : i32
      %parallel_loop3A_157 = arith.constant 16 : i32
      %parallel_loop3A_158 = arith.divsi %parallel_loop3A_150, %parallel_loop3A_157 : i32
      %parallel_loop3A_159 = arith.constant 0 : i32
      %parallel_loop3A_160 = arith.cmpi sgt, %parallel_loop3A_150, %parallel_loop3A_159 : i32
      %parallel_loop3A_161 = arith.extui %parallel_loop3A_160 : i1 to i32
      %parallel_loop3A_162 = arith.constant 0 : i32
      %parallel_loop3A_163 = arith.cmpi slt, %parallel_loop3A_150, %parallel_loop3A_162 : i32
      %parallel_loop3A_164 = arith.extui %parallel_loop3A_163 : i1 to i32
      %parallel_loop3A_165 = arith.subi %parallel_loop3A_161, %parallel_loop3A_164 : i32
      %parallel_loop3A_166 = arith.constant 0 : i32
      %parallel_loop3A_167 = arith.cmpi sgt, %parallel_loop3A_157, %parallel_loop3A_166 : i32
      %parallel_loop3A_168 = arith.extui %parallel_loop3A_167 : i1 to i32
      %parallel_loop3A_169 = arith.constant 0 : i32
      %parallel_loop3A_170 = arith.cmpi slt, %parallel_loop3A_157, %parallel_loop3A_169 : i32
      %parallel_loop3A_171 = arith.extui %parallel_loop3A_170 : i1 to i32
      %parallel_loop3A_172 = arith.subi %parallel_loop3A_168, %parallel_loop3A_171 : i32
      %parallel_loop3A_173 = arith.cmpi ne, %parallel_loop3A_165, %parallel_loop3A_172 : i32
      %parallel_loop3A_174 = arith.remsi %parallel_loop3A_150, %parallel_loop3A_157 : i32
      %parallel_loop3A_175 = arith.constant 0 : i32
      %parallel_loop3A_176 = arith.cmpi ne, %parallel_loop3A_174, %parallel_loop3A_175 : i32
      %parallel_loop3A_177 = arith.andi %parallel_loop3A_173, %parallel_loop3A_176 : i1
      %parallel_loop3A_178 = arith.constant 1 : i32
      %parallel_loop3A_179 = arith.subi %parallel_loop3A_158, %parallel_loop3A_178 : i32
      %parallel_loop3A_180 = arith.select %parallel_loop3A_177, %parallel_loop3A_179, %parallel_loop3A_158 : i32
      %parallel_loop3A_181 = arith.constant 16 : i32
      %parallel_loop3A_182 = arith.muli %parallel_loop3A_180, %parallel_loop3A_181 : i32
      %parallel_loop3A_183 = arith.constant 48 : i32
      %parallel_loop3A_184 = arith.index_cast %parallel_loop3A_183 : i32 to index
      %parallel_loop3A_185 = arith.index_cast %parallel_loop3A_182 : i32 to index
      %parallel_loop3A_186 = tpu.vector_load %arg11[%parallel_loop3A_184, %parallel_loop3A_185] {strides = array<i32>} : memref<50x128xi32, #tpu.memory_space<vmem>>, vector<1x16xi32>,
      %parallel_loop3A_187 = vector.shape_cast %parallel_loop3A_186 : vector<1x16xi32> to vector<16xi32>
      %parallel_loop3A_188 = arith.constant 16 : i32
      %parallel_loop3A_189 = arith.remsi %parallel_loop3A_150, %parallel_loop3A_188 : i32
      %parallel_loop3A_190 = vector.broadcast %parallel_loop3A_189 : i32 to vector<16xi32>
      %parallel_loop3A_191 = vector.shape_cast %parallel_loop3A_190 : vector<16xi32> to vector<16x1xi32>
      %parallel_loop3A_192 = vector.shape_cast %parallel_loop3A_191 : vector<16x1xi32> to vector<16xi32>
      %parallel_loop3A_193 = tpu.dynamic_gather %parallel_loop3A_187[%parallel_loop3A_192] in [0] : vector<16xi32>, vector<16xi32> -> vector<16xi32>
      %parallel_loop3A_194 = arith.sitofp %parallel_loop3A_193 : vector<16xi32> to vector<16xf32>
      %parallel_loop3A_195 = arith.index_cast %parallel_loop3A_150 : i32 to index
      %parallel_loop3A_196 = arith.constant 0 : index
      %parallel_loop3A_197 = tpu.vector_load %arg16[%parallel_loop3A_195, %parallel_loop3A_196] {strides = array<i32>} : memref<128x128xf32, #tpu.memory_space<vmem>>, vector<1x16xf32>,
      %parallel_loop3A_198 = vector.shape_cast %parallel_loop3A_197 : vector<1x16xf32> to vector<16xf32>
      %parallel_loop3A_199 = arith.index_cast %parallel_loop3A_156 : i32 to index
      %parallel_loop3A_200 = arith.constant 0 : index
      %parallel_loop3A_201 = tpu.vector_load %arg12[%parallel_loop3A_199, %parallel_loop3A_200] {strides = array<i32>} : memref<200x128xf32, #tpu.memory_space<vmem>>, vector<1x16xf32>,
      %parallel_loop3A_202 = vector.shape_cast %parallel_loop3A_201 : vector<1x16xf32> to vector<16xf32>
      %parallel_loop3A_203 = arith.addf %parallel_loop3A_198, %parallel_loop3A_202 : vector<16xf32>
      %parallel_loop3A_204 = arith.mulf %parallel_loop3A_194, %get3A_4 : vector<16xf32>
      %parallel_loop3A_205 = arith.addf %parallel_loop3A_203, %parallel_loop3A_204 : vector<16xf32>
      %parallel_loop3A_206 = arith.index_cast %parallel_loop3A_150 : i32 to index
      %parallel_loop3A_207 = arith.constant 16 : index
      %parallel_loop3A_208 = tpu.vector_load %arg16[%parallel_loop3A_206, %parallel_loop3A_207] {strides = array<i32>} : memref<128x128xf32, #tpu.memory_space<vmem>>, vector<1x16xf32>,
      %parallel_loop3A_209 = vector.shape_cast %parallel_loop3A_208 : vector<1x16xf32> to vector<16xf32>
      %parallel_loop3A_210 = arith.index_cast %parallel_loop3A_156 : i32 to index
      %parallel_loop3A_211 = arith.constant 16 : index
      %parallel_loop3A_212 = tpu.vector_load %arg12[%parallel_loop3A_210, %parallel_loop3A_211] {strides = array<i32>} : memref<200x128xf32, #tpu.memory_space<vmem>>, vector<1x16xf32>,
      %parallel_loop3A_213 = vector.shape_cast %parallel_loop3A_212 : vector<1x16xf32> to vector<16xf32>
      %parallel_loop3A_214 = arith.addf %parallel_loop3A_209, %parallel_loop3A_213 : vector<16xf32>
      %parallel_loop3A_215 = arith.mulf %parallel_loop3A_194, %get3A_7 : vector<16xf32>
      %parallel_loop3A_216 = arith.addf %parallel_loop3A_214, %parallel_loop3A_215 : vector<16xf32>
      %parallel_loop3A_217 = arith.index_cast %parallel_loop3A_150 : i32 to index
      %parallel_loop3A_218 = arith.constant 32 : index
      %parallel_loop3A_219 = tpu.vector_load %arg16[%parallel_loop3A_217, %parallel_loop3A_218] {strides = array<i32>} : memref<128x128xf32, #tpu.memory_space<vmem>>, vector<1x16xf32>,
      %parallel_loop3A_220 = vector.shape_cast %parallel_loop3A_219 : vector<1x16xf32> to vector<16xf32>
      %parallel_loop3A_221 = arith.index_cast %parallel_loop3A_156 : i32 to index
      %parallel_loop3A_222 = arith.constant 32 : index
      %parallel_loop3A_223 = tpu.vector_load %arg12[%parallel_loop3A_221, %parallel_loop3A_222] {strides = array<i32>} : memref<200x128xf32, #tpu.memory_space<vmem>>, vector<1x16xf32>,
      %parallel_loop3A_224 = vector.shape_cast %parallel_loop3A_223 : vector<1x16xf32> to vector<16xf32>
      %parallel_loop3A_225 = arith.addf %parallel_loop3A_220, %parallel_loop3A_224 : vector<16xf32>
      %parallel_loop3A_226 = arith.mulf %parallel_loop3A_194, %get3A_10 : vector<16xf32>
      %parallel_loop3A_227 = arith.addf %parallel_loop3A_225, %parallel_loop3A_226 : vector<16xf32>
      %parallel_loop3A_228 = arith.index_cast %parallel_loop3A_150 : i32 to index
      %parallel_loop3A_229 = arith.constant 48 : index
      %parallel_loop3A_230 = tpu.vector_load %arg16[%parallel_loop3A_228, %parallel_loop3A_229] {strides = array<i32>} : memref<128x128xf32, #tpu.memory_space<vmem>>, vector<1x16xf32>,
      %parallel_loop3A_231 = vector.shape_cast %parallel_loop3A_230 : vector<1x16xf32> to vector<16xf32>
      %parallel_loop3A_232 = arith.index_cast %parallel_loop3A_156 : i32 to index
      %parallel_loop3A_233 = arith.constant 48 : index
      %parallel_loop3A_234 = tpu.vector_load %arg12[%parallel_loop3A_232, %parallel_loop3A_233] {strides = array<i32>} : memref<200x128xf32, #tpu.memory_space<vmem>>, vector<1x16xf32>,
      %parallel_loop3A_235 = vector.shape_cast %parallel_loop3A_234 : vector<1x16xf32> to vector<16xf32>
      %parallel_loop3A_236 = arith.addf %parallel_loop3A_231, %parallel_loop3A_235 : vector<16xf32>
      %parallel_loop3A_237 = arith.mulf %parallel_loop3A_194, %get3A_13 : vector<16xf32>
      %parallel_loop3A_238 = arith.addf %parallel_loop3A_236, %parallel_loop3A_237 : vector<16xf32>
      %parallel_loop3A_239 = arith.index_cast %parallel_loop3A_150 : i32 to index
      %parallel_loop3A_240 = arith.constant 64 : index
      %parallel_loop3A_241 = tpu.vector_load %arg16[%parallel_loop3A_239, %parallel_loop3A_240] {strides = array<i32>} : memref<128x128xf32, #tpu.memory_space<vmem>>, vector<1x16xf32>,
      %parallel_loop3A_242 = vector.shape_cast %parallel_loop3A_241 : vector<1x16xf32> to vector<16xf32>
      %parallel_loop3A_243 = arith.index_cast %parallel_loop3A_156 : i32 to index
      %parallel_loop3A_244 = arith.constant 64 : index
      %parallel_loop3A_245 = tpu.vector_load %arg12[%parallel_loop3A_243, %parallel_loop3A_244] {strides = array<i32>} : memref<200x128xf32, #tpu.memory_space<vmem>>, vector<1x16xf32>,
      %parallel_loop3A_246 = vector.shape_cast %parallel_loop3A_245 : vector<1x16xf32> to vector<16xf32>
      %parallel_loop3A_247 = arith.addf %parallel_loop3A_242, %parallel_loop3A_246 : vector<16xf32>
      %parallel_loop3A_248 = arith.mulf %parallel_loop3A_194, %get3A_16 : vector<16xf32>
      %parallel_loop3A_249 = arith.addf %parallel_loop3A_247, %parallel_loop3A_248 : vector<16xf32>
      %parallel_loop3A_250 = arith.index_cast %parallel_loop3A_150 : i32 to index
      %parallel_loop3A_251 = arith.constant 80 : index
      %parallel_loop3A_252 = tpu.vector_load %arg16[%parallel_loop3A_250, %parallel_loop3A_251] {strides = array<i32>} : memref<128x128xf32, #tpu.memory_space<vmem>>, vector<1x16xf32>,
      %parallel_loop3A_253 = vector.shape_cast %parallel_loop3A_252 : vector<1x16xf32> to vector<16xf32>
      %parallel_loop3A_254 = arith.index_cast %parallel_loop3A_156 : i32 to index
      %parallel_loop3A_255 = arith.constant 80 : index
      %parallel_loop3A_256 = tpu.vector_load %arg12[%parallel_loop3A_254, %parallel_loop3A_255] {strides = array<i32>} : memref<200x128xf32, #tpu.memory_space<vmem>>, vector<1x16xf32>,
      %parallel_loop3A_257 = vector.shape_cast %parallel_loop3A_256 : vector<1x16xf32> to vector<16xf32>
      %parallel_loop3A_258 = arith.addf %parallel_loop3A_253, %parallel_loop3A_257 : vector<16xf32>
      %parallel_loop3A_259 = arith.mulf %parallel_loop3A_194, %get3A_19 : vector<16xf32>
      %parallel_loop3A_260 = arith.addf %parallel_loop3A_258, %parallel_loop3A_259 : vector<16xf32>
      %parallel_loop3A_261 = arith.index_cast %parallel_loop3A_150 : i32 to index
      %parallel_loop3A_262 = arith.constant 96 : index
      %parallel_loop3A_263 = tpu.vector_load %arg16[%parallel_loop3A_261, %parallel_loop3A_262] {strides = array<i32>} : memref<128x128xf32, #tpu.memory_space<vmem>>, vector<1x16xf32>,
      %parallel_loop3A_264 = vector.shape_cast %parallel_loop3A_263 : vector<1x16xf32> to vector<16xf32>
      %parallel_loop3A_265 = arith.index_cast %parallel_loop3A_156 : i32 to index
      %parallel_loop3A_266 = arith.constant 96 : index
      %parallel_loop3A_267 = tpu.vector_load %arg12[%parallel_loop3A_265, %parallel_loop3A_266] {strides = array<i32>} : memref<200x128xf32, #tpu.memory_space<vmem>>, vector<1x16xf32>,
      %parallel_loop3A_268 = vector.shape_cast %parallel_loop3A_267 : vector<1x16xf32> to vector<16xf32>
      %parallel_loop3A_269 = arith.addf %parallel_loop3A_264, %parallel_loop3A_268 : vector<16xf32>
      %parallel_loop3A_270 = arith.mulf %parallel_loop3A_194, %get3A_22 : vector<16xf32>
      %parallel_loop3A_271 = arith.addf %parallel_loop3A_269, %parallel_loop3A_270 : vector<16xf32>
      %parallel_loop3A_272 = arith.index_cast %parallel_loop3A_150 : i32 to index
      %parallel_loop3A_273 = arith.constant 112 : index
      %parallel_loop3A_274 = tpu.vector_load %arg16[%parallel_loop3A_272, %parallel_loop3A_273] {strides = array<i32>} : memref<128x128xf32, #tpu.memory_space<vmem>>, vector<1x16xf32>,
      %parallel_loop3A_275 = vector.shape_cast %parallel_loop3A_274 : vector<1x16xf32> to vector<16xf32>
      %parallel_loop3A_276 = arith.index_cast %parallel_loop3A_156 : i32 to index
      %parallel_loop3A_277 = arith.constant 112 : index
      %parallel_loop3A_278 = tpu.vector_load %arg12[%parallel_loop3A_276, %parallel_loop3A_277] {strides = array<i32>} : memref<200x128xf32, #tpu.memory_space<vmem>>, vector<1x16xf32>,
      %parallel_loop3A_279 = vector.shape_cast %parallel_loop3A_278 : vector<1x16xf32> to vector<16xf32>
      %parallel_loop3A_280 = arith.addf %parallel_loop3A_275, %parallel_loop3A_279 : vector<16xf32>
      %parallel_loop3A_281 = arith.mulf %parallel_loop3A_194, %get3A_25 : vector<16xf32>
      %parallel_loop3A_282 = arith.addf %parallel_loop3A_280, %parallel_loop3A_281 : vector<16xf32>
      %parallel_loop3A_283 = arith.mulf %parallel_loop3A_205, %parallel_loop3A_205 : vector<16xf32>
      %parallel_loop3A_284 = arith.addf %parallel_loop3A_205, %parallel_loop3A_216 : vector<16xf32>
      %parallel_loop3A_285 = arith.mulf %parallel_loop3A_216, %parallel_loop3A_216 : vector<16xf32>
      %parallel_loop3A_286 = arith.addf %parallel_loop3A_283, %parallel_loop3A_285 : vector<16xf32>
      %parallel_loop3A_287 = arith.addf %parallel_loop3A_284, %parallel_loop3A_227 : vector<16xf32>
      %parallel_loop3A_288 = arith.mulf %parallel_loop3A_227, %parallel_loop3A_227 : vector<16xf32>
      %parallel_loop3A_289 = arith.addf %parallel_loop3A_286, %parallel_loop3A_288 : vector<16xf32>
      %parallel_loop3A_290 = arith.addf %parallel_loop3A_287, %parallel_loop3A_238 : vector<16xf32>
      %parallel_loop3A_291 = arith.mulf %parallel_loop3A_238, %parallel_loop3A_238 : vector<16xf32>
      %parallel_loop3A_292 = arith.addf %parallel_loop3A_289, %parallel_loop3A_291 : vector<16xf32>
      %parallel_loop3A_293 = arith.addf %parallel_loop3A_290, %parallel_loop3A_249 : vector<16xf32>
      %parallel_loop3A_294 = arith.mulf %parallel_loop3A_249, %parallel_loop3A_249 : vector<16xf32>
      %parallel_loop3A_295 = arith.addf %parallel_loop3A_292, %parallel_loop3A_294 : vector<16xf32>
      %parallel_loop3A_296 = arith.addf %parallel_loop3A_293, %parallel_loop3A_260 : vector<16xf32>
      %parallel_loop3A_297 = arith.mulf %parallel_loop3A_260, %parallel_loop3A_260 : vector<16xf32>
      %parallel_loop3A_298 = arith.addf %parallel_loop3A_295, %parallel_loop3A_297 : vector<16xf32>
      %parallel_loop3A_299 = arith.addf %parallel_loop3A_296, %parallel_loop3A_271 : vector<16xf32>
      %parallel_loop3A_300 = arith.mulf %parallel_loop3A_271, %parallel_loop3A_271 : vector<16xf32>
      %parallel_loop3A_301 = arith.addf %parallel_loop3A_298, %parallel_loop3A_300 : vector<16xf32>
      %parallel_loop3A_302 = arith.addf %parallel_loop3A_299, %parallel_loop3A_282 : vector<16xf32>
      %parallel_loop3A_303 = arith.mulf %parallel_loop3A_282, %parallel_loop3A_282 : vector<16xf32>
      %parallel_loop3A_304 = arith.addf %parallel_loop3A_301, %parallel_loop3A_303 : vector<16xf32>
      %parallel_loop3A_305 = tpu.iota {dimensions = array<i32: 0>} : vector<16xi32>
      %parallel_loop3A_306 = arith.constant 1 : i32
      %parallel_loop3A_307 = vector.broadcast %parallel_loop3A_306 : i32 to vector<16xi32>
      %parallel_loop3A_308 = arith.xori %parallel_loop3A_305, %parallel_loop3A_307 : vector<16xi32>
      %parallel_loop3A_309 = vector.shape_cast %parallel_loop3A_308 : vector<16xi32> to vector<16x1xi32>
      %parallel_loop3A_310 = vector.shape_cast %parallel_loop3A_309 : vector<16x1xi32> to vector<16xi32>
      %parallel_loop3A_311 = tpu.dynamic_gather %parallel_loop3A_302[%parallel_loop3A_310] in [0] : vector<16xf32>, vector<16xi32> -> vector<16xf32>
      %parallel_loop3A_312 = arith.addf %parallel_loop3A_302, %parallel_loop3A_311 : vector<16xf32>
      %parallel_loop3A_313 = arith.constant 2 : i32
      %parallel_loop3A_314 = vector.broadcast %parallel_loop3A_313 : i32 to vector<16xi32>
      %parallel_loop3A_315 = arith.xori %parallel_loop3A_305, %parallel_loop3A_314 : vector<16xi32>
      %parallel_loop3A_316 = vector.shape_cast %parallel_loop3A_315 : vector<16xi32> to vector<16x1xi32>
      %parallel_loop3A_317 = vector.shape_cast %parallel_loop3A_316 : vector<16x1xi32> to vector<16xi32>
      %parallel_loop3A_318 = tpu.dynamic_gather %parallel_loop3A_312[%parallel_loop3A_317] in [0] : vector<16xf32>, vector<16xi32> -> vector<16xf32>
      %parallel_loop3A_319 = arith.addf %parallel_loop3A_312, %parallel_loop3A_318 : vector<16xf32>
      %parallel_loop3A_320 = arith.constant 4 : i32
      %parallel_loop3A_321 = vector.broadcast %parallel_loop3A_320 : i32 to vector<16xi32>
      %parallel_loop3A_322 = arith.xori %parallel_loop3A_305, %parallel_loop3A_321 : vector<16xi32>
      %parallel_loop3A_323 = vector.shape_cast %parallel_loop3A_322 : vector<16xi32> to vector<16x1xi32>
      %parallel_loop3A_324 = vector.shape_cast %parallel_loop3A_323 : vector<16x1xi32> to vector<16xi32>
      %parallel_loop3A_325 = tpu.dynamic_gather %parallel_loop3A_319[%parallel_loop3A_324] in [0] : vector<16xf32>, vector<16xi32> -> vector<16xf32>
      %parallel_loop3A_326 = arith.addf %parallel_loop3A_319, %parallel_loop3A_325 : vector<16xf32>
      %parallel_loop3A_327 = arith.constant 8 : i32
      %parallel_loop3A_328 = vector.broadcast %parallel_loop3A_327 : i32 to vector<16xi32>
      %parallel_loop3A_329 = arith.xori %parallel_loop3A_305, %parallel_loop3A_328 : vector<16xi32>
      %parallel_loop3A_330 = vector.shape_cast %parallel_loop3A_329 : vector<16xi32> to vector<16x1xi32>
      %parallel_loop3A_331 = vector.shape_cast %parallel_loop3A_330 : vector<16x1xi32> to vector<16xi32>
      %parallel_loop3A_332 = tpu.dynamic_gather %parallel_loop3A_326[%parallel_loop3A_331] in [0] : vector<16xf32>, vector<16xi32> -> vector<16xf32>
      %parallel_loop3A_333 = arith.addf %parallel_loop3A_326, %parallel_loop3A_332 : vector<16xf32>
      %parallel_loop3A_334 = vector.broadcast %parallel_loop3A_104 : f32 to vector<16xf32>
      %parallel_loop3A_335 = arith.mulf %parallel_loop3A_333, %parallel_loop3A_334 : vector<16xf32>
      %parallel_loop3A_336 = tpu.iota {dimensions = array<i32: 0>} : vector<16xi32>
      %parallel_loop3A_337 = arith.constant 1 : i32
      %parallel_loop3A_338 = vector.broadcast %parallel_loop3A_337 : i32 to vector<16xi32>
      %parallel_loop3A_339 = arith.xori %parallel_loop3A_336, %parallel_loop3A_338 : vector<16xi32>
      %parallel_loop3A_340 = vector.shape_cast %parallel_loop3A_339 : vector<16xi32> to vector<16x1xi32>
      %parallel_loop3A_341 = vector.shape_cast %parallel_loop3A_340 : vector<16x1xi32> to vector<16xi32>
      %parallel_loop3A_342 = tpu.dynamic_gather %parallel_loop3A_304[%parallel_loop3A_341] in [0] : vector<16xf32>, vector<16xi32> -> vector<16xf32>
      %parallel_loop3A_343 = arith.addf %parallel_loop3A_304, %parallel_loop3A_342 : vector<16xf32>
      %parallel_loop3A_344 = arith.constant 2 : i32
      %parallel_loop3A_345 = vector.broadcast %parallel_loop3A_344 : i32 to vector<16xi32>
      %parallel_loop3A_346 = arith.xori %parallel_loop3A_336, %parallel_loop3A_345 : vector<16xi32>
      %parallel_loop3A_347 = vector.shape_cast %parallel_loop3A_346 : vector<16xi32> to vector<16x1xi32>
      %parallel_loop3A_348 = vector.shape_cast %parallel_loop3A_347 : vector<16x1xi32> to vector<16xi32>
      %parallel_loop3A_349 = tpu.dynamic_gather %parallel_loop3A_343[%parallel_loop3A_348] in [0] : vector<16xf32>, vector<16xi32> -> vector<16xf32>
      %parallel_loop3A_350 = arith.addf %parallel_loop3A_343, %parallel_loop3A_349 : vector<16xf32>
      %parallel_loop3A_351 = arith.constant 4 : i32
      %parallel_loop3A_352 = vector.broadcast %parallel_loop3A_351 : i32 to vector<16xi32>
      %parallel_loop3A_353 = arith.xori %parallel_loop3A_336, %parallel_loop3A_352 : vector<16xi32>
      %parallel_loop3A_354 = vector.shape_cast %parallel_loop3A_353 : vector<16xi32> to vector<16x1xi32>
      %parallel_loop3A_355 = vector.shape_cast %parallel_loop3A_354 : vector<16x1xi32> to vector<16xi32>
      %parallel_loop3A_356 = tpu.dynamic_gather %parallel_loop3A_350[%parallel_loop3A_355] in [0] : vector<16xf32>, vector<16xi32> -> vector<16xf32>
      %parallel_loop3A_357 = arith.addf %parallel_loop3A_350, %parallel_loop3A_356 : vector<16xf32>
      %parallel_loop3A_358 = arith.constant 8 : i32
      %parallel_loop3A_359 = vector.broadcast %parallel_loop3A_358 : i32 to vector<16xi32>
      %parallel_loop3A_360 = arith.xori %parallel_loop3A_336, %parallel_loop3A_359 : vector<16xi32>
      %parallel_loop3A_361 = vector.shape_cast %parallel_loop3A_360 : vector<16xi32> to vector<16x1xi32>
      %parallel_loop3A_362 = vector.shape_cast %parallel_loop3A_361 : vector<16x1xi32> to vector<16xi32>
      %parallel_loop3A_363 = tpu.dynamic_gather %parallel_loop3A_357[%parallel_loop3A_362] in [0] : vector<16xf32>, vector<16xi32> -> vector<16xf32>
      %parallel_loop3A_364 = arith.addf %parallel_loop3A_357, %parallel_loop3A_363 : vector<16xf32>
      %parallel_loop3A_365 = vector.broadcast %parallel_loop3A_104 : f32 to vector<16xf32>
      %parallel_loop3A_366 = arith.mulf %parallel_loop3A_364, %parallel_loop3A_365 : vector<16xf32>
      %parallel_loop3A_367 = arith.mulf %parallel_loop3A_335, %parallel_loop3A_335 : vector<16xf32>
      %parallel_loop3A_368 = arith.subf %parallel_loop3A_366, %parallel_loop3A_367 : vector<16xf32>
      %parallel_loop3A_369 = arith.constant 9.99999996E-13 : f32
      %parallel_loop3A_370 = vector.broadcast %parallel_loop3A_369 : f32 to vector<16xf32>
      %parallel_loop3A_371 = arith.addf %parallel_loop3A_368, %parallel_loop3A_370 : vector<16xf32>
      %parallel_loop3A_372 = tpu.bitcast %parallel_loop3A_371 : vector<16xf32> -> vector<16xi32>
      %parallel_loop3A_373 = arith.sitofp %parallel_loop3A_372 : vector<16xi32> to vector<16xf32>
      %parallel_loop3A_374 = arith.constant 5.000000e-01 : f32
      %parallel_loop3A_375 = vector.broadcast %parallel_loop3A_374 : f32 to vector<16xf32>
      %parallel_loop3A_376 = arith.mulf %parallel_loop3A_375, %parallel_loop3A_373 : vector<16xf32>
      %parallel_loop3A_377 = arith.constant 1.59746304E+9 : f32
      %parallel_loop3A_378 = vector.broadcast %parallel_loop3A_377 : f32 to vector<16xf32>
      %parallel_loop3A_379 = arith.subf %parallel_loop3A_378, %parallel_loop3A_376 : vector<16xf32>
      %parallel_loop3A_380 = arith.fptosi %parallel_loop3A_379 : vector<16xf32> to vector<16xi32>
      %parallel_loop3A_381 = tpu.bitcast %parallel_loop3A_380 : vector<16xi32> -> vector<16xf32>
      %parallel_loop3A_382 = arith.constant 5.000000e-01 : f32
      %parallel_loop3A_383 = vector.broadcast %parallel_loop3A_382 : f32 to vector<16xf32>
      %parallel_loop3A_384 = arith.mulf %parallel_loop3A_383, %parallel_loop3A_371 : vector<16xf32>
      %parallel_loop3A_385 = arith.mulf %parallel_loop3A_384, %parallel_loop3A_381 : vector<16xf32>
      %parallel_loop3A_386 = arith.mulf %parallel_loop3A_385, %parallel_loop3A_381 : vector<16xf32>
      %parallel_loop3A_387 = arith.constant 1.500000e+00 : f32
      %parallel_loop3A_388 = vector.broadcast %parallel_loop3A_387 : f32 to vector<16xf32>
      %parallel_loop3A_389 = arith.subf %parallel_loop3A_388, %parallel_loop3A_386 : vector<16xf32>
      %parallel_loop3A_390 = arith.mulf %parallel_loop3A_381, %parallel_loop3A_389 : vector<16xf32>
      %parallel_loop3A_391 = arith.constant 5.000000e-01 : f32
      %parallel_loop3A_392 = vector.broadcast %parallel_loop3A_391 : f32 to vector<16xf32>
      %parallel_loop3A_393 = arith.mulf %parallel_loop3A_392, %parallel_loop3A_371 : vector<16xf32>
      %parallel_loop3A_394 = arith.mulf %parallel_loop3A_393, %parallel_loop3A_390 : vector<16xf32>
      %parallel_loop3A_395 = arith.mulf %parallel_loop3A_394, %parallel_loop3A_390 : vector<16xf32>
      %parallel_loop3A_396 = arith.constant 1.500000e+00 : f32
      %parallel_loop3A_397 = vector.broadcast %parallel_loop3A_396 : f32 to vector<16xf32>
      %parallel_loop3A_398 = arith.subf %parallel_loop3A_397, %parallel_loop3A_395 : vector<16xf32>
      %parallel_loop3A_399 = arith.mulf %parallel_loop3A_390, %parallel_loop3A_398 : vector<16xf32>
      %parallel_loop3A_400 = arith.constant 5.000000e-01 : f32
      %parallel_loop3A_401 = vector.broadcast %parallel_loop3A_400 : f32 to vector<16xf32>
      %parallel_loop3A_402 = arith.mulf %parallel_loop3A_401, %parallel_loop3A_371 : vector<16xf32>
      %parallel_loop3A_403 = arith.mulf %parallel_loop3A_402, %parallel_loop3A_399 : vector<16xf32>
      %parallel_loop3A_404 = arith.mulf %parallel_loop3A_403, %parallel_loop3A_399 : vector<16xf32>
      %parallel_loop3A_405 = arith.constant 1.500000e+00 : f32
      %parallel_loop3A_406 = vector.broadcast %parallel_loop3A_405 : f32 to vector<16xf32>
      %parallel_loop3A_407 = arith.subf %parallel_loop3A_406, %parallel_loop3A_404 : vector<16xf32>
      %parallel_loop3A_408 = arith.mulf %parallel_loop3A_399, %parallel_loop3A_407 : vector<16xf32>
      %parallel_loop3A_409 = arith.mulf %parallel_loop3A_335, %parallel_loop3A_408 : vector<16xf32>
      %parallel_loop3A_410 = arith.mulf %parallel_loop3A_205, %parallel_loop3A_408 : vector<16xf32>
      %parallel_loop3A_411 = arith.subf %parallel_loop3A_410, %parallel_loop3A_409 : vector<16xf32>
      %parallel_loop3A_412 = arith.mulf %parallel_loop3A_411, %get3A_28 : vector<16xf32>
      %parallel_loop3A_413 = arith.addf %parallel_loop3A_412, %get3A_52 : vector<16xf32>
      %parallel_loop3A_414 = arith.index_cast %parallel_loop3A_150 : i32 to index
      %parallel_loop3A_415 = arith.constant 0 : index
      %parallel_loop3A_416 = tpu.vector_load %arg16[%parallel_loop3A_414, %parallel_loop3A_415] {strides = array<i32>} : memref<128x128xf32, #tpu.memory_space<vmem>>, vector<1x16xf32>,
      %parallel_loop3A_417 = vector.shape_cast %parallel_loop3A_416 : vector<1x16xf32> to vector<16xf32>
      %parallel_loop3A_418 = vector.shape_cast %parallel_loop3A_413 : vector<16xf32> to vector<1x16xf32>
      tpu.vector_store %arg16[%parallel_loop3A_414, %parallel_loop3A_415], %parallel_loop3A_418 {strides = array<i32>} : memref<128x128xf32, #tpu.memory_space<vmem>>, vector<1x16xf32>,
      %parallel_loop3A_419 = arith.mulf %parallel_loop3A_216, %parallel_loop3A_408 : vector<16xf32>
      %parallel_loop3A_420 = arith.subf %parallel_loop3A_419, %parallel_loop3A_409 : vector<16xf32>
      %parallel_loop3A_421 = arith.mulf %parallel_loop3A_420, %get3A_31 : vector<16xf32>
      %parallel_loop3A_422 = arith.addf %parallel_loop3A_421, %get3A_55 : vector<16xf32>
      %parallel_loop3A_423 = arith.index_cast %parallel_loop3A_150 : i32 to index
      %parallel_loop3A_424 = arith.constant 16 : index
      %parallel_loop3A_425 = tpu.vector_load %arg16[%parallel_loop3A_423, %parallel_loop3A_424] {strides = array<i32>} : memref<128x128xf32, #tpu.memory_space<vmem>>, vector<1x16xf32>,
      %parallel_loop3A_426 = vector.shape_cast %parallel_loop3A_425 : vector<1x16xf32> to vector<16xf32>
      %parallel_loop3A_427 = vector.shape_cast %parallel_loop3A_422 : vector<16xf32> to vector<1x16xf32>
      tpu.vector_store %arg16[%parallel_loop3A_423, %parallel_loop3A_424], %parallel_loop3A_427 {strides = array<i32>} : memref<128x128xf32, #tpu.memory_space<vmem>>, vector<1x16xf32>,
      %parallel_loop3A_428 = arith.mulf %parallel_loop3A_227, %parallel_loop3A_408 : vector<16xf32>
      %parallel_loop3A_429 = arith.subf %parallel_loop3A_428, %parallel_loop3A_409 : vector<16xf32>
      %parallel_loop3A_430 = arith.mulf %parallel_loop3A_429, %get3A_34 : vector<16xf32>
      %parallel_loop3A_431 = arith.addf %parallel_loop3A_430, %get3A_58 : vector<16xf32>
      %parallel_loop3A_432 = arith.index_cast %parallel_loop3A_150 : i32 to index
      %parallel_loop3A_433 = arith.constant 32 : index
      %parallel_loop3A_434 = tpu.vector_load %arg16[%parallel_loop3A_432, %parallel_loop3A_433] {strides = array<i32>} : memref<128x128xf32, #tpu.memory_space<vmem>>, vector<1x16xf32>,
      %parallel_loop3A_435 = vector.shape_cast %parallel_loop3A_434 : vector<1x16xf32> to vector<16xf32>
      %parallel_loop3A_436 = vector.shape_cast %parallel_loop3A_431 : vector<16xf32> to vector<1x16xf32>
      tpu.vector_store %arg16[%parallel_loop3A_432, %parallel_loop3A_433], %parallel_loop3A_436 {strides = array<i32>} : memref<128x128xf32, #tpu.memory_space<vmem>>, vector<1x16xf32>,
      %parallel_loop3A_437 = arith.mulf %parallel_loop3A_238, %parallel_loop3A_408 : vector<16xf32>
      %parallel_loop3A_438 = arith.subf %parallel_loop3A_437, %parallel_loop3A_409 : vector<16xf32>
      %parallel_loop3A_439 = arith.mulf %parallel_loop3A_438, %get3A_37 : vector<16xf32>
      %parallel_loop3A_440 = arith.addf %parallel_loop3A_439, %get3A_61 : vector<16xf32>
      %parallel_loop3A_441 = arith.index_cast %parallel_loop3A_150 : i32 to index
      %parallel_loop3A_442 = arith.constant 48 : index
      %parallel_loop3A_443 = tpu.vector_load %arg16[%parallel_loop3A_441, %parallel_loop3A_442] {strides = array<i32>} : memref<128x128xf32, #tpu.memory_space<vmem>>, vector<1x16xf32>,
      %parallel_loop3A_444 = vector.shape_cast %parallel_loop3A_443 : vector<1x16xf32> to vector<16xf32>
      %parallel_loop3A_445 = vector.shape_cast %parallel_loop3A_440 : vector<16xf32> to vector<1x16xf32>
      tpu.vector_store %arg16[%parallel_loop3A_441, %parallel_loop3A_442], %parallel_loop3A_445 {strides = array<i32>} : memref<128x128xf32, #tpu.memory_space<vmem>>, vector<1x16xf32>,
      %parallel_loop3A_446 = arith.mulf %parallel_loop3A_249, %parallel_loop3A_408 : vector<16xf32>
      %parallel_loop3A_447 = arith.subf %parallel_loop3A_446, %parallel_loop3A_409 : vector<16xf32>
      %parallel_loop3A_448 = arith.mulf %parallel_loop3A_447, %get3A_40 : vector<16xf32>
      %parallel_loop3A_449 = arith.addf %parallel_loop3A_448, %get3A_64 : vector<16xf32>
      %parallel_loop3A_450 = arith.index_cast %parallel_loop3A_150 : i32 to index
      %parallel_loop3A_451 = arith.constant 64 : index
      %parallel_loop3A_452 = tpu.vector_load %arg16[%parallel_loop3A_450, %parallel_loop3A_451] {strides = array<i32>} : memref<128x128xf32, #tpu.memory_space<vmem>>, vector<1x16xf32>,
      %parallel_loop3A_453 = vector.shape_cast %parallel_loop3A_452 : vector<1x16xf32> to vector<16xf32>
      %parallel_loop3A_454 = vector.shape_cast %parallel_loop3A_449 : vector<16xf32> to vector<1x16xf32>
      tpu.vector_store %arg16[%parallel_loop3A_450, %parallel_loop3A_451], %parallel_loop3A_454 {strides = array<i32>} : memref<128x128xf32, #tpu.memory_space<vmem>>, vector<1x16xf32>,
      %parallel_loop3A_455 = arith.mulf %parallel_loop3A_260, %parallel_loop3A_408 : vector<16xf32>
      %parallel_loop3A_456 = arith.subf %parallel_loop3A_455, %parallel_loop3A_409 : vector<16xf32>
      %parallel_loop3A_457 = arith.mulf %parallel_loop3A_456, %get3A_43 : vector<16xf32>
      %parallel_loop3A_458 = arith.addf %parallel_loop3A_457, %get3A_67 : vector<16xf32>
      %parallel_loop3A_459 = arith.index_cast %parallel_loop3A_150 : i32 to index
      %parallel_loop3A_460 = arith.constant 80 : index
      %parallel_loop3A_461 = tpu.vector_load %arg16[%parallel_loop3A_459, %parallel_loop3A_460] {strides = array<i32>} : memref<128x128xf32, #tpu.memory_space<vmem>>, vector<1x16xf32>,
      %parallel_loop3A_462 = vector.shape_cast %parallel_loop3A_461 : vector<1x16xf32> to vector<16xf32>
      %parallel_loop3A_463 = vector.shape_cast %parallel_loop3A_458 : vector<16xf32> to vector<1x16xf32>
      tpu.vector_store %arg16[%parallel_loop3A_459, %parallel_loop3A_460], %parallel_loop3A_463 {strides = array<i32>} : memref<128x128xf32, #tpu.memory_space<vmem>>, vector<1x16xf32>,
      %parallel_loop3A_464 = arith.mulf %parallel_loop3A_271, %parallel_loop3A_408 : vector<16xf32>
      %parallel_loop3A_465 = arith.subf %parallel_loop3A_464, %parallel_loop3A_409 : vector<16xf32>
      %parallel_loop3A_466 = arith.mulf %parallel_loop3A_465, %get3A_46 : vector<16xf32>
      %parallel_loop3A_467 = arith.addf %parallel_loop3A_466, %get3A_70 : vector<16xf32>
      %parallel_loop3A_468 = arith.index_cast %parallel_loop3A_150 : i32 to index
      %parallel_loop3A_469 = arith.constant 96 : index
      %parallel_loop3A_470 = tpu.vector_load %arg16[%parallel_loop3A_468, %parallel_loop3A_469] {strides = array<i32>} : memref<128x128xf32, #tpu.memory_space<vmem>>, vector<1x16xf32>,
      %parallel_loop3A_471 = vector.shape_cast %parallel_loop3A_470 : vector<1x16xf32> to vector<16xf32>
      %parallel_loop3A_472 = vector.shape_cast %parallel_loop3A_467 : vector<16xf32> to vector<1x16xf32>
      tpu.vector_store %arg16[%parallel_loop3A_468, %parallel_loop3A_469], %parallel_loop3A_472 {strides = array<i32>} : memref<128x128xf32, #tpu.memory_space<vmem>>, vector<1x16xf32>,
      %parallel_loop3A_473 = arith.mulf %parallel_loop3A_282, %parallel_loop3A_408 : vector<16xf32>
      %parallel_loop3A_474 = arith.subf %parallel_loop3A_473, %parallel_loop3A_409 : vector<16xf32>
      %parallel_loop3A_475 = arith.mulf %parallel_loop3A_474, %get3A_49 : vector<16xf32>
      %parallel_loop3A_476 = arith.addf %parallel_loop3A_475, %get3A_73 : vector<16xf32>
      %parallel_loop3A_477 = arith.index_cast %parallel_loop3A_150 : i32 to index
      %parallel_loop3A_478 = arith.constant 112 : index
      %parallel_loop3A_479 = tpu.vector_load %arg16[%parallel_loop3A_477, %parallel_loop3A_478] {strides = array<i32>} : memref<128x128xf32, #tpu.memory_space<vmem>>, vector<1x16xf32>,
      %parallel_loop3A_480 = vector.shape_cast %parallel_loop3A_479 : vector<1x16xf32> to vector<16xf32>
      %parallel_loop3A_481 = vector.shape_cast %parallel_loop3A_476 : vector<16xf32> to vector<1x16xf32>
      tpu.vector_store %arg16[%parallel_loop3A_477, %parallel_loop3A_478], %parallel_loop3A_481 {strides = array<i32>} : memref<128x128xf32, #tpu.memory_space<vmem>>, vector<1x16xf32>,
    } {sc.loop_unroll_factor = 4 : i64, sc.parallel_access}
    %add3A_105 = arith.constant 6016 : i32
    %add3A_106 = arith.addi %mul3A_2, %add3A_105 : i32
    %dma_wait3A_107 = arith.constant 0 : i32
    %dma_wait3A_108 = tpu.memref_slice %arg9[%add3A_106, %dma_wait3A_107] : memref<204800x128xf32, #tpu.memory_space<hbm>> -> memref<128x128xf32, #tpu.memory_space<hbm>>
    %dma_wait3A_109 = arith.constant 0 : i32
    %dma_wait3A_110 = tpu.memref_slice %arg9[%add3A_106, %dma_wait3A_109] : memref<204800x128xf32, #tpu.memory_space<hbm>> -> memref<128x128xf32, #tpu.memory_space<hbm>>
    tpu.wait_dma2 semaphore(%arg24 : memref<!tpu.dma_semaphore, #tpu.memory_space<semaphore_mem>>) src(%arg18 : memref<128x128xf32, #tpu.memory_space<vmem>>) dst(%dma_wait3A_110 : memref<128x128xf32, #tpu.memory_space<hbm>>)
    %add3A_111 = arith.constant 6144 : i32
    %add3A_112 = arith.addi %mul3A_2, %add3A_111 : i32
    %dma_start3A_113 = arith.constant 0 : i32
    %dma_start3A_114 = tpu.memref_slice %arg9[%add3A_112, %dma_start3A_113] : memref<204800x128xf32, #tpu.memory_space<hbm>> -> memref<128x128xf32, #tpu.memory_space<hbm>>
    %dma_start3A_115 = arith.constant 0 : i32
    %dma_start3A_116 = tpu.memref_slice %arg9[%add3A_112, %dma_start3A_115] : memref<204800x128xf32, #tpu.memory_space<hbm>> -> memref<128x128xf32, #tpu.memory_space<hbm>>
    tpu.enqueue_dma source(%arg16 : memref<128x128xf32, #tpu.memory_space<vmem>>) target(%dma_start3A_116 : memref<128x128xf32, #tpu.memory_space<hbm>>) target_semaphore(%arg22 : memref<!tpu.dma_semaphore, #tpu.memory_space<semaphore_mem>>)
    %dma_wait3A_117 = arith.constant 49 : i32
    %dma_wait3A_118 = arith.constant 0 : i32
    %dma_wait3A_119 = tpu.memref_slice %arg10[%dma_wait3A_117, %dma_wait3A_118] : memref<50x128xi32, #tpu.memory_space<vmem>> -> memref<1x128xi32, #tpu.memory_space<vmem>>
    %dma_wait3A_120 = tpu.memref_squeeze %dma_wait3A_119 : memref<1x128xi32, #tpu.memory_space<vmem>> -> memref<128xi32, #tpu.memory_space<vmem>>
    %dma_wait3A_121 = arith.constant 0 : i32
    %dma_wait3A_122 = arith.constant 0 : i32
    %dma_wait3A_123 = tpu.memref_slice %arg8[%dma_wait3A_121, %dma_wait3A_122] : memref<100000x128xf32, #tpu.memory_space<hbm>> -> memref<100000x128xf32, #tpu.memory_space<hbm>>
    tpu.wait_indirect_dma semaphore(%arg20 : memref<!tpu.dma_semaphore, #tpu.memory_space<semaphore_mem>>) src(%dma_wait3A_123 : memref<100000x128xf32, #tpu.memory_space<hbm>>) dst(%arg17 : memref<128x128xf32, #tpu.memory_space<vmem>>)
    %add3A_124 = arith.constant 6272 : i32
    %add3A_125 = arith.addi %mul3A_2, %add3A_124 : i32
    %rem3A_126 = arith.constant 200 : i32
    %rem3A_127 = arith.remsi %add3A_125, %rem3A_126 : i32
    %parallel_loop3A_128 = arith.constant 0 : i32
    %parallel_loop3A_129 = arith.constant 128 : i32
    %parallel_loop3A_130 = arith.constant 1 : i32
    %parallel_loop3A_131 = arith.constant 7.812500e-03 : f32
    scf.for %parallel_loop3A_150 = %parallel_loop3A_128 to %parallel_loop3A_129 step %parallel_loop3A_130  : i32 {
      %parallel_loop3A_151 = arith.addi %rem3A_127, %parallel_loop3A_150 : i32
      %parallel_loop3A_152 = arith.constant 200 : i32
      %parallel_loop3A_153 = arith.cmpi sge, %parallel_loop3A_151, %parallel_loop3A_152 : i32
      %parallel_loop3A_154 = arith.constant 200 : i32
      %parallel_loop3A_155 = arith.subi %parallel_loop3A_151, %parallel_loop3A_154 : i32
      %parallel_loop3A_156 = arith.select %parallel_loop3A_153, %parallel_loop3A_155, %parallel_loop3A_151 : i32
      %parallel_loop3A_157 = arith.constant 16 : i32
      %parallel_loop3A_158 = arith.divsi %parallel_loop3A_150, %parallel_loop3A_157 : i32
      %parallel_loop3A_159 = arith.constant 0 : i32
      %parallel_loop3A_160 = arith.cmpi sgt, %parallel_loop3A_150, %parallel_loop3A_159 : i32
      %parallel_loop3A_161 = arith.extui %parallel_loop3A_160 : i1 to i32
      %parallel_loop3A_162 = arith.constant 0 : i32
      %parallel_loop3A_163 = arith.cmpi slt, %parallel_loop3A_150, %parallel_loop3A_162 : i32
      %parallel_loop3A_164 = arith.extui %parallel_loop3A_163 : i1 to i32
      %parallel_loop3A_165 = arith.subi %parallel_loop3A_161, %parallel_loop3A_164 : i32
      %parallel_loop3A_166 = arith.constant 0 : i32
      %parallel_loop3A_167 = arith.cmpi sgt, %parallel_loop3A_157, %parallel_loop3A_166 : i32
      %parallel_loop3A_168 = arith.extui %parallel_loop3A_167 : i1 to i32
      %parallel_loop3A_169 = arith.constant 0 : i32
      %parallel_loop3A_170 = arith.cmpi slt, %parallel_loop3A_157, %parallel_loop3A_169 : i32
      %parallel_loop3A_171 = arith.extui %parallel_loop3A_170 : i1 to i32
      %parallel_loop3A_172 = arith.subi %parallel_loop3A_168, %parallel_loop3A_171 : i32
      %parallel_loop3A_173 = arith.cmpi ne, %parallel_loop3A_165, %parallel_loop3A_172 : i32
      %parallel_loop3A_174 = arith.remsi %parallel_loop3A_150, %parallel_loop3A_157 : i32
      %parallel_loop3A_175 = arith.constant 0 : i32
      %parallel_loop3A_176 = arith.cmpi ne, %parallel_loop3A_174, %parallel_loop3A_175 : i32
      %parallel_loop3A_177 = arith.andi %parallel_loop3A_173, %parallel_loop3A_176 : i1
      %parallel_loop3A_178 = arith.constant 1 : i32
      %parallel_loop3A_179 = arith.subi %parallel_loop3A_158, %parallel_loop3A_178 : i32
      %parallel_loop3A_180 = arith.select %parallel_loop3A_177, %parallel_loop3A_179, %parallel_loop3A_158 : i32
      %parallel_loop3A_181 = arith.constant 16 : i32
      %parallel_loop3A_182 = arith.muli %parallel_loop3A_180, %parallel_loop3A_181 : i32
      %parallel_loop3A_183 = arith.constant 49 : i32
      %parallel_loop3A_184 = arith.index_cast %parallel_loop3A_183 : i32 to index
      %parallel_loop3A_185 = arith.index_cast %parallel_loop3A_182 : i32 to index
      %parallel_loop3A_186 = tpu.vector_load %arg11[%parallel_loop3A_184, %parallel_loop3A_185] {strides = array<i32>} : memref<50x128xi32, #tpu.memory_space<vmem>>, vector<1x16xi32>,
      %parallel_loop3A_187 = vector.shape_cast %parallel_loop3A_186 : vector<1x16xi32> to vector<16xi32>
      %parallel_loop3A_188 = arith.constant 16 : i32
      %parallel_loop3A_189 = arith.remsi %parallel_loop3A_150, %parallel_loop3A_188 : i32
      %parallel_loop3A_190 = vector.broadcast %parallel_loop3A_189 : i32 to vector<16xi32>
      %parallel_loop3A_191 = vector.shape_cast %parallel_loop3A_190 : vector<16xi32> to vector<16x1xi32>
      %parallel_loop3A_192 = vector.shape_cast %parallel_loop3A_191 : vector<16x1xi32> to vector<16xi32>
      %parallel_loop3A_193 = tpu.dynamic_gather %parallel_loop3A_187[%parallel_loop3A_192] in [0] : vector<16xi32>, vector<16xi32> -> vector<16xi32>
      %parallel_loop3A_194 = arith.sitofp %parallel_loop3A_193 : vector<16xi32> to vector<16xf32>
      %parallel_loop3A_195 = arith.index_cast %parallel_loop3A_150 : i32 to index
      %parallel_loop3A_196 = arith.constant 0 : index
      %parallel_loop3A_197 = tpu.vector_load %arg17[%parallel_loop3A_195, %parallel_loop3A_196] {strides = array<i32>} : memref<128x128xf32, #tpu.memory_space<vmem>>, vector<1x16xf32>,
      %parallel_loop3A_198 = vector.shape_cast %parallel_loop3A_197 : vector<1x16xf32> to vector<16xf32>
      %parallel_loop3A_199 = arith.index_cast %parallel_loop3A_156 : i32 to index
      %parallel_loop3A_200 = arith.constant 0 : index
      %parallel_loop3A_201 = tpu.vector_load %arg12[%parallel_loop3A_199, %parallel_loop3A_200] {strides = array<i32>} : memref<200x128xf32, #tpu.memory_space<vmem>>, vector<1x16xf32>,
      %parallel_loop3A_202 = vector.shape_cast %parallel_loop3A_201 : vector<1x16xf32> to vector<16xf32>
      %parallel_loop3A_203 = arith.addf %parallel_loop3A_198, %parallel_loop3A_202 : vector<16xf32>
      %parallel_loop3A_204 = arith.mulf %parallel_loop3A_194, %get3A_4 : vector<16xf32>
      %parallel_loop3A_205 = arith.addf %parallel_loop3A_203, %parallel_loop3A_204 : vector<16xf32>
      %parallel_loop3A_206 = arith.index_cast %parallel_loop3A_150 : i32 to index
      %parallel_loop3A_207 = arith.constant 16 : index
      %parallel_loop3A_208 = tpu.vector_load %arg17[%parallel_loop3A_206, %parallel_loop3A_207] {strides = array<i32>} : memref<128x128xf32, #tpu.memory_space<vmem>>, vector<1x16xf32>,
      %parallel_loop3A_209 = vector.shape_cast %parallel_loop3A_208 : vector<1x16xf32> to vector<16xf32>
      %parallel_loop3A_210 = arith.index_cast %parallel_loop3A_156 : i32 to index
      %parallel_loop3A_211 = arith.constant 16 : index
      %parallel_loop3A_212 = tpu.vector_load %arg12[%parallel_loop3A_210, %parallel_loop3A_211] {strides = array<i32>} : memref<200x128xf32, #tpu.memory_space<vmem>>, vector<1x16xf32>,
      %parallel_loop3A_213 = vector.shape_cast %parallel_loop3A_212 : vector<1x16xf32> to vector<16xf32>
      %parallel_loop3A_214 = arith.addf %parallel_loop3A_209, %parallel_loop3A_213 : vector<16xf32>
      %parallel_loop3A_215 = arith.mulf %parallel_loop3A_194, %get3A_7 : vector<16xf32>
      %parallel_loop3A_216 = arith.addf %parallel_loop3A_214, %parallel_loop3A_215 : vector<16xf32>
      %parallel_loop3A_217 = arith.index_cast %parallel_loop3A_150 : i32 to index
      %parallel_loop3A_218 = arith.constant 32 : index
      %parallel_loop3A_219 = tpu.vector_load %arg17[%parallel_loop3A_217, %parallel_loop3A_218] {strides = array<i32>} : memref<128x128xf32, #tpu.memory_space<vmem>>, vector<1x16xf32>,
      %parallel_loop3A_220 = vector.shape_cast %parallel_loop3A_219 : vector<1x16xf32> to vector<16xf32>
      %parallel_loop3A_221 = arith.index_cast %parallel_loop3A_156 : i32 to index
      %parallel_loop3A_222 = arith.constant 32 : index
      %parallel_loop3A_223 = tpu.vector_load %arg12[%parallel_loop3A_221, %parallel_loop3A_222] {strides = array<i32>} : memref<200x128xf32, #tpu.memory_space<vmem>>, vector<1x16xf32>,
      %parallel_loop3A_224 = vector.shape_cast %parallel_loop3A_223 : vector<1x16xf32> to vector<16xf32>
      %parallel_loop3A_225 = arith.addf %parallel_loop3A_220, %parallel_loop3A_224 : vector<16xf32>
      %parallel_loop3A_226 = arith.mulf %parallel_loop3A_194, %get3A_10 : vector<16xf32>
      %parallel_loop3A_227 = arith.addf %parallel_loop3A_225, %parallel_loop3A_226 : vector<16xf32>
      %parallel_loop3A_228 = arith.index_cast %parallel_loop3A_150 : i32 to index
      %parallel_loop3A_229 = arith.constant 48 : index
      %parallel_loop3A_230 = tpu.vector_load %arg17[%parallel_loop3A_228, %parallel_loop3A_229] {strides = array<i32>} : memref<128x128xf32, #tpu.memory_space<vmem>>, vector<1x16xf32>,
      %parallel_loop3A_231 = vector.shape_cast %parallel_loop3A_230 : vector<1x16xf32> to vector<16xf32>
      %parallel_loop3A_232 = arith.index_cast %parallel_loop3A_156 : i32 to index
      %parallel_loop3A_233 = arith.constant 48 : index
      %parallel_loop3A_234 = tpu.vector_load %arg12[%parallel_loop3A_232, %parallel_loop3A_233] {strides = array<i32>} : memref<200x128xf32, #tpu.memory_space<vmem>>, vector<1x16xf32>,
      %parallel_loop3A_235 = vector.shape_cast %parallel_loop3A_234 : vector<1x16xf32> to vector<16xf32>
      %parallel_loop3A_236 = arith.addf %parallel_loop3A_231, %parallel_loop3A_235 : vector<16xf32>
      %parallel_loop3A_237 = arith.mulf %parallel_loop3A_194, %get3A_13 : vector<16xf32>
      %parallel_loop3A_238 = arith.addf %parallel_loop3A_236, %parallel_loop3A_237 : vector<16xf32>
      %parallel_loop3A_239 = arith.index_cast %parallel_loop3A_150 : i32 to index
      %parallel_loop3A_240 = arith.constant 64 : index
      %parallel_loop3A_241 = tpu.vector_load %arg17[%parallel_loop3A_239, %parallel_loop3A_240] {strides = array<i32>} : memref<128x128xf32, #tpu.memory_space<vmem>>, vector<1x16xf32>,
      %parallel_loop3A_242 = vector.shape_cast %parallel_loop3A_241 : vector<1x16xf32> to vector<16xf32>
      %parallel_loop3A_243 = arith.index_cast %parallel_loop3A_156 : i32 to index
      %parallel_loop3A_244 = arith.constant 64 : index
      %parallel_loop3A_245 = tpu.vector_load %arg12[%parallel_loop3A_243, %parallel_loop3A_244] {strides = array<i32>} : memref<200x128xf32, #tpu.memory_space<vmem>>, vector<1x16xf32>,
      %parallel_loop3A_246 = vector.shape_cast %parallel_loop3A_245 : vector<1x16xf32> to vector<16xf32>
      %parallel_loop3A_247 = arith.addf %parallel_loop3A_242, %parallel_loop3A_246 : vector<16xf32>
      %parallel_loop3A_248 = arith.mulf %parallel_loop3A_194, %get3A_16 : vector<16xf32>
      %parallel_loop3A_249 = arith.addf %parallel_loop3A_247, %parallel_loop3A_248 : vector<16xf32>
      %parallel_loop3A_250 = arith.index_cast %parallel_loop3A_150 : i32 to index
      %parallel_loop3A_251 = arith.constant 80 : index
      %parallel_loop3A_252 = tpu.vector_load %arg17[%parallel_loop3A_250, %parallel_loop3A_251] {strides = array<i32>} : memref<128x128xf32, #tpu.memory_space<vmem>>, vector<1x16xf32>,
      %parallel_loop3A_253 = vector.shape_cast %parallel_loop3A_252 : vector<1x16xf32> to vector<16xf32>
      %parallel_loop3A_254 = arith.index_cast %parallel_loop3A_156 : i32 to index
      %parallel_loop3A_255 = arith.constant 80 : index
      %parallel_loop3A_256 = tpu.vector_load %arg12[%parallel_loop3A_254, %parallel_loop3A_255] {strides = array<i32>} : memref<200x128xf32, #tpu.memory_space<vmem>>, vector<1x16xf32>,
      %parallel_loop3A_257 = vector.shape_cast %parallel_loop3A_256 : vector<1x16xf32> to vector<16xf32>
      %parallel_loop3A_258 = arith.addf %parallel_loop3A_253, %parallel_loop3A_257 : vector<16xf32>
      %parallel_loop3A_259 = arith.mulf %parallel_loop3A_194, %get3A_19 : vector<16xf32>
      %parallel_loop3A_260 = arith.addf %parallel_loop3A_258, %parallel_loop3A_259 : vector<16xf32>
      %parallel_loop3A_261 = arith.index_cast %parallel_loop3A_150 : i32 to index
      %parallel_loop3A_262 = arith.constant 96 : index
      %parallel_loop3A_263 = tpu.vector_load %arg17[%parallel_loop3A_261, %parallel_loop3A_262] {strides = array<i32>} : memref<128x128xf32, #tpu.memory_space<vmem>>, vector<1x16xf32>,
      %parallel_loop3A_264 = vector.shape_cast %parallel_loop3A_263 : vector<1x16xf32> to vector<16xf32>
      %parallel_loop3A_265 = arith.index_cast %parallel_loop3A_156 : i32 to index
      %parallel_loop3A_266 = arith.constant 96 : index
      %parallel_loop3A_267 = tpu.vector_load %arg12[%parallel_loop3A_265, %parallel_loop3A_266] {strides = array<i32>} : memref<200x128xf32, #tpu.memory_space<vmem>>, vector<1x16xf32>,
      %parallel_loop3A_268 = vector.shape_cast %parallel_loop3A_267 : vector<1x16xf32> to vector<16xf32>
      %parallel_loop3A_269 = arith.addf %parallel_loop3A_264, %parallel_loop3A_268 : vector<16xf32>
      %parallel_loop3A_270 = arith.mulf %parallel_loop3A_194, %get3A_22 : vector<16xf32>
      %parallel_loop3A_271 = arith.addf %parallel_loop3A_269, %parallel_loop3A_270 : vector<16xf32>
      %parallel_loop3A_272 = arith.index_cast %parallel_loop3A_150 : i32 to index
      %parallel_loop3A_273 = arith.constant 112 : index
      %parallel_loop3A_274 = tpu.vector_load %arg17[%parallel_loop3A_272, %parallel_loop3A_273] {strides = array<i32>} : memref<128x128xf32, #tpu.memory_space<vmem>>, vector<1x16xf32>,
      %parallel_loop3A_275 = vector.shape_cast %parallel_loop3A_274 : vector<1x16xf32> to vector<16xf32>
      %parallel_loop3A_276 = arith.index_cast %parallel_loop3A_156 : i32 to index
      %parallel_loop3A_277 = arith.constant 112 : index
      %parallel_loop3A_278 = tpu.vector_load %arg12[%parallel_loop3A_276, %parallel_loop3A_277] {strides = array<i32>} : memref<200x128xf32, #tpu.memory_space<vmem>>, vector<1x16xf32>,
      %parallel_loop3A_279 = vector.shape_cast %parallel_loop3A_278 : vector<1x16xf32> to vector<16xf32>
      %parallel_loop3A_280 = arith.addf %parallel_loop3A_275, %parallel_loop3A_279 : vector<16xf32>
      %parallel_loop3A_281 = arith.mulf %parallel_loop3A_194, %get3A_25 : vector<16xf32>
      %parallel_loop3A_282 = arith.addf %parallel_loop3A_280, %parallel_loop3A_281 : vector<16xf32>
      %parallel_loop3A_283 = arith.mulf %parallel_loop3A_205, %parallel_loop3A_205 : vector<16xf32>
      %parallel_loop3A_284 = arith.addf %parallel_loop3A_205, %parallel_loop3A_216 : vector<16xf32>
      %parallel_loop3A_285 = arith.mulf %parallel_loop3A_216, %parallel_loop3A_216 : vector<16xf32>
      %parallel_loop3A_286 = arith.addf %parallel_loop3A_283, %parallel_loop3A_285 : vector<16xf32>
      %parallel_loop3A_287 = arith.addf %parallel_loop3A_284, %parallel_loop3A_227 : vector<16xf32>
      %parallel_loop3A_288 = arith.mulf %parallel_loop3A_227, %parallel_loop3A_227 : vector<16xf32>
      %parallel_loop3A_289 = arith.addf %parallel_loop3A_286, %parallel_loop3A_288 : vector<16xf32>
      %parallel_loop3A_290 = arith.addf %parallel_loop3A_287, %parallel_loop3A_238 : vector<16xf32>
      %parallel_loop3A_291 = arith.mulf %parallel_loop3A_238, %parallel_loop3A_238 : vector<16xf32>
      %parallel_loop3A_292 = arith.addf %parallel_loop3A_289, %parallel_loop3A_291 : vector<16xf32>
      %parallel_loop3A_293 = arith.addf %parallel_loop3A_290, %parallel_loop3A_249 : vector<16xf32>
      %parallel_loop3A_294 = arith.mulf %parallel_loop3A_249, %parallel_loop3A_249 : vector<16xf32>
      %parallel_loop3A_295 = arith.addf %parallel_loop3A_292, %parallel_loop3A_294 : vector<16xf32>
      %parallel_loop3A_296 = arith.addf %parallel_loop3A_293, %parallel_loop3A_260 : vector<16xf32>
      %parallel_loop3A_297 = arith.mulf %parallel_loop3A_260, %parallel_loop3A_260 : vector<16xf32>
      %parallel_loop3A_298 = arith.addf %parallel_loop3A_295, %parallel_loop3A_297 : vector<16xf32>
      %parallel_loop3A_299 = arith.addf %parallel_loop3A_296, %parallel_loop3A_271 : vector<16xf32>
      %parallel_loop3A_300 = arith.mulf %parallel_loop3A_271, %parallel_loop3A_271 : vector<16xf32>
      %parallel_loop3A_301 = arith.addf %parallel_loop3A_298, %parallel_loop3A_300 : vector<16xf32>
      %parallel_loop3A_302 = arith.addf %parallel_loop3A_299, %parallel_loop3A_282 : vector<16xf32>
      %parallel_loop3A_303 = arith.mulf %parallel_loop3A_282, %parallel_loop3A_282 : vector<16xf32>
      %parallel_loop3A_304 = arith.addf %parallel_loop3A_301, %parallel_loop3A_303 : vector<16xf32>
      %parallel_loop3A_305 = tpu.iota {dimensions = array<i32: 0>} : vector<16xi32>
      %parallel_loop3A_306 = arith.constant 1 : i32
      %parallel_loop3A_307 = vector.broadcast %parallel_loop3A_306 : i32 to vector<16xi32>
      %parallel_loop3A_308 = arith.xori %parallel_loop3A_305, %parallel_loop3A_307 : vector<16xi32>
      %parallel_loop3A_309 = vector.shape_cast %parallel_loop3A_308 : vector<16xi32> to vector<16x1xi32>
      %parallel_loop3A_310 = vector.shape_cast %parallel_loop3A_309 : vector<16x1xi32> to vector<16xi32>
      %parallel_loop3A_311 = tpu.dynamic_gather %parallel_loop3A_302[%parallel_loop3A_310] in [0] : vector<16xf32>, vector<16xi32> -> vector<16xf32>
      %parallel_loop3A_312 = arith.addf %parallel_loop3A_302, %parallel_loop3A_311 : vector<16xf32>
      %parallel_loop3A_313 = arith.constant 2 : i32
      %parallel_loop3A_314 = vector.broadcast %parallel_loop3A_313 : i32 to vector<16xi32>
      %parallel_loop3A_315 = arith.xori %parallel_loop3A_305, %parallel_loop3A_314 : vector<16xi32>
      %parallel_loop3A_316 = vector.shape_cast %parallel_loop3A_315 : vector<16xi32> to vector<16x1xi32>
      %parallel_loop3A_317 = vector.shape_cast %parallel_loop3A_316 : vector<16x1xi32> to vector<16xi32>
      %parallel_loop3A_318 = tpu.dynamic_gather %parallel_loop3A_312[%parallel_loop3A_317] in [0] : vector<16xf32>, vector<16xi32> -> vector<16xf32>
      %parallel_loop3A_319 = arith.addf %parallel_loop3A_312, %parallel_loop3A_318 : vector<16xf32>
      %parallel_loop3A_320 = arith.constant 4 : i32
      %parallel_loop3A_321 = vector.broadcast %parallel_loop3A_320 : i32 to vector<16xi32>
      %parallel_loop3A_322 = arith.xori %parallel_loop3A_305, %parallel_loop3A_321 : vector<16xi32>
      %parallel_loop3A_323 = vector.shape_cast %parallel_loop3A_322 : vector<16xi32> to vector<16x1xi32>
      %parallel_loop3A_324 = vector.shape_cast %parallel_loop3A_323 : vector<16x1xi32> to vector<16xi32>
      %parallel_loop3A_325 = tpu.dynamic_gather %parallel_loop3A_319[%parallel_loop3A_324] in [0] : vector<16xf32>, vector<16xi32> -> vector<16xf32>
      %parallel_loop3A_326 = arith.addf %parallel_loop3A_319, %parallel_loop3A_325 : vector<16xf32>
      %parallel_loop3A_327 = arith.constant 8 : i32
      %parallel_loop3A_328 = vector.broadcast %parallel_loop3A_327 : i32 to vector<16xi32>
      %parallel_loop3A_329 = arith.xori %parallel_loop3A_305, %parallel_loop3A_328 : vector<16xi32>
      %parallel_loop3A_330 = vector.shape_cast %parallel_loop3A_329 : vector<16xi32> to vector<16x1xi32>
      %parallel_loop3A_331 = vector.shape_cast %parallel_loop3A_330 : vector<16x1xi32> to vector<16xi32>
      %parallel_loop3A_332 = tpu.dynamic_gather %parallel_loop3A_326[%parallel_loop3A_331] in [0] : vector<16xf32>, vector<16xi32> -> vector<16xf32>
      %parallel_loop3A_333 = arith.addf %parallel_loop3A_326, %parallel_loop3A_332 : vector<16xf32>
      %parallel_loop3A_334 = vector.broadcast %parallel_loop3A_131 : f32 to vector<16xf32>
      %parallel_loop3A_335 = arith.mulf %parallel_loop3A_333, %parallel_loop3A_334 : vector<16xf32>
      %parallel_loop3A_336 = tpu.iota {dimensions = array<i32: 0>} : vector<16xi32>
      %parallel_loop3A_337 = arith.constant 1 : i32
      %parallel_loop3A_338 = vector.broadcast %parallel_loop3A_337 : i32 to vector<16xi32>
      %parallel_loop3A_339 = arith.xori %parallel_loop3A_336, %parallel_loop3A_338 : vector<16xi32>
      %parallel_loop3A_340 = vector.shape_cast %parallel_loop3A_339 : vector<16xi32> to vector<16x1xi32>
      %parallel_loop3A_341 = vector.shape_cast %parallel_loop3A_340 : vector<16x1xi32> to vector<16xi32>
      %parallel_loop3A_342 = tpu.dynamic_gather %parallel_loop3A_304[%parallel_loop3A_341] in [0] : vector<16xf32>, vector<16xi32> -> vector<16xf32>
      %parallel_loop3A_343 = arith.addf %parallel_loop3A_304, %parallel_loop3A_342 : vector<16xf32>
      %parallel_loop3A_344 = arith.constant 2 : i32
      %parallel_loop3A_345 = vector.broadcast %parallel_loop3A_344 : i32 to vector<16xi32>
      %parallel_loop3A_346 = arith.xori %parallel_loop3A_336, %parallel_loop3A_345 : vector<16xi32>
      %parallel_loop3A_347 = vector.shape_cast %parallel_loop3A_346 : vector<16xi32> to vector<16x1xi32>
      %parallel_loop3A_348 = vector.shape_cast %parallel_loop3A_347 : vector<16x1xi32> to vector<16xi32>
      %parallel_loop3A_349 = tpu.dynamic_gather %parallel_loop3A_343[%parallel_loop3A_348] in [0] : vector<16xf32>, vector<16xi32> -> vector<16xf32>
      %parallel_loop3A_350 = arith.addf %parallel_loop3A_343, %parallel_loop3A_349 : vector<16xf32>
      %parallel_loop3A_351 = arith.constant 4 : i32
      %parallel_loop3A_352 = vector.broadcast %parallel_loop3A_351 : i32 to vector<16xi32>
      %parallel_loop3A_353 = arith.xori %parallel_loop3A_336, %parallel_loop3A_352 : vector<16xi32>
      %parallel_loop3A_354 = vector.shape_cast %parallel_loop3A_353 : vector<16xi32> to vector<16x1xi32>
      %parallel_loop3A_355 = vector.shape_cast %parallel_loop3A_354 : vector<16x1xi32> to vector<16xi32>
      %parallel_loop3A_356 = tpu.dynamic_gather %parallel_loop3A_350[%parallel_loop3A_355] in [0] : vector<16xf32>, vector<16xi32> -> vector<16xf32>
      %parallel_loop3A_357 = arith.addf %parallel_loop3A_350, %parallel_loop3A_356 : vector<16xf32>
      %parallel_loop3A_358 = arith.constant 8 : i32
      %parallel_loop3A_359 = vector.broadcast %parallel_loop3A_358 : i32 to vector<16xi32>
      %parallel_loop3A_360 = arith.xori %parallel_loop3A_336, %parallel_loop3A_359 : vector<16xi32>
      %parallel_loop3A_361 = vector.shape_cast %parallel_loop3A_360 : vector<16xi32> to vector<16x1xi32>
      %parallel_loop3A_362 = vector.shape_cast %parallel_loop3A_361 : vector<16x1xi32> to vector<16xi32>
      %parallel_loop3A_363 = tpu.dynamic_gather %parallel_loop3A_357[%parallel_loop3A_362] in [0] : vector<16xf32>, vector<16xi32> -> vector<16xf32>
      %parallel_loop3A_364 = arith.addf %parallel_loop3A_357, %parallel_loop3A_363 : vector<16xf32>
      %parallel_loop3A_365 = vector.broadcast %parallel_loop3A_131 : f32 to vector<16xf32>
      %parallel_loop3A_366 = arith.mulf %parallel_loop3A_364, %parallel_loop3A_365 : vector<16xf32>
      %parallel_loop3A_367 = arith.mulf %parallel_loop3A_335, %parallel_loop3A_335 : vector<16xf32>
      %parallel_loop3A_368 = arith.subf %parallel_loop3A_366, %parallel_loop3A_367 : vector<16xf32>
      %parallel_loop3A_369 = arith.constant 9.99999996E-13 : f32
      %parallel_loop3A_370 = vector.broadcast %parallel_loop3A_369 : f32 to vector<16xf32>
      %parallel_loop3A_371 = arith.addf %parallel_loop3A_368, %parallel_loop3A_370 : vector<16xf32>
      %parallel_loop3A_372 = tpu.bitcast %parallel_loop3A_371 : vector<16xf32> -> vector<16xi32>
      %parallel_loop3A_373 = arith.sitofp %parallel_loop3A_372 : vector<16xi32> to vector<16xf32>
      %parallel_loop3A_374 = arith.constant 5.000000e-01 : f32
      %parallel_loop3A_375 = vector.broadcast %parallel_loop3A_374 : f32 to vector<16xf32>
      %parallel_loop3A_376 = arith.mulf %parallel_loop3A_375, %parallel_loop3A_373 : vector<16xf32>
      %parallel_loop3A_377 = arith.constant 1.59746304E+9 : f32
      %parallel_loop3A_378 = vector.broadcast %parallel_loop3A_377 : f32 to vector<16xf32>
      %parallel_loop3A_379 = arith.subf %parallel_loop3A_378, %parallel_loop3A_376 : vector<16xf32>
      %parallel_loop3A_380 = arith.fptosi %parallel_loop3A_379 : vector<16xf32> to vector<16xi32>
      %parallel_loop3A_381 = tpu.bitcast %parallel_loop3A_380 : vector<16xi32> -> vector<16xf32>
      %parallel_loop3A_382 = arith.constant 5.000000e-01 : f32
      %parallel_loop3A_383 = vector.broadcast %parallel_loop3A_382 : f32 to vector<16xf32>
      %parallel_loop3A_384 = arith.mulf %parallel_loop3A_383, %parallel_loop3A_371 : vector<16xf32>
      %parallel_loop3A_385 = arith.mulf %parallel_loop3A_384, %parallel_loop3A_381 : vector<16xf32>
      %parallel_loop3A_386 = arith.mulf %parallel_loop3A_385, %parallel_loop3A_381 : vector<16xf32>
      %parallel_loop3A_387 = arith.constant 1.500000e+00 : f32
      %parallel_loop3A_388 = vector.broadcast %parallel_loop3A_387 : f32 to vector<16xf32>
      %parallel_loop3A_389 = arith.subf %parallel_loop3A_388, %parallel_loop3A_386 : vector<16xf32>
      %parallel_loop3A_390 = arith.mulf %parallel_loop3A_381, %parallel_loop3A_389 : vector<16xf32>
      %parallel_loop3A_391 = arith.constant 5.000000e-01 : f32
      %parallel_loop3A_392 = vector.broadcast %parallel_loop3A_391 : f32 to vector<16xf32>
      %parallel_loop3A_393 = arith.mulf %parallel_loop3A_392, %parallel_loop3A_371 : vector<16xf32>
      %parallel_loop3A_394 = arith.mulf %parallel_loop3A_393, %parallel_loop3A_390 : vector<16xf32>
      %parallel_loop3A_395 = arith.mulf %parallel_loop3A_394, %parallel_loop3A_390 : vector<16xf32>
      %parallel_loop3A_396 = arith.constant 1.500000e+00 : f32
      %parallel_loop3A_397 = vector.broadcast %parallel_loop3A_396 : f32 to vector<16xf32>
      %parallel_loop3A_398 = arith.subf %parallel_loop3A_397, %parallel_loop3A_395 : vector<16xf32>
      %parallel_loop3A_399 = arith.mulf %parallel_loop3A_390, %parallel_loop3A_398 : vector<16xf32>
      %parallel_loop3A_400 = arith.constant 5.000000e-01 : f32
      %parallel_loop3A_401 = vector.broadcast %parallel_loop3A_400 : f32 to vector<16xf32>
      %parallel_loop3A_402 = arith.mulf %parallel_loop3A_401, %parallel_loop3A_371 : vector<16xf32>
      %parallel_loop3A_403 = arith.mulf %parallel_loop3A_402, %parallel_loop3A_399 : vector<16xf32>
      %parallel_loop3A_404 = arith.mulf %parallel_loop3A_403, %parallel_loop3A_399 : vector<16xf32>
      %parallel_loop3A_405 = arith.constant 1.500000e+00 : f32
      %parallel_loop3A_406 = vector.broadcast %parallel_loop3A_405 : f32 to vector<16xf32>
      %parallel_loop3A_407 = arith.subf %parallel_loop3A_406, %parallel_loop3A_404 : vector<16xf32>
      %parallel_loop3A_408 = arith.mulf %parallel_loop3A_399, %parallel_loop3A_407 : vector<16xf32>
      %parallel_loop3A_409 = arith.mulf %parallel_loop3A_335, %parallel_loop3A_408 : vector<16xf32>
      %parallel_loop3A_410 = arith.mulf %parallel_loop3A_205, %parallel_loop3A_408 : vector<16xf32>
      %parallel_loop3A_411 = arith.subf %parallel_loop3A_410, %parallel_loop3A_409 : vector<16xf32>
      %parallel_loop3A_412 = arith.mulf %parallel_loop3A_411, %get3A_28 : vector<16xf32>
      %parallel_loop3A_413 = arith.addf %parallel_loop3A_412, %get3A_52 : vector<16xf32>
      %parallel_loop3A_414 = arith.index_cast %parallel_loop3A_150 : i32 to index
      %parallel_loop3A_415 = arith.constant 0 : index
      %parallel_loop3A_416 = tpu.vector_load %arg17[%parallel_loop3A_414, %parallel_loop3A_415] {strides = array<i32>} : memref<128x128xf32, #tpu.memory_space<vmem>>, vector<1x16xf32>,
      %parallel_loop3A_417 = vector.shape_cast %parallel_loop3A_416 : vector<1x16xf32> to vector<16xf32>
      %parallel_loop3A_418 = vector.shape_cast %parallel_loop3A_413 : vector<16xf32> to vector<1x16xf32>
      tpu.vector_store %arg17[%parallel_loop3A_414, %parallel_loop3A_415], %parallel_loop3A_418 {strides = array<i32>} : memref<128x128xf32, #tpu.memory_space<vmem>>, vector<1x16xf32>,
      %parallel_loop3A_419 = arith.mulf %parallel_loop3A_216, %parallel_loop3A_408 : vector<16xf32>
      %parallel_loop3A_420 = arith.subf %parallel_loop3A_419, %parallel_loop3A_409 : vector<16xf32>
      %parallel_loop3A_421 = arith.mulf %parallel_loop3A_420, %get3A_31 : vector<16xf32>
      %parallel_loop3A_422 = arith.addf %parallel_loop3A_421, %get3A_55 : vector<16xf32>
      %parallel_loop3A_423 = arith.index_cast %parallel_loop3A_150 : i32 to index
      %parallel_loop3A_424 = arith.constant 16 : index
      %parallel_loop3A_425 = tpu.vector_load %arg17[%parallel_loop3A_423, %parallel_loop3A_424] {strides = array<i32>} : memref<128x128xf32, #tpu.memory_space<vmem>>, vector<1x16xf32>,
      %parallel_loop3A_426 = vector.shape_cast %parallel_loop3A_425 : vector<1x16xf32> to vector<16xf32>
      %parallel_loop3A_427 = vector.shape_cast %parallel_loop3A_422 : vector<16xf32> to vector<1x16xf32>
      tpu.vector_store %arg17[%parallel_loop3A_423, %parallel_loop3A_424], %parallel_loop3A_427 {strides = array<i32>} : memref<128x128xf32, #tpu.memory_space<vmem>>, vector<1x16xf32>,
      %parallel_loop3A_428 = arith.mulf %parallel_loop3A_227, %parallel_loop3A_408 : vector<16xf32>
      %parallel_loop3A_429 = arith.subf %parallel_loop3A_428, %parallel_loop3A_409 : vector<16xf32>
      %parallel_loop3A_430 = arith.mulf %parallel_loop3A_429, %get3A_34 : vector<16xf32>
      %parallel_loop3A_431 = arith.addf %parallel_loop3A_430, %get3A_58 : vector<16xf32>
      %parallel_loop3A_432 = arith.index_cast %parallel_loop3A_150 : i32 to index
      %parallel_loop3A_433 = arith.constant 32 : index
      %parallel_loop3A_434 = tpu.vector_load %arg17[%parallel_loop3A_432, %parallel_loop3A_433] {strides = array<i32>} : memref<128x128xf32, #tpu.memory_space<vmem>>, vector<1x16xf32>,
      %parallel_loop3A_435 = vector.shape_cast %parallel_loop3A_434 : vector<1x16xf32> to vector<16xf32>
      %parallel_loop3A_436 = vector.shape_cast %parallel_loop3A_431 : vector<16xf32> to vector<1x16xf32>
      tpu.vector_store %arg17[%parallel_loop3A_432, %parallel_loop3A_433], %parallel_loop3A_436 {strides = array<i32>} : memref<128x128xf32, #tpu.memory_space<vmem>>, vector<1x16xf32>,
      %parallel_loop3A_437 = arith.mulf %parallel_loop3A_238, %parallel_loop3A_408 : vector<16xf32>
      %parallel_loop3A_438 = arith.subf %parallel_loop3A_437, %parallel_loop3A_409 : vector<16xf32>
      %parallel_loop3A_439 = arith.mulf %parallel_loop3A_438, %get3A_37 : vector<16xf32>
      %parallel_loop3A_440 = arith.addf %parallel_loop3A_439, %get3A_61 : vector<16xf32>
      %parallel_loop3A_441 = arith.index_cast %parallel_loop3A_150 : i32 to index
      %parallel_loop3A_442 = arith.constant 48 : index
      %parallel_loop3A_443 = tpu.vector_load %arg17[%parallel_loop3A_441, %parallel_loop3A_442] {strides = array<i32>} : memref<128x128xf32, #tpu.memory_space<vmem>>, vector<1x16xf32>,
      %parallel_loop3A_444 = vector.shape_cast %parallel_loop3A_443 : vector<1x16xf32> to vector<16xf32>
      %parallel_loop3A_445 = vector.shape_cast %parallel_loop3A_440 : vector<16xf32> to vector<1x16xf32>
      tpu.vector_store %arg17[%parallel_loop3A_441, %parallel_loop3A_442], %parallel_loop3A_445 {strides = array<i32>} : memref<128x128xf32, #tpu.memory_space<vmem>>, vector<1x16xf32>,
      %parallel_loop3A_446 = arith.mulf %parallel_loop3A_249, %parallel_loop3A_408 : vector<16xf32>
      %parallel_loop3A_447 = arith.subf %parallel_loop3A_446, %parallel_loop3A_409 : vector<16xf32>
      %parallel_loop3A_448 = arith.mulf %parallel_loop3A_447, %get3A_40 : vector<16xf32>
      %parallel_loop3A_449 = arith.addf %parallel_loop3A_448, %get3A_64 : vector<16xf32>
      %parallel_loop3A_450 = arith.index_cast %parallel_loop3A_150 : i32 to index
      %parallel_loop3A_451 = arith.constant 64 : index
      %parallel_loop3A_452 = tpu.vector_load %arg17[%parallel_loop3A_450, %parallel_loop3A_451] {strides = array<i32>} : memref<128x128xf32, #tpu.memory_space<vmem>>, vector<1x16xf32>,
      %parallel_loop3A_453 = vector.shape_cast %parallel_loop3A_452 : vector<1x16xf32> to vector<16xf32>
      %parallel_loop3A_454 = vector.shape_cast %parallel_loop3A_449 : vector<16xf32> to vector<1x16xf32>
      tpu.vector_store %arg17[%parallel_loop3A_450, %parallel_loop3A_451], %parallel_loop3A_454 {strides = array<i32>} : memref<128x128xf32, #tpu.memory_space<vmem>>, vector<1x16xf32>,
      %parallel_loop3A_455 = arith.mulf %parallel_loop3A_260, %parallel_loop3A_408 : vector<16xf32>
      %parallel_loop3A_456 = arith.subf %parallel_loop3A_455, %parallel_loop3A_409 : vector<16xf32>
      %parallel_loop3A_457 = arith.mulf %parallel_loop3A_456, %get3A_43 : vector<16xf32>
      %parallel_loop3A_458 = arith.addf %parallel_loop3A_457, %get3A_67 : vector<16xf32>
      %parallel_loop3A_459 = arith.index_cast %parallel_loop3A_150 : i32 to index
      %parallel_loop3A_460 = arith.constant 80 : index
      %parallel_loop3A_461 = tpu.vector_load %arg17[%parallel_loop3A_459, %parallel_loop3A_460] {strides = array<i32>} : memref<128x128xf32, #tpu.memory_space<vmem>>, vector<1x16xf32>,
      %parallel_loop3A_462 = vector.shape_cast %parallel_loop3A_461 : vector<1x16xf32> to vector<16xf32>
      %parallel_loop3A_463 = vector.shape_cast %parallel_loop3A_458 : vector<16xf32> to vector<1x16xf32>
      tpu.vector_store %arg17[%parallel_loop3A_459, %parallel_loop3A_460], %parallel_loop3A_463 {strides = array<i32>} : memref<128x128xf32, #tpu.memory_space<vmem>>, vector<1x16xf32>,
      %parallel_loop3A_464 = arith.mulf %parallel_loop3A_271, %parallel_loop3A_408 : vector<16xf32>
      %parallel_loop3A_465 = arith.subf %parallel_loop3A_464, %parallel_loop3A_409 : vector<16xf32>
      %parallel_loop3A_466 = arith.mulf %parallel_loop3A_465, %get3A_46 : vector<16xf32>
      %parallel_loop3A_467 = arith.addf %parallel_loop3A_466, %get3A_70 : vector<16xf32>
      %parallel_loop3A_468 = arith.index_cast %parallel_loop3A_150 : i32 to index
      %parallel_loop3A_469 = arith.constant 96 : index
      %parallel_loop3A_470 = tpu.vector_load %arg17[%parallel_loop3A_468, %parallel_loop3A_469] {strides = array<i32>} : memref<128x128xf32, #tpu.memory_space<vmem>>, vector<1x16xf32>,
      %parallel_loop3A_471 = vector.shape_cast %parallel_loop3A_470 : vector<1x16xf32> to vector<16xf32>
      %parallel_loop3A_472 = vector.shape_cast %parallel_loop3A_467 : vector<16xf32> to vector<1x16xf32>
      tpu.vector_store %arg17[%parallel_loop3A_468, %parallel_loop3A_469], %parallel_loop3A_472 {strides = array<i32>} : memref<128x128xf32, #tpu.memory_space<vmem>>, vector<1x16xf32>,
      %parallel_loop3A_473 = arith.mulf %parallel_loop3A_282, %parallel_loop3A_408 : vector<16xf32>
      %parallel_loop3A_474 = arith.subf %parallel_loop3A_473, %parallel_loop3A_409 : vector<16xf32>
      %parallel_loop3A_475 = arith.mulf %parallel_loop3A_474, %get3A_49 : vector<16xf32>
      %parallel_loop3A_476 = arith.addf %parallel_loop3A_475, %get3A_73 : vector<16xf32>
      %parallel_loop3A_477 = arith.index_cast %parallel_loop3A_150 : i32 to index
      %parallel_loop3A_478 = arith.constant 112 : index
      %parallel_loop3A_479 = tpu.vector_load %arg17[%parallel_loop3A_477, %parallel_loop3A_478] {strides = array<i32>} : memref<128x128xf32, #tpu.memory_space<vmem>>, vector<1x16xf32>,
      %parallel_loop3A_480 = vector.shape_cast %parallel_loop3A_479 : vector<1x16xf32> to vector<16xf32>
      %parallel_loop3A_481 = vector.shape_cast %parallel_loop3A_476 : vector<16xf32> to vector<1x16xf32>
      tpu.vector_store %arg17[%parallel_loop3A_477, %parallel_loop3A_478], %parallel_loop3A_481 {strides = array<i32>} : memref<128x128xf32, #tpu.memory_space<vmem>>, vector<1x16xf32>,
    } {sc.loop_unroll_factor = 4 : i64, sc.parallel_access}
    %add3A_132 = arith.constant 6272 : i32
    %add3A_133 = arith.addi %mul3A_2, %add3A_132 : i32
    %dma_start3A_134 = arith.constant 0 : i32
    %dma_start3A_135 = tpu.memref_slice %arg9[%add3A_133, %dma_start3A_134] : memref<204800x128xf32, #tpu.memory_space<hbm>> -> memref<128x128xf32, #tpu.memory_space<hbm>>
    %dma_start3A_136 = arith.constant 0 : i32
    %dma_start3A_137 = tpu.memref_slice %arg9[%add3A_133, %dma_start3A_136] : memref<204800x128xf32, #tpu.memory_space<hbm>> -> memref<128x128xf32, #tpu.memory_space<hbm>>
    tpu.enqueue_dma source(%arg17 : memref<128x128xf32, #tpu.memory_space<vmem>>) target(%dma_start3A_137 : memref<128x128xf32, #tpu.memory_space<hbm>>) target_semaphore(%arg23 : memref<!tpu.dma_semaphore, #tpu.memory_space<semaphore_mem>>)
    %add3A_138 = arith.constant 6144 : i32
    %add3A_139 = arith.addi %mul3A_2, %add3A_138 : i32
    %dma_wait3A_140 = arith.constant 0 : i32
    %dma_wait3A_141 = tpu.memref_slice %arg9[%add3A_139, %dma_wait3A_140] : memref<204800x128xf32, #tpu.memory_space<hbm>> -> memref<128x128xf32, #tpu.memory_space<hbm>>
    %dma_wait3A_142 = arith.constant 0 : i32
    %dma_wait3A_143 = tpu.memref_slice %arg9[%add3A_139, %dma_wait3A_142] : memref<204800x128xf32, #tpu.memory_space<hbm>> -> memref<128x128xf32, #tpu.memory_space<hbm>>
    tpu.wait_dma2 semaphore(%arg22 : memref<!tpu.dma_semaphore, #tpu.memory_space<semaphore_mem>>) src(%arg16 : memref<128x128xf32, #tpu.memory_space<vmem>>) dst(%dma_wait3A_143 : memref<128x128xf32, #tpu.memory_space<hbm>>)
    %add3A_144 = arith.constant 6272 : i32
    %add3A_145 = arith.addi %mul3A_2, %add3A_144 : i32
    %dma_wait3A_146 = arith.constant 0 : i32
    %dma_wait3A_147 = tpu.memref_slice %arg9[%add3A_145, %dma_wait3A_146] : memref<204800x128xf32, #tpu.memory_space<hbm>> -> memref<128x128xf32, #tpu.memory_space<hbm>>
    %dma_wait3A_148 = arith.constant 0 : i32
    %dma_wait3A_149 = tpu.memref_slice %arg9[%add3A_145, %dma_wait3A_148] : memref<204800x128xf32, #tpu.memory_space<hbm>> -> memref<128x128xf32, #tpu.memory_space<hbm>>
    tpu.wait_dma2 semaphore(%arg23 : memref<!tpu.dma_semaphore, #tpu.memory_space<semaphore_mem>>) src(%arg17 : memref<128x128xf32, #tpu.memory_space<vmem>>) dst(%dma_wait3A_149 : memref<128x128xf32, #tpu.memory_space<hbm>>)
    return
  }
}

</mosaic_0001>

<sc_bundles>
// kernel: kernel.3.cloned.1.call-start
scs
__scs_entry_jumppad:
0x0: {  	(pc) =	sbr.rel $0x88, $3  }
0x1: {  	(tag) =	ssettag $0x0;
	lr =	simm.s32 $0x1  }
0x2: {  	[smem:$0x3F9A] =	sst lr;
	_ =	strace $0xD0000000  }
0x3: {  	_ = 	snop  }
0x4: {  	_ = 	snop  }
0x5: {  	_ = 	snop  }
0x6: {  	_ = 	snop  }
0x7: {  	_ = 	snop  }
__scs_overlays_trampoline_lowered:
0x8: {  	[smem:$0x3FA9] =	sst s0  }
0x9: {  	[smem:$0x3FAA] =	sst s1  }
0xa: {  	[smem:$0x3FAB] =	sst s2  }
0xb: {  	[smem:$0x3FAC] =	sst s3  }
0xc: {  	[smem:$0x3FAD] =	sst s4  }
0xd: {  	[smem:$0x3FAE] =	sst s5  }
0xe: {  	[smem:$0x3FAF] =	sst s6  }
0xf: {  	[smem:$0x3FB0] =	sst s7  }
0x10: {  	[smem:$0x3FB1] =	sst s8  }
0x11: {  	[smem:$0x3FB2] =	sst s9;
	s0 =	simm.s32 @!p0 $0x0  }
0x12: {  	s1 =	sld [smem:$0x3F98];
	s0 =	simm.s32 @p0 $0x1  }
0x13: {  	[smem:$0x3FB3] =	sst s0;
	s0 =	simm.s32 @!p1 $0x0  }
0x14: {  	s2 =	sld [smem:$0x3F97];
	s0 =	simm.s32 @p1 $0x1  }
0x15: {  	[smem:$0x3FB4] =	sst s0;
	s0 =	simm.s32 @!p2 $0x0  }
0x16: {  	s3 =	sld [smem:$0x3FDB];
	s0 =	simm.s32 @p2 $0x1  }
0x17: {  	s4 =	simm.s32 $0x1BF5;
	[smem:$0x3FB6] =	sst s0  }
0x18: {  	s0 =	sld [smem:$0x3F99];
	_ =	swait.ge [sflag:s4], $0x0  }
0x19: {  	s7 =	sld [smem:$0x3F9A]  }
0x1a: {  	s8 =	sadd.s32 $0xFFFFE003, lr  }
0x1b: {  	s9 =	sadd.s32 $0xFFFFFEF7, lr;
	s5 =	simm.s32 $0xFFFFFFFF;
	p2 =	slt.u32 s8, $0xFFFFF086  }
0x1c: {  	p1 =	slt.u32 s9, $0xF7A;
	s5 =	simm.s32 @!p2 $0x0  }
0x1d: {  	s5 =	simm.s32 @p1 $0x1;
	p0 =	seq.s32 s7, s2  }
0x1e: {  	s7 =	smul.u32 @!p0 $0xF7A, s2;
	p2 =	seq.s32 @!p0 s5, $0x0  }
0x1f: {  	s9 =	smul.u32 $0xF7A, s1;
	s8 =	simm.s32 @!p0 $0x1BF5;
	p2 =	por !p2, p0  }
0x20: {  	[sflag:s8] =	ssyncset.s32 @!p0 $0xFFFFF086;
	s6 =	sadd.s32 @!p0 s3, s7;
	s7 =	simm.s32 @!p0 $0x108  }
0x21: {  	s3 =	sadd.s32 s3, s9;
	s6 =	sadd.s32 @!p0 $0x88, s6;
	s7 =	simm.s32 @p2 $0x1082  }
0x22: {  	[simem:s7], [sflag:s8] =	dma.local @!p0 [hbm:s6], $0xF7A  }
0x23: {  	s9 =	sor.u32 $0xD0000000, s2;
	s6 =	simm.s32 $0x108;
	_ =	swait.ge @!p0 [sflag:s8], $0x0  }
0x24: {  	s3 =	sadd.s32 $0x88, s3;
	s6 =	simm.s32 @!p1 $0x1082;
	[sflag:s4] =	ssyncset.s32 $0xFFFFF086  }
0x25: {  	[simem:s6], [sflag:s4] =	dma.local [hbm:s3], $0xF7A  }
0x26: {  	[smem:$0x3F9A] =	sst s1;
	(tag) =	ssettag s2;
	_ =	strace s9  }
0x27: {  	s1 =	sld [smem:$0x3FAA]  }
0x28: {  	s2 =	sld [smem:$0x3FAB]  }
0x29: {  	s4 =	sld [smem:$0x3FAD]  }
0x2a: {  	p0 =	seq.s32 s5, $0x0;
	s5 =	sld [smem:$0x3FAE]  }
0x2b: {  	s6 =	sld [smem:$0x3FAF]  }
0x2c: {  	s7 =	sld [smem:$0x3FB0]  }
0x2d: {  	s3 =	simm.s32 $0x108;
	s8 =	sld [smem:$0x3FB1]  }
0x2e: {  	s3 =	simm.s32 @!p0 $0x1082;
	s9 =	sld [smem:$0x3FB2]  }
0x2f: {  	lr =	sadd.s32 s0, s3;
	s0 =	sld [smem:$0x3FA9]  }
0x30: {  	s3 =	sld [smem:$0x3FAC]  }
0x31: {  	[smem:$0x3FB5] =	sst s10  }
0x32: {  	s10 =	sld [smem:$0x3FB3];
	_ =	sdelay $0x3  }
0x33: {  	p0 =	seq.s32 s10, $0x1;
	s10 =	sld [smem:$0x3FB5];
	_ =	sdelay $0x3  }
0x34: {  	[smem:$0x3FB5] =	sst s10  }
0x35: {  	s10 =	sld [smem:$0x3FB4];
	_ =	sdelay $0x3  }
0x36: {  	p1 =	seq.s32 s10, $0x1;
	s10 =	sld [smem:$0x3FB5];
	_ =	sdelay $0x3  }
0x37: {  	[smem:$0x3FB5] =	sst s10  }
0x38: {  	s10 =	sld [smem:$0x3FB6]  }
0x39: {  	_ = 	snop;
	(pc) =	sbr.ind lr, $3  }
0x3a: {  	_ = 	snop  }
0x3b: {  	_ = 	snop  }
0x3c: {  	p2 =	seq.s32 s10, $0x1;
	s10 =	sld [smem:$0x3FB5]  }
0x3d: {  	_ =	shalt  }
0x3e: {  	_ =	shalt  }
0x3f: {  	_ =	shalt  }
0x40: {  	_ =	shalt  }
0x41: {  	_ =	shalt  }
0x42: {  	_ =	shalt  }
0x43: {  	_ =	shalt  }
0x44: {  	_ =	shalt  }
0x45: {  	_ =	shalt  }
0x46: {  	_ =	shalt  }
0x47: {  	_ =	shalt  }
0x48: {  	_ =	shalt  }
0x49: {  	_ =	shalt  }
0x4a: {  	_ =	shalt  }
0x4b: {  	_ =	shalt  }
0x4c: {  	_ =	shalt  }
0x4d: {  	_ =	shalt  }
0x4e: {  	_ =	shalt  }
0x4f: {  	_ =	shalt  }
0x50: {  	_ =	shalt  }
0x51: {  	_ =	shalt  }
0x52: {  	_ =	shalt  }
0x53: {  	_ =	shalt  }
0x54: {  	_ =	shalt  }
0x55: {  	_ =	shalt  }
0x56: {  	_ =	shalt  }
0x57: {  	_ =	shalt  }
0x58: {  	_ =	shalt  }
0x59: {  	_ =	shalt  }
0x5a: {  	_ =	shalt  }
0x5b: {  	_ =	shalt  }
0x5c: {  	_ =	shalt  }
0x5d: {  	_ =	shalt  }
0x5e: {  	_ =	shalt  }
0x5f: {  	_ =	shalt  }
0x60: {  	_ =	shalt  }
0x61: {  	_ =	shalt  }
0x62: {  	_ =	shalt  }
0x63: {  	_ =	shalt  }
0x64: {  	_ =	shalt  }
0x65: {  	_ =	shalt  }
0x66: {  	_ =	shalt  }
0x67: {  	_ =	shalt  }
0x68: {  	_ =	shalt  }
0x69: {  	_ =	shalt  }
0x6a: {  	_ =	shalt  }
0x6b: {  	_ =	shalt  }
0x6c: {  	_ =	shalt  }
0x6d: {  	_ =	shalt  }
0x6e: {  	_ =	shalt  }
0x6f: {  	_ =	shalt  }
0x70: {  	_ =	shalt  }
0x71: {  	_ =	shalt  }
0x72: {  	_ =	shalt  }
0x73: {  	_ =	shalt  }
0x74: {  	_ =	shalt  }
0x75: {  	_ =	shalt  }
0x76: {  	_ =	shalt  }
0x77: {  	_ =	shalt  }
0x78: {  	_ =	shalt  }
0x79: {  	_ =	shalt  }
0x7a: {  	_ =	shalt  }
0x7b: {  	_ =	shalt  }
0x7c: {  	_ =	shalt  }
0x7d: {  	_ =	shalt  }
0x7e: {  	_ =	shalt  }
0x7f: {  	_ =	shalt  }
0x80: {  	_ =	shalt  }
0x81: {  	_ =	shalt  }
0x82: {  	_ =	shalt  }
0x83: {  	_ =	shalt  }
0x84: {  	_ =	shalt  }
0x85: {  	_ =	shalt  }
0x86: {  	_ =	shalt  }
0x87: {  	_ =	shalt  }
.Lfunc_end0:
.L_simem_size_0:
called_computation_lowered:
.L_overlay_start_0:
0x88: {  	s2 =	sld [smem:$0x3FD9]  }
0x89: {  	s3 =	sld [smem:$0x3FFE];
	_ =	sdelay $0x1  }
0x8a: {  	s1 =	srdreg.scid  }
0x8b: {  	s0 =	sand.u32 $0x1, s1  }
0x8c: {  	s17 =	sshll.u32 s0, $0xA;
	s2 =	sadd.s32 s3, s2  }
0x8d: {  	s2 =	sadd.s32 s2, s17  }
0x8e: {  	[smem:$0x3FC1] =	sst s2  }
0x8f: {  	_ = 	snop  }
0x90: {  	s2 =	sld [smem:$0x3FC7]  }
0x91: {  	s18 =	sld [smem:$0x3FC4]  }
0x92: {  	s4 =	sld [smem:$0x3FC3]  }
0x93: {  	s5 =	sld [smem:$0x3FD0];
	(tm) =	ssettm $0x1  }
0x94: {  	s6 =	sld [smem:$0x3FFB];
	_ =	sdelay $0x3  }
0x95: {  	_ =	strace s6  }
0x96: {  	s6 =	sld [smem:$0x3FFC];
	_ =	sdelay $0x3  }
0x97: {  	_ =	strace s6  }
0x98: {  	s6 =	sld [smem:$0x3FFD];
	_ =	sdelay $0x3  }
0x99: {  	_ =	strace s6  }
0x9a: {  	_ =	strace $0x8FFFFFFF  }
0x9b: {  	s19 =	sld [smem:$0x3FDB];
	_ =	sdelay $0x1  }
0x9c: {  	s7 =	simm.s32 $_scs_section_size  }
0x9d: {  	s8 =	simm.s32 $_size__tile_overlayer_lowered;
	s9 =	simm.s32 $_tile_overlayer_lowered  }
0x9e: {  	s22 =	simm.s32 $0x1BFF;
	s21 =	sshll.u32 s9, $0x1;
	s6 =	sadd.s32 s7, s19  }
0x9f: {  	s10 =	simm.s32 $0x0;
	s20 =	sshll.u32 s8, $0x1;
	s8 =	sadd.s32 s21, s6  }
0xa0: {  	[timem:s10], [sflag:s22] =	dma.local [hbm:s8], s20  }
0xa1: {  	_ =	swait.ge [sflag:s22], s20  }
0xa2: {  	s7 =	ssub.s32 $0x0, s20;
	[sflag:s22] =	ssyncset.done $0x0  }
0xa3: {  	[sflag:s22] =	ssyncadd.s32 s7;
	_ =	sdelay $0x1  }
0xa4: {  	s23 =	simm.s32 $0x1B8B  }
0xa5: {  	_ =	swait.ge [sflag:s23], $0x1  }
0xa6: {  	[sflag:s23] =	ssyncset.done $0x0  }
0xa7: {  	s25 =	simm.s32 $0x1B8E;
	s24 =	sld [smem:$0x3FFE];
	[sflag:s23] =	ssyncadd.s32 $0xFFFFFFFF  }
0xa8: {  	s26 =	simm.s32 $execute0_lowered;
	[smem:$0x3FD2] =	sst s25  }
0xa9: {  	s8 =	sshll.u32 s26, $0x1;
	_ =	strace $0x80000046;
	[dreg:$0x1] =	wrdreg $0xFFFFFFFF  }
0xaa: {  	s28 =	simm.s32 $_size_execute0_lowered;
	s6 =	sadd.s32 s6, s8;
	[dreg:$0x0] =	wrdreg $0x0  }
0xab: {  	s8 =	sshll.u32 s28, $0x1;
	[dreg:$0x2] =	wrdreg s6  }
0xac: {  	[dreg:$0x3] =	wrdreg s8  }
0xad: {  	[dreg:$0x4] =	wrdreg $0xC0  }
0xae: {  	_ =	task [dreg:s10], $0x5FFFF  }
0xaf: {  	[dreg:$0x1] =	wrdreg $0xFFFFFFFF  }
0xb0: {  	[dreg:$0x0] =	wrdreg $0x60  }
0xb1: {  	[dreg:$0x2] =	wrdreg s24  }
0xb2: {  	[dreg:$0x3] =	wrdreg s18  }
0xb3: {  	[dreg:$0x4] =	wrdreg s4  }
0xb4: {  	[dreg:$0x5] =	wrdreg s2  }
0xb5: {  	[dreg:$0x6] =	wrdreg s5  }
0xb6: {  	[dreg:$0x7] =	wrdreg $0x9  }
0xb7: {  	_ =	task.clear_ibuf [dreg:s10], $0x8FFFF;
	_ =	strace $0x90000046  }
0xb8: {  	s29 =	simm.s32 $0x9;
	_ =	strace $0x80000048  }
0xb9: {  	_ =	swait.ge [sflag:s29], $0x1  }
0xba: {  	[sflag:s29] =	ssyncadd.s32 $0xFFFFFFFF  }
0xbb: {  	_ =	strace $0x90000048  }
0xbc: {  	_ =	sfence  }
0xbd: {  	s30 =	sld [smem:$0x0];
	_ =	sdelay $0x2  }
0xbe: {  	s31 =	sshll.u32 s1, $0xD;
	s1 =	sshrl.u32 s1, $0x2  }
0xbf: {  	s3 =	sand.u32 $0x4000, s31;
	s1 =	sadd.s32 s1, s30  }
0xc0: {  	s0 =	sor.u32 s3, s0;
	s1 =	sshll.u32 s1, $0x11  }
0xc1: {  	s0 =	sor.u32 s1, s0  }
0xc2: {  	s0 =	sadd.s32 $0x8F2B, s0  }
0xc3: {  	[sflag:s0] =	ssyncadd.remote.s32 $0x1  }
0xc4: {  	_ =	sfence.sel $0xFFFF  }
0xc5: {  	[dreg:$0x0] =	wrdreg $0xFFFFFFFF;
	(pc) =	sbr.abs _section_cstart, $3  }
0xc6: {  	[dreg:$0x1] =	wrdreg $0xFFFFFFFF  }
0xc7: {  	_ =	task.clear_ibuf [dreg:s10], $0x2FFFF;
	_ =	strace $0x9FFFFFFF  }
0xc8: {  	(tm) =	ssettm $0x7FFFFFFF  }
0xc9: {  	_ =	shalt  }
tec
execute0_lowered:
.L_overlay_start_1:
0x0: {  	(tag) =	ssettag $0x1  }
0x1: {  	s0 =	rddreg [dreg:$0x0]  }
0x2: {  	s1 =	srdreg.scid;
	s25 =	rddreg [dreg:$0x3]  }
0x3: {  	s4 =	stileid.u32;
	s26 =	rddreg [dreg:$0x4];
	s6 =	simm.s32 $0x0  }
0x4: {  	s30 =	simm.s32 $0x80;
	s28 =	simm.s32 $0x2;
	s7 =	smul.u32 $0x3200, s4  }
0x5: {  	s1 =	sand.u32 $0x1, s1;
	s2 =	sshll.u32 s4, $0x1;
	s12 =	smul.u32 $0x190000, s4  }
0x6: {  	[smem:$0x7FF] =	sst s6;
	s5 =	sadd.s32 $0xE600, s0;
	s9 =	smul.u32 $0x1900, s1  }
0x7: {  	s2 =	sor.u32 s1, s2;
	s10 =	ssub.s32 $0x2, s1;
	s1 =	smul.u32 $0xC8000, s1  }
0x8: {  	_ =	strace $0x80000047;
	[dreg:$0x6] =	wrdreg s5;
	s3 =	smul.u32 $0x380, s2  }
0x9: {  	s8 =	smul.u32 $0x1900, s2;
	s5 =	sadd.s32 s9, s7;
	s17 =	sadd.s32 s1, s12  }
0xa: {  	s3 =	sadd.s32 s3, s0;
	s0 =	sadd.s32 $0x400, s0;
	[dreg:$0x8] =	wrdreg s5  }
0xb: {  	s11 =	sshrl.u32 s10, $0x1;
	s19 =	sor.u32 $0x180, s17;
	[dreg:$0x7] =	wrdreg s0  }
0xc: {  	s2 =	sshll.u32 s8, $0x4;
	s20 =	sor.u32 $0x80, s5;
	[dreg:$0xe] =	wrdreg s19  }
0xd: {  	s9 =	sadd.s32 $0x1800, s5;
	s22 =	sor.u32 $0x4180, s17;
	[dreg:$0xf] =	wrdreg s20  }
0xe: {  	v0 =	vimm.s32 $0xEFCDAB89;
	s16 =	sadd.s32 $0x1880, s5;
	s23 =	sadd.s32 $0x100, s5;
	[dreg:$0x10] =	wrdreg s22  }
0xf: {  	v1 =	vimm.s32 $0x67452301;
	v2 =	vimm.s32 $0xDCFE98BA;
	s24 =	sadd.s32 $0x8180, s17;
	s13 =	sadd.s32 $0x600, s3;
	[dreg:$0x11] =	wrdreg s23  }
0x10: {  	v3 =	vimm.s32 $0x54761032;
	v4 =	vimm.s32 $0xBA98FEDC;
	s2 =	sadd.s32 s26, s2;
	s9 =	smulhi.u32 $0x147AE15, s9;
	[dreg:$0x12] =	wrdreg s24  }
0x11: {  	v5 =	vimm.s32 $0x32107654;
	v6 =	vimm.s32 $0xFEDCBA98;
	s3 =	sadd.s32 $0x7600, s3;
	s0 =	ssub.s32 s10, s11;
	[dreg:$0x9] =	wrdreg s13  }
0x12: {  	v7 =	vimm.s32 $0x76543210;
	v0 =	vunpack.c.l.s4.s8 v0;
	v1 =	vunpack.c.l.s4.s8 v1;
	[dreg:$0xa] =	wrdreg s3;
	s14 =	sadd.s32 $0x18000, s2;
	s3 =	smulhi.u32 $0x147AE15, s16  }
0x13: {  	v2 =	vunpack.c.l.s4.s8 v2;
	v3 =	vunpack.c.l.s4.s8 v3;
	v4 =	vunpack.c.l.s4.s8 v4;
	s2 =	sadd.s32 $0x18800, s2;
	[dreg:$0xb] =	wrdreg s14;
	s15 =	smul.u32 $0xC8, s9  }
0x14: {  	v5 =	vunpack.c.l.s4.s8 v5;
	v6 =	vunpack.c.l.s4.s8 v6;
	v7 =	vunpack.c.l.s4.s8 v7;
	s0 =	smax.u32 s0, $0x1;
	[dreg:$0xc] =	wrdreg s2;
	s18 =	smul.u32 $0x6400, s9  }
0x15: {  	s29 =	simm.s32 $0x4;
	v0 =	vunpack.c.0.s8.s32 v0;
	v1 =	vunpack.c.0.s8.s32 v1;
	v2 =	vunpack.c.0.s8.s32 v2;
	[dreg:$0xd] =	wrdreg s0;
	s21 =	smul.u32 $0xC8, s3  }
0x16: {  	v3 =	vunpack.c.0.s8.s32 v3;
	v4 =	vunpack.c.0.s8.s32 v4;
	v5 =	vunpack.c.0.s8.s32 v5;
	s3 =	smul.u32 $0x6400, s3;
	s11 =	ssub.s32 s5, s15;
	s1 =	ssub.s32 s17, s18  }
0x17: {  	s31 =	simm.s32 $0x5;
	v0 =	vcombine.low v1, v0;
	v1 =	vunpack.c.0.s8.s32 v6;
	s1 =	sadd.s32 $0xB9D80, s1;
	[dreg:$0x13] =	wrdreg s11  }
0x18: {  	v2 =	vcombine.low v3, v2;
	v3 =	vcombine.low v5, v4;
	v4 =	vunpack.c.0.s8.s32 v7;
	s12 =	ssub.s32 s5, s21;
	s0 =	ssub.s32 s17, s3;
	[dreg:$0x14] =	wrdreg s1  }
0x19: {  	s23 =	simm.s32 $0xDD80;
	v0 =	vand.u32 $0xF, v0;
	v5 =	vand.u32 $0xF, v1;
	s0 =	sadd.s32 $0xBDD80, s0;
	[dreg:$0x15] =	wrdreg s12  }
0x1a: {  	v1 =	vand.u32 $0xF, v2;
	v2 =	vand.u32 $0xF, v3;
	s2 =	simm.s32 $0x1;
	v3 =	vcombine.low v5, v4;
	s1 =	simm.s32 $0x0;
	[dreg:$0x16] =	wrdreg s0  }
.LBB2_1:
0x1b: {  	[dreg:$0x17] =	wrdreg s1  }
0x1c: {  	s0 =	rddreg [dreg:$0x9];
	s13 =	simm.s32 $0x7  }
0x1d: {  	[tilespmem:s6], [sflag:$0x7] =	stream.linear.gather [hbm4b:s0+s6], $0x1900, $0x38;
	[tilespmem:$0x15D80] =	vst v63  }
0x1e: {  	_ =	swait.ge [sflag:s13], $0x1900  }
0x1f: {  	[sflag:s13] =	ssyncset.done $0x0  }
0x20: {  	s3 =	simm.s32 $0x1C00;
	s14 =	rddreg [dreg:$0xa];
	[sflag:s13] =	ssyncadd.s32 $0xFFFFE700  }
0x21: {  	[tilespmem:s3], [sflag:$0x7] =	stream.linear.gather [hbm4b:s14+s6], $0x1900, $0x38;
	[tilespmem:$0x15D80] =	vst v63  }
0x22: {  	_ =	swait.ge [sflag:s13], $0x1900  }
0x23: {  	[sflag:s13] =	ssyncset.done $0x0  }
0x24: {  	s16 =	simm.s32 $0x3800;
	s15 =	rddreg [dreg:$0x6];
	[sflag:s13] =	ssyncadd.s32 $0xFFFFE700  }
0x25: {  	[tilespmem:s16], [sflag:$0x7] =	stream.linear.gather [hbm4b:s15+s6], $0x6400, $0x38;
	[tilespmem:$0x15D80] =	vst v63  }
0x26: {  	_ =	swait.ge [sflag:s13], $0x6400  }
0x27: {  	[sflag:s13] =	ssyncset.done $0x0  }
0x28: {  	s18 =	simm.s32 $0x9C00;
	s17 =	rddreg [dreg:$0x7];
	[sflag:s13] =	ssyncadd.s32 $0xFFFF9C00  }
0x29: {  	[tilespmem:s18], [sflag:$0x7] =	stream.linear.gather [hbm4b:s17+s6], $0x80, $0x38;
	[tilespmem:$0x15D80] =	vst v63  }
0x2a: {  	_ =	swait.ge [sflag:s13], $0x80  }
0x2b: {  	[sflag:s13] =	ssyncset.done $0x0  }
0x2c: {  	[sflag:s13] =	ssyncadd.s32 $0xFFFFFF80  }
0x2d: {  	s20 =	simm.s32 $0x9C80;
	s19 =	rddreg [dreg:$0x1]  }
0x2e: {  	[tilespmem:s20], [sflag:$0x7] =	stream.linear.gather [hbm4b:s19+s6], $0x80, $0x38;
	[tilespmem:$0x15D80] =	vst v63  }
0x2f: {  	_ =	swait.ge [sflag:s13], $0x80  }
0x30: {  	[sflag:s13] =	ssyncset.done $0x0  }
0x31: {  	[sflag:s13] =	ssyncadd.s32 $0xFFFFFF80  }
0x32: {  	s22 =	simm.s32 $0x9D00;
	s21 =	rddreg [dreg:$0x2]  }
0x33: {  	[tilespmem:s22], [sflag:$0x7] =	stream.linear.gather [hbm4b:s21+s6], $0x80, $0x38;
	[tilespmem:$0x15D80] =	vst v63  }
0x34: {  	_ =	swait.ge [sflag:s13], $0x80  }
0x35: {  	[sflag:s13] =	ssyncset.done $0x0  }
0x36: {  	[sflag:s13] =	ssyncadd.s32 $0xFFFFFF80  }
0x37: {  	v63 =	vld [tilespmem:$0x9C00]  }
0x38: {  	v28 =	vld [tilespmem:$0x9C10]  }
0x39: {  	v29 =	vld [tilespmem:$0x9C20]  }
0x3a: {  	v35 =	vld [tilespmem:$0x9C30]  }
0x3b: {  	v36 =	vld [tilespmem:$0x9C40]  }
0x3c: {  	v37 =	vld [tilespmem:$0x9C50]  }
0x3d: {  	v38 =	vld [tilespmem:$0x9C60]  }
0x3e: {  	v39 =	vld [tilespmem:$0x9C70]  }
0x3f: {  	v40 =	vld [tilespmem:$0x9C80]  }
0x40: {  	v41 =	vld [tilespmem:$0x9C90]  }
0x41: {  	v42 =	vld [tilespmem:$0x9CA0]  }
0x42: {  	v43 =	vld [tilespmem:$0x9CB0]  }
0x43: {  	v44 =	vld [tilespmem:$0x9CC0]  }
0x44: {  	v61 =	vld [tilespmem:$0x9CD0]  }
0x45: {  	v45 =	vld [tilespmem:$0x9CE0]  }
0x46: {  	v32 =	vld [tilespmem:$0x9CF0]  }
0x47: {  	v30 =	vld [tilespmem:$0x9D00]  }
0x48: {  	v14 =	vld [tilespmem:$0x9D10]  }
0x49: {  	v60 =	vld [tilespmem:$0x9D20]  }
0x4a: {  	v12 =	vld [tilespmem:$0x9D30]  }
0x4b: {  	v9 =	vld [tilespmem:$0x9D40]  }
0x4c: {  	v10 =	vld [tilespmem:$0x9D50]  }
0x4d: {  	s24 =	simm.s32 $0x9D80;
	v46 =	vld [tilespmem:$0x9D60]  }
0x4e: {  	v47 =	vld [tilespmem:$0x9D70];
	[tilespmem:s24], [sflag:$0x1] =	stream.indirect.gather [hbm4b:s25+s30], $0x80, s6, s30, $0xb8  }
0x4f: {  	_ = 	snop  }
0x50: {  	[tilespmem:s23], [sflag:$0x2] =	stream.indirect.gather [hbm4b:s25+s30], $0x80, s30, s30, $0xb8;
	[tilespmem:$0x15D80] =	vst v63  }
0x51: {  	[tilespmem:$0x1FF40] =	vst v63  }
0x52: {  	[tilespmem:$0x1FF50] =	vst v28  }
0x53: {  	[tilespmem:$0x1FF60] =	vst v40  }
0x54: {  	[tilespmem:$0x1FF70] =	vst v41  }
0x55: {  	[tilespmem:$0x1FF80] =	vst v42  }
0x56: {  	[tilespmem:$0x1FF90] =	vst v43  }
0x57: {  	s20 =	rddreg [dreg:$0x12];
	[tilespmem:$0x1FFA0] =	vst v44  }
0x58: {  	s19 =	rddreg [dreg:$0x11];
	[tilespmem:$0x1FFB0] =	vst v61  }
0x59: {  	s18 =	rddreg [dreg:$0x10];
	[tilespmem:$0x1FFC0] =	vst v45  }
0x5a: {  	s17 =	rddreg [dreg:$0xf];
	[tilespmem:$0x1FFD0] =	vst v32  }
0x5b: {  	s21 =	rddreg [dreg:$0xe];
	[tilespmem:$0x1FFE0] =	vst v46  }
0x5c: {  	s14 =	simm.s32 $0x0;
	s10 =	rddreg [dreg:$0x8];
	[tilespmem:$0x1FFF0] =	vst v47  }
.LBB2_2:
0x5d: {  	s0 =	smulhi.u32 $0x51EB851F, s19  }
0x5e: {  	s7 =	smulhi.u32 $0x51EB851F, s17  }
0x5f: {  	s9 =	smulhi.u32 $0x51EB851F, s10  }
0x60: {  	s15 =	smul.u32 $0x180, s14;
	s0 =	sshrl.u32 s0, $0x6  }
0x61: {  	s3 =	smov.u32 s26;
	s30 =	smov.u32 s25;
	s1 =	smul.u32 $0xC8, s0  }
0x62: {  	_ =	swait.ge [sflag:s2], $0x4000;
	s24 =	sshrl.u32 s7, $0x6;
	s13 =	smul.u32 $0xFFFF9C00, s0  }
0x63: {  	s23 =	simm.s32 $0xFFFFFFFC;
	s9 =	sshrl.u32 s9, $0x6;
	s7 =	smul.u32 $0xC8, s24  }
0x64: {  	s16 =	smov.u32 s21;
	[sflag:s2] =	ssyncset.done $0x0;
	s25 =	smul.u32 $0xC8, s9  }
0x65: {  	[sflag:s2] =	ssyncadd.s32 $0xFFFFC000;
	s26 =	sadd.s32 $0x1C00, s15;
	s22 =	smul.u32 $0xFFFF9C00, s24  }
0x66: {  	v16 =	vmov v29;
	s9 =	smul.u32 $0xFFFF9C00, s9;
	v4 =	vmov s26;
	s12 =	ssub.s32 s10, s1;
	s11 =	ssub.s32 s10, s7  }
0x67: {  	v17 =	vmovc v35;
	v18 =	vmovc v36;
	v19 =	vmov v37;
	v20 =	vmov v38;
	v21 =	vmov v39;
	[tilespmem:$0x1FF30] =	vst v4;
	s24 =	ssub.s32 s10, s25;
	s7 =	sadd.s32 s8, s15;
	s25 =	simm.s32 $0x9E80  }
.LBB2_3:
0x68: {  	v4 =	vld [tilespmem:$0x1FF30];
	_ =	sdelay $0x4  }
0x69: {  	v29 =	vld [tilespmem:s25+$0xFFFFFF00]  }
0x6a: {  	s1 =	sadd.s32 s23, s24;
	s0 =	sadd.s32 $0x4, s23;
	v31 =	vld [tilespmem:s25+$0xFFFFFF10]  }
0x6b: {  	v33 =	vld [tilespmem:s25+$0xFFFFFF20];
	s26 =	sadd.s32 $0x4, s1;
	s4 =	sand.u32 $0x70, s0  }
0x6c: {  	s5 =	simm.s32 $0xFFFF9A80;
	p0 =	sgt.u32 s26, $0xC7;
	v50 =	vld.idx.msk [tilespmem:v4+s4+$0x0 ss:$0x1], $0xffff  }
0x6d: {  	v36 =	vld [tilespmem:s25+$0xFFFFFF30];
	s26 =	sadd.s32 s16, s9;
	s5 =	simm.s32 @!p0 $0xFFFFFE80  }
0x6e: {  	v62 =	vld [tilespmem:s25+$0xFFFFFF40];
	s5 =	sadd.s32 s5, s26  }
0x6f: {  	v23 =	vmov v30;
	v30 =	vld [tilespmem:s5+$0x3800];
	s4 =	sand.u32 $0xC, s0  }
0x70: {  	v32 =	vld [tilespmem:s5+$0x3810];
	v34 =	vmov s4  }
0x71: {  	v35 =	vld [tilespmem:s5+$0x3820];
	v34 =	vperm.xlane v50, v34  }
0x72: {  	v40 =	vld [tilespmem:s25+$0xFFFFFF50]  }
0x73: {  	v42 =	vld [tilespmem:s5+$0x3850];
	v38 =	vcvt.s32.f32 v34  }
0x74: {  	v37 =	vld [tilespmem:s5+$0x3830];
	v29 =	vadd.f32 v30, v29  }
0x75: {  	v30 =	vld [tilespmem:s5+$0x3840];
	v31 =	vadd.f32 v32, v31;
	v39 =	vmul.f32 v38, v63;
	v6 =	vmul.f32 v38, v28  }
0x76: {  	v7 =	vld [tilespmem:s25+$0xFFFFFF60];
	v35 =	vadd.f32 v35, v33;
	v41 =	vmul.f32 v38, v16  }
0x77: {  	v46 =	vld [tilespmem:s5+$0x3860];
	v33 =	vadd.f32 v29, v39;
	v32 =	vadd.f32 v31, v6  }
0x78: {  	v53 =	vld [tilespmem:s5+$0x3870];
	v40 =	vadd.f32 v42, v40;
	s5 =	sadd.s32 $0x5, s1;
	v45 =	vmul.f32 v38, v17;
	v31 =	vadd.f32 v35, v41  }
0x79: {  	v51 =	vld [tilespmem:s25+$0xFFFFFF70];
	s4 =	simm.s32 $0xFFFF9B00;
	p0 =	sgt.u32 s5, $0xC7;
	v47 =	vmul.f32 v38, v18;
	v29 =	vadd.f32 v37, v36;
	v48 =	vadd.f32 v32, v33  }
0x7a: {  	s4 =	simm.s32 @!p0 $0xFFFFFF00;
	v34 =	vadd.f32 v30, v62;
	v49 =	vmul.f32 v33, v33;
	v43 =	vmul.f32 v32, v32  }
0x7b: {  	v59 =	vld [tilespmem:s25+$0xFFFFFF80];
	s4 =	sadd.s32 s4, s26;
	v55 =	vmul.f32 v38, v19;
	v30 =	vadd.f32 v29, v45;
	v52 =	vadd.f32 v31, v48  }
0x7c: {  	v62 =	vld [tilespmem:s4+$0x3800];
	v36 =	vadd.f32 v46, v7;
	v54 =	vmul.f32 v31, v31;
	v35 =	vadd.f32 v43, v49  }
0x7d: {  	v44 =	vmul.f32 v38, v20;
	v7 =	vld [tilespmem:s25+$0xFFFFFF90];
	v29 =	vadd.f32 v34, v47;
	v56 =	vadd.f32 v30, v52  }
0x7e: {  	s5 =	sadd.s32 $0x5, s23;
	v37 =	vadd.f32 v53, v51;
	v46 =	vld [tilespmem:s4+$0x3820];
	v45 =	vmul.f32 v30, v30;
	v42 =	vadd.f32 v54, v35  }
0x7f: {  	s5 =	sand.u32 $0xD, s5;
	v38 =	vmul.f32 v38, v21;
	v34 =	vadd.f32 v40, v55;
	v48 =	vld [tilespmem:s25+$0xFFFFFFB0];
	v39 =	vadd.f32 v29, v56  }
0x80: {  	v53 =	vmov s5;
	v58 =	vmul.f32 v29, v29;
	v52 =	vld [tilespmem:s4+$0x3810];
	v57 =	vadd.f32 v45, v42  }
0x81: {  	v35 =	vadd.f32 v36, v44;
	v54 =	vld [tilespmem:s25+$0xFFFFFFA0];
	v44 =	vperm.xlane v50, v53;
	v39 =	vadd.f32 v34, v39  }
0x82: {  	v61 =	vmul.f32 v34, v34;
	v36 =	vadd.f32 v37, v38;
	v56 =	vld [tilespmem:s4+$0x3830];
	v40 =	vadd.f32 v58, v57  }
0x83: {  	v44 =	vcvt.s32.f32 v44;
	v6 =	vadd.f32 v35, v39  }
0x84: {  	v41 =	vld [tilespmem:s25+$0xFFFFFFC0];
	v51 =	vmul.f32 v35, v35;
	v55 =	vmul.f32 v36, v36;
	v49 =	vadd.f32 v61, v40  }
0x85: {  	v57 =	vadd.f32 v62, v59;
	v58 =	vmul.f32 v44, v63;
	v61 =	vld [tilespmem:s4+$0x3840];
	v37 =	vadd.f32 v36, v6  }
0x86: {  	v59 =	vmul.f32 v44, v28;
	v38 =	vadd.f32 v52, v7;
	v52 =	vld [tilespmem:s25+$0xFFFFFFD0];
	v39 =	vadd.f32 v51, v49  }
0x87: {  	v45 =	vadd.f32 v46, v54;
	v40 =	vadd.f32 v56, v48;
	v6 =	vld [tilespmem:s4+$0x3850];
	v47 =	vperm.xlane v37, v0  }
0x88: {  	v7 =	vld [tilespmem:s25+$0xFFFFFFE0];
	v56 =	vmul.f32 v44, v17;
	v49 =	vadd.f32 v55, v39;
	v39 =	vadd.f32 v57, v58  }
0x89: {  	v62 =	vmul.f32 v44, v16;
	v57 =	vld [tilespmem:s4+$0x3860];
	v47 =	vadd.f32 v37, v47;
	v37 =	vadd.f32 v38, v59  }
0x8a: {  	v40 =	vadd.f32 v40, v56;
	v41 =	vadd.f32 v61, v41;
	v53 =	vperm.xlane v49, v0  }
0x8b: {  	v38 =	vadd.f32 v45, v62;
	v51 =	vperm.xlane v47, v1;
	v58 =	vadd.f32 v37, v39  }
0x8c: {  	v59 =	vmul.f32 v44, v18;
	v42 =	vadd.f32 v6, v52;
	v49 =	vadd.f32 v53, v49  }
0x8d: {  	v61 =	vld [tilespmem:s25+$0xFFFFFFF0];
	v6 =	vmul.f32 v44, v19;
	v47 =	vadd.f32 v47, v51;
	v51 =	vadd.f32 v38, v58  }
0x8e: {  	v62 =	vld [tilespmem:s4+$0x3870];
	v41 =	vadd.f32 v41, v59;
	v59 =	vmul.f32 v38, v38;
	v45 =	vadd.f32 v57, v7  }
0x8f: {  	v7 =	vmul.f32 v44, v20;
	v57 =	vmul.f32 v39, v39;
	v51 =	vadd.f32 v40, v51  }
0x90: {  	v42 =	vadd.f32 v42, v6;
	v56 =	vperm.xlane v49, v1;
	v58 =	vmul.f32 v37, v37  }
0x91: {  	v44 =	vmul.f32 v44, v21;
	v43 =	vadd.f32 v45, v7;
	v51 =	vadd.f32 v41, v51  }
0x92: {  	v54 =	vperm.xlane v47, v2;
	v49 =	vadd.f32 v56, v49;
	v45 =	vadd.f32 v58, v57  }
0x93: {  	v6 =	vmul.f32 v40, v40;
	v46 =	vadd.f32 v62, v61;
	v51 =	vadd.f32 v42, v51  }
0x94: {  	v47 =	vadd.f32 v47, v54;
	v62 =	vperm.xlane v49, v2;
	v45 =	vadd.f32 v59, v45  }
0x95: {  	s5 =	sadd.s32 $0x6, s1;
	v56 =	vmul.f32 v41, v41;
	v44 =	vadd.f32 v46, v44;
	v61 =	vadd.f32 v43, v51  }
0x96: {  	v27 =	vmovc v9;
	v9 =	vld [tilespmem:s25+$0xB0];
	p0 =	sgt.u32 s5, $0xC7;
	s4 =	simm.s32 $0xFFFF9B80;
	v7 =	vperm.xlane v47, v3;
	v49 =	vadd.f32 v62, v49;
	v45 =	vadd.f32 v6, v45  }
0x97: {  	v48 =	vld [tilespmem:s25+$0x20];
	s4 =	simm.s32 @!p0 $0xFFFFFF80;
	v59 =	vmul.f32 v42, v42;
	v46 =	vadd.f32 v44, v61  }
0x98: {  	v53 =	vld [tilespmem:s25+$0x0];
	s4 =	sadd.s32 s4, s26;
	v47 =	vadd.f32 v47, v7;
	v58 =	vperm.xlane v49, v3;
	v45 =	vadd.f32 v56, v45  }
0x99: {  	s5 =	sadd.s32 $0x6, s23;
	v54 =	vld [tilespmem:s4+$0x3810];
	v6 =	vmul.f32 v43, v43;
	v57 =	vperm.xlane v46, v0  }
0x9a: {  	s5 =	sand.u32 $0xE, s5;
	v61 =	vmul.f32 $7.812500000e-03, v47;
	v47 =	vld [tilespmem:s4+$0x3800];
	v49 =	vadd.f32 v58, v49;
	v45 =	vadd.f32 v59, v45  }
0x9b: {  	v62 =	vmov s5;
	v51 =	vld [tilespmem:s25+$0x10];
	v56 =	vmul.f32 v44, v44;
	v46 =	vadd.f32 v46, v57  }
0x9c: {  	v58 =	vld [tilespmem:s4+$0x3830];
	v49 =	vmul.f32 $7.812500000e-03, v49;
	v55 =	vmul.f32 v61, v61;
	v45 =	vadd.f32 v6, v45  }
0x9d: {  	s23 =	sadd.s32 $0x7, s23;
	v52 =	vperm.xlane v50, v62;
	v57 =	vld [tilespmem:s4+$0x3820];
	v7 =	vperm.xlane v46, v1  }
0x9e: {  	s1 =	sadd.s32 $0x7, s1;
	v8 =	vmov s23;
	v49 =	vsub.f32 v49, v55;
	v55 =	vld [tilespmem:s25+$0x30];
	v45 =	vadd.f32 v56, v45  }
0x9f: {  	p0 =	sgt.u32 s1, $0xC7;
	s1 =	sadd.s32 $0xFFFF9C00, s26;
	v52 =	vcvt.s32.f32 v52;
	v47 =	vadd.f32 v47, v53;
	v53 =	vld [tilespmem:s4+$0x3840];
	v46 =	vadd.f32 v46, v7  }
0xa0: {  	v8 =	vperm.xlane v50, v8;
	s26 =	smov.u32 @p0 s1;
	v59 =	vadd.f32 $9.999999960e-13, v49;
	v49 =	vld [tilespmem:s25+$0x40];
	v7 =	vperm.xlane v45, v0  }
0xa1: {  	v25 =	vmov v60;
	v50 =	vld [tilespmem:s26+$0x3830];
	v60 =	vmul.f32 v52, v63;
	v6 =	vperm.xlane v46, v2  }
0xa2: {  	v62 =	vld [tilespmem:s25+$0x50];
	v51 =	vadd.f32 v54, v51;
	v54 =	vmul.f32 v52, v28;
	v63 =	vadd.f32 v7, v45  }
0xa3: {  	v56 =	vadd.f32 v46, v6;
	v6 =	vadd.f32 v57, v48;
	v57 =	vld [tilespmem:s4+$0x3850]  }
0xa4: {  	v7 =	vmul.f32 v52, v16;
	v46 =	vadd.f32 v47, v60;
	v47 =	vadd.f32 v51, v54;
	v51 =	vld [tilespmem:s25+$0x60]  }
0xa5: {  	v49 =	vadd.f32 v53, v49;
	v53 =	vmul.f32 v52, v18;
	v60 =	vadd.f32 v58, v55;
	v55 =	vld [tilespmem:s4+$0x3860]  }
0xa6: {  	v9 =	vadd.f32 v50, v9;
	v45 =	vadd.f32 v6, v7;
	v6 =	vmul.f32 v52, v17  }
0xa7: {  	v8 =	vcvt.s32.f32 v8;
	v49 =	vadd.f32 v49, v53;
	v58 =	vadd.f32 v47, v46  }
0xa8: {  	v7 =	vmul.f32 v46, v46;
	v48 =	vadd.f32 v60, v6;
	v6 =	vmul.f32 v47, v47  }
0xa9: {  	v28 =	vmul.f32 v52, v19;
	v53 =	vld [tilespmem:s25+$0x70];
	v58 =	vadd.f32 v45, v58;
	v57 =	vadd.f32 v57, v62  }
0xaa: {  	v62 =	vld [tilespmem:s4+$0x3870];
	v51 =	vadd.f32 v55, v51;
	v54 =	vadd.f32 v6, v7;
	v7 =	vmul.f32 v45, v45  }
0xab: {  	v55 =	vadd.f32 v48, v58;
	v58 =	vmul.f32 v52, v20;
	v4 =	vmul.f32 v48, v48  }
0xac: {  	v26 =	vmovc v12;
	v12 =	vld [tilespmem:s25+$0xC0];
	v6 =	vperm.xlane v63, v1;
	v60 =	vadd.f32 v7, v54;
	v54 =	vadd.f32 v57, v28  }
0xad: {  	v24 =	vmovc v14;
	v14 =	vld [tilespmem:$0x1FF40];
	v50 =	vmul.f32 v8, v17;
	v28 =	vadd.f32 v49, v55;
	v58 =	vadd.f32 v51, v58  }
0xae: {  	v55 =	vld [tilespmem:s25+$0x80];
	v51 =	vmul.f32 v49, v49;
	v6 =	vadd.f32 v6, v63;
	v4 =	vadd.f32 v4, v60  }
0xaf: {  	v52 =	vmul.f32 v52, v21;
	v57 =	vld [tilespmem:s26+$0x3800];
	v53 =	vadd.f32 v62, v53;
	v28 =	vadd.f32 v54, v28  }
0xb0: {  	v22 =	vmovc v10;
	v5 =	vcvt.s32.f32 v59;
	v7 =	vld [tilespmem:s26+$0x3810];
	v10 =	vperm.xlane v6, v2;
	v4 =	vadd.f32 v51, v4  }
0xb1: {  	v62 =	vld [tilespmem:s25+$0x90];
	v51 =	vmul.f32 v54, v54;
	v60 =	vadd.f32 v53, v52;
	v28 =	vadd.f32 v58, v28  }
0xb2: {  	v5 =	vmul.f32 $5.000000000e-01, v5;
	v53 =	vperm.xlane v56, v3;
	v6 =	vadd.f32 v10, v6;
	v10 =	vld [tilespmem:s26+$0x3840]  }
0xb3: {  	v63 =	vmul.f32 v58, v58;
	v52 =	vld [tilespmem:s25+$0xA0];
	v4 =	vadd.f32 v51, v4;
	v28 =	vadd.f32 v60, v28  }
0xb4: {  	v13 =	vadd.f32 v56, v53;
	v53 =	vadd.f32 v57, v55;
	v55 =	vmul.f32 v8, v14;
	v14 =	vld [tilespmem:$0x1FF50]  }
0xb5: {  	v50 =	vadd.f32 v9, v50;
	v51 =	vld [tilespmem:s26+$0x3820];
	v11 =	vperm.xlane v28, v0  }
0xb6: {  	v5 =	vsub.f32 $1.597463040e+09, v5;
	v57 =	vld [tilespmem:s26+$0x3850];
	v4 =	vadd.f32 v63, v4;
	v63 =	vmul.f32 v60, v60  }
0xb7: {  	v9 =	vadd.f32 v10, v12;
	v12 =	vmul.f32 v8, v18;
	v11 =	vadd.f32 v28, v11;
	v28 =	vld [tilespmem:s25+$0xD0]  }
0xb8: {  	v7 =	vadd.f32 v7, v62;
	v55 =	vadd.f32 v53, v55;
	v10 =	vld [tilespmem:s26+$0x3860]  }
0xb9: {  	v4 =	vadd.f32 v63, v4;
	v63 =	vmul.f32 v8, v14;
	v53 =	vadd.f32 v9, v12;
	v9 =	vld [tilespmem:s25+$0xF0]  }
0xba: {  	v62 =	vmul.f32 v8, v16;
	v51 =	vadd.f32 v51, v52;
	v12 =	vld [tilespmem:s26+$0x3870]  }
0xbb: {  	v5 =	vtrunc.f32 v5;
	v52 =	vmul.f32 v8, v19;
	v56 =	vadd.f32 v7, v63;
	v7 =	vld [tilespmem:s25+$0xE0]  }
0xbc: {  	v51 =	vadd.f32 v51, v62;
	v62 =	vmul.f32 $5.000000000e-01, v59;
	v28 =	vadd.f32 v57, v28  }
0xbd: {  	v57 =	vmul.f32 v55, v55;
	v59 =	vadd.f32 v56, v55;
	v63 =	vmul.f32 v56, v56  }
0xbe: {  	v15 =	vmul.f32 v50, v50;
	v5 =	vcvt.f32.s32 v5;
	v52 =	vadd.f32 v28, v52  }
0xbf: {  	v28 =	vadd.f32 v63, v57;
	v57 =	vadd.f32 v51, v59;
	v63 =	vmul.f32 v51, v51  }
0xc0: {  	v9 =	vadd.f32 v12, v9;
	v7 =	vadd.f32 v10, v7;
	v10 =	vmul.f32 v8, v20  }
0xc1: {  	v14 =	vmul.f32 v5, v62;
	v28 =	vadd.f32 v63, v28;
	v59 =	vadd.f32 v50, v57  }
0xc2: {  	v12 =	vperm.xlane v4, v0;
	v63 =	vmul.f32 $7.812500000e-03, v13;
	v57 =	vadd.f32 v7, v10  }
0xc3: {  	v10 =	vadd.f32 v15, v28;
	v13 =	vadd.f32 v53, v59;
	v15 =	vmul.f32 v53, v53  }
0xc4: {  	v8 =	vmul.f32 v8, v21;
	v4 =	vadd.f32 v12, v4;
	v7 =	vperm.xlane v6, v3  }
0xc5: {  	v10 =	vadd.f32 v15, v10;
	v13 =	vadd.f32 v52, v13;
	v15 =	vmul.f32 v52, v52  }
0xc6: {  	v12 =	vperm.xlane v11, v1;
	v59 =	vadd.f32 v9, v8;
	v6 =	vadd.f32 v7, v6  }
0xc7: {  	v8 =	vadd.f32 v15, v10;
	v9 =	vadd.f32 v57, v13;
	v10 =	vmul.f32 v57, v57  }
0xc8: {  	v7 =	vadd.f32 v11, v12;
	v11 =	vperm.xlane v4, v1;
	v6 =	vmul.f32 $7.812500000e-03, v6  }
0xc9: {  	v8 =	vadd.f32 v10, v8;
	v9 =	vadd.f32 v59, v9;
	v10 =	vmul.f32 v59, v59  }
0xca: {  	v12 =	vperm.xlane v7, v2;
	v4 =	vadd.f32 v11, v4;
	v11 =	vmul.f32 v63, v63  }
0xcb: {  	v14 =	vmul.f32 v5, v14;
	v8 =	vadd.f32 v10, v8;
	v10 =	vperm.xlane v9, v0  }
0xcc: {  	v7 =	vadd.f32 v7, v12;
	v12 =	vperm.xlane v4, v2;
	v6 =	vsub.f32 v6, v11  }
0xcd: {  	v13 =	vsub.f32 $1.500000000e+00, v14;
	v9 =	vadd.f32 v9, v10;
	v10 =	vperm.xlane v8, v0  }
0xce: {  	v11 =	vperm.xlane v7, v3;
	v4 =	vadd.f32 v12, v4;
	v6 =	vadd.f32 $9.999999960e-13, v6  }
0xcf: {  	v5 =	vmul.f32 v5, v13;
	v12 =	vperm.xlane v9, v1;
	v8 =	vadd.f32 v10, v8  }
0xd0: {  	v7 =	vadd.f32 v7, v11;
	v11 =	vperm.xlane v4, v3;
	v13 =	vcvt.s32.f32 v6  }
0xd1: {  	v9 =	vadd.f32 v9, v12;
	v12 =	vperm.xlane v8, v1  }
0xd2: {  	v7 =	vmul.f32 $7.812500000e-03, v7;
	v4 =	vadd.f32 v11, v4;
	v11 =	vmul.f32 $5.000000000e-01, v13  }
0xd3: {  	v10 =	vmul.f32 v5, v62;
	v13 =	vperm.xlane v9, v2;
	v8 =	vadd.f32 v12, v8  }
0xd4: {  	v4 =	vmul.f32 $7.812500000e-03, v4;
	v11 =	vsub.f32 $1.597463040e+09, v11;
	v12 =	vmul.f32 v7, v7  }
0xd5: {  	v10 =	vmul.f32 v10, v5;
	v9 =	vadd.f32 v9, v13;
	v13 =	vperm.xlane v8, v2  }
0xd6: {  	v11 =	vtrunc.f32 v11;
	v4 =	vsub.f32 v4, v12  }
0xd7: {  	v10 =	vsub.f32 $1.500000000e+00, v10;
	v12 =	vperm.xlane v9, v3;
	v8 =	vadd.f32 v13, v8  }
0xd8: {  	v6 =	vmul.f32 $5.000000000e-01, v6;
	v11 =	vcvt.f32.s32 v11;
	v4 =	vadd.f32 $9.999999960e-13, v4  }
0xd9: {  	v5 =	vmul.f32 v10, v5;
	v9 =	vadd.f32 v9, v12;
	v10 =	vperm.xlane v8, v3  }
0xda: {  	v12 =	vmul.f32 v11, v6;
	v13 =	vcvt.s32.f32 v4  }
0xdb: {  	v14 =	vmul.f32 v5, v62;
	v62 =	vmul.f32 $7.812500000e-03, v9;
	v8 =	vadd.f32 v10, v8  }
0xdc: {  	v9 =	vmul.f32 v11, v12;
	v10 =	vmul.f32 $5.000000000e-01, v13  }
0xdd: {  	v8 =	vmul.f32 $7.812500000e-03, v8;
	v12 =	vmul.f32 v62, v62  }
0xde: {  	v13 =	vmul.f32 v14, v5;
	v9 =	vsub.f32 $1.500000000e+00, v9;
	v10 =	vsub.f32 $1.597463040e+09, v10  }
0xdf: {  	v8 =	vsub.f32 v8, v12  }
0xe0: {  	v9 =	vmul.f32 v11, v9;
	v10 =	vtrunc.f32 v10;
	v11 =	vsub.f32 $1.500000000e+00, v13  }
0xe1: {  	v4 =	vmul.f32 $5.000000000e-01, v4;
	v10 =	vcvt.f32.s32 v10;
	v8 =	vadd.f32 $9.999999960e-13, v8  }
0xe2: {  	v12 =	vmul.f32 v9, v6;
	v5 =	vmul.f32 v11, v5  }
0xe3: {  	v13 =	vmul.f32 v10, v4;
	v14 =	vcvt.s32.f32 v8  }
0xe4: {  	v11 =	vmul.f32 v12, v9;
	v15 =	vmul.f32 v5, v33  }
0xe5: {  	v28 =	vmul.f32 v5, v32;
	v12 =	vmul.f32 v10, v13  }
0xe6: {  	v31 =	vmul.f32 v5, v31;
	v8 =	vmul.f32 $5.000000000e-01, v8;
	v11 =	vsub.f32 $1.500000000e+00, v11  }
0xe7: {  	v29 =	vmul.f32 v5, v29;
	v13 =	vmul.f32 $5.000000000e-01, v14;
	v12 =	vsub.f32 $1.500000000e+00, v12  }
0xe8: {  	v32 =	vmul.f32 v5, v34;
	v9 =	vmul.f32 v11, v9  }
0xe9: {  	v33 =	vmul.f32 v5, v35;
	v13 =	vsub.f32 $1.597463040e+09, v13;
	v10 =	vmul.f32 v10, v12  }
0xea: {  	v14 =	vmul.f32 v5, v61;
	v6 =	vmul.f32 v9, v6  }
0xeb: {  	v11 =	vtrunc.f32 v13;
	v12 =	vmul.f32 v10, v4  }
0xec: {  	v11 =	vcvt.f32.s32 v11;
	v6 =	vmul.f32 v6, v9  }
0xed: {  	v29 =	vsub.f32 v29, v14;
	v32 =	vsub.f32 v32, v14;
	v12 =	vmul.f32 v12, v10  }
0xee: {  	v13 =	vmul.f32 v5, v30;
	v30 =	vmul.f32 v11, v8;
	v6 =	vsub.f32 $1.500000000e+00, v6  }
0xef: {  	v33 =	vsub.f32 v33, v14;
	v5 =	vmul.f32 v5, v36;
	v12 =	vsub.f32 $1.500000000e+00, v12  }
0xf0: {  	v13 =	vsub.f32 v13, v14;
	v30 =	vmul.f32 v11, v30;
	v6 =	vmul.f32 v6, v9  }
0xf1: {  	v9 =	vmul.f32 v12, v10;
	v10 =	vsub.f32 v15, v14;
	v12 =	vsub.f32 v28, v14  }
0xf2: {  	v15 =	vsub.f32 v31, v14;
	v28 =	vmul.f32 v6, v63;
	v31 =	vmul.f32 v6, v37  }
0xf3: {  	v30 =	vsub.f32 $1.500000000e+00, v30;
	v34 =	vmul.f32 v6, v38;
	v35 =	vmul.f32 v6, v40  }
0xf4: {  	v5 =	vsub.f32 v5, v14;
	v40 =	vld [tilespmem:$0x1FF60];
	v36 =	vmul.f32 v6, v41;
	v14 =	vmul.f32 v6, v42  }
0xf5: {  	v41 =	vld [tilespmem:$0x1FF70];
	v11 =	vmul.f32 v11, v30;
	v4 =	vmul.f32 v9, v4  }
0xf6: {  	v42 =	vld [tilespmem:$0x1FF80];
	v38 =	vmul.f32 v6, v43;
	v30 =	vmul.f32 v6, v39  }
0xf7: {  	v43 =	vld [tilespmem:$0x1FF90];
	v4 =	vmul.f32 v4, v9;
	v37 =	vmul.f32 v11, v8  }
0xf8: {  	v6 =	vmul.f32 v6, v44;
	v44 =	vld [tilespmem:$0x1FFA0];
	v31 =	vsub.f32 v31, v28;
	v14 =	vsub.f32 v14, v28  }
0xf9: {  	v39 =	vld [tilespmem:$0x1FFD0];
	v30 =	vsub.f32 v30, v28;
	v4 =	vsub.f32 $1.500000000e+00, v4;
	v37 =	vmul.f32 v37, v11  }
0xfa: {  	v61 =	vld [tilespmem:$0x1FFB0];
	v6 =	vsub.f32 v6, v28;
	v10 =	vmul.f32 v10, v40;
	v12 =	vmul.f32 v12, v41  }
0xfb: {  	v15 =	vmul.f32 v15, v42;
	v4 =	vmul.f32 v4, v9;
	v9 =	vsub.f32 v34, v28  }
0xfc: {  	v13 =	vmul.f32 v13, v43;
	v34 =	vsub.f32 v35, v28;
	v35 =	vsub.f32 v36, v28  }
0xfd: {  	v30 =	vmul.f32 v30, v40;
	v36 =	vsub.f32 $1.500000000e+00, v37;
	v37 =	vsub.f32 v38, v28;
	v38 =	vld [tilespmem:$0x1FFC0]  }
0xfe: {  	v5 =	vmul.f32 v5, v39;
	v10 =	vadd.f32 v10, v23;
	v28 =	vmul.f32 v29, v44  }
0xff: {  	v12 =	vadd.f32 v12, v24;
	v29 =	vmul.f32 v32, v61;
	v11 =	vmul.f32 v36, v11  }
0x100: {  	v15 =	vadd.f32 v15, v25;
	v7 =	vmul.f32 v4, v7;
	v36 =	vmul.f32 v4, v47  }
0x101: {  	v13 =	vadd.f32 v13, v26;
	v48 =	vmul.f32 v4, v48;
	v8 =	vmul.f32 v11, v8  }
0x102: {  	v28 =	vadd.f32 v28, v27;
	v47 =	vld [tilespmem:$0x1FFF0];
	[tilespmem:s25+$0xFFFFFF10] =	vst v12;
	v12 =	vmul.f32 v4, v49;
	v32 =	vmul.f32 v33, v38  }
0x103: {  	v29 =	vadd.f32 v29, v22;
	v33 =	vmul.f32 v4, v46;
	v46 =	vld [tilespmem:$0x1FFE0];
	v8 =	vmul.f32 v8, v11  }
0x104: {  	v49 =	vmul.f32 v4, v54;
	[tilespmem:s25+$0xFFFFFF20] =	vst v15;
	v15 =	vadd.f32 v30, v23;
	v30 =	vmul.f32 v4, v58  }
0x105: {  	[tilespmem:s25+$0xFFFFFF00] =	vst v10;
	v9 =	vmul.f32 v9, v42;
	v34 =	vmul.f32 v34, v43;
	v8 =	vsub.f32 $1.500000000e+00, v8  }
0x106: {  	v54 =	vsub.f32 v36, v7;
	v58 =	vsub.f32 v48, v7;
	[tilespmem:s25+$0xFFFFFF50] =	vst v29;
	v29 =	vmul.f32 v31, v41  }
0x107: {  	v39 =	vld [tilespmem:$0x1FFD0];
	[tilespmem:s25+$0xFFFFFF30] =	vst v13;
	v9 =	vadd.f32 v9, v25;
	v8 =	vmul.f32 v8, v11;
	v11 =	vmul.f32 v35, v44  }
0x108: {  	[tilespmem:s25+$0xFFFFFF40] =	vst v28;
	v5 =	vadd.f32 v5, v47;
	v10 =	vadd.f32 v32, v46;
	v32 =	vmul.f32 v4, v45;
	v45 =	vld [tilespmem:$0x1FFC0]  }
0x109: {  	v12 =	vsub.f32 v12, v7;
	[tilespmem:s25+$0xFFFFFFA0] =	vst v9;
	v4 =	vmul.f32 v4, v60;
	v9 =	vadd.f32 v11, v27;
	v11 =	vld [tilespmem:$0x1FFD0]  }
0x10a: {  	v31 =	vsub.f32 v49, v7;
	v36 =	vmul.f32 v14, v61;
	[tilespmem:s25+$0xFFFFFF70] =	vst v5;
	v5 =	vadd.f32 v29, v24  }
0x10b: {  	[tilespmem:s25+$0xFFFFFF80] =	vst v15;
	v12 =	vmul.f32 v12, v44;
	v13 =	vsub.f32 v33, v7;
	v4 =	vsub.f32 v4, v7  }
0x10c: {  	[tilespmem:s25+$0xFFFFFF90] =	vst v5;
	v5 =	vadd.f32 v34, v26;
	v28 =	vsub.f32 v32, v7;
	v15 =	vmul.f32 v8, v56  }
0x10d: {  	[tilespmem:s25+$0xFFFFFF60] =	vst v10;
	v10 =	vsub.f32 v30, v7;
	v4 =	vmul.f32 v4, v39;
	v14 =	vmul.f32 v37, v45  }
0x10e: {  	[tilespmem:s25+$0xFFFFFFB0] =	vst v5;
	v5 =	vadd.f32 v36, v22;
	v6 =	vmul.f32 v6, v11;
	v11 =	vmul.f32 v13, v40  }
0x10f: {  	v10 =	vmul.f32 v10, v45;
	v4 =	vadd.f32 v4, v47;
	v13 =	vmul.f32 v54, v41  }
0x110: {  	[tilespmem:s25+$0xFFFFFFC0] =	vst v9;
	v37 =	vadd.f32 v14, v46;
	v9 =	vadd.f32 v11, v23;
	v11 =	vmul.f32 v28, v42  }
0x111: {  	[tilespmem:s25+$0xFFFFFFD0] =	vst v5;
	v14 =	vmul.f32 v8, v55;
	v5 =	vadd.f32 v13, v24;
	v13 =	vmul.f32 v58, v43  }
0x112: {  	v49 =	vadd.f32 v10, v46;
	[tilespmem:s25+$0x70] =	vst v4;
	v38 =	vadd.f32 v11, v25;
	v11 =	vmul.f32 v8, v62  }
0x113: {  	v6 =	vadd.f32 v6, v47;
	[tilespmem:s25+$0xFFFFFFE0] =	vst v37;
	v48 =	vadd.f32 v13, v26;
	v13 =	vmul.f32 v31, v61  }
0x114: {  	[tilespmem:s25+$0x0] =	vst v9;
	v9 =	vadd.f32 v12, v27;
	v12 =	vsub.f32 v14, v11  }
0x115: {  	[tilespmem:s25+$0x10] =	vst v5;
	v5 =	vadd.f32 v13, v22;
	v13 =	vsub.f32 v15, v11  }
0x116: {  	[tilespmem:s25+$0x60] =	vst v49;
	v10 =	vmul.f32 v12, v40;
	v12 =	vmul.f32 v8, v51  }
0x117: {  	[tilespmem:s25+$0xFFFFFFF0] =	vst v6;
	v54 =	vmul.f32 v13, v41;
	v13 =	vmul.f32 v8, v50  }
0x118: {  	[tilespmem:s25+$0x40] =	vst v9;
	v9 =	vadd.f32 v10, v23;
	v10 =	vsub.f32 v12, v11;
	v12 =	vmul.f32 v8, v53  }
0x119: {  	[tilespmem:s25+$0x50] =	vst v5;
	v5 =	vadd.f32 v54, v24;
	v55 =	vsub.f32 v13, v11;
	v13 =	vmul.f32 v8, v52  }
0x11a: {  	[tilespmem:s25+$0x20] =	vst v38;
	v56 =	vmul.f32 v10, v42;
	v10 =	vsub.f32 v12, v11;
	v12 =	vmul.f32 v8, v57  }
0x11b: {  	[tilespmem:s25+$0x30] =	vst v48;
	v4 =	vmul.f32 v55, v43;
	v58 =	vsub.f32 v13, v11;
	v8 =	vmul.f32 v8, v59  }
0x11c: {  	[tilespmem:s25+$0x80] =	vst v9;
	v7 =	vadd.f32 v56, v25;
	v9 =	vmul.f32 v10, v44;
	v10 =	vsub.f32 v12, v11  }
0x11d: {  	[tilespmem:s25+$0x90] =	vst v5;
	v4 =	vadd.f32 v4, v26;
	v5 =	vmul.f32 v58, v61;
	v59 =	vsub.f32 v8, v11  }
0x11e: {  	p0 =	slt.u32 s0, $0x7C;
	[tilespmem:s25+$0xA0] =	vst v7;
	v61 =	vadd.f32 v9, v27;
	v8 =	vmul.f32 v10, v45  }
.Ltmp0:
0x11f: {  	[tilespmem:s25+$0xB0] =	vst v4;
	v4 =	vadd.f32 v5, v22;
	v5 =	vmul.f32 v59, v39;
	(pc) =	sbr.rel @p0 .LBB2_3-.Ltmp0, $4  }
0x120: {  	[tilespmem:s25+$0xC0] =	vst v61;
	v62 =	vadd.f32 v8, v46  }
0x121: {  	[tilespmem:s25+$0xD0] =	vst v4;
	v4 =	vadd.f32 v5, v47  }
0x122: {  	v63 =	vld [tilespmem:$0x1FF40];
	v60 =	vmov v25;
	[tilespmem:s25+$0xE0] =	vst v62  }
0x123: {  	s16 =	sadd.s32 $0x200, s16;
	s23 =	smov.u32 s0;
	v30 =	vmovc v23;
	v28 =	vld [tilespmem:$0x1FF50];
	v14 =	vmovc v24;
	v12 =	vmov v26;
	v9 =	vmov v27;
	v10 =	vmov v22;
	[tilespmem:s25+$0xF0] =	vst v4;
	s25 =	sadd.s32 $0x200, s25  }
0x124: {  	p0 =	seq.s32 s14, $0x0  }
0x125: {  	s0 =	simm.s32 @!p0 $0x6  }
0x126: {  	s24 =	sadd.s32 $0x100, s15;
	_ =	swait.ge @!p0 [sflag:s0], $0x4000  }
0x127: {  	s25 =	smov.u32 s30;
	s30 =	simm.s32 $0x80;
	[sflag:s0] =	ssyncset.done @!p0 $0x0  }
0x128: {  	s9 =	simm.s32 $0x11D80;
	s16 =	sshll.u32 s7, $0x4;
	[sflag:s0] =	ssyncadd.s32 @!p0 $0xFFFFC000  }
0x129: {  	[tilespmem:s9], [sflag:$0x3] =	stream.indirect.gather [hbm4b:s25+s30], $0x80, s24, s30, $0xb8;
	[tilespmem:$0x15D80] =	vst v63  }
0x12a: {  	s1 =	simm.s32 $0x9D80;
	s0 =	sadd.s32 s3, s16  }
0x12b: {  	[hbm4b:s0+s6] =	stream.linear.scatter [tilespmem:s1], [sflag:$0x4], $0x4000, $0x38;
	[tilespmem:$0x15D80] =	vst v63  }
0x12c: {  	s26 =	smov.u32 s3;
	s23 =	sadd.s32 $0x1C80, s15;
	_ =	swait.ge [sflag:s28], $0x4000  }
0x12d: {  	s15 =	sadd.s32 $0x80, s7;
	s7 =	simm.s32 $0xDE80;
	v4 =	vmov s23;
	[sflag:s28] =	ssyncset.done $0x0  }
0x12e: {  	s9 =	smov.u32 s18;
	s0 =	simm.s32 $0xFFFFFFFC;
	[tilespmem:$0x1FF20] =	vst v4;
	[sflag:s28] =	ssyncadd.s32 $0xFFFFC000  }
.LBB2_5:
0x12f: {  	v4 =	vld [tilespmem:$0x1FF20];
	_ =	sdelay $0x2  }
0x130: {  	v6 =	vld [tilespmem:s7+$0xFFFFFF10]  }
0x131: {  	v8 =	vld [tilespmem:s7+$0xFFFFFF20]  }
0x132: {  	s1 =	sadd.s32 s0, s11;
	v11 =	vld [tilespmem:s7+$0xFFFFFF30]  }
0x133: {  	s16 =	sadd.s32 $0x4, s0;
	v13 =	vld [tilespmem:s7+$0xFFFFFF40];
	s4 =	sadd.s32 $0x84, s1  }
0x134: {  	s5 =	simm.s32 $0xFFFF9A80;
	v15 =	vld [tilespmem:s7+$0xFFFFFF50];
	s23 =	sand.u32 $0x70, s16;
	p0 =	sgt.u32 s4, $0xC7  }
0x135: {  	s5 =	simm.s32 @!p0 $0xFFFFFE80;
	v50 =	vld.idx.msk [tilespmem:v4+s23+$0x0 ss:$0x1], $0xffff;
	s23 =	sadd.s32 s9, s22  }
0x136: {  	v4 =	vld [tilespmem:s7+$0xFFFFFF00];
	s4 =	sadd.s32 s5, s23  }
0x137: {  	v5 =	vld [tilespmem:s4+$0x3800]  }
0x138: {  	v7 =	vld [tilespmem:s4+$0x3810]  }
0x139: {  	s3 =	sand.u32 $0xC, s16;
	v10 =	vld [tilespmem:s4+$0x3820]  }
0x13a: {  	v9 =	vmov s3;
	v12 =	vld [tilespmem:s4+$0x3830]  }
0x13b: {  	v34 =	vld [tilespmem:s4+$0x3850];
	v9 =	vperm.xlane v50, v9  }
0x13c: {  	v55 =	vld [tilespmem:s4+$0x3860]  }
0x13d: {  	s5 =	sadd.s32 $0x85, s1;
	v62 =	vld [tilespmem:s4+$0x3870];
	v9 =	vcvt.s32.f32 v9  }
0x13e: {  	p0 =	sgt.u32 s5, $0xC7;
	v4 =	vadd.f32 v5, v4;
	v5 =	vld [tilespmem:s4+$0x3840];
	v6 =	vadd.f32 v7, v6;
	s4 =	simm.s32 $0xFFFF9B00  }
0x13f: {  	v41 =	vld [tilespmem:s7+$0xFFFFFF80];
	v8 =	vadd.f32 v10, v8;
	s4 =	simm.s32 @!p0 $0xFFFFFF00;
	v14 =	vmul.f32 v9, v63;
	v51 =	vmul.f32 v9, v28  }
0x140: {  	v44 =	vld [tilespmem:s7+$0xFFFFFF90];
	v53 =	vadd.f32 v12, v11;
	v61 =	vadd.f32 v34, v15;
	v52 =	vmul.f32 v9, v16;
	s4 =	sadd.s32 s4, s23  }
0x141: {  	v54 =	vmul.f32 v9, v17;
	v43 =	vld [tilespmem:s4+$0x3800];
	v33 =	vadd.f32 v4, v14;
	v32 =	vadd.f32 v6, v51  }
0x142: {  	v56 =	vmul.f32 v9, v18;
	v35 =	vmul.f32 v9, v19;
	v46 =	vld [tilespmem:s4+$0x3810];
	v31 =	vadd.f32 v8, v52  }
0x143: {  	v37 =	vmul.f32 v9, v20;
	v4 =	vld [tilespmem:s7+$0xFFFFFF60];
	v5 =	vadd.f32 v5, v13;
	v57 =	vadd.f32 v32, v33  }
0x144: {  	v30 =	vadd.f32 v53, v54;
	v58 =	vmul.f32 v33, v33;
	v59 =	vmul.f32 v32, v32  }
0x145: {  	v48 =	vld [tilespmem:s7+$0xFFFFFFA0];
	v40 =	vmul.f32 v9, v21;
	v29 =	vadd.f32 v5, v56;
	v60 =	vadd.f32 v31, v57  }
0x146: {  	v34 =	vmul.f32 v31, v31;
	v5 =	vld [tilespmem:s7+$0xFFFFFF70];
	v6 =	vadd.f32 v59, v58;
	v9 =	vadd.f32 v43, v41  }
0x147: {  	s3 =	sadd.s32 $0x5, s0;
	v51 =	vld [tilespmem:s4+$0x3820];
	v7 =	vadd.f32 v46, v44;
	v36 =	vadd.f32 v30, v60  }
0x148: {  	s5 =	sand.u32 $0xD, s3;
	v15 =	vld [tilespmem:s7+$0xFFFFFFB0];
	v38 =	vmul.f32 v30, v30;
	v4 =	vadd.f32 v55, v4;
	v6 =	vadd.f32 v34, v6  }
0x149: {  	v47 =	vmov s5;
	v53 =	vld [tilespmem:s4+$0x3830];
	v34 =	vadd.f32 v61, v35;
	v8 =	vadd.f32 v29, v36  }
0x14a: {  	v39 =	vmul.f32 v29, v29;
	v35 =	vadd.f32 v4, v37;
	v4 =	vadd.f32 v38, v6  }
0x14b: {  	v11 =	vperm.xlane v50, v47;
	v5 =	vadd.f32 v62, v5;
	v8 =	vadd.f32 v34, v8  }
0x14c: {  	v54 =	vld [tilespmem:s7+$0xFFFFFFC0];
	v12 =	vadd.f32 v51, v48;
	v42 =	vmul.f32 v34, v34;
	v4 =	vadd.f32 v39, v4  }
0x14d: {  	v59 =	vld [tilespmem:s7+$0xFFFFFFE0];
	v6 =	vcvt.s32.f32 v11;
	v36 =	vadd.f32 v5, v40;
	v5 =	vadd.f32 v35, v8  }
0x14e: {  	v60 =	vadd.f32 v53, v15;
	v62 =	vld [tilespmem:s4+$0x3860];
	v45 =	vmul.f32 v35, v35;
	v4 =	vadd.f32 v42, v4  }
0x14f: {  	v58 =	vld [tilespmem:s4+$0x3850];
	v55 =	vmul.f32 v6, v63;
	v56 =	vmul.f32 v6, v28;
	v5 =	vadd.f32 v36, v5  }
0x150: {  	v40 =	vld [tilespmem:s4+$0x3840];
	v57 =	vmul.f32 v6, v16;
	v49 =	vmul.f32 v36, v36;
	v4 =	vadd.f32 v45, v4  }
0x151: {  	v61 =	vmul.f32 v6, v17;
	v42 =	vld [tilespmem:s7+$0xFFFFFFD0];
	v39 =	vadd.f32 v9, v55;
	v52 =	vperm.xlane v5, v0  }
0x152: {  	v15 =	vmul.f32 v6, v18;
	v37 =	vadd.f32 v7, v56;
	v4 =	vadd.f32 v49, v4  }
0x153: {  	v51 =	vmul.f32 v6, v19;
	v8 =	vadd.f32 v62, v59;
	v5 =	vadd.f32 v5, v52  }
0x154: {  	v44 =	vadd.f32 v37, v39;
	v55 =	vmul.f32 v39, v39;
	v45 =	vperm.xlane v4, v0  }
0x155: {  	v10 =	vadd.f32 v40, v54;
	v40 =	vadd.f32 v60, v61;
	v38 =	vperm.xlane v5, v1  }
0x156: {  	v46 =	vld [tilespmem:s7+$0xFFFFFFF0];
	v56 =	vmul.f32 v37, v37;
	v7 =	vadd.f32 v58, v42;
	v4 =	vadd.f32 v45, v4  }
0x157: {  	v49 =	vld [tilespmem:s4+$0x3870];
	v60 =	vmul.f32 v40, v40;
	v5 =	vadd.f32 v5, v38;
	v38 =	vadd.f32 v12, v57  }
0x158: {  	s5 =	sadd.s32 $0x86, s1;
	v41 =	vadd.f32 v10, v15;
	v52 =	vmul.f32 v6, v20;
	v53 =	vperm.xlane v4, v1  }
0x159: {  	p0 =	sgt.u32 s5, $0xC7;
	s4 =	simm.s32 $0xFFFF9B80;
	v6 =	vmul.f32 v6, v21;
	v42 =	vadd.f32 v7, v51;
	v47 =	vadd.f32 v38, v44  }
0x15a: {  	s4 =	simm.s32 @!p0 $0xFFFFFF80;
	v43 =	vadd.f32 v8, v52;
	v48 =	vperm.xlane v5, v2;
	v4 =	vadd.f32 v53, v4  }
0x15b: {  	s4 =	sadd.s32 s4, s23;
	v8 =	vadd.f32 v56, v55;
	v57 =	vmul.f32 v38, v38;
	v11 =	vadd.f32 v40, v47  }
0x15c: {  	v15 =	vld [tilespmem:s4+$0x3820];
	v9 =	vadd.f32 v49, v46;
	v5 =	vadd.f32 v5, v48;
	v59 =	vperm.xlane v4, v2  }
0x15d: {  	v52 =	vld [tilespmem:s7+$0x10];
	v45 =	vmul.f32 v42, v42;
	v8 =	vadd.f32 v57, v8;
	v54 =	vadd.f32 v41, v11  }
0x15e: {  	s3 =	sadd.s32 $0x6, s0;
	v56 =	vld [tilespmem:s4+$0x3810];
	v44 =	vadd.f32 v9, v6;
	v61 =	vperm.xlane v5, v3;
	v4 =	vadd.f32 v59, v4  }
0x15f: {  	s5 =	sand.u32 $0xE, s3;
	v46 =	vld [tilespmem:s7+$0x0];
	v12 =	vmul.f32 v41, v41;
	v62 =	vadd.f32 v60, v8;
	v7 =	vadd.f32 v42, v54  }
0x160: {  	v49 =	vld [tilespmem:s7+$0x40];
	v60 =	vmov s5;
	v5 =	vadd.f32 v5, v61;
	v14 =	vperm.xlane v4, v3  }
0x161: {  	v47 =	vld [tilespmem:s4+$0x3800];
	v10 =	vperm.xlane v50, v60;
	v58 =	vadd.f32 v43, v7;
	v7 =	vadd.f32 v12, v62  }
0x162: {  	v51 =	vmul.f32 v43, v43;
	v48 =	vld [tilespmem:s4+$0x3830];
	v61 =	vmul.f32 $7.812500000e-03, v5;
	v4 =	vadd.f32 v14, v4  }
0x163: {  	v60 =	vld [tilespmem:s4+$0x3860];
	v10 =	vcvt.s32.f32 v10;
	v6 =	vadd.f32 v44, v58;
	v7 =	vadd.f32 v45, v7  }
0x164: {  	v4 =	vmul.f32 $7.812500000e-03, v4;
	v57 =	vmul.f32 v61, v61;
	v58 =	vld [tilespmem:s7+$0x20]  }
0x165: {  	s1 =	sadd.s32 $0x87, s1;
	v59 =	vmul.f32 v44, v44;
	v62 =	vld [tilespmem:s7+$0x30];
	v13 =	vperm.xlane v6, v0;
	v7 =	vadd.f32 v51, v7  }
0x166: {  	p0 =	sgt.u32 s1, $0xC7;
	s1 =	sadd.s32 $0xFFFF9C00, s23;
	v9 =	vadd.f32 v56, v52;
	v14 =	vld [tilespmem:s7+$0x80];
	v56 =	vmul.f32 v10, v28;
	v4 =	vsub.f32 v4, v57  }
0x167: {  	s23 =	smov.u32 @p0 s1;
	v45 =	vmul.f32 v10, v63;
	v51 =	vld [tilespmem:s7+$0x50];
	v5 =	vadd.f32 v6, v13;
	v7 =	vadd.f32 v59, v7  }
0x168: {  	v57 =	vmul.f32 v10, v16;
	v6 =	vadd.f32 v47, v46;
	v47 =	vadd.f32 v9, v56;
	v9 =	vld [tilespmem:s23+$0x3800]  }
0x169: {  	v4 =	vadd.f32 $9.999999960e-13, v4;
	v8 =	vadd.f32 v15, v58;
	v15 =	vld [tilespmem:s4+$0x3850];
	v55 =	vperm.xlane v5, v1  }
0x16a: {  	v59 =	vmul.f32 v10, v17;
	v58 =	vadd.f32 v48, v62;
	v46 =	vadd.f32 v6, v45;
	v6 =	vld [tilespmem:s7+$0x60]  }
0x16b: {  	v62 =	vmul.f32 v10, v18;
	v54 =	vperm.xlane v7, v0;
	v5 =	vadd.f32 v5, v55;
	v55 =	vld [tilespmem:s4+$0x3840]  }
0x16c: {  	v45 =	vadd.f32 v8, v57;
	v48 =	vadd.f32 v58, v59;
	v58 =	vmul.f32 v10, v19  }
0x16d: {  	v7 =	vadd.f32 v54, v7;
	v52 =	vadd.f32 v47, v46;
	v53 =	vperm.xlane v5, v2  }
0x16e: {  	v54 =	vmul.f32 v47, v47;
	v9 =	vadd.f32 v9, v14;
	v56 =	vadd.f32 v15, v51  }
0x16f: {  	v6 =	vadd.f32 v60, v6;
	v5 =	vadd.f32 v5, v53;
	v53 =	vmul.f32 v46, v46  }
0x170: {  	v57 =	vmul.f32 v45, v45;
	v11 =	vadd.f32 v55, v49;
	v55 =	vadd.f32 v45, v52  }
0x171: {  	v15 =	vld [tilespmem:s4+$0x3870];
	v60 =	vmul.f32 v10, v20;
	v10 =	vmul.f32 v10, v21;
	v8 =	vadd.f32 v54, v53  }
0x172: {  	s5 =	sadd.s32 $0x7, s0;
	v52 =	vcvt.s32.f32 v4;
	v49 =	vadd.f32 v11, v62;
	v11 =	vld [tilespmem:s7+$0x70];
	v59 =	vadd.f32 v48, v55  }
0x173: {  	v54 =	vadd.f32 v56, v58;
	v53 =	vmov s5;
	v62 =	vmul.f32 v48, v48  }
0x174: {  	v52 =	vmul.f32 $5.000000000e-01, v52;
	v8 =	vadd.f32 v57, v8;
	v12 =	vadd.f32 v49, v59  }
0x175: {  	v13 =	vld [tilespmem:s7+$0x90];
	v58 =	vadd.f32 v6, v60;
	v50 =	vperm.xlane v50, v53;
	v57 =	vmul.f32 v54, v54  }
0x176: {  	v51 =	vld [tilespmem:s23+$0x3810];
	v56 =	vmul.f32 v49, v49;
	v55 =	vadd.f32 v62, v8;
	v12 =	vadd.f32 v54, v12  }
0x177: {  	v53 =	vld [tilespmem:s23+$0x3830];
	v52 =	vsub.f32 $1.597463040e+09, v52;
	v11 =	vadd.f32 v15, v11;
	v15 =	vperm.xlane v7, v1  }
0x178: {  	v62 =	vperm.xlane v5, v3;
	v8 =	vld [tilespmem:s23+$0x3820];
	v6 =	vadd.f32 v56, v55;
	v59 =	vadd.f32 v58, v12  }
0x179: {  	v56 =	vld [tilespmem:s7+$0xB0];
	v12 =	vcvt.s32.f32 v50;
	v50 =	vtrunc.f32 v52;
	v7 =	vadd.f32 v15, v7  }
0x17a: {  	v60 =	vadd.f32 v11, v10;
	v11 =	vld [tilespmem:s7+$0xA0];
	v6 =	vadd.f32 v57, v6;
	v15 =	vmul.f32 v58, v58  }
0x17b: {  	v5 =	vadd.f32 v5, v62;
	v62 =	vld [tilespmem:s23+$0x3840];
	v63 =	vmul.f32 v12, v63;
	v55 =	vperm.xlane v7, v2  }
0x17c: {  	v52 =	vld [tilespmem:s23+$0x3850];
	v10 =	vadd.f32 v60, v59;
	v6 =	vadd.f32 v15, v6;
	v15 =	vmul.f32 v60, v60  }
0x17d: {  	v13 =	vadd.f32 v51, v13;
	v59 =	vld [tilespmem:s7+$0xC0];
	v7 =	vadd.f32 v55, v7  }
0x17e: {  	v57 =	vperm.xlane v10, v0;
	v6 =	vadd.f32 v15, v6;
	v15 =	vld [tilespmem:s7+$0xD0];
	v55 =	vadd.f32 v9, v63  }
0x17f: {  	v9 =	vadd.f32 v53, v56;
	v8 =	vadd.f32 v8, v11;
	v11 =	vmul.f32 v12, v16  }
0x180: {  	v63 =	vmul.f32 v12, v17;
	v10 =	vadd.f32 v10, v57;
	v57 =	vmul.f32 v12, v28  }
0x181: {  	v4 =	vmul.f32 $5.000000000e-01, v4;
	v53 =	vmul.f32 v12, v18;
	v51 =	vadd.f32 v8, v11;
	v8 =	vld [tilespmem:s7+$0xE0]  }
0x182: {  	v28 =	vcvt.f32.s32 v50;
	v50 =	vadd.f32 v9, v63;
	v11 =	vld [tilespmem:s23+$0x3860];
	v56 =	vadd.f32 v13, v57  }
0x183: {  	v9 =	vadd.f32 v62, v59;
	v14 =	vadd.f32 v52, v15;
	v15 =	vmul.f32 v12, v19  }
0x184: {  	v57 =	vmul.f32 v55, v55;
	v59 =	vadd.f32 v56, v55;
	v62 =	vmul.f32 v56, v56  }
0x185: {  	v63 =	vmul.f32 v28, v4;
	v13 =	vld [tilespmem:s23+$0x3870];
	v53 =	vadd.f32 v9, v53;
	v52 =	vadd.f32 v14, v15  }
0x186: {  	v9 =	vld [tilespmem:s7+$0xF0];
	v14 =	vadd.f32 v62, v57;
	v15 =	vadd.f32 v51, v59;
	v57 =	vmul.f32 v51, v51  }
0x187: {  	v62 =	vmul.f32 v28, v63;
	v8 =	vadd.f32 v11, v8;
	v11 =	vmul.f32 v12, v20  }
0x188: {  	v59 =	vmul.f32 v50, v50;
	v14 =	vadd.f32 v57, v14;
	v15 =	vadd.f32 v50, v15  }
0x189: {  	v63 =	vmul.f32 $7.812500000e-03, v5;
	v5 =	vperm.xlane v7, v3;
	v57 =	vadd.f32 v8, v11  }
0x18a: {  	v8 =	vadd.f32 v59, v14;
	v11 =	vadd.f32 v53, v15;
	v14 =	vmul.f32 v53, v53  }
0x18b: {  	v12 =	vmul.f32 v12, v21;
	v9 =	vadd.f32 v13, v9;
	v59 =	vperm.xlane v6, v0  }
0x18c: {  	v8 =	vadd.f32 v14, v8;
	v11 =	vadd.f32 v52, v11;
	v14 =	vmul.f32 v52, v52  }
0x18d: {  	v13 =	vperm.xlane v10, v1;
	v6 =	vadd.f32 v59, v6;
	v59 =	vadd.f32 v9, v12  }
0x18e: {  	v8 =	vadd.f32 v14, v8;
	v12 =	vadd.f32 v57, v11;
	v14 =	vmul.f32 v57, v57  }
0x18f: {  	v5 =	vadd.f32 v5, v7;
	v7 =	vadd.f32 v10, v13;
	v10 =	vperm.xlane v6, v1  }
0x190: {  	v11 =	vmul.f32 v59, v59;
	v8 =	vadd.f32 v14, v8;
	v9 =	vadd.f32 v59, v12  }
0x191: {  	v5 =	vmul.f32 $7.812500000e-03, v5;
	v12 =	vperm.xlane v7, v2;
	v6 =	vadd.f32 v10, v6  }
0x192: {  	v10 =	vmul.f32 v63, v63;
	v8 =	vadd.f32 v11, v8;
	v11 =	vperm.xlane v9, v0  }
0x193: {  	v13 =	vsub.f32 $1.500000000e+00, v62;
	v7 =	vadd.f32 v7, v12;
	v62 =	vperm.xlane v6, v2  }
0x194: {  	v5 =	vsub.f32 v5, v10;
	v9 =	vadd.f32 v9, v11;
	v10 =	vperm.xlane v8, v0  }
0x195: {  	v11 =	vmul.f32 v28, v13;
	v13 =	vperm.xlane v7, v3;
	v6 =	vadd.f32 v62, v6  }
0x196: {  	v5 =	vadd.f32 $9.999999960e-13, v5;
	v62 =	vperm.xlane v9, v1;
	v8 =	vadd.f32 v10, v8  }
0x197: {  	v10 =	vmul.f32 v11, v4;
	v7 =	vadd.f32 v7, v13;
	v13 =	vperm.xlane v6, v3  }
0x198: {  	v14 =	vcvt.s32.f32 v5;
	v9 =	vadd.f32 v9, v62;
	v62 =	vperm.xlane v8, v1  }
0x199: {  	v10 =	vmul.f32 v10, v11;
	v7 =	vmul.f32 $7.812500000e-03, v7;
	v6 =	vadd.f32 v13, v6  }
0x19a: {  	v13 =	vmul.f32 $5.000000000e-01, v14;
	v14 =	vperm.xlane v9, v2;
	v8 =	vadd.f32 v62, v8  }
0x19b: {  	v6 =	vmul.f32 $7.812500000e-03, v6;
	v62 =	vmul.f32 v7, v7  }
0x19c: {  	v13 =	vsub.f32 $1.597463040e+09, v13;
	v9 =	vadd.f32 v9, v14;
	v14 =	vperm.xlane v8, v2  }
0x19d: {  	v10 =	vsub.f32 $1.500000000e+00, v10;
	v6 =	vsub.f32 v6, v62  }
0x19e: {  	v12 =	vtrunc.f32 v13;
	v62 =	vperm.xlane v9, v3;
	v8 =	vadd.f32 v14, v8  }
0x19f: {  	v5 =	vmul.f32 $5.000000000e-01, v5;
	v12 =	vcvt.f32.s32 v12;
	v6 =	vadd.f32 $9.999999960e-13, v6  }
0x1a0: {  	v10 =	vmul.f32 v10, v11;
	v9 =	vadd.f32 v9, v62;
	v11 =	vperm.xlane v8, v3  }
0x1a1: {  	v13 =	vmul.f32 v12, v5;
	v14 =	vcvt.s32.f32 v6  }
0x1a2: {  	v62 =	vmul.f32 $7.812500000e-03, v9;
	v8 =	vadd.f32 v11, v8  }
0x1a3: {  	v9 =	vmul.f32 v12, v13;
	v11 =	vmul.f32 $5.000000000e-01, v14  }
0x1a4: {  	v4 =	vmul.f32 v10, v4;
	v8 =	vmul.f32 $7.812500000e-03, v8  }
0x1a5: {  	v13 =	vmul.f32 v62, v62;
	v9 =	vsub.f32 $1.500000000e+00, v9;
	v11 =	vsub.f32 $1.597463040e+09, v11  }
0x1a6: {  	v4 =	vmul.f32 v4, v10  }
0x1a7: {  	v8 =	vsub.f32 v8, v13;
	v9 =	vmul.f32 v12, v9;
	v11 =	vtrunc.f32 v11  }
0x1a8: {  	v6 =	vmul.f32 $5.000000000e-01, v6;
	v4 =	vsub.f32 $1.500000000e+00, v4;
	v11 =	vcvt.f32.s32 v11  }
0x1a9: {  	v8 =	vadd.f32 $9.999999960e-13, v8;
	v12 =	vmul.f32 v9, v5  }
0x1aa: {  	v4 =	vmul.f32 v4, v10;
	v13 =	vmul.f32 v11, v6  }
0x1ab: {  	v14 =	vcvt.s32.f32 v8;
	v10 =	vmul.f32 v12, v9  }
0x1ac: {  	v15 =	vmul.f32 v4, v33;
	v12 =	vmul.f32 v11, v13  }
0x1ad: {  	v28 =	vmul.f32 v4, v32;
	v13 =	vmul.f32 $5.000000000e-01, v14;
	v10 =	vsub.f32 $1.500000000e+00, v10  }
0x1ae: {  	v31 =	vmul.f32 v4, v31;
	v29 =	vmul.f32 v4, v29;
	v12 =	vsub.f32 $1.500000000e+00, v12  }
0x1af: {  	v8 =	vmul.f32 $5.000000000e-01, v8;
	v13 =	vsub.f32 $1.597463040e+09, v13;
	v9 =	vmul.f32 v10, v9  }
0x1b0: {  	v14 =	vmul.f32 v4, v61;
	v10 =	vmul.f32 v11, v12  }
0x1b1: {  	v33 =	vtrunc.f32 v13;
	v5 =	vmul.f32 v9, v5  }
0x1b2: {  	v11 =	vcvt.f32.s32 v33;
	v12 =	vmul.f32 v10, v6  }
0x1b3: {  	v13 =	vmul.f32 v4, v30;
	v5 =	vmul.f32 v5, v9  }
0x1b4: {  	v30 =	vmul.f32 v11, v8;
	v12 =	vmul.f32 v12, v10  }
0x1b5: {  	v32 =	vmul.f32 v4, v34;
	v29 =	vsub.f32 v29, v14;
	v5 =	vsub.f32 $1.500000000e+00, v5  }
0x1b6: {  	v33 =	vmul.f32 v4, v35;
	v30 =	vmul.f32 v11, v30;
	v12 =	vsub.f32 $1.500000000e+00, v12  }
0x1b7: {  	v32 =	vsub.f32 v32, v14;
	v4 =	vmul.f32 v4, v36;
	v5 =	vmul.f32 v5, v9  }
0x1b8: {  	v13 =	vsub.f32 v13, v14;
	v30 =	vsub.f32 $1.500000000e+00, v30;
	v9 =	vmul.f32 v12, v10  }
0x1b9: {  	v10 =	vsub.f32 v15, v14;
	v12 =	vsub.f32 v28, v14;
	v28 =	vmul.f32 v5, v63  }
0x1ba: {  	v15 =	vsub.f32 v31, v14;
	v31 =	vmul.f32 v5, v37;
	v35 =	vmul.f32 v5, v40;
	v40 =	vld [tilespmem:$0x1FF60]  }
0x1bb: {  	v33 =	vsub.f32 v33, v14;
	v34 =	vmul.f32 v5, v38;
	v36 =	vmul.f32 v5, v41;
	v41 =	vld [tilespmem:$0x1FF70]  }
0x1bc: {  	v4 =	vsub.f32 v4, v14;
	v14 =	vmul.f32 v5, v42;
	v42 =	vld [tilespmem:$0x1FF80];
	v11 =	vmul.f32 v11, v30  }
0x1bd: {  	v38 =	vmul.f32 v5, v43;
	v43 =	vld [tilespmem:$0x1FF90];
	v6 =	vmul.f32 v9, v6  }
0x1be: {  	v30 =	vmul.f32 v5, v39;
	v37 =	vmul.f32 v11, v8  }
0x1bf: {  	v5 =	vmul.f32 v5, v44;
	v31 =	vsub.f32 v31, v28;
	v6 =	vmul.f32 v6, v9  }
0x1c0: {  	v39 =	vld [tilespmem:$0x1FFD0];
	v14 =	vsub.f32 v14, v28;
	v30 =	vsub.f32 v30, v28;
	v37 =	vmul.f32 v37, v11  }
0x1c1: {  	v44 =	vld [tilespmem:$0x1FFA0];
	v6 =	vsub.f32 $1.500000000e+00, v6;
	v10 =	vmul.f32 v10, v40;
	v12 =	vmul.f32 v12, v41  }
0x1c2: {  	v61 =	vld [tilespmem:$0x1FFB0];
	v5 =	vsub.f32 v5, v28;
	v15 =	vmul.f32 v15, v42;
	v13 =	vmul.f32 v13, v43  }
0x1c3: {  	v6 =	vmul.f32 v6, v9;
	v9 =	vsub.f32 v34, v28;
	v34 =	vsub.f32 v35, v28  }
0x1c4: {  	v30 =	vmul.f32 v30, v40;
	v35 =	vsub.f32 v36, v28;
	v36 =	vsub.f32 $1.500000000e+00, v37  }
0x1c5: {  	v4 =	vmul.f32 v4, v39;
	v37 =	vsub.f32 v38, v28;
	v10 =	vadd.f32 v10, v23  }
0x1c6: {  	v12 =	vadd.f32 v12, v24;
	v15 =	vadd.f32 v15, v25;
	v28 =	vmul.f32 v29, v44  }
0x1c7: {  	v29 =	vmul.f32 v32, v61;
	v13 =	vadd.f32 v13, v26;
	v38 =	vld [tilespmem:$0x1FFC0];
	v11 =	vmul.f32 v36, v11  }
0x1c8: {  	v28 =	vadd.f32 v28, v27;
	v7 =	vmul.f32 v6, v7;
	v36 =	vmul.f32 v6, v47  }
0x1c9: {  	v29 =	vadd.f32 v29, v22;
	[tilespmem:s7+$0xFFFFFF10] =	vst v12;
	v49 =	vmul.f32 v6, v49;
	v54 =	vmul.f32 v6, v54  }
0x1ca: {  	v47 =	vld [tilespmem:$0x1FFE0];
	[tilespmem:s7+$0xFFFFFF20] =	vst v15;
	v15 =	vadd.f32 v30, v23;
	v30 =	vmul.f32 v6, v58;
	v9 =	vmul.f32 v9, v42  }
0x1cb: {  	v8 =	vmul.f32 v11, v8;
	[tilespmem:s7+$0xFFFFFF50] =	vst v29;
	v29 =	vmul.f32 v31, v41;
	v12 =	vsub.f32 v49, v7  }
0x1cc: {  	v31 =	vsub.f32 v54, v7;
	v49 =	vmul.f32 v35, v44;
	v32 =	vmul.f32 v33, v38  }
0x1cd: {  	[tilespmem:s7+$0xFFFFFF00] =	vst v10;
	v9 =	vadd.f32 v9, v25;
	v33 =	vmul.f32 v6, v46;
	v38 =	vmul.f32 v6, v48  }
0x1ce: {  	[tilespmem:s7+$0xFFFFFF30] =	vst v13;
	v35 =	vld [tilespmem:$0x1FFD0];
	v46 =	vmul.f32 v34, v43;
	v8 =	vmul.f32 v8, v11;
	v39 =	vadd.f32 v29, v24  }
0x1cf: {  	[tilespmem:s7+$0xFFFFFF40] =	vst v28;
	v34 =	vadd.f32 v49, v27;
	v12 =	vmul.f32 v12, v44;
	v10 =	vadd.f32 v32, v47  }
0x1d0: {  	[tilespmem:s7+$0xFFFFFF80] =	vst v15;
	v48 =	vld [tilespmem:$0x1FFF0];
	v32 =	vmul.f32 v6, v45;
	v13 =	vsub.f32 v33, v7;
	v33 =	vsub.f32 v36, v7  }
0x1d1: {  	v58 =	vmul.f32 v14, v61;
	[tilespmem:s7+$0xFFFFFFA0] =	vst v9;
	v54 =	vadd.f32 v46, v26;
	v8 =	vsub.f32 $1.500000000e+00, v8  }
0x1d2: {  	v6 =	vmul.f32 v6, v60;
	v45 =	vld [tilespmem:$0x1FFC0];
	[tilespmem:s7+$0xFFFFFFC0] =	vst v34;
	v34 =	vadd.f32 v12, v27;
	v28 =	vsub.f32 v32, v7  }
0x1d3: {  	[tilespmem:s7+$0xFFFFFF90] =	vst v39;
	v32 =	vsub.f32 v38, v7;
	v5 =	vmul.f32 v5, v35;
	v36 =	vmul.f32 v13, v40  }
0x1d4: {  	[tilespmem:s7+$0xFFFFFF60] =	vst v10;
	v10 =	vsub.f32 v30, v7;
	v39 =	vmul.f32 v33, v41;
	v33 =	vmul.f32 v31, v61  }
0x1d5: {  	[tilespmem:s7+$0xFFFFFFB0] =	vst v54;
	v4 =	vadd.f32 v4, v48;
	v8 =	vmul.f32 v8, v11;
	v5 =	vadd.f32 v5, v48  }
0x1d6: {  	v29 =	vld [tilespmem:$0x1FFD0];
	[tilespmem:s7+$0x40] =	vst v34;
	v46 =	vadd.f32 v36, v23;
	v49 =	vmul.f32 v28, v42;
	v54 =	vadd.f32 v39, v24  }
0x1d7: {  	[tilespmem:s7+$0xFFFFFF70] =	vst v4;
	v60 =	vmul.f32 v37, v45;
	v37 =	vadd.f32 v58, v22;
	v58 =	vmul.f32 v32, v43  }
0x1d8: {  	v36 =	vadd.f32 v33, v22;
	v62 =	vmul.f32 v8, v62;
	v32 =	vmul.f32 v8, v55;
	[tilespmem:s7+$0xFFFFFFF0] =	vst v5  }
0x1d9: {  	v4 =	vsub.f32 v6, v7;
	v15 =	vmul.f32 v8, v56;
	v10 =	vmul.f32 v10, v45;
	[tilespmem:s7+$0x0] =	vst v46  }
0x1da: {  	v52 =	vmul.f32 v8, v52;
	[tilespmem:s7+$0x10] =	vst v54;
	v38 =	vadd.f32 v60, v47;
	v35 =	vsub.f32 v32, v62  }
0x1db: {  	[tilespmem:s7+$0xFFFFFFD0] =	vst v37;
	v5 =	vadd.f32 v58, v26;
	v4 =	vmul.f32 v4, v29;
	v37 =	vsub.f32 v15, v62  }
0x1dc: {  	[tilespmem:s7+$0x50] =	vst v36;
	v60 =	vadd.f32 v49, v25;
	v39 =	vmul.f32 v35, v40;
	v40 =	vmul.f32 v8, v51  }
0x1dd: {  	v56 =	vsub.f32 v52, v62;
	[tilespmem:s7+$0x30] =	vst v5;
	v5 =	vmul.f32 v37, v41;
	v41 =	vmul.f32 v8, v50  }
0x1de: {  	[tilespmem:s7+$0xFFFFFFE0] =	vst v38;
	v38 =	vadd.f32 v10, v47;
	v50 =	vmul.f32 v8, v53;
	v49 =	vsub.f32 v40, v62  }
0x1df: {  	v55 =	vmul.f32 v8, v57;
	[tilespmem:s7+$0x20] =	vst v60;
	v4 =	vadd.f32 v4, v48;
	v51 =	vsub.f32 v41, v62  }
0x1e0: {  	v46 =	vadd.f32 v39, v23;
	[tilespmem:s7+$0x60] =	vst v38;
	v54 =	vsub.f32 v50, v62;
	v53 =	vmul.f32 v49, v42  }
0x1e1: {  	v8 =	vmul.f32 v8, v59;
	v5 =	vadd.f32 v5, v24;
	[tilespmem:s7+$0x70] =	vst v4;
	v4 =	vmul.f32 v51, v43  }
0x1e2: {  	v58 =	vsub.f32 v55, v62;
	[tilespmem:s7+$0x80] =	vst v46;
	v57 =	vmul.f32 v54, v44;
	v7 =	vadd.f32 v53, v25  }
0x1e3: {  	v59 =	vsub.f32 v8, v62;
	[tilespmem:s7+$0x90] =	vst v5;
	v5 =	vmul.f32 v56, v61;
	v4 =	vadd.f32 v4, v26  }
0x1e4: {  	p0 =	slt.u32 s16, $0x7C;
	v61 =	vmul.f32 v58, v45;
	v60 =	vadd.f32 v57, v27;
	[tilespmem:s7+$0xA0] =	vst v7  }
.Ltmp1:
0x1e5: {  	[tilespmem:s7+$0xB0] =	vst v4;
	v4 =	vadd.f32 v5, v22;
	v5 =	vmul.f32 v59, v29;
	(pc) =	sbr.rel @p0 .LBB2_5-.Ltmp1, $4  }
0x1e6: {  	v62 =	vadd.f32 v61, v47;
	[tilespmem:s7+$0xC0] =	vst v60  }
0x1e7: {  	[tilespmem:s7+$0xD0] =	vst v4;
	v4 =	vadd.f32 v5, v48  }
0x1e8: {  	v63 =	vld [tilespmem:$0x1FF40];
	[tilespmem:s7+$0xE0] =	vst v62  }
0x1e9: {  	s9 =	sadd.s32 $0x200, s9;
	s0 =	smov.u32 s16;
	v28 =	vld [tilespmem:$0x1FF50];
	[tilespmem:s7+$0xF0] =	vst v4;
	s7 =	sadd.s32 $0x200, s7  }
0x1ea: {  	s0 =	smul.u32 $0x600, s14  }
0x1eb: {  	_ =	swait.ge [sflag:s29], $0x4000  }
0x1ec: {  	s1 =	simm.s32 $0x9D80;
	[sflag:s29] =	ssyncset.done $0x0;
	s7 =	sshra.s32 s0, $0x2  }
0x1ed: {  	s15 =	sshll.u32 s15, $0x4;
	[sflag:s29] =	ssyncadd.s32 $0xFFFFC000;
	s0 =	sadd.s32 $0x180, s7  }
0x1ee: {  	[tilespmem:s1], [sflag:$0x1] =	stream.indirect.gather [hbm4b:s25+s30], $0x80, s0, s30, $0xb8;
	[tilespmem:$0x15D80] =	vst v63  }
0x1ef: {  	s23 =	simm.s32 $0xDD80;
	s16 =	simm.s32 $0x3;
	s0 =	sadd.s32 s26, s15  }
0x1f0: {  	[hbm4b:s0+s6] =	stream.linear.scatter [tilespmem:s23], [sflag:$0x5], $0x4000, $0x38;
	[tilespmem:$0x15D80] =	vst v63  }
0x1f1: {  	s22 =	sadd.s32 $0x1C00, s24;
	_ =	swait.ge [sflag:s16], $0x4000  }
0x1f2: {  	s11 =	sadd.s32 s8, s24;
	s9 =	simm.s32 $0x11E80;
	v29 =	vmov v16;
	v4 =	vmov s22;
	[sflag:s16] =	ssyncset.done $0x0  }
0x1f3: {  	v35 =	vmovc v17;
	v36 =	vmovc v18;
	v37 =	vmov v19;
	v38 =	vmov v20;
	v39 =	vmov v21;
	s15 =	smov.u32 s20;
	s0 =	simm.s32 $0xFFFFFFFC;
	[tilespmem:$0x1FF10] =	vst v4;
	[sflag:s16] =	ssyncadd.s32 $0xFFFFC000  }
.LBB2_7:
0x1f4: {  	v4 =	vld [tilespmem:$0x1FF10];
	_ =	sdelay $0x1  }
0x1f5: {  	v6 =	vld [tilespmem:s9+$0xFFFFFF10]  }
0x1f6: {  	v8 =	vld [tilespmem:s9+$0xFFFFFF20]  }
0x1f7: {  	v11 =	vld [tilespmem:s9+$0xFFFFFF30]  }
0x1f8: {  	s1 =	sadd.s32 s0, s12;
	v13 =	vld [tilespmem:s9+$0xFFFFFF40]  }
0x1f9: {  	s16 =	sadd.s32 $0x4, s0;
	v15 =	vld [tilespmem:s9+$0xFFFFFF50];
	s4 =	sadd.s32 $0x104, s1  }
0x1fa: {  	s5 =	simm.s32 $0xFFFF9A80;
	v40 =	vld [tilespmem:s9+$0xFFFFFF80];
	s22 =	sand.u32 $0x70, s16;
	p0 =	sgt.u32 s4, $0xC7  }
0x1fb: {  	s5 =	simm.s32 @!p0 $0xFFFFFE80;
	v50 =	vld.idx.msk [tilespmem:v4+s22+$0x0 ss:$0x1], $0xffff;
	s22 =	sadd.s32 s15, s13  }
0x1fc: {  	v4 =	vld [tilespmem:s9+$0xFFFFFF00];
	s24 =	sadd.s32 s5, s22  }
0x1fd: {  	v5 =	vld [tilespmem:s24+$0x3800]  }
0x1fe: {  	v7 =	vld [tilespmem:s24+$0x3810]  }
0x1ff: {  	s3 =	sand.u32 $0xC, s16;
	v10 =	vld [tilespmem:s24+$0x3820]  }
0x200: {  	v9 =	vmov s3;
	v12 =	vld [tilespmem:s24+$0x3830]  }
0x201: {  	v34 =	vld [tilespmem:s24+$0x3850];
	v9 =	vperm.xlane v50, v9  }
0x202: {  	v49 =	vld [tilespmem:s24+$0x3860]  }
0x203: {  	v57 =	vld [tilespmem:s24+$0x3870];
	v9 =	vcvt.s32.f32 v9  }
0x204: {  	v4 =	vadd.f32 v5, v4;
	v5 =	vld [tilespmem:s24+$0x3840];
	v6 =	vadd.f32 v7, v6;
	s24 =	sadd.s32 $0x105, s1  }
0x205: {  	v43 =	vld [tilespmem:s9+$0xFFFFFF90];
	s4 =	simm.s32 $0xFFFF9B00;
	v8 =	vadd.f32 v10, v8;
	v47 =	vadd.f32 v12, v11;
	p0 =	sgt.u32 s24, $0xC7;
	v14 =	vmul.f32 v9, v63  }
0x206: {  	v56 =	vadd.f32 v34, v15;
	v15 =	vld [tilespmem:s9+$0xFFFFFFB0];
	v45 =	vmul.f32 v9, v28;
	v46 =	vmul.f32 v9, v29;
	s4 =	simm.s32 @!p0 $0xFFFFFF00  }
0x207: {  	v48 =	vmul.f32 v9, v35;
	v51 =	vmul.f32 v9, v36;
	s4 =	sadd.s32 s4, s22;
	v33 =	vadd.f32 v4, v14;
	v4 =	vld [tilespmem:s9+$0xFFFFFF60]  }
0x208: {  	s3 =	sadd.s32 $0x5, s0;
	v59 =	vmul.f32 v9, v37;
	v32 =	vadd.f32 v6, v45;
	v31 =	vadd.f32 v8, v46;
	v42 =	vld [tilespmem:s4+$0x3800]  }
0x209: {  	s5 =	sand.u32 $0xD, s3;
	v61 =	vmul.f32 v9, v38;
	v30 =	vadd.f32 v47, v48;
	v45 =	vld [tilespmem:s4+$0x3810];
	v5 =	vadd.f32 v5, v13  }
0x20a: {  	v34 =	vadd.f32 v56, v59;
	v46 =	vmov s5;
	v47 =	vld [tilespmem:s9+$0xFFFFFFA0];
	v52 =	vadd.f32 v32, v33  }
0x20b: {  	v16 =	vmovc v29;
	v53 =	vmul.f32 v33, v33;
	v54 =	vmul.f32 v32, v32;
	v29 =	vadd.f32 v5, v51;
	v5 =	vld [tilespmem:s9+$0xFFFFFF70]  }
0x20c: {  	v14 =	vmul.f32 v9, v39;
	v11 =	vperm.xlane v50, v46;
	v55 =	vadd.f32 v31, v52;
	v52 =	vld [tilespmem:s4+$0x3830]  }
0x20d: {  	v58 =	vmul.f32 v31, v31;
	v6 =	vadd.f32 v54, v53;
	v53 =	vld [tilespmem:s9+$0xFFFFFFC0];
	v4 =	vadd.f32 v49, v4  }
0x20e: {  	v62 =	vmul.f32 v30, v30;
	v49 =	vld [tilespmem:s4+$0x3820];
	v9 =	vadd.f32 v42, v40;
	v60 =	vadd.f32 v30, v55  }
0x20f: {  	v41 =	vmul.f32 v34, v34;
	v7 =	vadd.f32 v45, v43;
	v40 =	vld [tilespmem:s4+$0x3840];
	v6 =	vadd.f32 v58, v6  }
0x210: {  	v17 =	vmovc v35;
	v13 =	vmul.f32 v29, v29;
	v35 =	vadd.f32 v4, v61;
	v8 =	vadd.f32 v29, v60  }
0x211: {  	v4 =	vadd.f32 v62, v6;
	v5 =	vadd.f32 v57, v5;
	v6 =	vcvt.s32.f32 v11  }
0x212: {  	v44 =	vmul.f32 v35, v35;
	v60 =	vadd.f32 v52, v15;
	v8 =	vadd.f32 v34, v8  }
0x213: {  	v18 =	vmovc v36;
	v59 =	vld [tilespmem:s9+$0xFFFFFFE0];
	v4 =	vadd.f32 v13, v4;
	v36 =	vadd.f32 v5, v14;
	v54 =	vmul.f32 v6, v63  }
0x214: {  	v42 =	vld [tilespmem:s9+$0xFFFFFFD0];
	v55 =	vmul.f32 v6, v28;
	v12 =	vadd.f32 v49, v47;
	v10 =	vadd.f32 v40, v53  }
0x215: {  	v21 =	vmovc v39;
	v58 =	vld [tilespmem:s4+$0x3850];
	v57 =	vmul.f32 v6, v16;
	v5 =	vadd.f32 v35, v8;
	v4 =	vadd.f32 v41, v4  }
0x216: {  	v19 =	vmovc v37;
	v46 =	vld [tilespmem:s9+$0xFFFFFFF0];
	v61 =	vmul.f32 v6, v17;
	v39 =	vadd.f32 v9, v54;
	v37 =	vadd.f32 v7, v55  }
0x217: {  	v20 =	vmovc v38;
	v62 =	vld [tilespmem:s4+$0x3860];
	v15 =	vmul.f32 v6, v18;
	v38 =	vadd.f32 v12, v57;
	v5 =	vadd.f32 v36, v5  }
0x218: {  	v49 =	vld [tilespmem:s4+$0x3870];
	v48 =	vmul.f32 v36, v36;
	v40 =	vadd.f32 v60, v61;
	v4 =	vadd.f32 v44, v4  }
0x219: {  	v41 =	vadd.f32 v10, v15;
	v44 =	vadd.f32 v37, v39;
	v51 =	vperm.xlane v5, v0  }
0x21a: {  	v7 =	vadd.f32 v58, v42;
	v4 =	vadd.f32 v48, v4  }
0x21b: {  	v52 =	vmul.f32 v6, v20;
	v47 =	vadd.f32 v38, v44;
	v5 =	vadd.f32 v5, v51  }
0x21c: {  	v8 =	vadd.f32 v62, v59;
	v45 =	vperm.xlane v4, v0;
	v51 =	vmul.f32 v6, v19  }
0x21d: {  	v9 =	vadd.f32 v49, v46;
	v11 =	vadd.f32 v40, v47;
	v56 =	vperm.xlane v5, v1  }
0x21e: {  	v55 =	vmul.f32 v39, v39;
	v4 =	vadd.f32 v45, v4;
	v42 =	vadd.f32 v7, v51  }
0x21f: {  	s24 =	sadd.s32 $0x106, s1;
	v6 =	vmul.f32 v6, v21;
	v54 =	vadd.f32 v41, v11;
	v5 =	vadd.f32 v5, v56  }
0x220: {  	p0 =	sgt.u32 s24, $0xC7;
	s4 =	simm.s32 $0xFFFF9B80;
	v43 =	vadd.f32 v8, v52;
	v53 =	vperm.xlane v4, v1;
	v56 =	vmul.f32 v37, v37  }
0x221: {  	s4 =	simm.s32 @!p0 $0xFFFFFF80;
	v44 =	vadd.f32 v9, v6;
	v7 =	vadd.f32 v42, v54;
	v48 =	vperm.xlane v5, v2  }
0x222: {  	s4 =	sadd.s32 s4, s22;
	v57 =	vmul.f32 v38, v38;
	v52 =	vld [tilespmem:s9+$0x10];
	v4 =	vadd.f32 v53, v4;
	v8 =	vadd.f32 v56, v55  }
0x223: {  	v60 =	vmul.f32 v40, v40;
	v58 =	vadd.f32 v43, v7;
	v56 =	vld [tilespmem:s4+$0x3810];
	v5 =	vadd.f32 v5, v48  }
0x224: {  	s3 =	sadd.s32 $0x6, s0;
	v15 =	vld [tilespmem:s4+$0x3820];
	v12 =	vmul.f32 v41, v41;
	v59 =	vperm.xlane v4, v2;
	v8 =	vadd.f32 v57, v8  }
0x225: {  	s5 =	sand.u32 $0xE, s3;
	v46 =	vld [tilespmem:s9+$0x0];
	v45 =	vmul.f32 v42, v42;
	v6 =	vadd.f32 v44, v58;
	v61 =	vperm.xlane v5, v3  }
0x226: {  	v47 =	vld [tilespmem:s4+$0x3800];
	v4 =	vadd.f32 v59, v4;
	v62 =	vadd.f32 v60, v8;
	v60 =	vmov s5  }
0x227: {  	v58 =	vld [tilespmem:s9+$0x20];
	v13 =	vperm.xlane v6, v0;
	v10 =	vperm.xlane v50, v60;
	v5 =	vadd.f32 v5, v61  }
0x228: {  	v48 =	vld [tilespmem:s4+$0x3830];
	v9 =	vadd.f32 v56, v52;
	v14 =	vperm.xlane v4, v3;
	v7 =	vadd.f32 v12, v62  }
0x229: {  	v62 =	vld [tilespmem:s9+$0x30];
	v10 =	vcvt.s32.f32 v10;
	v61 =	vmul.f32 $7.812500000e-03, v5;
	v5 =	vadd.f32 v6, v13  }
0x22a: {  	v49 =	vld [tilespmem:s9+$0x40];
	v51 =	vmul.f32 v43, v43;
	v4 =	vadd.f32 v14, v4;
	v7 =	vadd.f32 v45, v7  }
0x22b: {  	v60 =	vld [tilespmem:s4+$0x3860];
	v6 =	vadd.f32 v47, v46;
	v45 =	vmul.f32 v10, v63;
	v56 =	vmul.f32 v10, v28  }
0x22c: {  	v8 =	vadd.f32 v15, v58;
	v15 =	vld [tilespmem:s4+$0x3850];
	v55 =	vperm.xlane v5, v1;
	v4 =	vmul.f32 $7.812500000e-03, v4  }
0x22d: {  	v14 =	vld [tilespmem:s9+$0x80];
	v57 =	vmul.f32 v61, v61;
	v7 =	vadd.f32 v51, v7;
	v46 =	vadd.f32 v6, v45  }
0x22e: {  	s1 =	sadd.s32 $0x107, s1;
	v59 =	vmul.f32 v44, v44;
	v51 =	vld [tilespmem:s9+$0x50];
	v47 =	vadd.f32 v9, v56;
	v58 =	vadd.f32 v48, v62  }
0x22f: {  	p0 =	sgt.u32 s1, $0xC7;
	s1 =	sadd.s32 $0xFFFF9C00, s22;
	v6 =	vld [tilespmem:s9+$0x60];
	v62 =	vmul.f32 v10, v18;
	v5 =	vadd.f32 v5, v55;
	v4 =	vsub.f32 v4, v57  }
0x230: {  	s22 =	smov.u32 @p0 s1;
	v7 =	vadd.f32 v59, v7;
	v55 =	vld [tilespmem:s4+$0x3840];
	v57 =	vmul.f32 v10, v16;
	v59 =	vmul.f32 v10, v17  }
0x231: {  	v9 =	vld [tilespmem:s22+$0x3800];
	v52 =	vadd.f32 v47, v46;
	v53 =	vperm.xlane v5, v2;
	v4 =	vadd.f32 $9.999999960e-13, v4  }
0x232: {  	v54 =	vperm.xlane v7, v0;
	v45 =	vadd.f32 v8, v57;
	v48 =	vadd.f32 v58, v59  }
0x233: {  	v58 =	vmul.f32 v10, v19;
	v56 =	vadd.f32 v15, v51;
	v5 =	vadd.f32 v5, v53  }
0x234: {  	v7 =	vadd.f32 v54, v7;
	v53 =	vmul.f32 v46, v46;
	v54 =	vmul.f32 v47, v47  }
0x235: {  	v57 =	vmul.f32 v45, v45;
	v6 =	vadd.f32 v60, v6;
	v11 =	vadd.f32 v55, v49  }
0x236: {  	v15 =	vld [tilespmem:s4+$0x3870];
	v60 =	vmul.f32 v10, v20;
	v9 =	vadd.f32 v9, v14;
	v55 =	vadd.f32 v45, v52  }
0x237: {  	v10 =	vmul.f32 v10, v21;
	v8 =	vadd.f32 v54, v53;
	v49 =	vadd.f32 v11, v62;
	v11 =	vld [tilespmem:s9+$0x70]  }
0x238: {  	v52 =	vcvt.s32.f32 v4;
	v54 =	vadd.f32 v56, v58;
	v59 =	vadd.f32 v48, v55  }
0x239: {  	s24 =	sadd.s32 $0x7, s0;
	v58 =	vadd.f32 v6, v60;
	v62 =	vmul.f32 v48, v48;
	v8 =	vadd.f32 v57, v8  }
0x23a: {  	v53 =	vmov s24;
	v52 =	vmul.f32 $5.000000000e-01, v52;
	v12 =	vadd.f32 v49, v59  }
0x23b: {  	v13 =	vld [tilespmem:s9+$0x90];
	v50 =	vperm.xlane v50, v53;
	v56 =	vmul.f32 v49, v49;
	v55 =	vadd.f32 v62, v8  }
0x23c: {  	v51 =	vld [tilespmem:s22+$0x3810];
	v57 =	vmul.f32 v54, v54;
	v12 =	vadd.f32 v54, v12;
	v11 =	vadd.f32 v15, v11  }
0x23d: {  	v53 =	vld [tilespmem:s22+$0x3830];
	v52 =	vsub.f32 $1.597463040e+09, v52;
	v15 =	vperm.xlane v7, v1;
	v6 =	vadd.f32 v56, v55  }
0x23e: {  	v62 =	vperm.xlane v5, v3;
	v8 =	vld [tilespmem:s22+$0x3820];
	v59 =	vadd.f32 v58, v12;
	v60 =	vadd.f32 v11, v10  }
0x23f: {  	v11 =	vld [tilespmem:s9+$0xA0];
	v7 =	vadd.f32 v15, v7;
	v6 =	vadd.f32 v57, v6;
	v15 =	vmul.f32 v58, v58  }
0x240: {  	v56 =	vld [tilespmem:s9+$0xB0];
	v5 =	vadd.f32 v5, v62;
	v12 =	vcvt.s32.f32 v50;
	v10 =	vadd.f32 v60, v59  }
0x241: {  	v62 =	vld [tilespmem:s22+$0x3840];
	v55 =	vperm.xlane v7, v2;
	v6 =	vadd.f32 v15, v6;
	v15 =	vmul.f32 v60, v60  }
0x242: {  	v13 =	vadd.f32 v51, v13;
	v50 =	vtrunc.f32 v52;
	v52 =	vld [tilespmem:s22+$0x3850];
	v63 =	vmul.f32 v12, v63  }
0x243: {  	v59 =	vld [tilespmem:s9+$0xC0];
	v57 =	vperm.xlane v10, v0;
	v7 =	vadd.f32 v55, v7;
	v6 =	vadd.f32 v15, v6  }
0x244: {  	v4 =	vmul.f32 $5.000000000e-01, v4;
	v15 =	vld [tilespmem:s9+$0xD0];
	v55 =	vadd.f32 v9, v63;
	v8 =	vadd.f32 v8, v11  }
0x245: {  	v11 =	vmul.f32 v12, v16;
	v10 =	vadd.f32 v10, v57;
	v57 =	vmul.f32 v12, v28  }
0x246: {  	v9 =	vadd.f32 v53, v56;
	v63 =	vmul.f32 v12, v17;
	v53 =	vmul.f32 v12, v18  }
0x247: {  	v28 =	vcvt.f32.s32 v50;
	v51 =	vadd.f32 v8, v11;
	v8 =	vld [tilespmem:s9+$0xE0];
	v56 =	vadd.f32 v13, v57  }
0x248: {  	v50 =	vadd.f32 v9, v63;
	v9 =	vadd.f32 v62, v59;
	v11 =	vld [tilespmem:s22+$0x3860];
	v57 =	vmul.f32 v55, v55  }
0x249: {  	v14 =	vadd.f32 v52, v15;
	v15 =	vmul.f32 v12, v19;
	v62 =	vmul.f32 v56, v56  }
0x24a: {  	v63 =	vmul.f32 v28, v4;
	v53 =	vadd.f32 v9, v53;
	v59 =	vadd.f32 v56, v55  }
0x24b: {  	v13 =	vld [tilespmem:s22+$0x3870];
	v52 =	vadd.f32 v14, v15;
	v14 =	vadd.f32 v62, v57  }
0x24c: {  	v9 =	vld [tilespmem:s9+$0xF0];
	v15 =	vadd.f32 v51, v59;
	v57 =	vmul.f32 v51, v51;
	v62 =	vmul.f32 v28, v63  }
0x24d: {  	v8 =	vadd.f32 v11, v8;
	v11 =	vmul.f32 v12, v20;
	v59 =	vmul.f32 v50, v50  }
0x24e: {  	v63 =	vmul.f32 $7.812500000e-03, v5;
	v14 =	vadd.f32 v57, v14;
	v15 =	vadd.f32 v50, v15  }
0x24f: {  	v5 =	vperm.xlane v7, v3;
	v12 =	vmul.f32 v12, v21;
	v57 =	vadd.f32 v8, v11  }
0x250: {  	v8 =	vadd.f32 v59, v14;
	v11 =	vadd.f32 v53, v15;
	v14 =	vmul.f32 v53, v53  }
0x251: {  	v9 =	vadd.f32 v13, v9;
	v5 =	vadd.f32 v5, v7;
	v59 =	vperm.xlane v6, v0  }
0x252: {  	v8 =	vadd.f32 v14, v8;
	v11 =	vadd.f32 v52, v11;
	v14 =	vmul.f32 v52, v52  }
0x253: {  	v13 =	vperm.xlane v10, v1;
	v6 =	vadd.f32 v59, v6;
	v59 =	vadd.f32 v9, v12  }
0x254: {  	v8 =	vadd.f32 v14, v8;
	v12 =	vadd.f32 v57, v11;
	v14 =	vmul.f32 v57, v57  }
0x255: {  	v7 =	vadd.f32 v10, v13;
	v5 =	vmul.f32 $7.812500000e-03, v5;
	v10 =	vperm.xlane v6, v1  }
0x256: {  	v11 =	vmul.f32 v59, v59;
	v8 =	vadd.f32 v14, v8;
	v9 =	vadd.f32 v59, v12  }
0x257: {  	v12 =	vperm.xlane v7, v2;
	v6 =	vadd.f32 v10, v6;
	v10 =	vmul.f32 v63, v63  }
0x258: {  	v13 =	vsub.f32 $1.500000000e+00, v62;
	v8 =	vadd.f32 v11, v8;
	v11 =	vperm.xlane v9, v0  }
0x259: {  	v7 =	vadd.f32 v7, v12;
	v62 =	vperm.xlane v6, v2;
	v5 =	vsub.f32 v5, v10  }
0x25a: {  	v9 =	vadd.f32 v9, v11;
	v10 =	vperm.xlane v8, v0;
	v11 =	vmul.f32 v28, v13  }
0x25b: {  	v13 =	vperm.xlane v7, v3;
	v6 =	vadd.f32 v62, v6;
	v5 =	vadd.f32 $9.999999960e-13, v5  }
0x25c: {  	v62 =	vperm.xlane v9, v1;
	v8 =	vadd.f32 v10, v8  }
0x25d: {  	v7 =	vadd.f32 v7, v13;
	v13 =	vperm.xlane v6, v3;
	v14 =	vcvt.s32.f32 v5  }
0x25e: {  	v9 =	vadd.f32 v9, v62;
	v62 =	vperm.xlane v8, v1  }
0x25f: {  	v7 =	vmul.f32 $7.812500000e-03, v7;
	v6 =	vadd.f32 v13, v6;
	v13 =	vmul.f32 $5.000000000e-01, v14  }
0x260: {  	v10 =	vmul.f32 v11, v4;
	v14 =	vperm.xlane v9, v2;
	v8 =	vadd.f32 v62, v8  }
0x261: {  	v6 =	vmul.f32 $7.812500000e-03, v6;
	v62 =	vmul.f32 v7, v7;
	v13 =	vsub.f32 $1.597463040e+09, v13  }
0x262: {  	v5 =	vmul.f32 $5.000000000e-01, v5;
	v10 =	vmul.f32 v10, v11;
	v9 =	vadd.f32 v9, v14  }
0x263: {  	v14 =	vperm.xlane v8, v2;
	v6 =	vsub.f32 v6, v62;
	v12 =	vtrunc.f32 v13  }
0x264: {  	v10 =	vsub.f32 $1.500000000e+00, v10;
	v12 =	vcvt.f32.s32 v12;
	v62 =	vperm.xlane v9, v3  }
0x265: {  	v8 =	vadd.f32 v14, v8;
	v6 =	vadd.f32 $9.999999960e-13, v6  }
0x266: {  	v10 =	vmul.f32 v10, v11;
	v13 =	vmul.f32 v12, v5;
	v9 =	vadd.f32 v9, v62  }
0x267: {  	v11 =	vperm.xlane v8, v3;
	v14 =	vcvt.s32.f32 v6  }
0x268: {  	v4 =	vmul.f32 v10, v4;
	v62 =	vmul.f32 $7.812500000e-03, v9  }
0x269: {  	v8 =	vadd.f32 v11, v8;
	v9 =	vmul.f32 v12, v13;
	v11 =	vmul.f32 $5.000000000e-01, v14;
	_ =	sdelay $0x1  }
0x26a: {  	v4 =	vmul.f32 v4, v10;
	v9 =	vsub.f32 $1.500000000e+00, v9;
	v11 =	vsub.f32 $1.597463040e+09, v11  }
0x26b: {  	v8 =	vmul.f32 $7.812500000e-03, v8;
	v13 =	vmul.f32 v62, v62  }
0x26c: {  	v4 =	vsub.f32 $1.500000000e+00, v4;
	v9 =	vmul.f32 v12, v9;
	v11 =	vtrunc.f32 v11  }
0x26d: {  	v6 =	vmul.f32 $5.000000000e-01, v6;
	v8 =	vsub.f32 v8, v13;
	v11 =	vcvt.f32.s32 v11  }
0x26e: {  	v4 =	vmul.f32 v4, v10;
	v12 =	vmul.f32 v9, v5  }
0x26f: {  	v8 =	vadd.f32 $9.999999960e-13, v8;
	v13 =	vmul.f32 v11, v6  }
0x270: {  	v15 =	vmul.f32 v4, v33;
	v10 =	vmul.f32 v12, v9  }
0x271: {  	v14 =	vcvt.s32.f32 v8;
	v12 =	vmul.f32 v11, v13  }
0x272: {  	v28 =	vmul.f32 v4, v32;
	v31 =	vmul.f32 v4, v31;
	v10 =	vsub.f32 $1.500000000e+00, v10  }
0x273: {  	v29 =	vmul.f32 v4, v29;
	v13 =	vmul.f32 $5.000000000e-01, v14;
	v12 =	vsub.f32 $1.500000000e+00, v12  }
0x274: {  	v32 =	vmul.f32 v4, v34;
	v9 =	vmul.f32 v10, v9  }
0x275: {  	v8 =	vmul.f32 $5.000000000e-01, v8;
	v13 =	vsub.f32 $1.597463040e+09, v13;
	v10 =	vmul.f32 v11, v12  }
0x276: {  	v14 =	vmul.f32 v4, v61;
	v5 =	vmul.f32 v9, v5  }
0x277: {  	v33 =	vtrunc.f32 v13;
	v12 =	vmul.f32 v10, v6  }
0x278: {  	v29 =	vsub.f32 v29, v14;
	v11 =	vcvt.f32.s32 v33;
	v5 =	vmul.f32 v5, v9  }
0x279: {  	v32 =	vsub.f32 v32, v14;
	v13 =	vmul.f32 v4, v30;
	v12 =	vmul.f32 v12, v10  }
0x27a: {  	v33 =	vmul.f32 v4, v35;
	v30 =	vmul.f32 v11, v8;
	v5 =	vsub.f32 $1.500000000e+00, v5  }
0x27b: {  	v4 =	vmul.f32 v4, v36;
	v13 =	vsub.f32 v13, v14;
	v12 =	vsub.f32 $1.500000000e+00, v12  }
0x27c: {  	v33 =	vsub.f32 v33, v14;
	v30 =	vmul.f32 v11, v30;
	v5 =	vmul.f32 v5, v9  }
0x27d: {  	v9 =	vmul.f32 v12, v10;
	v10 =	vsub.f32 v15, v14;
	v12 =	vsub.f32 v28, v14  }
0x27e: {  	v15 =	vsub.f32 v31, v14;
	v28 =	vmul.f32 v5, v63;
	v31 =	vmul.f32 v5, v37  }
0x27f: {  	v30 =	vsub.f32 $1.500000000e+00, v30;
	v34 =	vmul.f32 v5, v38;
	v35 =	vmul.f32 v5, v40  }
0x280: {  	v4 =	vsub.f32 v4, v14;
	v40 =	vld [tilespmem:$0x1FF60];
	v36 =	vmul.f32 v5, v41;
	v14 =	vmul.f32 v5, v42  }
0x281: {  	v41 =	vld [tilespmem:$0x1FF70];
	v11 =	vmul.f32 v11, v30;
	v6 =	vmul.f32 v9, v6  }
0x282: {  	v42 =	vld [tilespmem:$0x1FF80];
	v38 =	vmul.f32 v5, v43;
	v30 =	vmul.f32 v5, v39  }
0x283: {  	v43 =	vld [tilespmem:$0x1FF90];
	v6 =	vmul.f32 v6, v9;
	v37 =	vmul.f32 v11, v8  }
0x284: {  	v61 =	vld [tilespmem:$0x1FFB0];
	v5 =	vmul.f32 v5, v44;
	v31 =	vsub.f32 v31, v28;
	v14 =	vsub.f32 v14, v28  }
0x285: {  	v44 =	vld [tilespmem:$0x1FFA0];
	v30 =	vsub.f32 v30, v28;
	v6 =	vsub.f32 $1.500000000e+00, v6;
	v37 =	vmul.f32 v37, v11  }
0x286: {  	v39 =	vld [tilespmem:$0x1FFD0];
	v5 =	vsub.f32 v5, v28;
	v10 =	vmul.f32 v10, v40;
	v12 =	vmul.f32 v12, v41  }
0x287: {  	v15 =	vmul.f32 v15, v42;
	v6 =	vmul.f32 v6, v9;
	v9 =	vsub.f32 v34, v28  }
0x288: {  	v13 =	vmul.f32 v13, v43;
	v34 =	vsub.f32 v35, v28;
	v35 =	vsub.f32 v36, v28  }
0x289: {  	v30 =	vmul.f32 v30, v40;
	v36 =	vsub.f32 $1.500000000e+00, v37;
	v37 =	vsub.f32 v38, v28  }
0x28a: {  	v10 =	vadd.f32 v10, v23;
	v28 =	vmul.f32 v29, v44;
	v29 =	vmul.f32 v32, v61;
	v38 =	vld [tilespmem:$0x1FFC0]  }
0x28b: {  	v4 =	vmul.f32 v4, v39;
	v12 =	vadd.f32 v12, v24;
	v15 =	vadd.f32 v15, v25  }
0x28c: {  	v11 =	vmul.f32 v36, v11;
	v7 =	vmul.f32 v6, v7;
	v29 =	vadd.f32 v29, v22  }
0x28d: {  	v36 =	vmul.f32 v6, v47;
	v47 =	vld [tilespmem:$0x1FFF0];
	[tilespmem:s9+$0xFFFFFF20] =	vst v15;
	v15 =	vadd.f32 v30, v23;
	v30 =	vmul.f32 v6, v58  }
0x28e: {  	v13 =	vadd.f32 v13, v26;
	v9 =	vmul.f32 v9, v42;
	[tilespmem:s9+$0xFFFFFF50] =	vst v29;
	v29 =	vmul.f32 v31, v41  }
0x28f: {  	v28 =	vadd.f32 v28, v27;
	v32 =	vmul.f32 v33, v38;
	v33 =	vmul.f32 v6, v46;
	v46 =	vld [tilespmem:$0x1FFE0]  }
0x290: {  	v8 =	vmul.f32 v11, v8;
	v9 =	vadd.f32 v9, v25;
	v38 =	vmul.f32 v6, v48  }
0x291: {  	[tilespmem:s9+$0xFFFFFF00] =	vst v10;
	v48 =	vmul.f32 v6, v49;
	v49 =	vmul.f32 v6, v54;
	v54 =	vadd.f32 v29, v24  }
0x292: {  	[tilespmem:s9+$0xFFFFFF30] =	vst v13;
	v58 =	vmul.f32 v34, v43;
	v4 =	vadd.f32 v4, v47;
	v13 =	vsub.f32 v33, v7  }
0x293: {  	[tilespmem:s9+$0xFFFFFF10] =	vst v12;
	v8 =	vmul.f32 v8, v11;
	v12 =	vsub.f32 v48, v7;
	v31 =	vsub.f32 v49, v7  }
0x294: {  	[tilespmem:s9+$0xFFFFFF40] =	vst v28;
	v49 =	vmul.f32 v14, v61;
	v10 =	vadd.f32 v32, v46;
	v32 =	vmul.f32 v6, v45;
	v45 =	vld [tilespmem:$0x1FFC0]  }
0x295: {  	[tilespmem:s9+$0xFFFFFF80] =	vst v15;
	v48 =	vadd.f32 v58, v26;
	v6 =	vmul.f32 v6, v60;
	v60 =	vmul.f32 v35, v44  }
0x296: {  	[tilespmem:s9+$0xFFFFFFA0] =	vst v9;
	v33 =	vsub.f32 v36, v7;
	v8 =	vsub.f32 $1.500000000e+00, v8;
	v34 =	vmul.f32 v13, v40  }
0x297: {  	[tilespmem:s9+$0xFFFFFFB0] =	vst v48;
	v48 =	vadd.f32 v49, v22;
	v58 =	vadd.f32 v60, v27;
	v60 =	vld [tilespmem:$0x1FFD0]  }
0x298: {  	[tilespmem:s9+$0xFFFFFF90] =	vst v54;
	v12 =	vmul.f32 v12, v44;
	v8 =	vmul.f32 v8, v11;
	v9 =	vadd.f32 v34, v23  }
0x299: {  	[tilespmem:s9+$0xFFFFFF70] =	vst v4;
	v28 =	vsub.f32 v32, v7;
	v32 =	vsub.f32 v38, v7;
	v54 =	vmul.f32 v37, v45  }
0x29a: {  	[tilespmem:s9+$0xFFFFFF60] =	vst v10;
	v10 =	vsub.f32 v30, v7;
	v4 =	vsub.f32 v6, v7;
	v11 =	vmul.f32 v8, v62  }
0x29b: {  	[tilespmem:s9+$0xFFFFFFD0] =	vst v48;
	v48 =	vmul.f32 v32, v43;
	v32 =	vld [tilespmem:$0x1FFD0];
	v49 =	vadd.f32 v54, v46;
	v54 =	vmul.f32 v33, v41  }
0x29c: {  	v15 =	vmul.f32 v8, v56;
	v56 =	vadd.f32 v12, v27;
	[tilespmem:s9+$0x0] =	vst v9;
	v5 =	vmul.f32 v5, v60  }
0x29d: {  	[tilespmem:s9+$0xFFFFFFC0] =	vst v58;
	v58 =	vmul.f32 v28, v42;
	v60 =	vadd.f32 v54, v24;
	v54 =	vmul.f32 v8, v55  }
0x29e: {  	v52 =	vmul.f32 v8, v52;
	v62 =	vsub.f32 v15, v11;
	[tilespmem:s9+$0x40] =	vst v56;
	v5 =	vadd.f32 v5, v47  }
0x29f: {  	v10 =	vmul.f32 v10, v45;
	[tilespmem:s9+$0xFFFFFFE0] =	vst v49;
	v49 =	vadd.f32 v58, v25;
	v58 =	vsub.f32 v54, v11  }
0x2a0: {  	v55 =	vmul.f32 v31, v61;
	v4 =	vmul.f32 v4, v32;
	[tilespmem:s9+$0xFFFFFFF0] =	vst v5;
	v5 =	vadd.f32 v48, v26  }
0x2a1: {  	v56 =	vsub.f32 v52, v11;
	[tilespmem:s9+$0x10] =	vst v60;
	v34 =	vmul.f32 v58, v40;
	v40 =	vmul.f32 v8, v51  }
0x2a2: {  	v33 =	vadd.f32 v10, v46;
	[tilespmem:s9+$0x30] =	vst v5;
	v5 =	vmul.f32 v62, v41;
	v41 =	vmul.f32 v8, v50  }
0x2a3: {  	v60 =	vadd.f32 v55, v22;
	[tilespmem:s9+$0x20] =	vst v49;
	v50 =	vmul.f32 v8, v53;
	v49 =	vsub.f32 v40, v11  }
0x2a4: {  	[tilespmem:s9+$0x60] =	vst v33;
	v4 =	vadd.f32 v4, v47;
	v55 =	vmul.f32 v8, v57;
	v51 =	vsub.f32 v41, v11  }
0x2a5: {  	[tilespmem:s9+$0x50] =	vst v60;
	v48 =	vadd.f32 v34, v23;
	v54 =	vsub.f32 v50, v11;
	v53 =	vmul.f32 v49, v42  }
0x2a6: {  	[tilespmem:s9+$0x70] =	vst v4;
	v8 =	vmul.f32 v8, v59;
	v5 =	vadd.f32 v5, v24;
	v4 =	vmul.f32 v51, v43  }
0x2a7: {  	v58 =	vsub.f32 v55, v11;
	[tilespmem:s9+$0x80] =	vst v48;
	v57 =	vmul.f32 v54, v44;
	v7 =	vadd.f32 v53, v25  }
0x2a8: {  	v59 =	vsub.f32 v8, v11;
	[tilespmem:s9+$0x90] =	vst v5;
	v5 =	vmul.f32 v56, v61;
	v4 =	vadd.f32 v4, v26  }
0x2a9: {  	p0 =	slt.u32 s16, $0x7C;
	v61 =	vmul.f32 v58, v45;
	v60 =	vadd.f32 v57, v27;
	[tilespmem:s9+$0xA0] =	vst v7  }
.Ltmp2:
0x2aa: {  	[tilespmem:s9+$0xB0] =	vst v4;
	v4 =	vadd.f32 v5, v22;
	v5 =	vmul.f32 v59, v32;
	(pc) =	sbr.rel @p0 .LBB2_7-.Ltmp2, $4  }
0x2ab: {  	v62 =	vadd.f32 v61, v46;
	[tilespmem:s9+$0xC0] =	vst v60  }
0x2ac: {  	[tilespmem:s9+$0xD0] =	vst v4;
	v4 =	vadd.f32 v5, v47  }
0x2ad: {  	v63 =	vld [tilespmem:$0x1FF40];
	v39 =	vmov v21;
	[tilespmem:s9+$0xE0] =	vst v62  }
0x2ae: {  	s15 =	sadd.s32 $0x200, s15;
	s0 =	smov.u32 s16;
	v36 =	vmovc v18;
	v29 =	vmovc v16;
	v35 =	vmov v17;
	v38 =	vmov v20;
	v28 =	vld [tilespmem:$0x1FF50];
	v37 =	vmov v19;
	[tilespmem:s9+$0xF0] =	vst v4;
	s9 =	sadd.s32 $0x200, s9  }
0x2af: {  	_ =	swait.ge [sflag:s31], $0x4000  }
0x2b0: {  	s0 =	sadd.s32 $0x200, s7;
	s24 =	sshll.u32 s11, $0x4;
	s14 =	sadd.s32 $0x1, s14  }
0x2b1: {  	s1 =	simm.s32 $0x11D80;
	s10 =	sadd.s32 $0x180, s10;
	p0 =	sne.s32 s14, $0x10  }
.Ltmp3:
0x2b2: {  	s21 =	sadd.s32 $0xC000, s21;
	[sflag:s31] =	ssyncset.done $0x0;
	(pc) =	sbr.rel @p0 .LBB2_2-.Ltmp3, $4  }
0x2b3: {  	s17 =	sadd.s32 $0x180, s17;
	s18 =	sadd.s32 $0xC000, s18;
	[sflag:s31] =	ssyncadd.s32 $0xFFFFC000  }
0x2b4: {  	[tilespmem:s23], [sflag:$0x2] =	stream.indirect.gather [hbm4b:s25+s30], $0x80, s0, s30, $0xb8;
	[tilespmem:$0x15D80] =	vst v63  }
0x2b5: {  	v60 =	vmov v25;
	s19 =	sadd.s32 $0x180, s19;
	s20 =	sadd.s32 $0xC000, s20;
	s0 =	sadd.s32 s26, s24  }
0x2b6: {  	v30 =	vmovc v23;
	v14 =	vmovc v24;
	v12 =	vmov v26;
	v9 =	vmov v27;
	v10 =	vmov v22;
	[hbm4b:s0+s6] =	stream.linear.scatter [tilespmem:s1], [sflag:$0x6], $0x4000, $0x38;
	[tilespmem:$0x15D80] =	vst v63  }
0x2b7: {  	_ =	swait.ge [sflag:s2], $0x4000  }
0x2b8: {  	s0 =	simm.s32 $0xFFFFFFFC;
	[sflag:s2] =	ssyncset.done $0x0;
	s9 =	rddreg [dreg:$0x14]  }
0x2b9: {  	s7 =	simm.s32 $0x9E80;
	v23 =	vmov v30;
	v24 =	vmov v14;
	v25 =	vmov v60;
	s11 =	rddreg [dreg:$0x13];
	[sflag:s2] =	ssyncadd.s32 $0xFFFFC000  }
.LBB2_10:
0x2ba: {  	v4 =	vld [tilespmem:s7+$0xFFFFFF00]  }
0x2bb: {  	v6 =	vld [tilespmem:s7+$0xFFFFFF10]  }
0x2bc: {  	v8 =	vld [tilespmem:s7+$0xFFFFFF20]  }
0x2bd: {  	s1 =	sadd.s32 s0, s11;
	s10 =	sadd.s32 $0x4, s0;
	v11 =	vld [tilespmem:s7+$0xFFFFFF30]  }
0x2be: {  	v13 =	vld [tilespmem:s7+$0xFFFFFF40];
	s4 =	sadd.s32 $0x1804, s1;
	s16 =	sand.u32 $0x70, s10  }
0x2bf: {  	s5 =	simm.s32 $0xFFFFFE80;
	p0 =	sgt.u32 s4, $0xC7;
	v49 =	vld [tilespmem:s16+$0x3400]  }
0x2c0: {  	v15 =	vld [tilespmem:s7+$0xFFFFFF50];
	s5 =	simm.s32 @!p0 $0x6280  }
0x2c1: {  	v48 =	vld [tilespmem:s7+$0xFFFFFF80];
	s17 =	sadd.s32 s5, s9  }
0x2c2: {  	s18 =	sand.u32 $0xC, s10;
	v5 =	vld [tilespmem:s17+$0x3800]  }
0x2c3: {  	s19 =	sadd.s32 $0x1805, s1;
	v9 =	vmov s18;
	v7 =	vld [tilespmem:s17+$0x3810]  }
0x2c4: {  	s4 =	simm.s32 $0xFFFFFF00;
	p0 =	sgt.u32 s19, $0xC7;
	v10 =	vld [tilespmem:s17+$0x3820];
	v9 =	vperm.xlane v49, v9  }
0x2c5: {  	s4 =	simm.s32 @!p0 $0x6300;
	v12 =	vld [tilespmem:s17+$0x3830]  }
0x2c6: {  	v33 =	vld [tilespmem:s17+$0x3850];
	s4 =	sadd.s32 s4, s9;
	v9 =	vcvt.s32.f32 v9  }
0x2c7: {  	v51 =	vld [tilespmem:s4+$0x3800]  }
0x2c8: {  	v52 =	vld [tilespmem:s7+$0xFFFFFF90];
	v4 =	vadd.f32 v5, v4;
	v6 =	vadd.f32 v7, v6;
	v14 =	vmul.f32 v9, v63  }
0x2c9: {  	v5 =	vld [tilespmem:s17+$0x3840];
	v8 =	vadd.f32 v10, v8;
	v55 =	vmul.f32 v9, v28;
	v56 =	vmul.f32 v9, v29  }
0x2ca: {  	v59 =	vld [tilespmem:s17+$0x3860];
	v57 =	vadd.f32 v12, v11;
	v58 =	vmul.f32 v9, v35;
	v60 =	vmul.f32 v9, v36  }
0x2cb: {  	v54 =	vld [tilespmem:s4+$0x3810];
	v36 =	vadd.f32 v33, v15;
	v42 =	vmul.f32 v9, v37;
	v44 =	vmul.f32 v9, v38  }
0x2cc: {  	v40 =	vld [tilespmem:s17+$0x3870];
	v47 =	vmul.f32 v9, v39;
	v9 =	vadd.f32 v51, v48;
	v32 =	vadd.f32 v4, v14  }
0x2cd: {  	v31 =	vadd.f32 v6, v55;
	v4 =	vld [tilespmem:s7+$0xFFFFFF60];
	v30 =	vadd.f32 v8, v56  }
0x2ce: {  	s20 =	sadd.s32 $0x5, s0;
	v29 =	vadd.f32 v57, v58;
	v56 =	vld [tilespmem:s7+$0xFFFFFFA0];
	v5 =	vadd.f32 v5, v13  }
0x2cf: {  	s5 =	sand.u32 $0xD, s20;
	v58 =	vld [tilespmem:s4+$0x3820];
	v61 =	vadd.f32 v31, v32;
	v62 =	vmul.f32 v32, v32;
	v34 =	vmul.f32 v31, v31  }
0x2d0: {  	v15 =	vld [tilespmem:s7+$0xFFFFFFB0];
	v7 =	vadd.f32 v54, v52;
	v55 =	vmov s5;
	v28 =	vadd.f32 v5, v60  }
0x2d1: {  	v41 =	vmul.f32 v30, v30;
	v5 =	vld [tilespmem:s7+$0xFFFFFF70];
	v35 =	vadd.f32 v30, v61;
	v6 =	vadd.f32 v34, v62  }
0x2d2: {  	v33 =	vadd.f32 v36, v42;
	v11 =	vperm.xlane v49, v55;
	v60 =	vld [tilespmem:s4+$0x3830];
	v4 =	vadd.f32 v59, v4  }
0x2d3: {  	v45 =	vmul.f32 v29, v29;
	v43 =	vadd.f32 v29, v35;
	v6 =	vadd.f32 v41, v6  }
0x2d4: {  	v50 =	vmul.f32 v33, v33;
	v12 =	vadd.f32 v58, v56;
	v34 =	vadd.f32 v4, v44  }
0x2d5: {  	v61 =	vld [tilespmem:s7+$0xFFFFFFC0];
	v8 =	vadd.f32 v28, v43;
	v4 =	vadd.f32 v45, v6;
	v6 =	vcvt.s32.f32 v11  }
0x2d6: {  	v46 =	vmul.f32 v28, v28;
	v44 =	vld [tilespmem:$0x1FF50];
	v5 =	vadd.f32 v40, v5;
	v53 =	vmul.f32 v34, v34  }
0x2d7: {  	v45 =	vld [tilespmem:s4+$0x3840];
	v51 =	vadd.f32 v60, v15;
	v8 =	vadd.f32 v33, v8;
	v62 =	vmul.f32 v6, v63  }
0x2d8: {  	v48 =	vld [tilespmem:s4+$0x3850];
	v4 =	vadd.f32 v46, v4;
	v52 =	vmul.f32 v6, v17;
	v15 =	vmul.f32 v6, v18  }
0x2d9: {  	v41 =	vld [tilespmem:s7+$0xFFFFFFD0];
	v35 =	vadd.f32 v5, v47;
	v47 =	vmul.f32 v6, v16;
	v5 =	vadd.f32 v34, v8  }
0x2da: {  	v60 =	vmul.f32 v6, v19;
	v4 =	vadd.f32 v50, v4;
	v38 =	vadd.f32 v9, v62  }
0x2db: {  	v8 =	vmul.f32 v6, v44;
	v39 =	vadd.f32 v51, v52;
	v37 =	vadd.f32 v12, v47  }
0x2dc: {  	v50 =	vld [tilespmem:s7+$0xFFFFFFE0];
	v57 =	vmul.f32 v35, v35;
	v10 =	vadd.f32 v45, v61;
	v5 =	vadd.f32 v35, v5  }
0x2dd: {  	v61 =	vmul.f32 v6, v20;
	v4 =	vadd.f32 v53, v4;
	v36 =	vadd.f32 v7, v8;
	v53 =	vld [tilespmem:s4+$0x3860]  }
0x2de: {  	v6 =	vmul.f32 v6, v21;
	v7 =	vadd.f32 v48, v41;
	v43 =	vmul.f32 v38, v38  }
0x2df: {  	v59 =	vperm.xlane v5, v0;
	v4 =	vadd.f32 v57, v4;
	v54 =	vadd.f32 v36, v38  }
0x2e0: {  	v56 =	vld [tilespmem:s7+$0xFFFFFFF0];
	v48 =	vmul.f32 v39, v39;
	v40 =	vadd.f32 v10, v15;
	v45 =	vmul.f32 v37, v37  }
0x2e1: {  	v5 =	vadd.f32 v5, v59;
	v55 =	vperm.xlane v4, v0;
	v57 =	vadd.f32 v37, v54;
	v59 =	vld [tilespmem:s4+$0x3870]  }
0x2e2: {  	s21 =	sadd.s32 $0x1806, s1;
	v41 =	vadd.f32 v7, v60;
	v44 =	vmul.f32 v36, v36;
	v8 =	vadd.f32 v53, v50  }
0x2e3: {  	p0 =	sgt.u32 s21, $0xC7;
	s4 =	simm.s32 $0xFFFFFF80;
	v46 =	vperm.xlane v5, v1;
	v4 =	vadd.f32 v55, v4;
	v11 =	vadd.f32 v39, v57  }
0x2e4: {  	v52 =	vmul.f32 v40, v40;
	s4 =	simm.s32 @!p0 $0x6380;
	v42 =	vadd.f32 v8, v61;
	v8 =	vadd.f32 v44, v43  }
0x2e5: {  	s4 =	sadd.s32 s4, s9;
	v57 =	vld [tilespmem:s7+$0x10];
	v5 =	vadd.f32 v5, v46;
	v62 =	vperm.xlane v4, v1;
	v14 =	vadd.f32 v40, v11  }
0x2e6: {  	v55 =	vmul.f32 v41, v41;
	v15 =	vld [tilespmem:s4+$0x3820];
	v9 =	vadd.f32 v59, v56;
	v8 =	vadd.f32 v45, v8  }
0x2e7: {  	v59 =	vld [tilespmem:s4+$0x3810];
	v58 =	vperm.xlane v5, v2;
	v7 =	vadd.f32 v41, v14;
	v4 =	vadd.f32 v62, v4  }
0x2e8: {  	s22 =	sadd.s32 $0x6, s0;
	v56 =	vmul.f32 v42, v42;
	v62 =	vld [tilespmem:s7+$0x20];
	v43 =	vadd.f32 v9, v6;
	v51 =	vadd.f32 v48, v8  }
0x2e9: {  	s5 =	sand.u32 $0xE, s22;
	v11 =	vld [tilespmem:s7+$0x0];
	v5 =	vadd.f32 v5, v58;
	v46 =	vadd.f32 v42, v7;
	v47 =	vperm.xlane v4, v2  }
0x2ea: {  	v48 =	vld [tilespmem:s7+$0x40];
	v7 =	vadd.f32 v52, v51;
	v51 =	vmul.f32 v43, v43;
	v52 =	vmov s5  }
0x2eb: {  	v50 =	vperm.xlane v5, v3;
	v6 =	vadd.f32 v43, v46;
	v4 =	vadd.f32 v47, v4;
	v47 =	vld [tilespmem:s4+$0x3830]  }
0x2ec: {  	v10 =	vperm.xlane v49, v52;
	v9 =	vadd.f32 v59, v57;
	v57 =	vld [tilespmem:$0x1FF50];
	v7 =	vadd.f32 v55, v7  }
0x2ed: {  	v8 =	vadd.f32 v15, v62;
	v15 =	vld [tilespmem:s4+$0x3850];
	v5 =	vadd.f32 v5, v50;
	v53 =	vperm.xlane v6, v0  }
0x2ee: {  	v54 =	vperm.xlane v4, v3;
	v10 =	vcvt.s32.f32 v10;
	v50 =	vld [tilespmem:s7+$0x50]  }
0x2ef: {  	v7 =	vadd.f32 v56, v7;
	v60 =	vmul.f32 $7.812500000e-03, v5;
	v5 =	vadd.f32 v6, v53;
	v6 =	vld [tilespmem:s4+$0x3800]  }
0x2f0: {  	v4 =	vadd.f32 v54, v4;
	v53 =	vld [tilespmem:s7+$0x30]  }
0x2f1: {  	v56 =	vld [tilespmem:s4+$0x3840];
	v7 =	vadd.f32 v51, v7;
	v12 =	vmul.f32 v10, v57;
	v58 =	vperm.xlane v5, v1  }
0x2f2: {  	v4 =	vmul.f32 $7.812500000e-03, v4;
	v61 =	vmul.f32 v60, v60  }
0x2f3: {  	v55 =	vperm.xlane v7, v0;
	v46 =	vadd.f32 v9, v12;
	v5 =	vadd.f32 v5, v58  }
0x2f4: {  	v44 =	vmul.f32 v10, v63;
	v4 =	vsub.f32 v4, v61;
	v6 =	vadd.f32 v6, v11  }
0x2f5: {  	v58 =	vmul.f32 v10, v16;
	v7 =	vadd.f32 v55, v7;
	v59 =	vadd.f32 v47, v53  }
0x2f6: {  	v61 =	vmul.f32 v10, v17;
	v11 =	vadd.f32 v56, v48;
	v56 =	vadd.f32 v15, v50  }
0x2f7: {  	v62 =	vld [tilespmem:s4+$0x3860];
	v54 =	vperm.xlane v5, v2;
	v4 =	vadd.f32 $9.999999960e-13, v4;
	v45 =	vadd.f32 v6, v44  }
0x2f8: {  	v51 =	vmul.f32 v10, v18;
	v6 =	vld [tilespmem:s7+$0x60];
	v44 =	vadd.f32 v8, v58;
	v47 =	vadd.f32 v59, v61  }
0x2f9: {  	v15 =	vld [tilespmem:s4+$0x3870];
	v5 =	vadd.f32 v5, v54;
	v54 =	vmul.f32 v46, v46;
	v53 =	vmul.f32 v45, v45  }
0x2fa: {  	v48 =	vadd.f32 v11, v51;
	v11 =	vld [tilespmem:s7+$0x70];
	v52 =	vadd.f32 v46, v45  }
0x2fb: {  	v58 =	vmul.f32 v10, v19;
	v57 =	vmul.f32 v44, v44;
	v8 =	vadd.f32 v54, v53  }
0x2fc: {  	s1 =	sadd.s32 $0x1807, s1;
	v61 =	vmul.f32 v10, v20;
	v10 =	vmul.f32 v10, v21;
	v55 =	vadd.f32 v44, v52  }
0x2fd: {  	v13 =	vld [tilespmem:s7+$0x90];
	p0 =	sgt.u32 s1, $0xC7;
	s1 =	sadd.s32 $0x6400, s9;
	v6 =	vadd.f32 v62, v6;
	v62 =	vmul.f32 v47, v47;
	v8 =	vadd.f32 v57, v8  }
0x2fe: {  	s1 =	smov.u32 @p0 s9;
	v14 =	vld [tilespmem:s7+$0x80];
	v51 =	vcvt.s32.f32 v4;
	v53 =	vadd.f32 v56, v58;
	v59 =	vadd.f32 v47, v55  }
0x2ff: {  	v9 =	vld [tilespmem:s1+$0x3800];
	v54 =	vmul.f32 v48, v48;
	v11 =	vadd.f32 v15, v11;
	v52 =	vadd.f32 v62, v8  }
0x300: {  	s24 =	sadd.s32 $0x7, s0;
	v50 =	vld [tilespmem:s1+$0x3810];
	v57 =	vadd.f32 v6, v61;
	v61 =	vperm.xlane v5, v3;
	v12 =	vadd.f32 v48, v59  }
0x301: {  	v59 =	vadd.f32 v11, v10;
	v11 =	vld [tilespmem:s7+$0xA0];
	v6 =	vadd.f32 v54, v52;
	v52 =	vmov s24  }
0x302: {  	v15 =	vperm.xlane v7, v1;
	v8 =	vld [tilespmem:s1+$0x3820];
	v12 =	vadd.f32 v53, v12;
	v49 =	vperm.xlane v49, v52  }
0x303: {  	v51 =	vmul.f32 $5.000000000e-01, v51;
	v55 =	vmul.f32 v53, v53;
	v5 =	vadd.f32 v5, v61;
	v61 =	vld [tilespmem:s1+$0x3840]  }
0x304: {  	v7 =	vadd.f32 v15, v7;
	v52 =	vld [tilespmem:s1+$0x3830];
	v58 =	vadd.f32 v57, v12;
	v12 =	vcvt.s32.f32 v49  }
0x305: {  	v9 =	vadd.f32 v9, v14;
	v15 =	vmul.f32 v57, v57;
	v6 =	vadd.f32 v55, v6;
	v55 =	vld [tilespmem:s7+$0xB0]  }
0x306: {  	v51 =	vsub.f32 $1.597463040e+09, v51;
	v54 =	vperm.xlane v7, v2;
	v62 =	vmul.f32 v12, v63;
	v63 =	vld [tilespmem:$0x1FF50]  }
0x307: {  	v10 =	vadd.f32 v59, v58;
	v6 =	vadd.f32 v15, v6;
	v15 =	vmul.f32 v59, v59;
	v58 =	vld [tilespmem:s7+$0xC0]  }
0x308: {  	v4 =	vmul.f32 $5.000000000e-01, v4;
	v7 =	vadd.f32 v54, v7;
	v49 =	vtrunc.f32 v51;
	v51 =	vld [tilespmem:s1+$0x3850]  }
0x309: {  	v8 =	vadd.f32 v8, v11;
	v11 =	vmul.f32 v12, v16;
	v6 =	vadd.f32 v15, v6;
	v15 =	vld [tilespmem:s7+$0xD0]  }
0x30a: {  	v14 =	vmul.f32 v12, v17;
	v54 =	vadd.f32 v9, v62;
	v9 =	vadd.f32 v52, v55  }
0x30b: {  	v13 =	vadd.f32 v50, v13;
	v56 =	vperm.xlane v10, v0;
	v50 =	vmul.f32 v12, v63  }
0x30c: {  	v63 =	vcvt.f32.s32 v49;
	v49 =	vadd.f32 v9, v14;
	v9 =	vadd.f32 v61, v58  }
0x30d: {  	v52 =	vmul.f32 v12, v18;
	v55 =	vadd.f32 v13, v50;
	v50 =	vadd.f32 v8, v11;
	v8 =	vld [tilespmem:s7+$0xE0]  }
0x30e: {  	v10 =	vadd.f32 v10, v56;
	v56 =	vmul.f32 v54, v54;
	v14 =	vadd.f32 v51, v15;
	v11 =	vld [tilespmem:s1+$0x3860]  }
0x30f: {  	v15 =	vmul.f32 v12, v19;
	v52 =	vadd.f32 v9, v52;
	v9 =	vld [tilespmem:s7+$0xF0];
	v61 =	vmul.f32 v55, v55  }
0x310: {  	v62 =	vmul.f32 v63, v4;
	v13 =	vld [tilespmem:s1+$0x3870];
	v58 =	vadd.f32 v55, v54  }
0x311: {  	v51 =	vadd.f32 v14, v15;
	v14 =	vadd.f32 v61, v56  }
0x312: {  	v15 =	vadd.f32 v50, v58;
	v56 =	vmul.f32 v50, v50;
	v61 =	vmul.f32 v63, v62  }
0x313: {  	v58 =	vmul.f32 v49, v49;
	v8 =	vadd.f32 v11, v8;
	v11 =	vmul.f32 v12, v20  }
0x314: {  	v62 =	vmul.f32 $7.812500000e-03, v5;
	v14 =	vadd.f32 v56, v14;
	v15 =	vadd.f32 v49, v15  }
0x315: {  	v5 =	vperm.xlane v7, v3;
	v9 =	vadd.f32 v13, v9;
	v56 =	vadd.f32 v8, v11  }
0x316: {  	v8 =	vadd.f32 v58, v14;
	v11 =	vadd.f32 v52, v15;
	v14 =	vmul.f32 v52, v52  }
0x317: {  	v12 =	vmul.f32 v12, v21;
	v5 =	vadd.f32 v5, v7;
	v58 =	vperm.xlane v6, v0  }
0x318: {  	v8 =	vadd.f32 v14, v8;
	v11 =	vadd.f32 v51, v11;
	v14 =	vmul.f32 v51, v51  }
0x319: {  	v13 =	vperm.xlane v10, v1;
	v6 =	vadd.f32 v58, v6;
	v58 =	vadd.f32 v9, v12  }
0x31a: {  	v8 =	vadd.f32 v14, v8;
	v12 =	vadd.f32 v56, v11;
	v14 =	vmul.f32 v56, v56  }
0x31b: {  	v7 =	vadd.f32 v10, v13;
	v5 =	vmul.f32 $7.812500000e-03, v5;
	v10 =	vperm.xlane v6, v1  }
0x31c: {  	v11 =	vmul.f32 v58, v58;
	v8 =	vadd.f32 v14, v8;
	v9 =	vadd.f32 v58, v12  }
0x31d: {  	v12 =	vperm.xlane v7, v2;
	v6 =	vadd.f32 v10, v6;
	v10 =	vmul.f32 v62, v62  }
0x31e: {  	v8 =	vadd.f32 v11, v8;
	v11 =	vperm.xlane v9, v0  }
0x31f: {  	v7 =	vadd.f32 v7, v12;
	v12 =	vperm.xlane v6, v2;
	v5 =	vsub.f32 v5, v10  }
0x320: {  	v61 =	vsub.f32 $1.500000000e+00, v61;
	v9 =	vadd.f32 v9, v11;
	v10 =	vperm.xlane v8, v0  }
0x321: {  	v13 =	vperm.xlane v7, v3;
	v6 =	vadd.f32 v12, v6;
	v5 =	vadd.f32 $9.999999960e-13, v5  }
0x322: {  	v11 =	vmul.f32 v63, v61;
	v61 =	vperm.xlane v9, v1;
	v8 =	vadd.f32 v10, v8  }
0x323: {  	v7 =	vadd.f32 v7, v13;
	v13 =	vperm.xlane v6, v3;
	v14 =	vcvt.s32.f32 v5  }
0x324: {  	v9 =	vadd.f32 v9, v61;
	v61 =	vperm.xlane v8, v1  }
0x325: {  	v7 =	vmul.f32 $7.812500000e-03, v7;
	v6 =	vadd.f32 v13, v6;
	v13 =	vmul.f32 $5.000000000e-01, v14  }
0x326: {  	v10 =	vmul.f32 v11, v4;
	v14 =	vperm.xlane v9, v2;
	v8 =	vadd.f32 v61, v8  }
0x327: {  	v6 =	vmul.f32 $7.812500000e-03, v6;
	v61 =	vmul.f32 v7, v7;
	v13 =	vsub.f32 $1.597463040e+09, v13  }
0x328: {  	v5 =	vmul.f32 $5.000000000e-01, v5;
	v10 =	vmul.f32 v10, v11;
	v9 =	vadd.f32 v9, v14  }
0x329: {  	v14 =	vperm.xlane v8, v2;
	v6 =	vsub.f32 v6, v61;
	v12 =	vtrunc.f32 v13  }
0x32a: {  	v10 =	vsub.f32 $1.500000000e+00, v10;
	v12 =	vcvt.f32.s32 v12;
	v61 =	vperm.xlane v9, v3  }
0x32b: {  	v8 =	vadd.f32 v14, v8;
	v6 =	vadd.f32 $9.999999960e-13, v6  }
0x32c: {  	v10 =	vmul.f32 v10, v11;
	v13 =	vmul.f32 v12, v5;
	v9 =	vadd.f32 v9, v61  }
0x32d: {  	v11 =	vperm.xlane v8, v3;
	v14 =	vcvt.s32.f32 v6  }
0x32e: {  	v4 =	vmul.f32 v10, v4;
	v61 =	vmul.f32 $7.812500000e-03, v9  }
0x32f: {  	v8 =	vadd.f32 v11, v8;
	v9 =	vmul.f32 v12, v13;
	v11 =	vmul.f32 $5.000000000e-01, v14;
	_ =	sdelay $0x1  }
0x330: {  	v4 =	vmul.f32 v4, v10;
	v9 =	vsub.f32 $1.500000000e+00, v9;
	v11 =	vsub.f32 $1.597463040e+09, v11  }
0x331: {  	v8 =	vmul.f32 $7.812500000e-03, v8;
	v13 =	vmul.f32 v61, v61  }
0x332: {  	v9 =	vmul.f32 v12, v9;
	v11 =	vtrunc.f32 v11  }
0x333: {  	v6 =	vmul.f32 $5.000000000e-01, v6;
	v8 =	vsub.f32 v8, v13;
	v11 =	vcvt.f32.s32 v11  }
0x334: {  	v4 =	vsub.f32 $1.500000000e+00, v4;
	v12 =	vmul.f32 v9, v5  }
0x335: {  	v8 =	vadd.f32 $9.999999960e-13, v8;
	v13 =	vmul.f32 v11, v6  }
0x336: {  	v4 =	vmul.f32 v4, v10;
	v10 =	vmul.f32 v12, v9  }
0x337: {  	v14 =	vcvt.s32.f32 v8;
	v12 =	vmul.f32 v11, v13  }
0x338: {  	v15 =	vmul.f32 v4, v32;
	v31 =	vmul.f32 v4, v31;
	v10 =	vsub.f32 $1.500000000e+00, v10  }
0x339: {  	v30 =	vmul.f32 v4, v30;
	v13 =	vmul.f32 $5.000000000e-01, v14;
	v12 =	vsub.f32 $1.500000000e+00, v12  }
0x33a: {  	v28 =	vmul.f32 v4, v28;
	v9 =	vmul.f32 v10, v9  }
0x33b: {  	v8 =	vmul.f32 $5.000000000e-01, v8;
	v13 =	vsub.f32 $1.597463040e+09, v13;
	v10 =	vmul.f32 v11, v12  }
0x33c: {  	v14 =	vmul.f32 v4, v60;
	v5 =	vmul.f32 v9, v5  }
0x33d: {  	v32 =	vtrunc.f32 v13;
	v12 =	vmul.f32 v10, v6  }
0x33e: {  	v11 =	vcvt.f32.s32 v32;
	v5 =	vmul.f32 v5, v9  }
0x33f: {  	v28 =	vsub.f32 v28, v14;
	v13 =	vmul.f32 v4, v29;
	v12 =	vmul.f32 v12, v10  }
0x340: {  	v32 =	vmul.f32 v4, v33;
	v29 =	vmul.f32 v11, v8;
	v5 =	vsub.f32 $1.500000000e+00, v5  }
0x341: {  	v33 =	vmul.f32 v4, v34;
	v4 =	vmul.f32 v4, v35;
	v12 =	vsub.f32 $1.500000000e+00, v12  }
0x342: {  	v13 =	vsub.f32 v13, v14;
	v29 =	vmul.f32 v11, v29;
	v5 =	vmul.f32 v5, v9  }
0x343: {  	v9 =	vmul.f32 v12, v10;
	v10 =	vsub.f32 v15, v14;
	v12 =	vsub.f32 v31, v14  }
0x344: {  	v15 =	vsub.f32 v30, v14;
	v30 =	vmul.f32 v5, v38;
	v31 =	vmul.f32 v5, v36  }
0x345: {  	v29 =	vsub.f32 $1.500000000e+00, v29;
	v34 =	vmul.f32 v5, v37;
	v35 =	vmul.f32 v5, v39  }
0x346: {  	v32 =	vsub.f32 v32, v14;
	v36 =	vmul.f32 v5, v40;
	v6 =	vmul.f32 v9, v6  }
0x347: {  	v33 =	vsub.f32 v33, v14;
	v11 =	vmul.f32 v11, v29;
	v29 =	vmul.f32 v5, v62  }
0x348: {  	v4 =	vsub.f32 v4, v14;
	v40 =	vld [tilespmem:$0x1FF60];
	v14 =	vmul.f32 v5, v41;
	v6 =	vmul.f32 v6, v9  }
0x349: {  	v41 =	vld [tilespmem:$0x1FF70];
	v38 =	vmul.f32 v5, v42;
	v5 =	vmul.f32 v5, v43;
	v30 =	vsub.f32 v30, v29  }
0x34a: {  	v42 =	vld [tilespmem:$0x1FF80];
	v37 =	vmul.f32 v11, v8;
	v31 =	vsub.f32 v31, v29;
	v6 =	vsub.f32 $1.500000000e+00, v6  }
0x34b: {  	v43 =	vld [tilespmem:$0x1FF90];
	v14 =	vsub.f32 v14, v29;
	v5 =	vsub.f32 v5, v29  }
0x34c: {  	v62 =	vld [tilespmem:$0x1FFD0];
	v37 =	vmul.f32 v37, v11;
	v6 =	vmul.f32 v6, v9;
	v9 =	vsub.f32 v34, v29  }
0x34d: {  	v34 =	vsub.f32 v35, v29;
	v35 =	vsub.f32 v36, v29  }
0x34e: {  	v10 =	vmul.f32 v10, v40;
	v36 =	vsub.f32 $1.500000000e+00, v37;
	v37 =	vsub.f32 v38, v29;
	v29 =	vld [tilespmem:$0x1FFA0]  }
0x34f: {  	v12 =	vmul.f32 v12, v41;
	v15 =	vmul.f32 v15, v42  }
0x350: {  	v30 =	vmul.f32 v30, v40;
	v13 =	vmul.f32 v13, v43  }
0x351: {  	v4 =	vmul.f32 v4, v62;
	v5 =	vmul.f32 v5, v62  }
0x352: {  	v60 =	vld [tilespmem:$0x1FFC0];
	v10 =	vadd.f32 v10, v23;
	v11 =	vmul.f32 v36, v11;
	v7 =	vmul.f32 v6, v7  }
0x353: {  	v12 =	vadd.f32 v12, v24;
	v36 =	vmul.f32 v6, v46;
	v28 =	vmul.f32 v28, v29;
	v29 =	vld [tilespmem:$0x1FFB0]  }
0x354: {  	v15 =	vadd.f32 v15, v25;
	v38 =	vmul.f32 v6, v47;
	v47 =	vld [tilespmem:$0x1FFF0];
	v8 =	vmul.f32 v11, v8  }
0x355: {  	v13 =	vadd.f32 v13, v26;
	v46 =	vld [tilespmem:$0x1FFE0];
	v48 =	vmul.f32 v6, v48;
	v9 =	vmul.f32 v9, v42  }
0x356: {  	v53 =	vmul.f32 v6, v53;
	[tilespmem:s7+$0xFFFFFF20] =	vst v15;
	v15 =	vadd.f32 v30, v23;
	v8 =	vmul.f32 v8, v11  }
0x357: {  	[tilespmem:s7+$0xFFFFFF10] =	vst v12;
	v30 =	vmul.f32 v6, v57;
	v12 =	vsub.f32 v48, v7;
	v9 =	vadd.f32 v9, v25  }
0x358: {  	[tilespmem:s7+$0xFFFFFF00] =	vst v10;
	v8 =	vsub.f32 $1.500000000e+00, v8;
	v29 =	vmul.f32 v32, v29;
	v32 =	vmul.f32 v33, v60  }
0x359: {  	[tilespmem:s7+$0xFFFFFF30] =	vst v13;
	v28 =	vadd.f32 v28, v27;
	v4 =	vadd.f32 v4, v47;
	v33 =	vmul.f32 v6, v45  }
0x35a: {  	[tilespmem:s7+$0xFFFFFF80] =	vst v15;
	v8 =	vmul.f32 v8, v11;
	v10 =	vadd.f32 v32, v46;
	v32 =	vmul.f32 v6, v44;
	v44 =	vld [tilespmem:$0x1FFA0]  }
0x35b: {  	[tilespmem:s7+$0xFFFFFFA0] =	vst v9;
	v47 =	vmul.f32 v34, v43;
	v29 =	vadd.f32 v29, v22;
	v46 =	vld [tilespmem:$0x1FFF0];
	v6 =	vmul.f32 v6, v59  }
0x35c: {  	v57 =	vld [tilespmem:$0x1FFB0];
	[tilespmem:s7+$0xFFFFFF70] =	vst v4;
	v13 =	vsub.f32 v33, v7;
	v33 =	vsub.f32 v36, v7;
	v11 =	vmul.f32 v8, v61  }
0x35d: {  	v15 =	vmul.f32 v8, v55;
	[tilespmem:s7+$0xFFFFFF50] =	vst v29;
	v29 =	vmul.f32 v31, v41;
	v4 =	vsub.f32 v6, v7  }
0x35e: {  	[tilespmem:s7+$0xFFFFFF40] =	vst v28;
	v51 =	vmul.f32 v8, v51;
	v31 =	vsub.f32 v53, v7;
	v53 =	vadd.f32 v47, v26  }
0x35f: {  	v45 =	vld [tilespmem:$0x1FFE0];
	v28 =	vsub.f32 v32, v7;
	[tilespmem:s7+$0xFFFFFF60] =	vst v10;
	v59 =	vadd.f32 v29, v24;
	v4 =	vmul.f32 v4, v62  }
0x360: {  	v32 =	vsub.f32 v38, v7;
	[tilespmem:s7+$0xFFFFFFB0] =	vst v53;
	v48 =	vmul.f32 v35, v44;
	v5 =	vadd.f32 v5, v46  }
0x361: {  	v10 =	vsub.f32 v30, v7;
	v7 =	vmul.f32 v14, v57;
	[tilespmem:s7+$0xFFFFFF90] =	vst v59;
	v4 =	vadd.f32 v4, v46  }
0x362: {  	v47 =	vmul.f32 v13, v40;
	v59 =	vmul.f32 v37, v60;
	v34 =	vadd.f32 v48, v27;
	[tilespmem:s7+$0xFFFFFFF0] =	vst v5  }
0x363: {  	v57 =	vmul.f32 v33, v41;
	v55 =	vsub.f32 v51, v11;
	v48 =	vadd.f32 v7, v22;
	[tilespmem:s7+$0x70] =	vst v4  }
0x364: {  	v30 =	vld [tilespmem:$0x1FFB0];
	v53 =	vadd.f32 v59, v45;
	v59 =	vadd.f32 v47, v23;
	v47 =	vmul.f32 v32, v43;
	[tilespmem:s7+$0xFFFFFFC0] =	vst v34  }
0x365: {  	v33 =	vmul.f32 v28, v42;
	v12 =	vmul.f32 v12, v44;
	v32 =	vsub.f32 v15, v11;
	[tilespmem:s7+$0xFFFFFFD0] =	vst v48  }
0x366: {  	v34 =	vadd.f32 v57, v24;
	[tilespmem:s7+$0xFFFFFFE0] =	vst v53;
	v53 =	vmul.f32 v8, v54;
	v5 =	vadd.f32 v47, v26  }
0x367: {  	v10 =	vmul.f32 v10, v60;
	v48 =	vadd.f32 v33, v25;
	v57 =	vadd.f32 v12, v27;
	[tilespmem:s7+$0x0] =	vst v59  }
0x368: {  	v59 =	vsub.f32 v53, v11;
	[tilespmem:s7+$0x30] =	vst v5;
	v5 =	vmul.f32 v32, v41;
	v41 =	vmul.f32 v8, v49  }
0x369: {  	v33 =	vadd.f32 v10, v45;
	v54 =	vmul.f32 v31, v30;
	[tilespmem:s7+$0x10] =	vst v34;
	v49 =	vmul.f32 v8, v52  }
0x36a: {  	[tilespmem:s7+$0x20] =	vst v48;
	v34 =	vmul.f32 v59, v40;
	v40 =	vmul.f32 v8, v50;
	v50 =	vsub.f32 v41, v11  }
0x36b: {  	[tilespmem:s7+$0x40] =	vst v57;
	v61 =	vadd.f32 v54, v22;
	v54 =	vmul.f32 v8, v56;
	v53 =	vsub.f32 v49, v11  }
0x36c: {  	[tilespmem:s7+$0x60] =	vst v33;
	v5 =	vadd.f32 v5, v24;
	v48 =	vsub.f32 v40, v11;
	v4 =	vmul.f32 v50, v43  }
0x36d: {  	[tilespmem:s7+$0x50] =	vst v61;
	v8 =	vmul.f32 v8, v58;
	v47 =	vadd.f32 v34, v23;
	v56 =	vmul.f32 v53, v44  }
0x36e: {  	v57 =	vsub.f32 v54, v11;
	[tilespmem:s7+$0x90] =	vst v5;
	v52 =	vmul.f32 v48, v42;
	v4 =	vadd.f32 v4, v26  }
0x36f: {  	v5 =	vmul.f32 v55, v30;
	v58 =	vsub.f32 v8, v11;
	[tilespmem:s7+$0x80] =	vst v47;
	v59 =	vadd.f32 v56, v27  }
0x370: {  	p0 =	slt.u32 s10, $0x7C;
	v61 =	vmul.f32 v57, v60;
	v7 =	vadd.f32 v52, v25;
	[tilespmem:s7+$0xB0] =	vst v4  }
.Ltmp4:
0x371: {  	v4 =	vadd.f32 v5, v22;
	v5 =	vmul.f32 v58, v62;
	[tilespmem:s7+$0xC0] =	vst v59;
	(pc) =	sbr.rel @p0 .LBB2_10-.Ltmp4, $4  }
0x372: {  	v62 =	vadd.f32 v61, v45;
	[tilespmem:s7+$0xA0] =	vst v7  }
0x373: {  	[tilespmem:s7+$0xD0] =	vst v4;
	v4 =	vadd.f32 v5, v46  }
0x374: {  	v63 =	vld [tilespmem:$0x1FF40];
	v39 =	vmov v21;
	[tilespmem:s7+$0xE0] =	vst v62  }
0x375: {  	s0 =	smov.u32 s10;
	s9 =	sadd.s32 $0x200, s9;
	v36 =	vmovc v18;
	v38 =	vmovc v20;
	v28 =	vld [tilespmem:$0x1FF50];
	v35 =	vmov v17;
	v29 =	vmov v16;
	v37 =	vmov v19;
	[tilespmem:s7+$0xF0] =	vst v4;
	s7 =	sadd.s32 $0x200, s7  }
0x376: {  	s0 =	simm.s32 $0x6  }
0x377: {  	_ =	swait.ge [sflag:s0], $0x4000  }
0x378: {  	[sflag:s0] =	ssyncset.done $0x0  }
0x379: {  	s1 =	simm.s32 $0x9D80;
	s24 =	rddreg [dreg:$0xb];
	[sflag:s0] =	ssyncadd.s32 $0xFFFFC000  }
0x37a: {  	[hbm4b:s24+s6] =	stream.linear.scatter [tilespmem:s1], [sflag:$0x4], $0x4000, $0x38;
	[tilespmem:$0x15D80] =	vst v63  }
0x37b: {  	_ =	swait.ge [sflag:s28], $0x4000  }
0x37c: {  	s7 =	simm.s32 $0xDE80;
	[sflag:s28] =	ssyncset.done $0x0;
	s9 =	rddreg [dreg:$0x16]  }
0x37d: {  	s0 =	simm.s32 $0xFFFFFFFC;
	s12 =	rddreg [dreg:$0x15];
	[sflag:s28] =	ssyncadd.s32 $0xFFFFC000  }
.LBB2_12:
0x37e: {  	v4 =	vld [tilespmem:s7+$0xFFFFFF00]  }
0x37f: {  	v6 =	vld [tilespmem:s7+$0xFFFFFF10]  }
0x380: {  	v8 =	vld [tilespmem:s7+$0xFFFFFF20]  }
0x381: {  	s1 =	sadd.s32 s0, s12;
	s10 =	sadd.s32 $0x4, s0;
	v11 =	vld [tilespmem:s7+$0xFFFFFF30]  }
0x382: {  	v13 =	vld [tilespmem:s7+$0xFFFFFF40];
	s4 =	sadd.s32 $0x1884, s1;
	s16 =	sand.u32 $0x70, s10  }
0x383: {  	s5 =	simm.s32 $0xFFFFFE80;
	p0 =	sgt.u32 s4, $0xC7;
	v49 =	vld [tilespmem:s16+$0x3480]  }
0x384: {  	v15 =	vld [tilespmem:s7+$0xFFFFFF50];
	s5 =	simm.s32 @!p0 $0x6280  }
0x385: {  	v48 =	vld [tilespmem:s7+$0xFFFFFF80];
	s17 =	sadd.s32 s5, s9  }
0x386: {  	s18 =	sand.u32 $0xC, s10;
	v5 =	vld [tilespmem:s17+$0x3800]  }
0x387: {  	s19 =	sadd.s32 $0x1885, s1;
	v9 =	vmov s18;
	v7 =	vld [tilespmem:s17+$0x3810]  }
0x388: {  	s4 =	simm.s32 $0xFFFFFF00;
	p0 =	sgt.u32 s19, $0xC7;
	v10 =	vld [tilespmem:s17+$0x3820];
	v9 =	vperm.xlane v49, v9  }
0x389: {  	s4 =	simm.s32 @!p0 $0x6300;
	v12 =	vld [tilespmem:s17+$0x3830]  }
0x38a: {  	v33 =	vld [tilespmem:s17+$0x3850];
	s4 =	sadd.s32 s4, s9;
	v9 =	vcvt.s32.f32 v9  }
0x38b: {  	v51 =	vld [tilespmem:s4+$0x3800]  }
0x38c: {  	v52 =	vld [tilespmem:s7+$0xFFFFFF90];
	v4 =	vadd.f32 v5, v4;
	v6 =	vadd.f32 v7, v6;
	v14 =	vmul.f32 v9, v63  }
0x38d: {  	v5 =	vld [tilespmem:s17+$0x3840];
	v8 =	vadd.f32 v10, v8;
	v55 =	vmul.f32 v9, v28;
	v56 =	vmul.f32 v9, v29  }
0x38e: {  	v59 =	vld [tilespmem:s17+$0x3860];
	v57 =	vadd.f32 v12, v11;
	v58 =	vmul.f32 v9, v35;
	v60 =	vmul.f32 v9, v36  }
0x38f: {  	v54 =	vld [tilespmem:s4+$0x3810];
	v36 =	vadd.f32 v33, v15;
	v42 =	vmul.f32 v9, v37;
	v44 =	vmul.f32 v9, v38  }
0x390: {  	v40 =	vld [tilespmem:s17+$0x3870];
	v47 =	vmul.f32 v9, v39;
	v9 =	vadd.f32 v51, v48;
	v32 =	vadd.f32 v4, v14  }
0x391: {  	v31 =	vadd.f32 v6, v55;
	v4 =	vld [tilespmem:s7+$0xFFFFFF60];
	v30 =	vadd.f32 v8, v56  }
0x392: {  	s20 =	sadd.s32 $0x5, s0;
	v29 =	vadd.f32 v57, v58;
	v56 =	vld [tilespmem:s7+$0xFFFFFFA0];
	v5 =	vadd.f32 v5, v13  }
0x393: {  	s5 =	sand.u32 $0xD, s20;
	v58 =	vld [tilespmem:s4+$0x3820];
	v61 =	vadd.f32 v31, v32;
	v62 =	vmul.f32 v32, v32;
	v34 =	vmul.f32 v31, v31  }
0x394: {  	v15 =	vld [tilespmem:s7+$0xFFFFFFB0];
	v7 =	vadd.f32 v54, v52;
	v55 =	vmov s5;
	v28 =	vadd.f32 v5, v60  }
0x395: {  	v41 =	vmul.f32 v30, v30;
	v5 =	vld [tilespmem:s7+$0xFFFFFF70];
	v35 =	vadd.f32 v30, v61;
	v6 =	vadd.f32 v34, v62  }
0x396: {  	v33 =	vadd.f32 v36, v42;
	v11 =	vperm.xlane v49, v55;
	v60 =	vld [tilespmem:s4+$0x3830];
	v4 =	vadd.f32 v59, v4  }
0x397: {  	v45 =	vmul.f32 v29, v29;
	v43 =	vadd.f32 v29, v35;
	v6 =	vadd.f32 v41, v6  }
0x398: {  	v50 =	vmul.f32 v33, v33;
	v12 =	vadd.f32 v58, v56;
	v34 =	vadd.f32 v4, v44  }
0x399: {  	v61 =	vld [tilespmem:s7+$0xFFFFFFC0];
	v8 =	vadd.f32 v28, v43;
	v4 =	vadd.f32 v45, v6;
	v6 =	vcvt.s32.f32 v11  }
0x39a: {  	v46 =	vmul.f32 v28, v28;
	v44 =	vld [tilespmem:$0x1FF50];
	v5 =	vadd.f32 v40, v5;
	v53 =	vmul.f32 v34, v34  }
0x39b: {  	v45 =	vld [tilespmem:s4+$0x3840];
	v51 =	vadd.f32 v60, v15;
	v8 =	vadd.f32 v33, v8;
	v62 =	vmul.f32 v6, v63  }
0x39c: {  	v48 =	vld [tilespmem:s4+$0x3850];
	v4 =	vadd.f32 v46, v4;
	v52 =	vmul.f32 v6, v17;
	v15 =	vmul.f32 v6, v18  }
0x39d: {  	v41 =	vld [tilespmem:s7+$0xFFFFFFD0];
	v35 =	vadd.f32 v5, v47;
	v47 =	vmul.f32 v6, v16;
	v5 =	vadd.f32 v34, v8  }
0x39e: {  	v60 =	vmul.f32 v6, v19;
	v4 =	vadd.f32 v50, v4;
	v38 =	vadd.f32 v9, v62  }
0x39f: {  	v8 =	vmul.f32 v6, v44;
	v39 =	vadd.f32 v51, v52;
	v37 =	vadd.f32 v12, v47  }
0x3a0: {  	v50 =	vld [tilespmem:s7+$0xFFFFFFE0];
	v57 =	vmul.f32 v35, v35;
	v10 =	vadd.f32 v45, v61;
	v5 =	vadd.f32 v35, v5  }
0x3a1: {  	v61 =	vmul.f32 v6, v20;
	v4 =	vadd.f32 v53, v4;
	v36 =	vadd.f32 v7, v8;
	v53 =	vld [tilespmem:s4+$0x3860]  }
0x3a2: {  	v6 =	vmul.f32 v6, v21;
	v7 =	vadd.f32 v48, v41;
	v43 =	vmul.f32 v38, v38  }
0x3a3: {  	v59 =	vperm.xlane v5, v0;
	v4 =	vadd.f32 v57, v4;
	v54 =	vadd.f32 v36, v38  }
0x3a4: {  	v56 =	vld [tilespmem:s7+$0xFFFFFFF0];
	v48 =	vmul.f32 v39, v39;
	v40 =	vadd.f32 v10, v15;
	v45 =	vmul.f32 v37, v37  }
0x3a5: {  	v5 =	vadd.f32 v5, v59;
	v55 =	vperm.xlane v4, v0;
	v57 =	vadd.f32 v37, v54;
	v59 =	vld [tilespmem:s4+$0x3870]  }
0x3a6: {  	s21 =	sadd.s32 $0x1886, s1;
	v41 =	vadd.f32 v7, v60;
	v44 =	vmul.f32 v36, v36;
	v8 =	vadd.f32 v53, v50  }
0x3a7: {  	p0 =	sgt.u32 s21, $0xC7;
	s4 =	simm.s32 $0xFFFFFF80;
	v46 =	vperm.xlane v5, v1;
	v4 =	vadd.f32 v55, v4;
	v11 =	vadd.f32 v39, v57  }
0x3a8: {  	v52 =	vmul.f32 v40, v40;
	s4 =	simm.s32 @!p0 $0x6380;
	v42 =	vadd.f32 v8, v61;
	v8 =	vadd.f32 v44, v43  }
0x3a9: {  	s4 =	sadd.s32 s4, s9;
	v57 =	vld [tilespmem:s7+$0x10];
	v5 =	vadd.f32 v5, v46;
	v62 =	vperm.xlane v4, v1;
	v14 =	vadd.f32 v40, v11  }
0x3aa: {  	v55 =	vmul.f32 v41, v41;
	v15 =	vld [tilespmem:s4+$0x3820];
	v9 =	vadd.f32 v59, v56;
	v8 =	vadd.f32 v45, v8  }
0x3ab: {  	v59 =	vld [tilespmem:s4+$0x3810];
	v58 =	vperm.xlane v5, v2;
	v7 =	vadd.f32 v41, v14;
	v4 =	vadd.f32 v62, v4  }
0x3ac: {  	s22 =	sadd.s32 $0x6, s0;
	v56 =	vmul.f32 v42, v42;
	v62 =	vld [tilespmem:s7+$0x20];
	v43 =	vadd.f32 v9, v6;
	v51 =	vadd.f32 v48, v8  }
0x3ad: {  	s5 =	sand.u32 $0xE, s22;
	v11 =	vld [tilespmem:s7+$0x0];
	v5 =	vadd.f32 v5, v58;
	v46 =	vadd.f32 v42, v7;
	v47 =	vperm.xlane v4, v2  }
0x3ae: {  	v48 =	vld [tilespmem:s7+$0x40];
	v7 =	vadd.f32 v52, v51;
	v51 =	vmul.f32 v43, v43;
	v52 =	vmov s5  }
0x3af: {  	v50 =	vperm.xlane v5, v3;
	v6 =	vadd.f32 v43, v46;
	v4 =	vadd.f32 v47, v4;
	v47 =	vld [tilespmem:s4+$0x3830]  }
0x3b0: {  	v10 =	vperm.xlane v49, v52;
	v9 =	vadd.f32 v59, v57;
	v57 =	vld [tilespmem:$0x1FF50];
	v7 =	vadd.f32 v55, v7  }
0x3b1: {  	v8 =	vadd.f32 v15, v62;
	v15 =	vld [tilespmem:s4+$0x3850];
	v5 =	vadd.f32 v5, v50;
	v53 =	vperm.xlane v6, v0  }
0x3b2: {  	v54 =	vperm.xlane v4, v3;
	v10 =	vcvt.s32.f32 v10;
	v50 =	vld [tilespmem:s7+$0x50]  }
0x3b3: {  	v7 =	vadd.f32 v56, v7;
	v60 =	vmul.f32 $7.812500000e-03, v5;
	v5 =	vadd.f32 v6, v53;
	v6 =	vld [tilespmem:s4+$0x3800]  }
0x3b4: {  	v4 =	vadd.f32 v54, v4;
	v53 =	vld [tilespmem:s7+$0x30]  }
0x3b5: {  	v56 =	vld [tilespmem:s4+$0x3840];
	v7 =	vadd.f32 v51, v7;
	v12 =	vmul.f32 v10, v57;
	v58 =	vperm.xlane v5, v1  }
0x3b6: {  	v4 =	vmul.f32 $7.812500000e-03, v4;
	v61 =	vmul.f32 v60, v60  }
0x3b7: {  	v55 =	vperm.xlane v7, v0;
	v46 =	vadd.f32 v9, v12;
	v5 =	vadd.f32 v5, v58  }
0x3b8: {  	v44 =	vmul.f32 v10, v63;
	v4 =	vsub.f32 v4, v61;
	v6 =	vadd.f32 v6, v11  }
0x3b9: {  	v58 =	vmul.f32 v10, v16;
	v7 =	vadd.f32 v55, v7;
	v59 =	vadd.f32 v47, v53  }
0x3ba: {  	v61 =	vmul.f32 v10, v17;
	v11 =	vadd.f32 v56, v48;
	v56 =	vadd.f32 v15, v50  }
0x3bb: {  	v62 =	vld [tilespmem:s4+$0x3860];
	v54 =	vperm.xlane v5, v2;
	v4 =	vadd.f32 $9.999999960e-13, v4;
	v45 =	vadd.f32 v6, v44  }
0x3bc: {  	v51 =	vmul.f32 v10, v18;
	v6 =	vld [tilespmem:s7+$0x60];
	v44 =	vadd.f32 v8, v58;
	v47 =	vadd.f32 v59, v61  }
0x3bd: {  	v15 =	vld [tilespmem:s4+$0x3870];
	v5 =	vadd.f32 v5, v54;
	v54 =	vmul.f32 v46, v46;
	v53 =	vmul.f32 v45, v45  }
0x3be: {  	v48 =	vadd.f32 v11, v51;
	v11 =	vld [tilespmem:s7+$0x70];
	v52 =	vadd.f32 v46, v45  }
0x3bf: {  	v58 =	vmul.f32 v10, v19;
	v57 =	vmul.f32 v44, v44;
	v8 =	vadd.f32 v54, v53  }
0x3c0: {  	s1 =	sadd.s32 $0x1887, s1;
	v61 =	vmul.f32 v10, v20;
	v10 =	vmul.f32 v10, v21;
	v55 =	vadd.f32 v44, v52  }
0x3c1: {  	v13 =	vld [tilespmem:s7+$0x90];
	p0 =	sgt.u32 s1, $0xC7;
	s1 =	sadd.s32 $0x6400, s9;
	v6 =	vadd.f32 v62, v6;
	v62 =	vmul.f32 v47, v47;
	v8 =	vadd.f32 v57, v8  }
0x3c2: {  	s1 =	smov.u32 @p0 s9;
	v14 =	vld [tilespmem:s7+$0x80];
	v51 =	vcvt.s32.f32 v4;
	v53 =	vadd.f32 v56, v58;
	v59 =	vadd.f32 v47, v55  }
0x3c3: {  	v9 =	vld [tilespmem:s1+$0x3800];
	v54 =	vmul.f32 v48, v48;
	v11 =	vadd.f32 v15, v11;
	v52 =	vadd.f32 v62, v8  }
0x3c4: {  	s24 =	sadd.s32 $0x7, s0;
	v50 =	vld [tilespmem:s1+$0x3810];
	v57 =	vadd.f32 v6, v61;
	v61 =	vperm.xlane v5, v3;
	v12 =	vadd.f32 v48, v59  }
0x3c5: {  	v59 =	vadd.f32 v11, v10;
	v11 =	vld [tilespmem:s7+$0xA0];
	v6 =	vadd.f32 v54, v52;
	v52 =	vmov s24  }
0x3c6: {  	v15 =	vperm.xlane v7, v1;
	v8 =	vld [tilespmem:s1+$0x3820];
	v12 =	vadd.f32 v53, v12;
	v49 =	vperm.xlane v49, v52  }
0x3c7: {  	v51 =	vmul.f32 $5.000000000e-01, v51;
	v55 =	vmul.f32 v53, v53;
	v5 =	vadd.f32 v5, v61;
	v61 =	vld [tilespmem:s1+$0x3840]  }
0x3c8: {  	v7 =	vadd.f32 v15, v7;
	v52 =	vld [tilespmem:s1+$0x3830];
	v58 =	vadd.f32 v57, v12;
	v12 =	vcvt.s32.f32 v49  }
0x3c9: {  	v9 =	vadd.f32 v9, v14;
	v15 =	vmul.f32 v57, v57;
	v6 =	vadd.f32 v55, v6;
	v55 =	vld [tilespmem:s7+$0xB0]  }
0x3ca: {  	v51 =	vsub.f32 $1.597463040e+09, v51;
	v54 =	vperm.xlane v7, v2;
	v62 =	vmul.f32 v12, v63;
	v63 =	vld [tilespmem:$0x1FF50]  }
0x3cb: {  	v10 =	vadd.f32 v59, v58;
	v6 =	vadd.f32 v15, v6;
	v15 =	vmul.f32 v59, v59;
	v58 =	vld [tilespmem:s7+$0xC0]  }
0x3cc: {  	v4 =	vmul.f32 $5.000000000e-01, v4;
	v7 =	vadd.f32 v54, v7;
	v49 =	vtrunc.f32 v51;
	v51 =	vld [tilespmem:s1+$0x3850]  }
0x3cd: {  	v8 =	vadd.f32 v8, v11;
	v11 =	vmul.f32 v12, v16;
	v6 =	vadd.f32 v15, v6;
	v15 =	vld [tilespmem:s7+$0xD0]  }
0x3ce: {  	v14 =	vmul.f32 v12, v17;
	v54 =	vadd.f32 v9, v62;
	v9 =	vadd.f32 v52, v55  }
0x3cf: {  	v13 =	vadd.f32 v50, v13;
	v56 =	vperm.xlane v10, v0;
	v50 =	vmul.f32 v12, v63  }
0x3d0: {  	v63 =	vcvt.f32.s32 v49;
	v49 =	vadd.f32 v9, v14;
	v9 =	vadd.f32 v61, v58  }
0x3d1: {  	v52 =	vmul.f32 v12, v18;
	v55 =	vadd.f32 v13, v50;
	v50 =	vadd.f32 v8, v11;
	v8 =	vld [tilespmem:s7+$0xE0]  }
0x3d2: {  	v10 =	vadd.f32 v10, v56;
	v56 =	vmul.f32 v54, v54;
	v14 =	vadd.f32 v51, v15;
	v11 =	vld [tilespmem:s1+$0x3860]  }
0x3d3: {  	v15 =	vmul.f32 v12, v19;
	v52 =	vadd.f32 v9, v52;
	v9 =	vld [tilespmem:s7+$0xF0];
	v61 =	vmul.f32 v55, v55  }
0x3d4: {  	v62 =	vmul.f32 v63, v4;
	v13 =	vld [tilespmem:s1+$0x3870];
	v58 =	vadd.f32 v55, v54  }
0x3d5: {  	v51 =	vadd.f32 v14, v15;
	v14 =	vadd.f32 v61, v56  }
0x3d6: {  	v15 =	vadd.f32 v50, v58;
	v56 =	vmul.f32 v50, v50;
	v61 =	vmul.f32 v63, v62  }
0x3d7: {  	v58 =	vmul.f32 v49, v49;
	v8 =	vadd.f32 v11, v8;
	v11 =	vmul.f32 v12, v20  }
0x3d8: {  	v62 =	vmul.f32 $7.812500000e-03, v5;
	v14 =	vadd.f32 v56, v14;
	v15 =	vadd.f32 v49, v15  }
0x3d9: {  	v5 =	vperm.xlane v7, v3;
	v9 =	vadd.f32 v13, v9;
	v56 =	vadd.f32 v8, v11  }
0x3da: {  	v8 =	vadd.f32 v58, v14;
	v11 =	vadd.f32 v52, v15;
	v14 =	vmul.f32 v52, v52  }
0x3db: {  	v12 =	vmul.f32 v12, v21;
	v5 =	vadd.f32 v5, v7;
	v58 =	vperm.xlane v6, v0  }
0x3dc: {  	v8 =	vadd.f32 v14, v8;
	v11 =	vadd.f32 v51, v11;
	v14 =	vmul.f32 v51, v51  }
0x3dd: {  	v13 =	vperm.xlane v10, v1;
	v6 =	vadd.f32 v58, v6;
	v58 =	vadd.f32 v9, v12  }
0x3de: {  	v8 =	vadd.f32 v14, v8;
	v12 =	vadd.f32 v56, v11;
	v14 =	vmul.f32 v56, v56  }
0x3df: {  	v7 =	vadd.f32 v10, v13;
	v5 =	vmul.f32 $7.812500000e-03, v5;
	v10 =	vperm.xlane v6, v1  }
0x3e0: {  	v11 =	vmul.f32 v58, v58;
	v8 =	vadd.f32 v14, v8;
	v9 =	vadd.f32 v58, v12  }
0x3e1: {  	v12 =	vperm.xlane v7, v2;
	v6 =	vadd.f32 v10, v6;
	v10 =	vmul.f32 v62, v62  }
0x3e2: {  	v8 =	vadd.f32 v11, v8;
	v11 =	vperm.xlane v9, v0  }
0x3e3: {  	v7 =	vadd.f32 v7, v12;
	v12 =	vperm.xlane v6, v2;
	v5 =	vsub.f32 v5, v10  }
0x3e4: {  	v61 =	vsub.f32 $1.500000000e+00, v61;
	v9 =	vadd.f32 v9, v11;
	v10 =	vperm.xlane v8, v0  }
0x3e5: {  	v13 =	vperm.xlane v7, v3;
	v6 =	vadd.f32 v12, v6;
	v5 =	vadd.f32 $9.999999960e-13, v5  }
0x3e6: {  	v11 =	vmul.f32 v63, v61;
	v61 =	vperm.xlane v9, v1;
	v8 =	vadd.f32 v10, v8  }
0x3e7: {  	v7 =	vadd.f32 v7, v13;
	v13 =	vperm.xlane v6, v3;
	v14 =	vcvt.s32.f32 v5  }
0x3e8: {  	v9 =	vadd.f32 v9, v61;
	v61 =	vperm.xlane v8, v1  }
0x3e9: {  	v7 =	vmul.f32 $7.812500000e-03, v7;
	v6 =	vadd.f32 v13, v6;
	v13 =	vmul.f32 $5.000000000e-01, v14  }
0x3ea: {  	v10 =	vmul.f32 v11, v4;
	v14 =	vperm.xlane v9, v2;
	v8 =	vadd.f32 v61, v8  }
0x3eb: {  	v6 =	vmul.f32 $7.812500000e-03, v6;
	v61 =	vmul.f32 v7, v7;
	v13 =	vsub.f32 $1.597463040e+09, v13  }
0x3ec: {  	v5 =	vmul.f32 $5.000000000e-01, v5;
	v10 =	vmul.f32 v10, v11;
	v9 =	vadd.f32 v9, v14  }
0x3ed: {  	v14 =	vperm.xlane v8, v2;
	v6 =	vsub.f32 v6, v61;
	v12 =	vtrunc.f32 v13  }
0x3ee: {  	v10 =	vsub.f32 $1.500000000e+00, v10;
	v12 =	vcvt.f32.s32 v12;
	v61 =	vperm.xlane v9, v3  }
0x3ef: {  	v8 =	vadd.f32 v14, v8;
	v6 =	vadd.f32 $9.999999960e-13, v6  }
0x3f0: {  	v10 =	vmul.f32 v10, v11;
	v13 =	vmul.f32 v12, v5;
	v9 =	vadd.f32 v9, v61  }
0x3f1: {  	v11 =	vperm.xlane v8, v3;
	v14 =	vcvt.s32.f32 v6  }
0x3f2: {  	v4 =	vmul.f32 v10, v4;
	v61 =	vmul.f32 $7.812500000e-03, v9  }
0x3f3: {  	v8 =	vadd.f32 v11, v8;
	v9 =	vmul.f32 v12, v13;
	v11 =	vmul.f32 $5.000000000e-01, v14;
	_ =	sdelay $0x1  }
0x3f4: {  	v4 =	vmul.f32 v4, v10;
	v9 =	vsub.f32 $1.500000000e+00, v9;
	v11 =	vsub.f32 $1.597463040e+09, v11  }
0x3f5: {  	v8 =	vmul.f32 $7.812500000e-03, v8;
	v13 =	vmul.f32 v61, v61  }
0x3f6: {  	v9 =	vmul.f32 v12, v9;
	v11 =	vtrunc.f32 v11  }
0x3f7: {  	v6 =	vmul.f32 $5.000000000e-01, v6;
	v8 =	vsub.f32 v8, v13;
	v11 =	vcvt.f32.s32 v11  }
0x3f8: {  	v4 =	vsub.f32 $1.500000000e+00, v4;
	v12 =	vmul.f32 v9, v5  }
0x3f9: {  	v8 =	vadd.f32 $9.999999960e-13, v8;
	v13 =	vmul.f32 v11, v6  }
0x3fa: {  	v4 =	vmul.f32 v4, v10;
	v10 =	vmul.f32 v12, v9  }
0x3fb: {  	v14 =	vcvt.s32.f32 v8;
	v12 =	vmul.f32 v11, v13  }
0x3fc: {  	v15 =	vmul.f32 v4, v32;
	v31 =	vmul.f32 v4, v31;
	v10 =	vsub.f32 $1.500000000e+00, v10  }
0x3fd: {  	v30 =	vmul.f32 v4, v30;
	v13 =	vmul.f32 $5.000000000e-01, v14;
	v12 =	vsub.f32 $1.500000000e+00, v12  }
0x3fe: {  	v28 =	vmul.f32 v4, v28;
	v9 =	vmul.f32 v10, v9  }
0x3ff: {  	v8 =	vmul.f32 $5.000000000e-01, v8;
	v13 =	vsub.f32 $1.597463040e+09, v13;
	v10 =	vmul.f32 v11, v12  }
0x400: {  	v14 =	vmul.f32 v4, v60;
	v5 =	vmul.f32 v9, v5  }
0x401: {  	v32 =	vtrunc.f32 v13;
	v12 =	vmul.f32 v10, v6  }
0x402: {  	v11 =	vcvt.f32.s32 v32;
	v5 =	vmul.f32 v5, v9  }
0x403: {  	v28 =	vsub.f32 v28, v14;
	v13 =	vmul.f32 v4, v29;
	v12 =	vmul.f32 v12, v10  }
0x404: {  	v32 =	vmul.f32 v4, v33;
	v29 =	vmul.f32 v11, v8;
	v5 =	vsub.f32 $1.500000000e+00, v5  }
0x405: {  	v33 =	vmul.f32 v4, v34;
	v4 =	vmul.f32 v4, v35;
	v12 =	vsub.f32 $1.500000000e+00, v12  }
0x406: {  	v13 =	vsub.f32 v13, v14;
	v29 =	vmul.f32 v11, v29;
	v5 =	vmul.f32 v5, v9  }
0x407: {  	v9 =	vmul.f32 v12, v10;
	v10 =	vsub.f32 v15, v14;
	v12 =	vsub.f32 v31, v14  }
0x408: {  	v15 =	vsub.f32 v30, v14;
	v30 =	vmul.f32 v5, v38;
	v31 =	vmul.f32 v5, v36  }
0x409: {  	v29 =	vsub.f32 $1.500000000e+00, v29;
	v34 =	vmul.f32 v5, v37;
	v35 =	vmul.f32 v5, v39  }
0x40a: {  	v32 =	vsub.f32 v32, v14;
	v36 =	vmul.f32 v5, v40;
	v6 =	vmul.f32 v9, v6  }
0x40b: {  	v33 =	vsub.f32 v33, v14;
	v11 =	vmul.f32 v11, v29;
	v29 =	vmul.f32 v5, v62  }
0x40c: {  	v4 =	vsub.f32 v4, v14;
	v40 =	vld [tilespmem:$0x1FF60];
	v14 =	vmul.f32 v5, v41;
	v6 =	vmul.f32 v6, v9  }
0x40d: {  	v41 =	vld [tilespmem:$0x1FF70];
	v38 =	vmul.f32 v5, v42;
	v5 =	vmul.f32 v5, v43;
	v30 =	vsub.f32 v30, v29  }
0x40e: {  	v42 =	vld [tilespmem:$0x1FF80];
	v37 =	vmul.f32 v11, v8;
	v31 =	vsub.f32 v31, v29;
	v6 =	vsub.f32 $1.500000000e+00, v6  }
0x40f: {  	v43 =	vld [tilespmem:$0x1FF90];
	v14 =	vsub.f32 v14, v29;
	v5 =	vsub.f32 v5, v29  }
0x410: {  	v62 =	vld [tilespmem:$0x1FFD0];
	v37 =	vmul.f32 v37, v11;
	v6 =	vmul.f32 v6, v9;
	v9 =	vsub.f32 v34, v29  }
0x411: {  	v34 =	vsub.f32 v35, v29;
	v35 =	vsub.f32 v36, v29  }
0x412: {  	v10 =	vmul.f32 v10, v40;
	v36 =	vsub.f32 $1.500000000e+00, v37;
	v37 =	vsub.f32 v38, v29;
	v29 =	vld [tilespmem:$0x1FFA0]  }
0x413: {  	v12 =	vmul.f32 v12, v41;
	v15 =	vmul.f32 v15, v42  }
0x414: {  	v30 =	vmul.f32 v30, v40;
	v13 =	vmul.f32 v13, v43  }
0x415: {  	v4 =	vmul.f32 v4, v62;
	v5 =	vmul.f32 v5, v62  }
0x416: {  	v60 =	vld [tilespmem:$0x1FFC0];
	v10 =	vadd.f32 v10, v23;
	v11 =	vmul.f32 v36, v11;
	v7 =	vmul.f32 v6, v7  }
0x417: {  	v12 =	vadd.f32 v12, v24;
	v36 =	vmul.f32 v6, v46;
	v28 =	vmul.f32 v28, v29;
	v29 =	vld [tilespmem:$0x1FFB0]  }
0x418: {  	v15 =	vadd.f32 v15, v25;
	v38 =	vmul.f32 v6, v47;
	v47 =	vld [tilespmem:$0x1FFF0];
	v8 =	vmul.f32 v11, v8  }
0x419: {  	v13 =	vadd.f32 v13, v26;
	v46 =	vld [tilespmem:$0x1FFE0];
	v48 =	vmul.f32 v6, v48;
	v9 =	vmul.f32 v9, v42  }
0x41a: {  	v53 =	vmul.f32 v6, v53;
	[tilespmem:s7+$0xFFFFFF20] =	vst v15;
	v15 =	vadd.f32 v30, v23;
	v8 =	vmul.f32 v8, v11  }
0x41b: {  	[tilespmem:s7+$0xFFFFFF10] =	vst v12;
	v30 =	vmul.f32 v6, v57;
	v12 =	vsub.f32 v48, v7;
	v9 =	vadd.f32 v9, v25  }
0x41c: {  	[tilespmem:s7+$0xFFFFFF00] =	vst v10;
	v8 =	vsub.f32 $1.500000000e+00, v8;
	v29 =	vmul.f32 v32, v29;
	v32 =	vmul.f32 v33, v60  }
0x41d: {  	[tilespmem:s7+$0xFFFFFF30] =	vst v13;
	v28 =	vadd.f32 v28, v27;
	v4 =	vadd.f32 v4, v47;
	v33 =	vmul.f32 v6, v45  }
0x41e: {  	[tilespmem:s7+$0xFFFFFF80] =	vst v15;
	v8 =	vmul.f32 v8, v11;
	v10 =	vadd.f32 v32, v46;
	v32 =	vmul.f32 v6, v44;
	v44 =	vld [tilespmem:$0x1FFA0]  }
0x41f: {  	[tilespmem:s7+$0xFFFFFFA0] =	vst v9;
	v47 =	vmul.f32 v34, v43;
	v29 =	vadd.f32 v29, v22;
	v46 =	vld [tilespmem:$0x1FFF0];
	v6 =	vmul.f32 v6, v59  }
0x420: {  	v57 =	vld [tilespmem:$0x1FFB0];
	[tilespmem:s7+$0xFFFFFF70] =	vst v4;
	v13 =	vsub.f32 v33, v7;
	v33 =	vsub.f32 v36, v7;
	v11 =	vmul.f32 v8, v61  }
0x421: {  	v15 =	vmul.f32 v8, v55;
	[tilespmem:s7+$0xFFFFFF50] =	vst v29;
	v29 =	vmul.f32 v31, v41;
	v4 =	vsub.f32 v6, v7  }
0x422: {  	[tilespmem:s7+$0xFFFFFF40] =	vst v28;
	v51 =	vmul.f32 v8, v51;
	v31 =	vsub.f32 v53, v7;
	v53 =	vadd.f32 v47, v26  }
0x423: {  	v45 =	vld [tilespmem:$0x1FFE0];
	v28 =	vsub.f32 v32, v7;
	[tilespmem:s7+$0xFFFFFF60] =	vst v10;
	v59 =	vadd.f32 v29, v24;
	v4 =	vmul.f32 v4, v62  }
0x424: {  	v32 =	vsub.f32 v38, v7;
	[tilespmem:s7+$0xFFFFFFB0] =	vst v53;
	v48 =	vmul.f32 v35, v44;
	v5 =	vadd.f32 v5, v46  }
0x425: {  	v10 =	vsub.f32 v30, v7;
	v7 =	vmul.f32 v14, v57;
	[tilespmem:s7+$0xFFFFFF90] =	vst v59;
	v4 =	vadd.f32 v4, v46  }
0x426: {  	v47 =	vmul.f32 v13, v40;
	v59 =	vmul.f32 v37, v60;
	v34 =	vadd.f32 v48, v27;
	[tilespmem:s7+$0xFFFFFFF0] =	vst v5  }
0x427: {  	v57 =	vmul.f32 v33, v41;
	v55 =	vsub.f32 v51, v11;
	v48 =	vadd.f32 v7, v22;
	[tilespmem:s7+$0x70] =	vst v4  }
0x428: {  	v30 =	vld [tilespmem:$0x1FFB0];
	v53 =	vadd.f32 v59, v45;
	v59 =	vadd.f32 v47, v23;
	v47 =	vmul.f32 v32, v43;
	[tilespmem:s7+$0xFFFFFFC0] =	vst v34  }
0x429: {  	v33 =	vmul.f32 v28, v42;
	v12 =	vmul.f32 v12, v44;
	v32 =	vsub.f32 v15, v11;
	[tilespmem:s7+$0xFFFFFFD0] =	vst v48  }
0x42a: {  	v34 =	vadd.f32 v57, v24;
	[tilespmem:s7+$0xFFFFFFE0] =	vst v53;
	v53 =	vmul.f32 v8, v54;
	v5 =	vadd.f32 v47, v26  }
0x42b: {  	v10 =	vmul.f32 v10, v60;
	v48 =	vadd.f32 v33, v25;
	v57 =	vadd.f32 v12, v27;
	[tilespmem:s7+$0x0] =	vst v59  }
0x42c: {  	v59 =	vsub.f32 v53, v11;
	[tilespmem:s7+$0x30] =	vst v5;
	v5 =	vmul.f32 v32, v41;
	v41 =	vmul.f32 v8, v49  }
0x42d: {  	v33 =	vadd.f32 v10, v45;
	v54 =	vmul.f32 v31, v30;
	[tilespmem:s7+$0x10] =	vst v34;
	v49 =	vmul.f32 v8, v52  }
0x42e: {  	[tilespmem:s7+$0x20] =	vst v48;
	v34 =	vmul.f32 v59, v40;
	v40 =	vmul.f32 v8, v50;
	v50 =	vsub.f32 v41, v11  }
0x42f: {  	[tilespmem:s7+$0x40] =	vst v57;
	v61 =	vadd.f32 v54, v22;
	v54 =	vmul.f32 v8, v56;
	v53 =	vsub.f32 v49, v11  }
0x430: {  	[tilespmem:s7+$0x60] =	vst v33;
	v5 =	vadd.f32 v5, v24;
	v48 =	vsub.f32 v40, v11;
	v4 =	vmul.f32 v50, v43  }
0x431: {  	[tilespmem:s7+$0x50] =	vst v61;
	v8 =	vmul.f32 v8, v58;
	v47 =	vadd.f32 v34, v23;
	v56 =	vmul.f32 v53, v44  }
0x432: {  	v57 =	vsub.f32 v54, v11;
	[tilespmem:s7+$0x90] =	vst v5;
	v52 =	vmul.f32 v48, v42;
	v4 =	vadd.f32 v4, v26  }
0x433: {  	v5 =	vmul.f32 v55, v30;
	v58 =	vsub.f32 v8, v11;
	[tilespmem:s7+$0x80] =	vst v47;
	v59 =	vadd.f32 v56, v27  }
0x434: {  	p0 =	slt.u32 s10, $0x7C;
	v61 =	vmul.f32 v57, v60;
	v7 =	vadd.f32 v52, v25;
	[tilespmem:s7+$0xB0] =	vst v4  }
.Ltmp5:
0x435: {  	v4 =	vadd.f32 v5, v22;
	v5 =	vmul.f32 v58, v62;
	[tilespmem:s7+$0xC0] =	vst v59;
	(pc) =	sbr.rel @p0 .LBB2_12-.Ltmp5, $4  }
0x436: {  	v62 =	vadd.f32 v61, v45;
	[tilespmem:s7+$0xA0] =	vst v7  }
0x437: {  	[tilespmem:s7+$0xD0] =	vst v4;
	v4 =	vadd.f32 v5, v46  }
0x438: {  	v63 =	vld [tilespmem:$0x1FF40];
	v39 =	vmov v21;
	[tilespmem:s7+$0xE0] =	vst v62  }
0x439: {  	s0 =	smov.u32 s10;
	s9 =	sadd.s32 $0x200, s9;
	v36 =	vmovc v18;
	v38 =	vmovc v20;
	v28 =	vld [tilespmem:$0x1FF50];
	v35 =	vmov v17;
	v29 =	vmov v16;
	v37 =	vmov v19;
	[tilespmem:s7+$0xF0] =	vst v4;
	s7 =	sadd.s32 $0x200, s7  }
0x43a: {  	s0 =	rddreg [dreg:$0xc]  }
0x43b: {  	[hbm4b:s0+s6] =	stream.linear.scatter [tilespmem:s23], [sflag:$0x5], $0x4000, $0x38;
	[tilespmem:$0x15D80] =	vst v63  }
0x43c: {  	_ =	swait.ge [sflag:s29], $0x4000  }
0x43d: {  	[sflag:s29] =	ssyncset.done $0x0  }
0x43e: {  	[sflag:s29] =	ssyncadd.s32 $0xFFFFC000  }
0x43f: {  	_ =	swait.ge [sflag:s31], $0x4000  }
0x440: {  	s1 =	rddreg [dreg:$0x17]  }
0x441: {  	s24 =	rddreg [dreg:$0xd];
	s1 =	sadd.s32 $0x1, s1  }
0x442: {  	p0 =	sne.s32 s1, s24  }
.Ltmp6:
0x443: {  	_ = 	snop;
	(pc) =	sbr.rel @p0 .LBB2_1-.Ltmp6, $3  }
0x444: {  	_ =	sdelay $0x1  }
0x445: {  	[sflag:s31] =	ssyncset.done $0x0  }
0x446: {  	[sflag:s31] =	ssyncadd.s32 $0xFFFFC000  }
0x447: {  	_ =	sfence.sel $0x180000  }
0x448: {  	[bflag:$0x0] =	sbarrier.arrive $0xFFFF  }
0x449: {  	_ =	strace $0x90000047  }
0x44a: {  	s0 =	stileid.u32;
	[bflag:$0x2] =	sbarrier.arrive $0xFFFF  }
0x44b: {  	p0 =	sne.s32 s0, $0x0;
	s0 =	rddreg [dreg:$0x5]  }
0x44c: {  	s0 =	sadd.s32 @!p0 $0x100000, s0  }
0x44d: {  	[sflag:s0] =	ssyncadd.tile.s32 @!p0 $0x1;
	_ =	shalt  }
.Lfunc_end2:
_tile_overlayer_lowered:
.L_overlay_start_2:
0x44e: {  	(tag) =	ssettag $0x2  }
0x44f: {  	s0 =	rddreg [dreg:$0x0];
	s2 =	stileid.u32  }
0x450: {  	s1 =	rddreg [dreg:$0x1];
	p0 =	sne.s32 s2, $0x0  }
0x451: {  	s3 =	rddreg [dreg:$0x2];
	[bflag:$0x3] =	sbarrier.arrive $0xFFFF;
	s2 =	simm.s32 @!p0 $0x1C07  }
0x452: {  	[timem:s3], [sflag:s2] =	dma.local @!p0 [hbm:s0], s1  }
0x453: {  	s0 =	simm.s32 @!p0 $0x7  }
0x454: {  	_ =	swait.ge @!p0 [sflag:s0], s1  }
0x455: {  	s1 =	ssub.s32 @!p0 $0x0, s1;
	[sflag:s0] =	ssyncset.done @!p0 $0x0  }
0x456: {  	[sflag:s0] =	ssyncadd.s32 @!p0 s1  }
0x457: {  	[bflag:$0x3] =	sbarrier.arrive $0xFFFF  }
0x458: {  	_ =	shalt  }

</sc_bundles>
